<compile_context>
chip_gen: v7x
topology: tpu7x:2x2x1
jax: 0.10.2.dev20260603
libtpu: 0.0.44.dev20260713+nightly
codegen_flags: <defaults>
</compile_context>

<pallas_src>
import functools

import jax
import jax.numpy as jnp
from jax import lax
from jax.experimental import pallas as pl
from jax.experimental.pallas import tpu as pltpu
from jax.experimental.pallas import tpu_sc as plsc

_BM = 512
_BR = 512


def _router(xf, w_router):
    t, d = xf.shape
    e_num = w_router.shape[1]
    nl = 128
    w_pad = jnp.pad(w_router, ((0, 0), (0, nl - e_num)))
    n_tiles = t // _BR

    def body(x_ref, w_ref, idx_ref, ge_ref, go_ref, rkp_ref, stats_ref,
             carry_ref):
        i = pl.program_id(0)
        br = x_ref.shape[0]

        @pl.when(i == 0)
        def _():
            carry_ref[...] = jnp.zeros_like(carry_ref)
            stats_ref[...] = jnp.zeros_like(stats_ref)

        lane = jax.lax.broadcasted_iota(jnp.int32, (br, nl), 1)
        evalid = lane < e_num
        l = jnp.dot(x_ref[...], w_ref[...], preferred_element_type=jnp.float32)
        l = jnp.where(evalid, l, -1e30)
        m1 = jnp.max(l, axis=1, keepdims=True)
        i1 = jnp.min(jnp.where(l == m1, lane, nl), axis=1, keepdims=True)
        lm = jnp.where(lane == i1, -jnp.inf, l)
        m2 = jnp.max(lm, axis=1, keepdims=True)
        i2 = jnp.min(jnp.where(lm == m2, lane, nl), axis=1, keepdims=True)
        tt = jnp.exp(m2 - m1)
        s = 1.0 + tt
        g1 = 1.0 / s
        g2 = tt / s

        p = jnp.where(evalid, jnp.exp(l - m1), 0.0)
        ps = jnp.sum(p, axis=1, keepdims=True)
        probs_sum = jnp.sum(p / ps, axis=0, keepdims=True)
        lse = m1 + jnp.log(ps)
        lsesq = jnp.broadcast_to(
            jnp.sum(lse * lse, axis=0, keepdims=True)[:, :1], (1, nl)
        )

        oh1 = (lane == i1).astype(jnp.float32)
        oh2 = (lane == i2).astype(jnp.float32)
        u = oh1 + oh2
        freq = jnp.sum(oh1 + oh2 * (g2 > 0).astype(jnp.float32), axis=0,
                       keepdims=True)
        cnt = jnp.sum(u, axis=0, keepdims=True)

        ui = u.astype(jnp.int32)
        row = jax.lax.broadcasted_iota(jnp.int32, (br, nl), 0)
        cum = ui
        sh = 1
        while sh < br:
            cum = cum + jnp.where(row >= sh, pltpu.roll(cum, sh, axis=0), 0)
            sh *= 2
        cum = cum - ui + carry_ref[...].astype(jnp.int32)
        rk1 = jnp.sum(cum * (lane == i1).astype(jnp.int32), axis=1,
                      keepdims=True)
        rk2 = jnp.sum(cum * (lane == i2).astype(jnp.int32), axis=1,
                      keepdims=True)

        idx_ref[...] = jnp.concatenate([i1, i2], axis=1)
        ge_ref[...] = jnp.broadcast_to(g1, (br, 16))
        go_ref[...] = jnp.broadcast_to(g2, (br, 16))
        rkp_ref[...] = jnp.concatenate([rk1, rk2], axis=1)
        zrow = jnp.zeros((1, nl), jnp.float32)
        stats_ref[...] += jnp.concatenate(
            [probs_sum, freq, lsesq, cnt, zrow, zrow, zrow, zrow], axis=0
        )
        carry_ref[...] += cnt

    return pl.pallas_call(
        body,
        grid=(n_tiles,),
        in_specs=[
            pl.BlockSpec((_BR, d), lambda i: (i, 0)),
            pl.BlockSpec((d, nl), lambda i: (0, 0)),
        ],
        out_specs=[
            pl.BlockSpec((_BR, 2), lambda i: (i, 0)),
            pl.BlockSpec((_BR, 16), lambda i: (i, 0)),
            pl.BlockSpec((_BR, 16), lambda i: (i, 0)),
            pl.BlockSpec((_BR, 2), lambda i: (i, 0)),
            pl.BlockSpec((8, nl), lambda i: (0, 0)),
        ],
        out_shape=[
            jax.ShapeDtypeStruct((t, 2), jnp.int32),
            jax.ShapeDtypeStruct((t, 16), jnp.float32),
            jax.ShapeDtypeStruct((t, 16), jnp.float32),
            jax.ShapeDtypeStruct((t, 2), jnp.int32),
            jax.ShapeDtypeStruct((8, nl), jnp.float32),
        ],
        scratch_shapes=[pltpu.VMEM((1, nl), jnp.float32)],
        compiler_params=pltpu.CompilerParams(
            dimension_semantics=("arbitrary",),
        ),
    )(xf, w_pad)


def _gmm_body(em, tm, vm, se, ee, x_ref, win_ref, wout_ref, b_ref, out_ref):
    i = pl.program_id(0)
    e = em[i]
    t = tm[i]
    valid = vm[i]
    bm, d = x_ref.shape
    h2 = win_ref.shape[2]
    h = h2 // 2

    @pl.when(valid == 1)
    def _():
        rows = t * bm + jax.lax.broadcasted_iota(jnp.int32, (bm, 1), 0)
        mask = (rows >= se[e]) & (rows < ee[e])
        hh = jnp.dot(x_ref[...], win_ref[0], preferred_element_type=jnp.float32)
        h1 = hh[:, :h]
        hg = hh[:, h:]
        act = h1 * jax.nn.sigmoid(h1) * hg
        o = jnp.dot(act, wout_ref[0], preferred_element_type=jnp.float32)
        o = o + b_ref[...]
        out_ref[...] = jnp.where(mask, o, out_ref[...])


def _grouped_ffn(x_sorted, w_in, w_out, bias, starts, ends):
    tk, d = x_sorted.shape
    e_num, _, h2 = w_in.shape
    h = h2 // 2
    m_tiles = tk // _BM
    max_steps = m_tiles + e_num - 1

    counts = ends - starts
    tile_lo = starts // _BM
    tile_hi = (ends + _BM - 1) // _BM
    ntiles = jnp.where(counts > 0, tile_hi - tile_lo, 0)
    cum = jnp.cumsum(ntiles)
    total = cum[-1]
    first_step = cum - ntiles

    steps = jnp.arange(max_steps, dtype=jnp.int32)
    e_of = jnp.searchsorted(cum, steps, side="right").astype(jnp.int32)
    valid = (steps < total).astype(jnp.int32)
    e_last = jnp.searchsorted(cum, total - 1, side="right").astype(jnp.int32)
    e_of = jnp.where(valid == 1, jnp.minimum(e_of, e_num - 1), e_last)
    t_of = jnp.where(
        valid == 1,
        tile_lo[e_of] + steps - first_step[e_of],
        m_tiles - 1,
    ).astype(jnp.int32)

    grid_spec = pltpu.PrefetchScalarGridSpec(
        num_scalar_prefetch=5,
        grid=(max_steps,),
        in_specs=[
            pl.BlockSpec((_BM, d), lambda i, em, tm, vm, se, ee: (tm[i], 0)),
            pl.BlockSpec((1, d, h2), lambda i, em, tm, vm, se, ee: (em[i], 0, 0)),
            pl.BlockSpec((1, h, d), lambda i, em, tm, vm, se, ee: (em[i], 0, 0)),
            pl.BlockSpec((1, d), lambda i, em, tm, vm, se, ee: (0, 0)),
        ],
        out_specs=pl.BlockSpec((_BM, d), lambda i, em, tm, vm, se, ee: (tm[i], 0)),
    )
    return pl.pallas_call(
        _gmm_body,
        grid_spec=grid_spec,
        out_shape=jax.ShapeDtypeStruct((tk, d), jnp.float32),
        compiler_params=pltpu.CompilerParams(
            dimension_semantics=("arbitrary",),
            vmem_limit_bytes=100 * 1024 * 1024,
        ),
    )(
        e_of,
        t_of,
        valid,
        starts.astype(jnp.int32),
        ends.astype(jnp.int32),
        x_sorted,
        w_in,
        w_out,
        bias[None, :],
    )


def _sc_dispatch_scatter(xf, re3, ro3):
    t, d = xf.shape
    tk = 2 * t
    nw, nch, ch = re3.shape
    tpw = t // nw
    mesh = plsc.VectorSubcoreMesh(core_axis_name="c", subcore_axis_name="s")

    @functools.partial(
        pl.kernel,
        mesh=mesh,
        out_type=jax.ShapeDtypeStruct((tk, d), jnp.float32),
        scratch_types=[
            pltpu.VMEM((nch, ch), jnp.int32),
            pltpu.VMEM((nch, ch), jnp.int32),
            pltpu.VMEM((ch, d), jnp.float32),
            pltpu.VMEM((ch, d), jnp.float32),
            pltpu.SemaphoreType.DMA,
            pltpu.SemaphoreType.DMA,
            pltpu.SemaphoreType.DMA,
        ],
    )
    def k(xf_hbm, re_hbm, ro_hbm, out_hbm, re_v, ro_v, buf0, buf1, seml,
          seme, semo):
        wid = lax.axis_index("s") * (nw // 16) + lax.axis_index("c")
        base = wid * tpw
        pltpu.sync_copy(re_hbm.at[wid], re_v)
        pltpu.sync_copy(ro_hbm.at[wid], ro_v)
        bufs = (buf0, buf1)
        cps = [None, None, None, None]
        for c in range(nch):
            b = bufs[c % 2]
            if c > 1:
                cps[2 * (c % 2)].wait()
                cps[2 * (c % 2) + 1].wait()
            pltpu.sync_copy(xf_hbm.at[pl.ds(base + c * ch, ch)], b)
            cps[2 * (c % 2)] = pltpu.async_copy(
                b, out_hbm.at[re_v.at[c]], seme
            )
            cps[2 * (c % 2) + 1] = pltpu.async_copy(
                b, out_hbm.at[ro_v.at[c]], semo
            )
        for c in range(max(0, nch - 2), nch):
            cps[2 * (c % 2)].wait()
            cps[2 * (c % 2) + 1].wait()

    return k(xf, re3, ro3)


def _sc_combine(out_w, re, ro, ge, go):
    tk, d = out_w.shape
    t = re.shape[0]
    info = plsc.get_sparse_core_info()
    nl = info.num_lanes
    nw = info.num_cores * info.num_subcores
    tpw = t // nw
    ch = 16
    nch = tpw // ch
    nlc = d // nl
    mesh = plsc.VectorSubcoreMesh(core_axis_name="c", subcore_axis_name="s")

    @functools.partial(
        pl.kernel,
        mesh=mesh,
        out_type=jax.ShapeDtypeStruct((t, d), jnp.float32),
        scratch_types=[
            pltpu.VMEM((tpw,), jnp.int32),
            pltpu.VMEM((tpw,), jnp.int32),
            pltpu.VMEM((tpw, 16), jnp.float32),
            pltpu.VMEM((tpw, 16), jnp.float32),
            pltpu.VMEM((ch, d), jnp.float32),
            pltpu.VMEM((ch, d), jnp.float32),
            pltpu.VMEM((ch, d), jnp.float32),
            pltpu.VMEM((ch, d), jnp.float32),
            pltpu.SemaphoreType.DMA,
            pltpu.SemaphoreType.DMA,
            pltpu.SemaphoreType.DMA,
            pltpu.SemaphoreType.DMA,
            pltpu.SemaphoreType.DMA,
            pltpu.SemaphoreType.DMA,
        ],
    )
    def k(ow_hbm, re_hbm, ro_hbm, ge_hbm, go_hbm, y_hbm, re_v, ro_v, ge_v,
          go_v, a0, a1, b0, b1, sa0, sa1, sb0, sb1, ss0, ss1):
        wid = lax.axis_index("s") * info.num_cores + lax.axis_index("c")
        base = wid * tpw
        pltpu.sync_copy(re_hbm.at[pl.ds(base, tpw)], re_v)
        pltpu.sync_copy(ro_hbm.at[pl.ds(base, tpw)], ro_v)
        pltpu.sync_copy(ge_hbm.at[pl.ds(base, tpw)], ge_v)
        pltpu.sync_copy(go_hbm.at[pl.ds(base, tpw)], go_v)
        bufa = (a0, a1)
        bufb = (b0, b1)
        sems_a = (sa0, sa1)
        sems_b = (sb0, sb1)
        sems_s = (ss0, ss1)

        def fire(c):
            s = c % 2
            return (
                pltpu.async_copy(
                    ow_hbm.at[re_v.at[pl.ds(c * ch, ch)]], bufa[s], sems_a[s]
                ),
                pltpu.async_copy(
                    ow_hbm.at[ro_v.at[pl.ds(c * ch, ch)]], bufb[s], sems_b[s]
                ),
            )

        pend = fire(0)
        stores = [None, None]
        for c in range(nch):
            s = c % 2
            if c + 1 < nch:
                if stores[(c + 1) % 2] is not None:
                    stores[(c + 1) % 2].wait()
                nxt = fire(c + 1)
            pend[0].wait()
            pend[1].wait()
            if c + 1 < nch:
                pend = nxt
            av = bufa[s]
            bv = bufb[s]

            def row_body(r, _):
                ga = ge_v[c * ch + r]
                gb = go_v[c * ch + r]

                def lane_body(l, _):
                    o = l * 4 * nl
                    for u in range(4):
                        q = o + u * nl
                        av[r, pl.ds(q, nl)] = (
                            av[r, pl.ds(q, nl)] * ga + bv[r, pl.ds(q, nl)] * gb
                        )
                    return 0

                lax.fori_loop(0, nlc // 4, lane_body, 0)
                return 0

            lax.fori_loop(0, ch, row_body, 0)
            stores[s] = pltpu.async_copy(
                av, y_hbm.at[pl.ds(base + c * ch, ch)], sems_s[s]
            )
        for s in (0, 1):
            if stores[s] is not None:
                stores[s].wait()

    return k(out_w, re, ro, ge, go)


@jax.jit
def kernel(x, w_router, w_in, w_out, bias):
    bsz, length, d = x.shape
    e_num = w_router.shape[1]
    k = 2
    xf = x.reshape(-1, d)
    t = xf.shape[0]

    top_k_indices, ge_x, go_x, rankp, stats = _router(xf, w_router)
    probs_sum = stats[0, :e_num]
    freq = stats[1, :e_num]
    lsesq = stats[2, 0]
    counts = stats[3, :e_num].astype(jnp.int32)
    probs_normalized = probs_sum / jnp.sum(probs_sum)
    freq_normalized = freq / jnp.sum(freq)
    switchloss = e_num * (probs_normalized * freq_normalized).sum()
    zloss = lsesq / t
    loss = switchloss + 0.1 * zloss

    flat_experts = top_k_indices.reshape(-1)
    ends = jnp.cumsum(counts).astype(jnp.int32)
    starts = ends - counts
    rank = (starts[flat_experts] + rankp.reshape(-1)).reshape(t, k)
    nw = 32
    ch_d = min(32, t // nw)
    re3 = rank[:, 0].reshape(nw, -1, ch_d)
    ro3 = rank[:, 1].reshape(nw, -1, ch_d)

    x_sorted = _sc_dispatch_scatter(xf, re3, ro3)
    out_w = _grouped_ffn(x_sorted, w_in, w_out, bias, starts, ends)

    y = _sc_combine(out_w, rank[:, 0], rank[:, 1], ge_x, go_x)
    y = y.reshape(bsz, length, d)
    return (y, loss)

# --- scband reference (transcript-rebuilt; emitter-appended) ---
"""Pipeline reference for scband-flax-mo-e-42880953483997 (READ-ONLY COPY).

The authoritative reference and input builder live on the scoring server;
editing this copy changes nothing except your own understanding.
"""

import jax, jax.numpy as jnp
import numpy as np

B, S, D = 2, 2048, 1024
H = 2048
E = 8
K = 2


def setup_inputs(seed: int = 0):
    key = jax.random.key(seed)
    k1, k2, k3, k4 = jax.random.split(key, 4)
    x = jax.random.normal(k1, (B, S, D), jnp.float32)
    w_router = jax.random.normal(k2, (D, E), jnp.float32) * 0.02
    w_in = jax.random.uniform(k3, (E, D, 2 * H), jnp.float32, minval=-1.0 / (2 * H), maxval=1.0 / (2 * H))
    w_out = jax.random.uniform(k4, (E, H, D), jnp.float32, minval=-1.0 / D, maxval=1.0 / D)
    bias = jnp.zeros((D,), jnp.float32)
    return {"x": x, "w_router": w_router, "w_in": w_in, "w_out": w_out, "bias": bias}


def reference(x, w_router, w_in, w_out, bias):
    bsz, length, d = x.shape
    xf = x.reshape(-1, d)
    T = xf.shape[0]
    # Router (TopKGating)
    logits = (xf @ w_router).astype(jnp.float32)
    top_k_logits, top_k_indices = jax.lax.top_k(logits, K)
    top_k_gates = jax.nn.softmax(top_k_logits, axis=1).astype(x.dtype)
    # aux loss (deterministic=False path)
    probs = jax.nn.softmax(logits, axis=1)
    gates_dense = jnp.zeros_like(probs).at[jnp.arange(T)[:, None], top_k_indices].set(top_k_gates)
    count = logits.shape[0]
    probs_sum = probs.sum(axis=0)
    freq = (gates_dense > 0).astype(jnp.float32).sum(axis=0)
    lsesq = (jnp.log(jnp.exp(logits).sum(axis=-1)) ** 2).sum()
    probs_normalized = probs_sum / jnp.sum(probs_sum)
    freq_normalized = freq / jnp.sum(freq)
    switchloss = E * (probs_normalized * freq_normalized).sum()
    zloss = lsesq / count
    loss = switchloss + 0.1 * zloss
    # compute_gating: sort token-expert pairs by expert id
    flat_gates = top_k_gates.flatten()
    flat_experts = top_k_indices.flatten()
    index_sorted_experts = jnp.argsort(flat_experts)
    batch_index = index_sorted_experts // K
    batch_gates = flat_gates[index_sorted_experts]
    sorted_experts = flat_experts[index_sorted_experts]
    # dispatch: gather tokens grouped by expert
    expert_inputs = xf[batch_index]
    expert_outputs = jnp.zeros((T * K, d), dtype=expert_inputs.dtype)
    for e in range(E):
        h = expert_inputs @ w_in[e]
        h1, g = jnp.split(h, 2, axis=-1)
        out_e = (jax.nn.silu(h1) * g) @ w_out[e]
        expert_outputs = jnp.where((sorted_experts == e)[:, None], out_e, expert_outputs)
    expert_outputs = expert_outputs * batch_gates[:, None]
    # combine: scatter-add back to token positions
    y = jnp.zeros((T, d), dtype=expert_outputs.dtype).at[batch_index].add(expert_outputs)
    y = y.reshape(bsz, length, d) + bias
    return (y, loss)

if __name__ == "__main__":
    import jax
    _d = setup_inputs()
    print(jax.jit(kernel)(*tuple(_d.values())))

</pallas_src>

<mosaic_0001>
#map = affine_map<(d0, d1) -> (0, 0)>
#map1 = affine_map<(d0, d1) -> (0)>
module attributes {stable_mosaic.version = 14 : i64} {
  func.func @k(%arg0: i32, %arg1: i32, %arg2: memref<8192x1024xf32, #tpu.memory_space<hbm>>, %arg3: memref<4096xi32, #tpu.memory_space<hbm>>, %arg4: memref<4096xi32, #tpu.memory_space<hbm>>, %arg5: memref<4096x16xf32, #tpu.memory_space<hbm>>, %arg6: memref<4096x16xf32, #tpu.memory_space<hbm>>, %arg7: memref<4096x1024xf32, #tpu.memory_space<hbm>>, %arg8: memref<128xi32, #tpu.memory_space<vmem>>, %arg9: memref<128xi32, #tpu.memory_space<vmem>>, %arg10: memref<128x16xf32, #tpu.memory_space<vmem>>, %arg11: memref<128x16xf32, #tpu.memory_space<vmem>>, %arg12: memref<16x1024xf32, #tpu.memory_space<vmem>>, %arg13: memref<16x1024xf32, #tpu.memory_space<vmem>>, %arg14: memref<16x1024xf32, #tpu.memory_space<vmem>>, %arg15: memref<16x1024xf32, #tpu.memory_space<vmem>>, %arg16: memref<!tpu.dma_semaphore, #tpu.memory_space<semaphore_mem>>, %arg17: memref<!tpu.dma_semaphore, #tpu.memory_space<semaphore_mem>>, %arg18: memref<!tpu.dma_semaphore, #tpu.memory_space<semaphore_mem>>, %arg19: memref<!tpu.dma_semaphore, #tpu.memory_space<semaphore_mem>>, %arg20: memref<!tpu.dma_semaphore, #tpu.memory_space<semaphore_mem>>, %arg21: memref<!tpu.dma_semaphore, #tpu.memory_space<semaphore_mem>>) attributes {dimension_semantics = [#tpu.dimension_semantics<core_parallel>, #tpu.dimension_semantics<subcore_parallel>], iteration_bounds = array<i64: 2, 16>, scalar_prefetch = 0 : i64, scratch_operands = 14 : i64, tpu.core_type = #tpu.core_type<sc_vector_subcore>, window_params = [{transform_indices = #map}, {transform_indices = #map1}, {transform_indices = #map1}, {transform_indices = #map}, {transform_indices = #map}, {transform_indices = #map}]} {
    %mul3A = arith.constant 2 : i32
    %mul3A_0 = arith.muli %arg1, %mul3A : i32
    %add3A = arith.addi %mul3A_0, %arg0 : i32
    %mul3A_1 = arith.constant 128 : i32
    %mul3A_2 = arith.muli %add3A, %mul3A_1 : i32
    "tpu.region"() ({
      %run_scoped3A = tpu.sem_alloc : memref<!tpu.dma_semaphore, #tpu.memory_space<semaphore_mem>>
      %dma_start3A_296 = tpu.memref_slice %arg3[%mul3A_2] : memref<4096xi32, #tpu.memory_space<hbm>> -> memref<128xi32, #tpu.memory_space<hbm>>
      %dma_start3A_297 = tpu.memref_slice %arg3[%mul3A_2] : memref<4096xi32, #tpu.memory_space<hbm>> -> memref<128xi32, #tpu.memory_space<hbm>>
      tpu.enqueue_dma source(%dma_start3A_297 : memref<128xi32, #tpu.memory_space<hbm>>) target(%arg8 : memref<128xi32, #tpu.memory_space<vmem>>) target_semaphore(%run_scoped3A : memref<!tpu.dma_semaphore, #tpu.memory_space<semaphore_mem>>)
      %dma_wait3A_298 = tpu.memref_slice %arg3[%mul3A_2] : memref<4096xi32, #tpu.memory_space<hbm>> -> memref<128xi32, #tpu.memory_space<hbm>>
      %dma_wait3A_299 = tpu.memref_slice %arg3[%mul3A_2] : memref<4096xi32, #tpu.memory_space<hbm>> -> memref<128xi32, #tpu.memory_space<hbm>>
      tpu.wait_dma2 semaphore(%run_scoped3A : memref<!tpu.dma_semaphore, #tpu.memory_space<semaphore_mem>>) src(%dma_wait3A_299 : memref<128xi32, #tpu.memory_space<hbm>>) dst(%arg8 : memref<128xi32, #tpu.memory_space<vmem>>)
      tpu.yield
    }) : () -> ()
    "tpu.region"() ({
      %run_scoped3A = tpu.sem_alloc : memref<!tpu.dma_semaphore, #tpu.memory_space<semaphore_mem>>
      %dma_start3A_296 = tpu.memref_slice %arg4[%mul3A_2] : memref<4096xi32, #tpu.memory_space<hbm>> -> memref<128xi32, #tpu.memory_space<hbm>>
      %dma_start3A_297 = tpu.memref_slice %arg4[%mul3A_2] : memref<4096xi32, #tpu.memory_space<hbm>> -> memref<128xi32, #tpu.memory_space<hbm>>
      tpu.enqueue_dma source(%dma_start3A_297 : memref<128xi32, #tpu.memory_space<hbm>>) target(%arg9 : memref<128xi32, #tpu.memory_space<vmem>>) target_semaphore(%run_scoped3A : memref<!tpu.dma_semaphore, #tpu.memory_space<semaphore_mem>>)
      %dma_wait3A_298 = tpu.memref_slice %arg4[%mul3A_2] : memref<4096xi32, #tpu.memory_space<hbm>> -> memref<128xi32, #tpu.memory_space<hbm>>
      %dma_wait3A_299 = tpu.memref_slice %arg4[%mul3A_2] : memref<4096xi32, #tpu.memory_space<hbm>> -> memref<128xi32, #tpu.memory_space<hbm>>
      tpu.wait_dma2 semaphore(%run_scoped3A : memref<!tpu.dma_semaphore, #tpu.memory_space<semaphore_mem>>) src(%dma_wait3A_299 : memref<128xi32, #tpu.memory_space<hbm>>) dst(%arg9 : memref<128xi32, #tpu.memory_space<vmem>>)
      tpu.yield
    }) : () -> ()
    "tpu.region"() ({
      %run_scoped3A = tpu.sem_alloc : memref<!tpu.dma_semaphore, #tpu.memory_space<semaphore_mem>>
      %dma_start3A_296 = arith.constant 0 : i32
      %dma_start3A_297 = tpu.memref_slice %arg5[%mul3A_2, %dma_start3A_296] : memref<4096x16xf32, #tpu.memory_space<hbm>> -> memref<128x16xf32, #tpu.memory_space<hbm>>
      %dma_start3A_298 = arith.constant 0 : i32
      %dma_start3A_299 = tpu.memref_slice %arg5[%mul3A_2, %dma_start3A_298] : memref<4096x16xf32, #tpu.memory_space<hbm>> -> memref<128x16xf32, #tpu.memory_space<hbm>>
      tpu.enqueue_dma source(%dma_start3A_299 : memref<128x16xf32, #tpu.memory_space<hbm>>) target(%arg10 : memref<128x16xf32, #tpu.memory_space<vmem>>) target_semaphore(%run_scoped3A : memref<!tpu.dma_semaphore, #tpu.memory_space<semaphore_mem>>)
      %dma_wait3A_300 = arith.constant 0 : i32
      %dma_wait3A_301 = tpu.memref_slice %arg5[%mul3A_2, %dma_wait3A_300] : memref<4096x16xf32, #tpu.memory_space<hbm>> -> memref<128x16xf32, #tpu.memory_space<hbm>>
      %dma_wait3A_302 = arith.constant 0 : i32
      %dma_wait3A_303 = tpu.memref_slice %arg5[%mul3A_2, %dma_wait3A_302] : memref<4096x16xf32, #tpu.memory_space<hbm>> -> memref<128x16xf32, #tpu.memory_space<hbm>>
      tpu.wait_dma2 semaphore(%run_scoped3A : memref<!tpu.dma_semaphore, #tpu.memory_space<semaphore_mem>>) src(%dma_wait3A_303 : memref<128x16xf32, #tpu.memory_space<hbm>>) dst(%arg10 : memref<128x16xf32, #tpu.memory_space<vmem>>)
      tpu.yield
    }) : () -> ()
    "tpu.region"() ({
      %run_scoped3A = tpu.sem_alloc : memref<!tpu.dma_semaphore, #tpu.memory_space<semaphore_mem>>
      %dma_start3A_296 = arith.constant 0 : i32
      %dma_start3A_297 = tpu.memref_slice %arg6[%mul3A_2, %dma_start3A_296] : memref<4096x16xf32, #tpu.memory_space<hbm>> -> memref<128x16xf32, #tpu.memory_space<hbm>>
      %dma_start3A_298 = arith.constant 0 : i32
      %dma_start3A_299 = tpu.memref_slice %arg6[%mul3A_2, %dma_start3A_298] : memref<4096x16xf32, #tpu.memory_space<hbm>> -> memref<128x16xf32, #tpu.memory_space<hbm>>
      tpu.enqueue_dma source(%dma_start3A_299 : memref<128x16xf32, #tpu.memory_space<hbm>>) target(%arg11 : memref<128x16xf32, #tpu.memory_space<vmem>>) target_semaphore(%run_scoped3A : memref<!tpu.dma_semaphore, #tpu.memory_space<semaphore_mem>>)
      %dma_wait3A_300 = arith.constant 0 : i32
      %dma_wait3A_301 = tpu.memref_slice %arg6[%mul3A_2, %dma_wait3A_300] : memref<4096x16xf32, #tpu.memory_space<hbm>> -> memref<128x16xf32, #tpu.memory_space<hbm>>
      %dma_wait3A_302 = arith.constant 0 : i32
      %dma_wait3A_303 = tpu.memref_slice %arg6[%mul3A_2, %dma_wait3A_302] : memref<4096x16xf32, #tpu.memory_space<hbm>> -> memref<128x16xf32, #tpu.memory_space<hbm>>
      tpu.wait_dma2 semaphore(%run_scoped3A : memref<!tpu.dma_semaphore, #tpu.memory_space<semaphore_mem>>) src(%dma_wait3A_303 : memref<128x16xf32, #tpu.memory_space<hbm>>) dst(%arg11 : memref<128x16xf32, #tpu.memory_space<vmem>>)
      tpu.yield
    }) : () -> ()
    %dma_start3A = arith.constant 0 : i32
    %dma_start3A_3 = tpu.memref_slice %arg8[%dma_start3A] : memref<128xi32, #tpu.memory_space<vmem>> -> memref<16xi32, #tpu.memory_space<vmem>>
    %dma_start3A_4 = arith.constant 0 : i32
    %dma_start3A_5 = arith.constant 0 : i32
    %dma_start3A_6 = tpu.memref_slice %arg2[%dma_start3A_4, %dma_start3A_5] : memref<8192x1024xf32, #tpu.memory_space<hbm>> -> memref<8192x1024xf32, #tpu.memory_space<hbm>>
    tpu.enqueue_indirect_dma source(%dma_start3A_6 : memref<8192x1024xf32, #tpu.memory_space<hbm>>) target(%arg12 : memref<16x1024xf32, #tpu.memory_space<vmem>>) offsets(%dma_start3A_3 : memref<16xi32, #tpu.memory_space<vmem>>) semaphore(%arg16 : memref<!tpu.dma_semaphore, #tpu.memory_space<semaphore_mem>>)
    %dma_start3A_7 = arith.constant 0 : i32
    %dma_start3A_8 = tpu.memref_slice %arg9[%dma_start3A_7] : memref<128xi32, #tpu.memory_space<vmem>> -> memref<16xi32, #tpu.memory_space<vmem>>
    %dma_start3A_9 = arith.constant 0 : i32
    %dma_start3A_10 = arith.constant 0 : i32
    %dma_start3A_11 = tpu.memref_slice %arg2[%dma_start3A_9, %dma_start3A_10] : memref<8192x1024xf32, #tpu.memory_space<hbm>> -> memref<8192x1024xf32, #tpu.memory_space<hbm>>
    tpu.enqueue_indirect_dma source(%dma_start3A_11 : memref<8192x1024xf32, #tpu.memory_space<hbm>>) target(%arg14 : memref<16x1024xf32, #tpu.memory_space<vmem>>) offsets(%dma_start3A_8 : memref<16xi32, #tpu.memory_space<vmem>>) semaphore(%arg18 : memref<!tpu.dma_semaphore, #tpu.memory_space<semaphore_mem>>)
    %dma_start3A_12 = arith.constant 16 : i32
    %dma_start3A_13 = tpu.memref_slice %arg8[%dma_start3A_12] : memref<128xi32, #tpu.memory_space<vmem>> -> memref<16xi32, #tpu.memory_space<vmem>>
    %dma_start3A_14 = arith.constant 0 : i32
    %dma_start3A_15 = arith.constant 0 : i32
    %dma_start3A_16 = tpu.memref_slice %arg2[%dma_start3A_14, %dma_start3A_15] : memref<8192x1024xf32, #tpu.memory_space<hbm>> -> memref<8192x1024xf32, #tpu.memory_space<hbm>>
    tpu.enqueue_indirect_dma source(%dma_start3A_16 : memref<8192x1024xf32, #tpu.memory_space<hbm>>) target(%arg13 : memref<16x1024xf32, #tpu.memory_space<vmem>>) offsets(%dma_start3A_13 : memref<16xi32, #tpu.memory_space<vmem>>) semaphore(%arg17 : memref<!tpu.dma_semaphore, #tpu.memory_space<semaphore_mem>>)
    %dma_start3A_17 = arith.constant 16 : i32
    %dma_start3A_18 = tpu.memref_slice %arg9[%dma_start3A_17] : memref<128xi32, #tpu.memory_space<vmem>> -> memref<16xi32, #tpu.memory_space<vmem>>
    %dma_start3A_19 = arith.constant 0 : i32
    %dma_start3A_20 = arith.constant 0 : i32
    %dma_start3A_21 = tpu.memref_slice %arg2[%dma_start3A_19, %dma_start3A_20] : memref<8192x1024xf32, #tpu.memory_space<hbm>> -> memref<8192x1024xf32, #tpu.memory_space<hbm>>
    tpu.enqueue_indirect_dma source(%dma_start3A_21 : memref<8192x1024xf32, #tpu.memory_space<hbm>>) target(%arg15 : memref<16x1024xf32, #tpu.memory_space<vmem>>) offsets(%dma_start3A_18 : memref<16xi32, #tpu.memory_space<vmem>>) semaphore(%arg19 : memref<!tpu.dma_semaphore, #tpu.memory_space<semaphore_mem>>)
    %dma_wait3A = arith.constant 0 : i32
    %dma_wait3A_22 = tpu.memref_slice %arg8[%dma_wait3A] : memref<128xi32, #tpu.memory_space<vmem>> -> memref<16xi32, #tpu.memory_space<vmem>>
    %dma_wait3A_23 = arith.constant 0 : i32
    %dma_wait3A_24 = arith.constant 0 : i32
    %dma_wait3A_25 = tpu.memref_slice %arg2[%dma_wait3A_23, %dma_wait3A_24] : memref<8192x1024xf32, #tpu.memory_space<hbm>> -> memref<8192x1024xf32, #tpu.memory_space<hbm>>
    tpu.wait_indirect_dma semaphore(%arg16 : memref<!tpu.dma_semaphore, #tpu.memory_space<semaphore_mem>>) src(%dma_wait3A_25 : memref<8192x1024xf32, #tpu.memory_space<hbm>>) dst(%arg12 : memref<16x1024xf32, #tpu.memory_space<vmem>>)
    %dma_wait3A_26 = arith.constant 0 : i32
    %dma_wait3A_27 = tpu.memref_slice %arg9[%dma_wait3A_26] : memref<128xi32, #tpu.memory_space<vmem>> -> memref<16xi32, #tpu.memory_space<vmem>>
    %dma_wait3A_28 = arith.constant 0 : i32
    %dma_wait3A_29 = arith.constant 0 : i32
    %dma_wait3A_30 = tpu.memref_slice %arg2[%dma_wait3A_28, %dma_wait3A_29] : memref<8192x1024xf32, #tpu.memory_space<hbm>> -> memref<8192x1024xf32, #tpu.memory_space<hbm>>
    tpu.wait_indirect_dma semaphore(%arg18 : memref<!tpu.dma_semaphore, #tpu.memory_space<semaphore_mem>>) src(%dma_wait3A_30 : memref<8192x1024xf32, #tpu.memory_space<hbm>>) dst(%arg14 : memref<16x1024xf32, #tpu.memory_space<vmem>>)
    %scan3A = arith.constant 0 : i32
    %scan3A_31 = arith.constant 0 : i32
    %scan3A_32 = arith.constant 16 : i32
    %scan3A_33 = arith.addi %scan3A_31, %scan3A_32 : i32
    %scan3A_34 = arith.constant 1 : i32
    %scan3A_35 = scf.for %scan3A_296 = %scan3A_31 to %scan3A_33 step %scan3A_34 iter_args(%scan3A_297 = %scan3A) -> (i32)  : i32 {
      %add3A_298 = arith.constant 0 : i32
      %add3A_299 = arith.addi %add3A_298, %scan3A_296 : i32
      %get3A = arith.index_cast %add3A_299 : i32 to index
      %get3A_300 = arith.constant 0 : index
      %get3A_301 = tpu.vector_load %arg10[%get3A, %get3A_300] {strides = array<i32>} : memref<128x16xf32, #tpu.memory_space<vmem>>, vector<1x16xf32>,
      %get3A_302 = vector.shape_cast %get3A_301 : vector<1x16xf32> to vector<16xf32>
      %add3A_303 = arith.constant 0 : i32
      %add3A_304 = arith.addi %add3A_303, %scan3A_296 : i32
      %get3A_305 = arith.index_cast %add3A_304 : i32 to index
      %get3A_306 = arith.constant 0 : index
      %get3A_307 = tpu.vector_load %arg11[%get3A_305, %get3A_306] {strides = array<i32>} : memref<128x16xf32, #tpu.memory_space<vmem>>, vector<1x16xf32>,
      %get3A_308 = vector.shape_cast %get3A_307 : vector<1x16xf32> to vector<16xf32>
      %scan3A_309 = arith.constant 0 : i32
      %scan3A_310 = arith.constant 0 : i32
      %scan3A_311 = arith.constant 16 : i32
      %scan3A_312 = arith.addi %scan3A_310, %scan3A_311 : i32
      %scan3A_313 = arith.constant 1 : i32
      %scan3A_314 = scf.for %scan3A_317 = %scan3A_310 to %scan3A_312 step %scan3A_313 iter_args(%scan3A_318 = %scan3A_309) -> (i32)  : i32 {
        %mul3A_319 = arith.constant 4 : i32
        %mul3A_320 = arith.muli %scan3A_317, %mul3A_319 : i32
        %mul3A_321 = arith.constant 16 : i32
        %mul3A_322 = arith.muli %mul3A_320, %mul3A_321 : i32
        %add3A_323 = arith.constant 0 : i32
        %add3A_324 = arith.addi %mul3A_322, %add3A_323 : i32
        %get3A_325 = arith.index_cast %scan3A_296 : i32 to index
        %get3A_326 = arith.index_cast %add3A_324 : i32 to index
        %get3A_327 = tpu.vector_load %arg12[%get3A_325, %get3A_326] {strides = array<i32>} : memref<16x1024xf32, #tpu.memory_space<vmem>>, vector<1x16xf32>,
        %get3A_328 = vector.shape_cast %get3A_327 : vector<1x16xf32> to vector<16xf32>
        %mul3A_329 = arith.mulf %get3A_328, %get3A_302 : vector<16xf32>
        %get3A_330 = arith.index_cast %scan3A_296 : i32 to index
        %get3A_331 = arith.index_cast %add3A_324 : i32 to index
        %get3A_332 = tpu.vector_load %arg14[%get3A_330, %get3A_331] {strides = array<i32>} : memref<16x1024xf32, #tpu.memory_space<vmem>>, vector<1x16xf32>,
        %get3A_333 = vector.shape_cast %get3A_332 : vector<1x16xf32> to vector<16xf32>
        %mul3A_334 = arith.mulf %get3A_333, %get3A_308 : vector<16xf32>
        %add3A_335 = arith.addf %mul3A_329, %mul3A_334 : vector<16xf32>
        %swap3A = arith.index_cast %scan3A_296 : i32 to index
        %swap3A_336 = arith.index_cast %add3A_324 : i32 to index
        %swap3A_337 = tpu.vector_load %arg12[%swap3A, %swap3A_336] {strides = array<i32>} : memref<16x1024xf32, #tpu.memory_space<vmem>>, vector<1x16xf32>,
        %swap3A_338 = vector.shape_cast %swap3A_337 : vector<1x16xf32> to vector<16xf32>
        %swap3A_339 = vector.shape_cast %add3A_335 : vector<16xf32> to vector<1x16xf32>
        tpu.vector_store %arg12[%swap3A, %swap3A_336], %swap3A_339 {strides = array<i32>} : memref<16x1024xf32, #tpu.memory_space<vmem>>, vector<1x16xf32>,
        %add3A_340 = arith.constant 16 : i32
        %add3A_341 = arith.addi %mul3A_322, %add3A_340 : i32
        %get3A_342 = arith.index_cast %scan3A_296 : i32 to index
        %get3A_343 = arith.index_cast %add3A_341 : i32 to index
        %get3A_344 = tpu.vector_load %arg12[%get3A_342, %get3A_343] {strides = array<i32>} : memref<16x1024xf32, #tpu.memory_space<vmem>>, vector<1x16xf32>,
        %get3A_345 = vector.shape_cast %get3A_344 : vector<1x16xf32> to vector<16xf32>
        %mul3A_346 = arith.mulf %get3A_345, %get3A_302 : vector<16xf32>
        %get3A_347 = arith.index_cast %scan3A_296 : i32 to index
        %get3A_348 = arith.index_cast %add3A_341 : i32 to index
        %get3A_349 = tpu.vector_load %arg14[%get3A_347, %get3A_348] {strides = array<i32>} : memref<16x1024xf32, #tpu.memory_space<vmem>>, vector<1x16xf32>,
        %get3A_350 = vector.shape_cast %get3A_349 : vector<1x16xf32> to vector<16xf32>
        %mul3A_351 = arith.mulf %get3A_350, %get3A_308 : vector<16xf32>
        %add3A_352 = arith.addf %mul3A_346, %mul3A_351 : vector<16xf32>
        %swap3A_353 = arith.index_cast %scan3A_296 : i32 to index
        %swap3A_354 = arith.index_cast %add3A_341 : i32 to index
        %swap3A_355 = tpu.vector_load %arg12[%swap3A_353, %swap3A_354] {strides = array<i32>} : memref<16x1024xf32, #tpu.memory_space<vmem>>, vector<1x16xf32>,
        %swap3A_356 = vector.shape_cast %swap3A_355 : vector<1x16xf32> to vector<16xf32>
        %swap3A_357 = vector.shape_cast %add3A_352 : vector<16xf32> to vector<1x16xf32>
        tpu.vector_store %arg12[%swap3A_353, %swap3A_354], %swap3A_357 {strides = array<i32>} : memref<16x1024xf32, #tpu.memory_space<vmem>>, vector<1x16xf32>,
        %add3A_358 = arith.constant 32 : i32
        %add3A_359 = arith.addi %mul3A_322, %add3A_358 : i32
        %get3A_360 = arith.index_cast %scan3A_296 : i32 to index
        %get3A_361 = arith.index_cast %add3A_359 : i32 to index
        %get3A_362 = tpu.vector_load %arg12[%get3A_360, %get3A_361] {strides = array<i32>} : memref<16x1024xf32, #tpu.memory_space<vmem>>, vector<1x16xf32>,
        %get3A_363 = vector.shape_cast %get3A_362 : vector<1x16xf32> to vector<16xf32>
        %mul3A_364 = arith.mulf %get3A_363, %get3A_302 : vector<16xf32>
        %get3A_365 = arith.index_cast %scan3A_296 : i32 to index
        %get3A_366 = arith.index_cast %add3A_359 : i32 to index
        %get3A_367 = tpu.vector_load %arg14[%get3A_365, %get3A_366] {strides = array<i32>} : memref<16x1024xf32, #tpu.memory_space<vmem>>, vector<1x16xf32>,
        %get3A_368 = vector.shape_cast %get3A_367 : vector<1x16xf32> to vector<16xf32>
        %mul3A_369 = arith.mulf %get3A_368, %get3A_308 : vector<16xf32>
        %add3A_370 = arith.addf %mul3A_364, %mul3A_369 : vector<16xf32>
        %swap3A_371 = arith.index_cast %scan3A_296 : i32 to index
        %swap3A_372 = arith.index_cast %add3A_359 : i32 to index
        %swap3A_373 = tpu.vector_load %arg12[%swap3A_371, %swap3A_372] {strides = array<i32>} : memref<16x1024xf32, #tpu.memory_space<vmem>>, vector<1x16xf32>,
        %swap3A_374 = vector.shape_cast %swap3A_373 : vector<1x16xf32> to vector<16xf32>
        %swap3A_375 = vector.shape_cast %add3A_370 : vector<16xf32> to vector<1x16xf32>
        tpu.vector_store %arg12[%swap3A_371, %swap3A_372], %swap3A_375 {strides = array<i32>} : memref<16x1024xf32, #tpu.memory_space<vmem>>, vector<1x16xf32>,
        %add3A_376 = arith.constant 48 : i32
        %add3A_377 = arith.addi %mul3A_322, %add3A_376 : i32
        %get3A_378 = arith.index_cast %scan3A_296 : i32 to index
        %get3A_379 = arith.index_cast %add3A_377 : i32 to index
        %get3A_380 = tpu.vector_load %arg12[%get3A_378, %get3A_379] {strides = array<i32>} : memref<16x1024xf32, #tpu.memory_space<vmem>>, vector<1x16xf32>,
        %get3A_381 = vector.shape_cast %get3A_380 : vector<1x16xf32> to vector<16xf32>
        %mul3A_382 = arith.mulf %get3A_381, %get3A_302 : vector<16xf32>
        %get3A_383 = arith.index_cast %scan3A_296 : i32 to index
        %get3A_384 = arith.index_cast %add3A_377 : i32 to index
        %get3A_385 = tpu.vector_load %arg14[%get3A_383, %get3A_384] {strides = array<i32>} : memref<16x1024xf32, #tpu.memory_space<vmem>>, vector<1x16xf32>,
        %get3A_386 = vector.shape_cast %get3A_385 : vector<1x16xf32> to vector<16xf32>
        %mul3A_387 = arith.mulf %get3A_386, %get3A_308 : vector<16xf32>
        %add3A_388 = arith.addf %mul3A_382, %mul3A_387 : vector<16xf32>
        %swap3A_389 = arith.index_cast %scan3A_296 : i32 to index
        %swap3A_390 = arith.index_cast %add3A_377 : i32 to index
        %swap3A_391 = tpu.vector_load %arg12[%swap3A_389, %swap3A_390] {strides = array<i32>} : memref<16x1024xf32, #tpu.memory_space<vmem>>, vector<1x16xf32>,
        %swap3A_392 = vector.shape_cast %swap3A_391 : vector<1x16xf32> to vector<16xf32>
        %swap3A_393 = vector.shape_cast %add3A_388 : vector<16xf32> to vector<1x16xf32>
        tpu.vector_store %arg12[%swap3A_389, %swap3A_390], %swap3A_393 {strides = array<i32>} : memref<16x1024xf32, #tpu.memory_space<vmem>>, vector<1x16xf32>,
        %scan3A_394 = arith.constant 0 : i32
        scf.yield %scan3A_394 : i32
      }
      %scan3A_315 = arith.constant 16 : i32
      %scan3A_316 = arith.constant 0 : i32
      scf.yield %scan3A_316 : i32
    }
    %scan3A_36 = arith.constant 16 : i32
    %add3A_37 = arith.constant 0 : i32
    %add3A_38 = arith.addi %mul3A_2, %add3A_37 : i32
    %dma_start3A_39 = arith.constant 0 : i32
    %dma_start3A_40 = tpu.memref_slice %arg7[%add3A_38, %dma_start3A_39] : memref<4096x1024xf32, #tpu.memory_space<hbm>> -> memref<16x1024xf32, #tpu.memory_space<hbm>>
    %dma_start3A_41 = arith.constant 0 : i32
    %dma_start3A_42 = tpu.memref_slice %arg7[%add3A_38, %dma_start3A_41] : memref<4096x1024xf32, #tpu.memory_space<hbm>> -> memref<16x1024xf32, #tpu.memory_space<hbm>>
    tpu.enqueue_dma source(%arg12 : memref<16x1024xf32, #tpu.memory_space<vmem>>) target(%dma_start3A_42 : memref<16x1024xf32, #tpu.memory_space<hbm>>) target_semaphore(%arg20 : memref<!tpu.dma_semaphore, #tpu.memory_space<semaphore_mem>>)
    %dma_wait3A_43 = arith.constant 0 : i32
    %dma_wait3A_44 = tpu.memref_slice %arg7[%add3A_38, %dma_wait3A_43] : memref<4096x1024xf32, #tpu.memory_space<hbm>> -> memref<16x1024xf32, #tpu.memory_space<hbm>>
    %dma_wait3A_45 = arith.constant 0 : i32
    %dma_wait3A_46 = tpu.memref_slice %arg7[%add3A_38, %dma_wait3A_45] : memref<4096x1024xf32, #tpu.memory_space<hbm>> -> memref<16x1024xf32, #tpu.memory_space<hbm>>
    tpu.wait_dma2 semaphore(%arg20 : memref<!tpu.dma_semaphore, #tpu.memory_space<semaphore_mem>>) src(%arg12 : memref<16x1024xf32, #tpu.memory_space<vmem>>) dst(%dma_wait3A_46 : memref<16x1024xf32, #tpu.memory_space<hbm>>)
    %dma_start3A_47 = arith.constant 32 : i32
    %dma_start3A_48 = tpu.memref_slice %arg8[%dma_start3A_47] : memref<128xi32, #tpu.memory_space<vmem>> -> memref<16xi32, #tpu.memory_space<vmem>>
    %dma_start3A_49 = arith.constant 0 : i32
    %dma_start3A_50 = arith.constant 0 : i32
    %dma_start3A_51 = tpu.memref_slice %arg2[%dma_start3A_49, %dma_start3A_50] : memref<8192x1024xf32, #tpu.memory_space<hbm>> -> memref<8192x1024xf32, #tpu.memory_space<hbm>>
    tpu.enqueue_indirect_dma source(%dma_start3A_51 : memref<8192x1024xf32, #tpu.memory_space<hbm>>) target(%arg12 : memref<16x1024xf32, #tpu.memory_space<vmem>>) offsets(%dma_start3A_48 : memref<16xi32, #tpu.memory_space<vmem>>) semaphore(%arg16 : memref<!tpu.dma_semaphore, #tpu.memory_space<semaphore_mem>>)
    %dma_start3A_52 = arith.constant 32 : i32
    %dma_start3A_53 = tpu.memref_slice %arg9[%dma_start3A_52] : memref<128xi32, #tpu.memory_space<vmem>> -> memref<16xi32, #tpu.memory_space<vmem>>
    %dma_start3A_54 = arith.constant 0 : i32
    %dma_start3A_55 = arith.constant 0 : i32
    %dma_start3A_56 = tpu.memref_slice %arg2[%dma_start3A_54, %dma_start3A_55] : memref<8192x1024xf32, #tpu.memory_space<hbm>> -> memref<8192x1024xf32, #tpu.memory_space<hbm>>
    tpu.enqueue_indirect_dma source(%dma_start3A_56 : memref<8192x1024xf32, #tpu.memory_space<hbm>>) target(%arg14 : memref<16x1024xf32, #tpu.memory_space<vmem>>) offsets(%dma_start3A_53 : memref<16xi32, #tpu.memory_space<vmem>>) semaphore(%arg18 : memref<!tpu.dma_semaphore, #tpu.memory_space<semaphore_mem>>)
    %dma_wait3A_57 = arith.constant 16 : i32
    %dma_wait3A_58 = tpu.memref_slice %arg8[%dma_wait3A_57] : memref<128xi32, #tpu.memory_space<vmem>> -> memref<16xi32, #tpu.memory_space<vmem>>
    %dma_wait3A_59 = arith.constant 0 : i32
    %dma_wait3A_60 = arith.constant 0 : i32
    %dma_wait3A_61 = tpu.memref_slice %arg2[%dma_wait3A_59, %dma_wait3A_60] : memref<8192x1024xf32, #tpu.memory_space<hbm>> -> memref<8192x1024xf32, #tpu.memory_space<hbm>>
    tpu.wait_indirect_dma semaphore(%arg17 : memref<!tpu.dma_semaphore, #tpu.memory_space<semaphore_mem>>) src(%dma_wait3A_61 : memref<8192x1024xf32, #tpu.memory_space<hbm>>) dst(%arg13 : memref<16x1024xf32, #tpu.memory_space<vmem>>)
    %dma_wait3A_62 = arith.constant 16 : i32
    %dma_wait3A_63 = tpu.memref_slice %arg9[%dma_wait3A_62] : memref<128xi32, #tpu.memory_space<vmem>> -> memref<16xi32, #tpu.memory_space<vmem>>
    %dma_wait3A_64 = arith.constant 0 : i32
    %dma_wait3A_65 = arith.constant 0 : i32
    %dma_wait3A_66 = tpu.memref_slice %arg2[%dma_wait3A_64, %dma_wait3A_65] : memref<8192x1024xf32, #tpu.memory_space<hbm>> -> memref<8192x1024xf32, #tpu.memory_space<hbm>>
    tpu.wait_indirect_dma semaphore(%arg19 : memref<!tpu.dma_semaphore, #tpu.memory_space<semaphore_mem>>) src(%dma_wait3A_66 : memref<8192x1024xf32, #tpu.memory_space<hbm>>) dst(%arg15 : memref<16x1024xf32, #tpu.memory_space<vmem>>)
    %scan3A_67 = arith.constant 0 : i32
    %scan3A_68 = arith.constant 0 : i32
    %scan3A_69 = arith.constant 16 : i32
    %scan3A_70 = arith.addi %scan3A_68, %scan3A_69 : i32
    %scan3A_71 = arith.constant 1 : i32
    %scan3A_72 = scf.for %scan3A_296 = %scan3A_68 to %scan3A_70 step %scan3A_71 iter_args(%scan3A_297 = %scan3A_67) -> (i32)  : i32 {
      %add3A_298 = arith.constant 16 : i32
      %add3A_299 = arith.addi %add3A_298, %scan3A_296 : i32
      %get3A = arith.index_cast %add3A_299 : i32 to index
      %get3A_300 = arith.constant 0 : index
      %get3A_301 = tpu.vector_load %arg10[%get3A, %get3A_300] {strides = array<i32>} : memref<128x16xf32, #tpu.memory_space<vmem>>, vector<1x16xf32>,
      %get3A_302 = vector.shape_cast %get3A_301 : vector<1x16xf32> to vector<16xf32>
      %add3A_303 = arith.constant 16 : i32
      %add3A_304 = arith.addi %add3A_303, %scan3A_296 : i32
      %get3A_305 = arith.index_cast %add3A_304 : i32 to index
      %get3A_306 = arith.constant 0 : index
      %get3A_307 = tpu.vector_load %arg11[%get3A_305, %get3A_306] {strides = array<i32>} : memref<128x16xf32, #tpu.memory_space<vmem>>, vector<1x16xf32>,
      %get3A_308 = vector.shape_cast %get3A_307 : vector<1x16xf32> to vector<16xf32>
      %scan3A_309 = arith.constant 0 : i32
      %scan3A_310 = arith.constant 0 : i32
      %scan3A_311 = arith.constant 16 : i32
      %scan3A_312 = arith.addi %scan3A_310, %scan3A_311 : i32
      %scan3A_313 = arith.constant 1 : i32
      %scan3A_314 = scf.for %scan3A_317 = %scan3A_310 to %scan3A_312 step %scan3A_313 iter_args(%scan3A_318 = %scan3A_309) -> (i32)  : i32 {
        %mul3A_319 = arith.constant 4 : i32
        %mul3A_320 = arith.muli %scan3A_317, %mul3A_319 : i32
        %mul3A_321 = arith.constant 16 : i32
        %mul3A_322 = arith.muli %mul3A_320, %mul3A_321 : i32
        %add3A_323 = arith.constant 0 : i32
        %add3A_324 = arith.addi %mul3A_322, %add3A_323 : i32
        %get3A_325 = arith.index_cast %scan3A_296 : i32 to index
        %get3A_326 = arith.index_cast %add3A_324 : i32 to index
        %get3A_327 = tpu.vector_load %arg13[%get3A_325, %get3A_326] {strides = array<i32>} : memref<16x1024xf32, #tpu.memory_space<vmem>>, vector<1x16xf32>,
        %get3A_328 = vector.shape_cast %get3A_327 : vector<1x16xf32> to vector<16xf32>
        %mul3A_329 = arith.mulf %get3A_328, %get3A_302 : vector<16xf32>
        %get3A_330 = arith.index_cast %scan3A_296 : i32 to index
        %get3A_331 = arith.index_cast %add3A_324 : i32 to index
        %get3A_332 = tpu.vector_load %arg15[%get3A_330, %get3A_331] {strides = array<i32>} : memref<16x1024xf32, #tpu.memory_space<vmem>>, vector<1x16xf32>,
        %get3A_333 = vector.shape_cast %get3A_332 : vector<1x16xf32> to vector<16xf32>
        %mul3A_334 = arith.mulf %get3A_333, %get3A_308 : vector<16xf32>
        %add3A_335 = arith.addf %mul3A_329, %mul3A_334 : vector<16xf32>
        %swap3A = arith.index_cast %scan3A_296 : i32 to index
        %swap3A_336 = arith.index_cast %add3A_324 : i32 to index
        %swap3A_337 = tpu.vector_load %arg13[%swap3A, %swap3A_336] {strides = array<i32>} : memref<16x1024xf32, #tpu.memory_space<vmem>>, vector<1x16xf32>,
        %swap3A_338 = vector.shape_cast %swap3A_337 : vector<1x16xf32> to vector<16xf32>
        %swap3A_339 = vector.shape_cast %add3A_335 : vector<16xf32> to vector<1x16xf32>
        tpu.vector_store %arg13[%swap3A, %swap3A_336], %swap3A_339 {strides = array<i32>} : memref<16x1024xf32, #tpu.memory_space<vmem>>, vector<1x16xf32>,
        %add3A_340 = arith.constant 16 : i32
        %add3A_341 = arith.addi %mul3A_322, %add3A_340 : i32
        %get3A_342 = arith.index_cast %scan3A_296 : i32 to index
        %get3A_343 = arith.index_cast %add3A_341 : i32 to index
        %get3A_344 = tpu.vector_load %arg13[%get3A_342, %get3A_343] {strides = array<i32>} : memref<16x1024xf32, #tpu.memory_space<vmem>>, vector<1x16xf32>,
        %get3A_345 = vector.shape_cast %get3A_344 : vector<1x16xf32> to vector<16xf32>
        %mul3A_346 = arith.mulf %get3A_345, %get3A_302 : vector<16xf32>
        %get3A_347 = arith.index_cast %scan3A_296 : i32 to index
        %get3A_348 = arith.index_cast %add3A_341 : i32 to index
        %get3A_349 = tpu.vector_load %arg15[%get3A_347, %get3A_348] {strides = array<i32>} : memref<16x1024xf32, #tpu.memory_space<vmem>>, vector<1x16xf32>,
        %get3A_350 = vector.shape_cast %get3A_349 : vector<1x16xf32> to vector<16xf32>
        %mul3A_351 = arith.mulf %get3A_350, %get3A_308 : vector<16xf32>
        %add3A_352 = arith.addf %mul3A_346, %mul3A_351 : vector<16xf32>
        %swap3A_353 = arith.index_cast %scan3A_296 : i32 to index
        %swap3A_354 = arith.index_cast %add3A_341 : i32 to index
        %swap3A_355 = tpu.vector_load %arg13[%swap3A_353, %swap3A_354] {strides = array<i32>} : memref<16x1024xf32, #tpu.memory_space<vmem>>, vector<1x16xf32>,
        %swap3A_356 = vector.shape_cast %swap3A_355 : vector<1x16xf32> to vector<16xf32>
        %swap3A_357 = vector.shape_cast %add3A_352 : vector<16xf32> to vector<1x16xf32>
        tpu.vector_store %arg13[%swap3A_353, %swap3A_354], %swap3A_357 {strides = array<i32>} : memref<16x1024xf32, #tpu.memory_space<vmem>>, vector<1x16xf32>,
        %add3A_358 = arith.constant 32 : i32
        %add3A_359 = arith.addi %mul3A_322, %add3A_358 : i32
        %get3A_360 = arith.index_cast %scan3A_296 : i32 to index
        %get3A_361 = arith.index_cast %add3A_359 : i32 to index
        %get3A_362 = tpu.vector_load %arg13[%get3A_360, %get3A_361] {strides = array<i32>} : memref<16x1024xf32, #tpu.memory_space<vmem>>, vector<1x16xf32>,
        %get3A_363 = vector.shape_cast %get3A_362 : vector<1x16xf32> to vector<16xf32>
        %mul3A_364 = arith.mulf %get3A_363, %get3A_302 : vector<16xf32>
        %get3A_365 = arith.index_cast %scan3A_296 : i32 to index
        %get3A_366 = arith.index_cast %add3A_359 : i32 to index
        %get3A_367 = tpu.vector_load %arg15[%get3A_365, %get3A_366] {strides = array<i32>} : memref<16x1024xf32, #tpu.memory_space<vmem>>, vector<1x16xf32>,
        %get3A_368 = vector.shape_cast %get3A_367 : vector<1x16xf32> to vector<16xf32>
        %mul3A_369 = arith.mulf %get3A_368, %get3A_308 : vector<16xf32>
        %add3A_370 = arith.addf %mul3A_364, %mul3A_369 : vector<16xf32>
        %swap3A_371 = arith.index_cast %scan3A_296 : i32 to index
        %swap3A_372 = arith.index_cast %add3A_359 : i32 to index
        %swap3A_373 = tpu.vector_load %arg13[%swap3A_371, %swap3A_372] {strides = array<i32>} : memref<16x1024xf32, #tpu.memory_space<vmem>>, vector<1x16xf32>,
        %swap3A_374 = vector.shape_cast %swap3A_373 : vector<1x16xf32> to vector<16xf32>
        %swap3A_375 = vector.shape_cast %add3A_370 : vector<16xf32> to vector<1x16xf32>
        tpu.vector_store %arg13[%swap3A_371, %swap3A_372], %swap3A_375 {strides = array<i32>} : memref<16x1024xf32, #tpu.memory_space<vmem>>, vector<1x16xf32>,
        %add3A_376 = arith.constant 48 : i32
        %add3A_377 = arith.addi %mul3A_322, %add3A_376 : i32
        %get3A_378 = arith.index_cast %scan3A_296 : i32 to index
        %get3A_379 = arith.index_cast %add3A_377 : i32 to index
        %get3A_380 = tpu.vector_load %arg13[%get3A_378, %get3A_379] {strides = array<i32>} : memref<16x1024xf32, #tpu.memory_space<vmem>>, vector<1x16xf32>,
        %get3A_381 = vector.shape_cast %get3A_380 : vector<1x16xf32> to vector<16xf32>
        %mul3A_382 = arith.mulf %get3A_381, %get3A_302 : vector<16xf32>
        %get3A_383 = arith.index_cast %scan3A_296 : i32 to index
        %get3A_384 = arith.index_cast %add3A_377 : i32 to index
        %get3A_385 = tpu.vector_load %arg15[%get3A_383, %get3A_384] {strides = array<i32>} : memref<16x1024xf32, #tpu.memory_space<vmem>>, vector<1x16xf32>,
        %get3A_386 = vector.shape_cast %get3A_385 : vector<1x16xf32> to vector<16xf32>
        %mul3A_387 = arith.mulf %get3A_386, %get3A_308 : vector<16xf32>
        %add3A_388 = arith.addf %mul3A_382, %mul3A_387 : vector<16xf32>
        %swap3A_389 = arith.index_cast %scan3A_296 : i32 to index
        %swap3A_390 = arith.index_cast %add3A_377 : i32 to index
        %swap3A_391 = tpu.vector_load %arg13[%swap3A_389, %swap3A_390] {strides = array<i32>} : memref<16x1024xf32, #tpu.memory_space<vmem>>, vector<1x16xf32>,
        %swap3A_392 = vector.shape_cast %swap3A_391 : vector<1x16xf32> to vector<16xf32>
        %swap3A_393 = vector.shape_cast %add3A_388 : vector<16xf32> to vector<1x16xf32>
        tpu.vector_store %arg13[%swap3A_389, %swap3A_390], %swap3A_393 {strides = array<i32>} : memref<16x1024xf32, #tpu.memory_space<vmem>>, vector<1x16xf32>,
        %scan3A_394 = arith.constant 0 : i32
        scf.yield %scan3A_394 : i32
      }
      %scan3A_315 = arith.constant 16 : i32
      %scan3A_316 = arith.constant 0 : i32
      scf.yield %scan3A_316 : i32
    }
    %scan3A_73 = arith.constant 16 : i32
    %add3A_74 = arith.constant 16 : i32
    %add3A_75 = arith.addi %mul3A_2, %add3A_74 : i32
    %dma_start3A_76 = arith.constant 0 : i32
    %dma_start3A_77 = tpu.memref_slice %arg7[%add3A_75, %dma_start3A_76] : memref<4096x1024xf32, #tpu.memory_space<hbm>> -> memref<16x1024xf32, #tpu.memory_space<hbm>>
    %dma_start3A_78 = arith.constant 0 : i32
    %dma_start3A_79 = tpu.memref_slice %arg7[%add3A_75, %dma_start3A_78] : memref<4096x1024xf32, #tpu.memory_space<hbm>> -> memref<16x1024xf32, #tpu.memory_space<hbm>>
    tpu.enqueue_dma source(%arg13 : memref<16x1024xf32, #tpu.memory_space<vmem>>) target(%dma_start3A_79 : memref<16x1024xf32, #tpu.memory_space<hbm>>) target_semaphore(%arg21 : memref<!tpu.dma_semaphore, #tpu.memory_space<semaphore_mem>>)
    %dma_wait3A_80 = arith.constant 0 : i32
    %dma_wait3A_81 = tpu.memref_slice %arg7[%add3A_75, %dma_wait3A_80] : memref<4096x1024xf32, #tpu.memory_space<hbm>> -> memref<16x1024xf32, #tpu.memory_space<hbm>>
    %dma_wait3A_82 = arith.constant 0 : i32
    %dma_wait3A_83 = tpu.memref_slice %arg7[%add3A_75, %dma_wait3A_82] : memref<4096x1024xf32, #tpu.memory_space<hbm>> -> memref<16x1024xf32, #tpu.memory_space<hbm>>
    tpu.wait_dma2 semaphore(%arg21 : memref<!tpu.dma_semaphore, #tpu.memory_space<semaphore_mem>>) src(%arg13 : memref<16x1024xf32, #tpu.memory_space<vmem>>) dst(%dma_wait3A_83 : memref<16x1024xf32, #tpu.memory_space<hbm>>)
    %dma_start3A_84 = arith.constant 48 : i32
    %dma_start3A_85 = tpu.memref_slice %arg8[%dma_start3A_84] : memref<128xi32, #tpu.memory_space<vmem>> -> memref<16xi32, #tpu.memory_space<vmem>>
    %dma_start3A_86 = arith.constant 0 : i32
    %dma_start3A_87 = arith.constant 0 : i32
    %dma_start3A_88 = tpu.memref_slice %arg2[%dma_start3A_86, %dma_start3A_87] : memref<8192x1024xf32, #tpu.memory_space<hbm>> -> memref<8192x1024xf32, #tpu.memory_space<hbm>>
    tpu.enqueue_indirect_dma source(%dma_start3A_88 : memref<8192x1024xf32, #tpu.memory_space<hbm>>) target(%arg13 : memref<16x1024xf32, #tpu.memory_space<vmem>>) offsets(%dma_start3A_85 : memref<16xi32, #tpu.memory_space<vmem>>) semaphore(%arg17 : memref<!tpu.dma_semaphore, #tpu.memory_space<semaphore_mem>>)
    %dma_start3A_89 = arith.constant 48 : i32
    %dma_start3A_90 = tpu.memref_slice %arg9[%dma_start3A_89] : memref<128xi32, #tpu.memory_space<vmem>> -> memref<16xi32, #tpu.memory_space<vmem>>
    %dma_start3A_91 = arith.constant 0 : i32
    %dma_start3A_92 = arith.constant 0 : i32
    %dma_start3A_93 = tpu.memref_slice %arg2[%dma_start3A_91, %dma_start3A_92] : memref<8192x1024xf32, #tpu.memory_space<hbm>> -> memref<8192x1024xf32, #tpu.memory_space<hbm>>
    tpu.enqueue_indirect_dma source(%dma_start3A_93 : memref<8192x1024xf32, #tpu.memory_space<hbm>>) target(%arg15 : memref<16x1024xf32, #tpu.memory_space<vmem>>) offsets(%dma_start3A_90 : memref<16xi32, #tpu.memory_space<vmem>>) semaphore(%arg19 : memref<!tpu.dma_semaphore, #tpu.memory_space<semaphore_mem>>)
    %dma_wait3A_94 = arith.constant 32 : i32
    %dma_wait3A_95 = tpu.memref_slice %arg8[%dma_wait3A_94] : memref<128xi32, #tpu.memory_space<vmem>> -> memref<16xi32, #tpu.memory_space<vmem>>
    %dma_wait3A_96 = arith.constant 0 : i32
    %dma_wait3A_97 = arith.constant 0 : i32
    %dma_wait3A_98 = tpu.memref_slice %arg2[%dma_wait3A_96, %dma_wait3A_97] : memref<8192x1024xf32, #tpu.memory_space<hbm>> -> memref<8192x1024xf32, #tpu.memory_space<hbm>>
    tpu.wait_indirect_dma semaphore(%arg16 : memref<!tpu.dma_semaphore, #tpu.memory_space<semaphore_mem>>) src(%dma_wait3A_98 : memref<8192x1024xf32, #tpu.memory_space<hbm>>) dst(%arg12 : memref<16x1024xf32, #tpu.memory_space<vmem>>)
    %dma_wait3A_99 = arith.constant 32 : i32
    %dma_wait3A_100 = tpu.memref_slice %arg9[%dma_wait3A_99] : memref<128xi32, #tpu.memory_space<vmem>> -> memref<16xi32, #tpu.memory_space<vmem>>
    %dma_wait3A_101 = arith.constant 0 : i32
    %dma_wait3A_102 = arith.constant 0 : i32
    %dma_wait3A_103 = tpu.memref_slice %arg2[%dma_wait3A_101, %dma_wait3A_102] : memref<8192x1024xf32, #tpu.memory_space<hbm>> -> memref<8192x1024xf32, #tpu.memory_space<hbm>>
    tpu.wait_indirect_dma semaphore(%arg18 : memref<!tpu.dma_semaphore, #tpu.memory_space<semaphore_mem>>) src(%dma_wait3A_103 : memref<8192x1024xf32, #tpu.memory_space<hbm>>) dst(%arg14 : memref<16x1024xf32, #tpu.memory_space<vmem>>)
    %scan3A_104 = arith.constant 0 : i32
    %scan3A_105 = arith.constant 0 : i32
    %scan3A_106 = arith.constant 16 : i32
    %scan3A_107 = arith.addi %scan3A_105, %scan3A_106 : i32
    %scan3A_108 = arith.constant 1 : i32
    %scan3A_109 = scf.for %scan3A_296 = %scan3A_105 to %scan3A_107 step %scan3A_108 iter_args(%scan3A_297 = %scan3A_104) -> (i32)  : i32 {
      %add3A_298 = arith.constant 32 : i32
      %add3A_299 = arith.addi %add3A_298, %scan3A_296 : i32
      %get3A = arith.index_cast %add3A_299 : i32 to index
      %get3A_300 = arith.constant 0 : index
      %get3A_301 = tpu.vector_load %arg10[%get3A, %get3A_300] {strides = array<i32>} : memref<128x16xf32, #tpu.memory_space<vmem>>, vector<1x16xf32>,
      %get3A_302 = vector.shape_cast %get3A_301 : vector<1x16xf32> to vector<16xf32>
      %add3A_303 = arith.constant 32 : i32
      %add3A_304 = arith.addi %add3A_303, %scan3A_296 : i32
      %get3A_305 = arith.index_cast %add3A_304 : i32 to index
      %get3A_306 = arith.constant 0 : index
      %get3A_307 = tpu.vector_load %arg11[%get3A_305, %get3A_306] {strides = array<i32>} : memref<128x16xf32, #tpu.memory_space<vmem>>, vector<1x16xf32>,
      %get3A_308 = vector.shape_cast %get3A_307 : vector<1x16xf32> to vector<16xf32>
      %scan3A_309 = arith.constant 0 : i32
      %scan3A_310 = arith.constant 0 : i32
      %scan3A_311 = arith.constant 16 : i32
      %scan3A_312 = arith.addi %scan3A_310, %scan3A_311 : i32
      %scan3A_313 = arith.constant 1 : i32
      %scan3A_314 = scf.for %scan3A_317 = %scan3A_310 to %scan3A_312 step %scan3A_313 iter_args(%scan3A_318 = %scan3A_309) -> (i32)  : i32 {
        %mul3A_319 = arith.constant 4 : i32
        %mul3A_320 = arith.muli %scan3A_317, %mul3A_319 : i32
        %mul3A_321 = arith.constant 16 : i32
        %mul3A_322 = arith.muli %mul3A_320, %mul3A_321 : i32
        %add3A_323 = arith.constant 0 : i32
        %add3A_324 = arith.addi %mul3A_322, %add3A_323 : i32
        %get3A_325 = arith.index_cast %scan3A_296 : i32 to index
        %get3A_326 = arith.index_cast %add3A_324 : i32 to index
        %get3A_327 = tpu.vector_load %arg12[%get3A_325, %get3A_326] {strides = array<i32>} : memref<16x1024xf32, #tpu.memory_space<vmem>>, vector<1x16xf32>,
        %get3A_328 = vector.shape_cast %get3A_327 : vector<1x16xf32> to vector<16xf32>
        %mul3A_329 = arith.mulf %get3A_328, %get3A_302 : vector<16xf32>
        %get3A_330 = arith.index_cast %scan3A_296 : i32 to index
        %get3A_331 = arith.index_cast %add3A_324 : i32 to index
        %get3A_332 = tpu.vector_load %arg14[%get3A_330, %get3A_331] {strides = array<i32>} : memref<16x1024xf32, #tpu.memory_space<vmem>>, vector<1x16xf32>,
        %get3A_333 = vector.shape_cast %get3A_332 : vector<1x16xf32> to vector<16xf32>
        %mul3A_334 = arith.mulf %get3A_333, %get3A_308 : vector<16xf32>
        %add3A_335 = arith.addf %mul3A_329, %mul3A_334 : vector<16xf32>
        %swap3A = arith.index_cast %scan3A_296 : i32 to index
        %swap3A_336 = arith.index_cast %add3A_324 : i32 to index
        %swap3A_337 = tpu.vector_load %arg12[%swap3A, %swap3A_336] {strides = array<i32>} : memref<16x1024xf32, #tpu.memory_space<vmem>>, vector<1x16xf32>,
        %swap3A_338 = vector.shape_cast %swap3A_337 : vector<1x16xf32> to vector<16xf32>
        %swap3A_339 = vector.shape_cast %add3A_335 : vector<16xf32> to vector<1x16xf32>
        tpu.vector_store %arg12[%swap3A, %swap3A_336], %swap3A_339 {strides = array<i32>} : memref<16x1024xf32, #tpu.memory_space<vmem>>, vector<1x16xf32>,
        %add3A_340 = arith.constant 16 : i32
        %add3A_341 = arith.addi %mul3A_322, %add3A_340 : i32
        %get3A_342 = arith.index_cast %scan3A_296 : i32 to index
        %get3A_343 = arith.index_cast %add3A_341 : i32 to index
        %get3A_344 = tpu.vector_load %arg12[%get3A_342, %get3A_343] {strides = array<i32>} : memref<16x1024xf32, #tpu.memory_space<vmem>>, vector<1x16xf32>,
        %get3A_345 = vector.shape_cast %get3A_344 : vector<1x16xf32> to vector<16xf32>
        %mul3A_346 = arith.mulf %get3A_345, %get3A_302 : vector<16xf32>
        %get3A_347 = arith.index_cast %scan3A_296 : i32 to index
        %get3A_348 = arith.index_cast %add3A_341 : i32 to index
        %get3A_349 = tpu.vector_load %arg14[%get3A_347, %get3A_348] {strides = array<i32>} : memref<16x1024xf32, #tpu.memory_space<vmem>>, vector<1x16xf32>,
        %get3A_350 = vector.shape_cast %get3A_349 : vector<1x16xf32> to vector<16xf32>
        %mul3A_351 = arith.mulf %get3A_350, %get3A_308 : vector<16xf32>
        %add3A_352 = arith.addf %mul3A_346, %mul3A_351 : vector<16xf32>
        %swap3A_353 = arith.index_cast %scan3A_296 : i32 to index
        %swap3A_354 = arith.index_cast %add3A_341 : i32 to index
        %swap3A_355 = tpu.vector_load %arg12[%swap3A_353, %swap3A_354] {strides = array<i32>} : memref<16x1024xf32, #tpu.memory_space<vmem>>, vector<1x16xf32>,
        %swap3A_356 = vector.shape_cast %swap3A_355 : vector<1x16xf32> to vector<16xf32>
        %swap3A_357 = vector.shape_cast %add3A_352 : vector<16xf32> to vector<1x16xf32>
        tpu.vector_store %arg12[%swap3A_353, %swap3A_354], %swap3A_357 {strides = array<i32>} : memref<16x1024xf32, #tpu.memory_space<vmem>>, vector<1x16xf32>,
        %add3A_358 = arith.constant 32 : i32
        %add3A_359 = arith.addi %mul3A_322, %add3A_358 : i32
        %get3A_360 = arith.index_cast %scan3A_296 : i32 to index
        %get3A_361 = arith.index_cast %add3A_359 : i32 to index
        %get3A_362 = tpu.vector_load %arg12[%get3A_360, %get3A_361] {strides = array<i32>} : memref<16x1024xf32, #tpu.memory_space<vmem>>, vector<1x16xf32>,
        %get3A_363 = vector.shape_cast %get3A_362 : vector<1x16xf32> to vector<16xf32>
        %mul3A_364 = arith.mulf %get3A_363, %get3A_302 : vector<16xf32>
        %get3A_365 = arith.index_cast %scan3A_296 : i32 to index
        %get3A_366 = arith.index_cast %add3A_359 : i32 to index
        %get3A_367 = tpu.vector_load %arg14[%get3A_365, %get3A_366] {strides = array<i32>} : memref<16x1024xf32, #tpu.memory_space<vmem>>, vector<1x16xf32>,
        %get3A_368 = vector.shape_cast %get3A_367 : vector<1x16xf32> to vector<16xf32>
        %mul3A_369 = arith.mulf %get3A_368, %get3A_308 : vector<16xf32>
        %add3A_370 = arith.addf %mul3A_364, %mul3A_369 : vector<16xf32>
        %swap3A_371 = arith.index_cast %scan3A_296 : i32 to index
        %swap3A_372 = arith.index_cast %add3A_359 : i32 to index
        %swap3A_373 = tpu.vector_load %arg12[%swap3A_371, %swap3A_372] {strides = array<i32>} : memref<16x1024xf32, #tpu.memory_space<vmem>>, vector<1x16xf32>,
        %swap3A_374 = vector.shape_cast %swap3A_373 : vector<1x16xf32> to vector<16xf32>
        %swap3A_375 = vector.shape_cast %add3A_370 : vector<16xf32> to vector<1x16xf32>
        tpu.vector_store %arg12[%swap3A_371, %swap3A_372], %swap3A_375 {strides = array<i32>} : memref<16x1024xf32, #tpu.memory_space<vmem>>, vector<1x16xf32>,
        %add3A_376 = arith.constant 48 : i32
        %add3A_377 = arith.addi %mul3A_322, %add3A_376 : i32
        %get3A_378 = arith.index_cast %scan3A_296 : i32 to index
        %get3A_379 = arith.index_cast %add3A_377 : i32 to index
        %get3A_380 = tpu.vector_load %arg12[%get3A_378, %get3A_379] {strides = array<i32>} : memref<16x1024xf32, #tpu.memory_space<vmem>>, vector<1x16xf32>,
        %get3A_381 = vector.shape_cast %get3A_380 : vector<1x16xf32> to vector<16xf32>
        %mul3A_382 = arith.mulf %get3A_381, %get3A_302 : vector<16xf32>
        %get3A_383 = arith.index_cast %scan3A_296 : i32 to index
        %get3A_384 = arith.index_cast %add3A_377 : i32 to index
        %get3A_385 = tpu.vector_load %arg14[%get3A_383, %get3A_384] {strides = array<i32>} : memref<16x1024xf32, #tpu.memory_space<vmem>>, vector<1x16xf32>,
        %get3A_386 = vector.shape_cast %get3A_385 : vector<1x16xf32> to vector<16xf32>
        %mul3A_387 = arith.mulf %get3A_386, %get3A_308 : vector<16xf32>
        %add3A_388 = arith.addf %mul3A_382, %mul3A_387 : vector<16xf32>
        %swap3A_389 = arith.index_cast %scan3A_296 : i32 to index
        %swap3A_390 = arith.index_cast %add3A_377 : i32 to index
        %swap3A_391 = tpu.vector_load %arg12[%swap3A_389, %swap3A_390] {strides = array<i32>} : memref<16x1024xf32, #tpu.memory_space<vmem>>, vector<1x16xf32>,
        %swap3A_392 = vector.shape_cast %swap3A_391 : vector<1x16xf32> to vector<16xf32>
        %swap3A_393 = vector.shape_cast %add3A_388 : vector<16xf32> to vector<1x16xf32>
        tpu.vector_store %arg12[%swap3A_389, %swap3A_390], %swap3A_393 {strides = array<i32>} : memref<16x1024xf32, #tpu.memory_space<vmem>>, vector<1x16xf32>,
        %scan3A_394 = arith.constant 0 : i32
        scf.yield %scan3A_394 : i32
      }
      %scan3A_315 = arith.constant 16 : i32
      %scan3A_316 = arith.constant 0 : i32
      scf.yield %scan3A_316 : i32
    }
    %scan3A_110 = arith.constant 16 : i32
    %add3A_111 = arith.constant 32 : i32
    %add3A_112 = arith.addi %mul3A_2, %add3A_111 : i32
    %dma_start3A_113 = arith.constant 0 : i32
    %dma_start3A_114 = tpu.memref_slice %arg7[%add3A_112, %dma_start3A_113] : memref<4096x1024xf32, #tpu.memory_space<hbm>> -> memref<16x1024xf32, #tpu.memory_space<hbm>>
    %dma_start3A_115 = arith.constant 0 : i32
    %dma_start3A_116 = tpu.memref_slice %arg7[%add3A_112, %dma_start3A_115] : memref<4096x1024xf32, #tpu.memory_space<hbm>> -> memref<16x1024xf32, #tpu.memory_space<hbm>>
    tpu.enqueue_dma source(%arg12 : memref<16x1024xf32, #tpu.memory_space<vmem>>) target(%dma_start3A_116 : memref<16x1024xf32, #tpu.memory_space<hbm>>) target_semaphore(%arg20 : memref<!tpu.dma_semaphore, #tpu.memory_space<semaphore_mem>>)
    %dma_wait3A_117 = arith.constant 0 : i32
    %dma_wait3A_118 = tpu.memref_slice %arg7[%add3A_112, %dma_wait3A_117] : memref<4096x1024xf32, #tpu.memory_space<hbm>> -> memref<16x1024xf32, #tpu.memory_space<hbm>>
    %dma_wait3A_119 = arith.constant 0 : i32
    %dma_wait3A_120 = tpu.memref_slice %arg7[%add3A_112, %dma_wait3A_119] : memref<4096x1024xf32, #tpu.memory_space<hbm>> -> memref<16x1024xf32, #tpu.memory_space<hbm>>
    tpu.wait_dma2 semaphore(%arg20 : memref<!tpu.dma_semaphore, #tpu.memory_space<semaphore_mem>>) src(%arg12 : memref<16x1024xf32, #tpu.memory_space<vmem>>) dst(%dma_wait3A_120 : memref<16x1024xf32, #tpu.memory_space<hbm>>)
    %dma_start3A_121 = arith.constant 64 : i32
    %dma_start3A_122 = tpu.memref_slice %arg8[%dma_start3A_121] : memref<128xi32, #tpu.memory_space<vmem>> -> memref<16xi32, #tpu.memory_space<vmem>>
    %dma_start3A_123 = arith.constant 0 : i32
    %dma_start3A_124 = arith.constant 0 : i32
    %dma_start3A_125 = tpu.memref_slice %arg2[%dma_start3A_123, %dma_start3A_124] : memref<8192x1024xf32, #tpu.memory_space<hbm>> -> memref<8192x1024xf32, #tpu.memory_space<hbm>>
    tpu.enqueue_indirect_dma source(%dma_start3A_125 : memref<8192x1024xf32, #tpu.memory_space<hbm>>) target(%arg12 : memref<16x1024xf32, #tpu.memory_space<vmem>>) offsets(%dma_start3A_122 : memref<16xi32, #tpu.memory_space<vmem>>) semaphore(%arg16 : memref<!tpu.dma_semaphore, #tpu.memory_space<semaphore_mem>>)
    %dma_start3A_126 = arith.constant 64 : i32
    %dma_start3A_127 = tpu.memref_slice %arg9[%dma_start3A_126] : memref<128xi32, #tpu.memory_space<vmem>> -> memref<16xi32, #tpu.memory_space<vmem>>
    %dma_start3A_128 = arith.constant 0 : i32
    %dma_start3A_129 = arith.constant 0 : i32
    %dma_start3A_130 = tpu.memref_slice %arg2[%dma_start3A_128, %dma_start3A_129] : memref<8192x1024xf32, #tpu.memory_space<hbm>> -> memref<8192x1024xf32, #tpu.memory_space<hbm>>
    tpu.enqueue_indirect_dma source(%dma_start3A_130 : memref<8192x1024xf32, #tpu.memory_space<hbm>>) target(%arg14 : memref<16x1024xf32, #tpu.memory_space<vmem>>) offsets(%dma_start3A_127 : memref<16xi32, #tpu.memory_space<vmem>>) semaphore(%arg18 : memref<!tpu.dma_semaphore, #tpu.memory_space<semaphore_mem>>)
    %dma_wait3A_131 = arith.constant 48 : i32
    %dma_wait3A_132 = tpu.memref_slice %arg8[%dma_wait3A_131] : memref<128xi32, #tpu.memory_space<vmem>> -> memref<16xi32, #tpu.memory_space<vmem>>
    %dma_wait3A_133 = arith.constant 0 : i32
    %dma_wait3A_134 = arith.constant 0 : i32
    %dma_wait3A_135 = tpu.memref_slice %arg2[%dma_wait3A_133, %dma_wait3A_134] : memref<8192x1024xf32, #tpu.memory_space<hbm>> -> memref<8192x1024xf32, #tpu.memory_space<hbm>>
    tpu.wait_indirect_dma semaphore(%arg17 : memref<!tpu.dma_semaphore, #tpu.memory_space<semaphore_mem>>) src(%dma_wait3A_135 : memref<8192x1024xf32, #tpu.memory_space<hbm>>) dst(%arg13 : memref<16x1024xf32, #tpu.memory_space<vmem>>)
    %dma_wait3A_136 = arith.constant 48 : i32
    %dma_wait3A_137 = tpu.memref_slice %arg9[%dma_wait3A_136] : memref<128xi32, #tpu.memory_space<vmem>> -> memref<16xi32, #tpu.memory_space<vmem>>
    %dma_wait3A_138 = arith.constant 0 : i32
    %dma_wait3A_139 = arith.constant 0 : i32
    %dma_wait3A_140 = tpu.memref_slice %arg2[%dma_wait3A_138, %dma_wait3A_139] : memref<8192x1024xf32, #tpu.memory_space<hbm>> -> memref<8192x1024xf32, #tpu.memory_space<hbm>>
    tpu.wait_indirect_dma semaphore(%arg19 : memref<!tpu.dma_semaphore, #tpu.memory_space<semaphore_mem>>) src(%dma_wait3A_140 : memref<8192x1024xf32, #tpu.memory_space<hbm>>) dst(%arg15 : memref<16x1024xf32, #tpu.memory_space<vmem>>)
    %scan3A_141 = arith.constant 0 : i32
    %scan3A_142 = arith.constant 0 : i32
    %scan3A_143 = arith.constant 16 : i32
    %scan3A_144 = arith.addi %scan3A_142, %scan3A_143 : i32
    %scan3A_145 = arith.constant 1 : i32
    %scan3A_146 = scf.for %scan3A_296 = %scan3A_142 to %scan3A_144 step %scan3A_145 iter_args(%scan3A_297 = %scan3A_141) -> (i32)  : i32 {
      %add3A_298 = arith.constant 48 : i32
      %add3A_299 = arith.addi %add3A_298, %scan3A_296 : i32
      %get3A = arith.index_cast %add3A_299 : i32 to index
      %get3A_300 = arith.constant 0 : index
      %get3A_301 = tpu.vector_load %arg10[%get3A, %get3A_300] {strides = array<i32>} : memref<128x16xf32, #tpu.memory_space<vmem>>, vector<1x16xf32>,
      %get3A_302 = vector.shape_cast %get3A_301 : vector<1x16xf32> to vector<16xf32>
      %add3A_303 = arith.constant 48 : i32
      %add3A_304 = arith.addi %add3A_303, %scan3A_296 : i32
      %get3A_305 = arith.index_cast %add3A_304 : i32 to index
      %get3A_306 = arith.constant 0 : index
      %get3A_307 = tpu.vector_load %arg11[%get3A_305, %get3A_306] {strides = array<i32>} : memref<128x16xf32, #tpu.memory_space<vmem>>, vector<1x16xf32>,
      %get3A_308 = vector.shape_cast %get3A_307 : vector<1x16xf32> to vector<16xf32>
      %scan3A_309 = arith.constant 0 : i32
      %scan3A_310 = arith.constant 0 : i32
      %scan3A_311 = arith.constant 16 : i32
      %scan3A_312 = arith.addi %scan3A_310, %scan3A_311 : i32
      %scan3A_313 = arith.constant 1 : i32
      %scan3A_314 = scf.for %scan3A_317 = %scan3A_310 to %scan3A_312 step %scan3A_313 iter_args(%scan3A_318 = %scan3A_309) -> (i32)  : i32 {
        %mul3A_319 = arith.constant 4 : i32
        %mul3A_320 = arith.muli %scan3A_317, %mul3A_319 : i32
        %mul3A_321 = arith.constant 16 : i32
        %mul3A_322 = arith.muli %mul3A_320, %mul3A_321 : i32
        %add3A_323 = arith.constant 0 : i32
        %add3A_324 = arith.addi %mul3A_322, %add3A_323 : i32
        %get3A_325 = arith.index_cast %scan3A_296 : i32 to index
        %get3A_326 = arith.index_cast %add3A_324 : i32 to index
        %get3A_327 = tpu.vector_load %arg13[%get3A_325, %get3A_326] {strides = array<i32>} : memref<16x1024xf32, #tpu.memory_space<vmem>>, vector<1x16xf32>,
        %get3A_328 = vector.shape_cast %get3A_327 : vector<1x16xf32> to vector<16xf32>
        %mul3A_329 = arith.mulf %get3A_328, %get3A_302 : vector<16xf32>
        %get3A_330 = arith.index_cast %scan3A_296 : i32 to index
        %get3A_331 = arith.index_cast %add3A_324 : i32 to index
        %get3A_332 = tpu.vector_load %arg15[%get3A_330, %get3A_331] {strides = array<i32>} : memref<16x1024xf32, #tpu.memory_space<vmem>>, vector<1x16xf32>,
        %get3A_333 = vector.shape_cast %get3A_332 : vector<1x16xf32> to vector<16xf32>
        %mul3A_334 = arith.mulf %get3A_333, %get3A_308 : vector<16xf32>
        %add3A_335 = arith.addf %mul3A_329, %mul3A_334 : vector<16xf32>
        %swap3A = arith.index_cast %scan3A_296 : i32 to index
        %swap3A_336 = arith.index_cast %add3A_324 : i32 to index
        %swap3A_337 = tpu.vector_load %arg13[%swap3A, %swap3A_336] {strides = array<i32>} : memref<16x1024xf32, #tpu.memory_space<vmem>>, vector<1x16xf32>,
        %swap3A_338 = vector.shape_cast %swap3A_337 : vector<1x16xf32> to vector<16xf32>
        %swap3A_339 = vector.shape_cast %add3A_335 : vector<16xf32> to vector<1x16xf32>
        tpu.vector_store %arg13[%swap3A, %swap3A_336], %swap3A_339 {strides = array<i32>} : memref<16x1024xf32, #tpu.memory_space<vmem>>, vector<1x16xf32>,
        %add3A_340 = arith.constant 16 : i32
        %add3A_341 = arith.addi %mul3A_322, %add3A_340 : i32
        %get3A_342 = arith.index_cast %scan3A_296 : i32 to index
        %get3A_343 = arith.index_cast %add3A_341 : i32 to index
        %get3A_344 = tpu.vector_load %arg13[%get3A_342, %get3A_343] {strides = array<i32>} : memref<16x1024xf32, #tpu.memory_space<vmem>>, vector<1x16xf32>,
        %get3A_345 = vector.shape_cast %get3A_344 : vector<1x16xf32> to vector<16xf32>
        %mul3A_346 = arith.mulf %get3A_345, %get3A_302 : vector<16xf32>
        %get3A_347 = arith.index_cast %scan3A_296 : i32 to index
        %get3A_348 = arith.index_cast %add3A_341 : i32 to index
        %get3A_349 = tpu.vector_load %arg15[%get3A_347, %get3A_348] {strides = array<i32>} : memref<16x1024xf32, #tpu.memory_space<vmem>>, vector<1x16xf32>,
        %get3A_350 = vector.shape_cast %get3A_349 : vector<1x16xf32> to vector<16xf32>
        %mul3A_351 = arith.mulf %get3A_350, %get3A_308 : vector<16xf32>
        %add3A_352 = arith.addf %mul3A_346, %mul3A_351 : vector<16xf32>
        %swap3A_353 = arith.index_cast %scan3A_296 : i32 to index
        %swap3A_354 = arith.index_cast %add3A_341 : i32 to index
        %swap3A_355 = tpu.vector_load %arg13[%swap3A_353, %swap3A_354] {strides = array<i32>} : memref<16x1024xf32, #tpu.memory_space<vmem>>, vector<1x16xf32>,
        %swap3A_356 = vector.shape_cast %swap3A_355 : vector<1x16xf32> to vector<16xf32>
        %swap3A_357 = vector.shape_cast %add3A_352 : vector<16xf32> to vector<1x16xf32>
        tpu.vector_store %arg13[%swap3A_353, %swap3A_354], %swap3A_357 {strides = array<i32>} : memref<16x1024xf32, #tpu.memory_space<vmem>>, vector<1x16xf32>,
        %add3A_358 = arith.constant 32 : i32
        %add3A_359 = arith.addi %mul3A_322, %add3A_358 : i32
        %get3A_360 = arith.index_cast %scan3A_296 : i32 to index
        %get3A_361 = arith.index_cast %add3A_359 : i32 to index
        %get3A_362 = tpu.vector_load %arg13[%get3A_360, %get3A_361] {strides = array<i32>} : memref<16x1024xf32, #tpu.memory_space<vmem>>, vector<1x16xf32>,
        %get3A_363 = vector.shape_cast %get3A_362 : vector<1x16xf32> to vector<16xf32>
        %mul3A_364 = arith.mulf %get3A_363, %get3A_302 : vector<16xf32>
        %get3A_365 = arith.index_cast %scan3A_296 : i32 to index
        %get3A_366 = arith.index_cast %add3A_359 : i32 to index
        %get3A_367 = tpu.vector_load %arg15[%get3A_365, %get3A_366] {strides = array<i32>} : memref<16x1024xf32, #tpu.memory_space<vmem>>, vector<1x16xf32>,
        %get3A_368 = vector.shape_cast %get3A_367 : vector<1x16xf32> to vector<16xf32>
        %mul3A_369 = arith.mulf %get3A_368, %get3A_308 : vector<16xf32>
        %add3A_370 = arith.addf %mul3A_364, %mul3A_369 : vector<16xf32>
        %swap3A_371 = arith.index_cast %scan3A_296 : i32 to index
        %swap3A_372 = arith.index_cast %add3A_359 : i32 to index
        %swap3A_373 = tpu.vector_load %arg13[%swap3A_371, %swap3A_372] {strides = array<i32>} : memref<16x1024xf32, #tpu.memory_space<vmem>>, vector<1x16xf32>,
        %swap3A_374 = vector.shape_cast %swap3A_373 : vector<1x16xf32> to vector<16xf32>
        %swap3A_375 = vector.shape_cast %add3A_370 : vector<16xf32> to vector<1x16xf32>
        tpu.vector_store %arg13[%swap3A_371, %swap3A_372], %swap3A_375 {strides = array<i32>} : memref<16x1024xf32, #tpu.memory_space<vmem>>, vector<1x16xf32>,
        %add3A_376 = arith.constant 48 : i32
        %add3A_377 = arith.addi %mul3A_322, %add3A_376 : i32
        %get3A_378 = arith.index_cast %scan3A_296 : i32 to index
        %get3A_379 = arith.index_cast %add3A_377 : i32 to index
        %get3A_380 = tpu.vector_load %arg13[%get3A_378, %get3A_379] {strides = array<i32>} : memref<16x1024xf32, #tpu.memory_space<vmem>>, vector<1x16xf32>,
        %get3A_381 = vector.shape_cast %get3A_380 : vector<1x16xf32> to vector<16xf32>
        %mul3A_382 = arith.mulf %get3A_381, %get3A_302 : vector<16xf32>
        %get3A_383 = arith.index_cast %scan3A_296 : i32 to index
        %get3A_384 = arith.index_cast %add3A_377 : i32 to index
        %get3A_385 = tpu.vector_load %arg15[%get3A_383, %get3A_384] {strides = array<i32>} : memref<16x1024xf32, #tpu.memory_space<vmem>>, vector<1x16xf32>,
        %get3A_386 = vector.shape_cast %get3A_385 : vector<1x16xf32> to vector<16xf32>
        %mul3A_387 = arith.mulf %get3A_386, %get3A_308 : vector<16xf32>
        %add3A_388 = arith.addf %mul3A_382, %mul3A_387 : vector<16xf32>
        %swap3A_389 = arith.index_cast %scan3A_296 : i32 to index
        %swap3A_390 = arith.index_cast %add3A_377 : i32 to index
        %swap3A_391 = tpu.vector_load %arg13[%swap3A_389, %swap3A_390] {strides = array<i32>} : memref<16x1024xf32, #tpu.memory_space<vmem>>, vector<1x16xf32>,
        %swap3A_392 = vector.shape_cast %swap3A_391 : vector<1x16xf32> to vector<16xf32>
        %swap3A_393 = vector.shape_cast %add3A_388 : vector<16xf32> to vector<1x16xf32>
        tpu.vector_store %arg13[%swap3A_389, %swap3A_390], %swap3A_393 {strides = array<i32>} : memref<16x1024xf32, #tpu.memory_space<vmem>>, vector<1x16xf32>,
        %scan3A_394 = arith.constant 0 : i32
        scf.yield %scan3A_394 : i32
      }
      %scan3A_315 = arith.constant 16 : i32
      %scan3A_316 = arith.constant 0 : i32
      scf.yield %scan3A_316 : i32
    }
    %scan3A_147 = arith.constant 16 : i32
    %add3A_148 = arith.constant 48 : i32
    %add3A_149 = arith.addi %mul3A_2, %add3A_148 : i32
    %dma_start3A_150 = arith.constant 0 : i32
    %dma_start3A_151 = tpu.memref_slice %arg7[%add3A_149, %dma_start3A_150] : memref<4096x1024xf32, #tpu.memory_space<hbm>> -> memref<16x1024xf32, #tpu.memory_space<hbm>>
    %dma_start3A_152 = arith.constant 0 : i32
    %dma_start3A_153 = tpu.memref_slice %arg7[%add3A_149, %dma_start3A_152] : memref<4096x1024xf32, #tpu.memory_space<hbm>> -> memref<16x1024xf32, #tpu.memory_space<hbm>>
    tpu.enqueue_dma source(%arg13 : memref<16x1024xf32, #tpu.memory_space<vmem>>) target(%dma_start3A_153 : memref<16x1024xf32, #tpu.memory_space<hbm>>) target_semaphore(%arg21 : memref<!tpu.dma_semaphore, #tpu.memory_space<semaphore_mem>>)
    %dma_wait3A_154 = arith.constant 0 : i32
    %dma_wait3A_155 = tpu.memref_slice %arg7[%add3A_149, %dma_wait3A_154] : memref<4096x1024xf32, #tpu.memory_space<hbm>> -> memref<16x1024xf32, #tpu.memory_space<hbm>>
    %dma_wait3A_156 = arith.constant 0 : i32
    %dma_wait3A_157 = tpu.memref_slice %arg7[%add3A_149, %dma_wait3A_156] : memref<4096x1024xf32, #tpu.memory_space<hbm>> -> memref<16x1024xf32, #tpu.memory_space<hbm>>
    tpu.wait_dma2 semaphore(%arg21 : memref<!tpu.dma_semaphore, #tpu.memory_space<semaphore_mem>>) src(%arg13 : memref<16x1024xf32, #tpu.memory_space<vmem>>) dst(%dma_wait3A_157 : memref<16x1024xf32, #tpu.memory_space<hbm>>)
    %dma_start3A_158 = arith.constant 80 : i32
    %dma_start3A_159 = tpu.memref_slice %arg8[%dma_start3A_158] : memref<128xi32, #tpu.memory_space<vmem>> -> memref<16xi32, #tpu.memory_space<vmem>>
    %dma_start3A_160 = arith.constant 0 : i32
    %dma_start3A_161 = arith.constant 0 : i32
    %dma_start3A_162 = tpu.memref_slice %arg2[%dma_start3A_160, %dma_start3A_161] : memref<8192x1024xf32, #tpu.memory_space<hbm>> -> memref<8192x1024xf32, #tpu.memory_space<hbm>>
    tpu.enqueue_indirect_dma source(%dma_start3A_162 : memref<8192x1024xf32, #tpu.memory_space<hbm>>) target(%arg13 : memref<16x1024xf32, #tpu.memory_space<vmem>>) offsets(%dma_start3A_159 : memref<16xi32, #tpu.memory_space<vmem>>) semaphore(%arg17 : memref<!tpu.dma_semaphore, #tpu.memory_space<semaphore_mem>>)
    %dma_start3A_163 = arith.constant 80 : i32
    %dma_start3A_164 = tpu.memref_slice %arg9[%dma_start3A_163] : memref<128xi32, #tpu.memory_space<vmem>> -> memref<16xi32, #tpu.memory_space<vmem>>
    %dma_start3A_165 = arith.constant 0 : i32
    %dma_start3A_166 = arith.constant 0 : i32
    %dma_start3A_167 = tpu.memref_slice %arg2[%dma_start3A_165, %dma_start3A_166] : memref<8192x1024xf32, #tpu.memory_space<hbm>> -> memref<8192x1024xf32, #tpu.memory_space<hbm>>
    tpu.enqueue_indirect_dma source(%dma_start3A_167 : memref<8192x1024xf32, #tpu.memory_space<hbm>>) target(%arg15 : memref<16x1024xf32, #tpu.memory_space<vmem>>) offsets(%dma_start3A_164 : memref<16xi32, #tpu.memory_space<vmem>>) semaphore(%arg19 : memref<!tpu.dma_semaphore, #tpu.memory_space<semaphore_mem>>)
    %dma_wait3A_168 = arith.constant 64 : i32
    %dma_wait3A_169 = tpu.memref_slice %arg8[%dma_wait3A_168] : memref<128xi32, #tpu.memory_space<vmem>> -> memref<16xi32, #tpu.memory_space<vmem>>
    %dma_wait3A_170 = arith.constant 0 : i32
    %dma_wait3A_171 = arith.constant 0 : i32
    %dma_wait3A_172 = tpu.memref_slice %arg2[%dma_wait3A_170, %dma_wait3A_171] : memref<8192x1024xf32, #tpu.memory_space<hbm>> -> memref<8192x1024xf32, #tpu.memory_space<hbm>>
    tpu.wait_indirect_dma semaphore(%arg16 : memref<!tpu.dma_semaphore, #tpu.memory_space<semaphore_mem>>) src(%dma_wait3A_172 : memref<8192x1024xf32, #tpu.memory_space<hbm>>) dst(%arg12 : memref<16x1024xf32, #tpu.memory_space<vmem>>)
    %dma_wait3A_173 = arith.constant 64 : i32
    %dma_wait3A_174 = tpu.memref_slice %arg9[%dma_wait3A_173] : memref<128xi32, #tpu.memory_space<vmem>> -> memref<16xi32, #tpu.memory_space<vmem>>
    %dma_wait3A_175 = arith.constant 0 : i32
    %dma_wait3A_176 = arith.constant 0 : i32
    %dma_wait3A_177 = tpu.memref_slice %arg2[%dma_wait3A_175, %dma_wait3A_176] : memref<8192x1024xf32, #tpu.memory_space<hbm>> -> memref<8192x1024xf32, #tpu.memory_space<hbm>>
    tpu.wait_indirect_dma semaphore(%arg18 : memref<!tpu.dma_semaphore, #tpu.memory_space<semaphore_mem>>) src(%dma_wait3A_177 : memref<8192x1024xf32, #tpu.memory_space<hbm>>) dst(%arg14 : memref<16x1024xf32, #tpu.memory_space<vmem>>)
    %scan3A_178 = arith.constant 0 : i32
    %scan3A_179 = arith.constant 0 : i32
    %scan3A_180 = arith.constant 16 : i32
    %scan3A_181 = arith.addi %scan3A_179, %scan3A_180 : i32
    %scan3A_182 = arith.constant 1 : i32
    %scan3A_183 = scf.for %scan3A_296 = %scan3A_179 to %scan3A_181 step %scan3A_182 iter_args(%scan3A_297 = %scan3A_178) -> (i32)  : i32 {
      %add3A_298 = arith.constant 64 : i32
      %add3A_299 = arith.addi %add3A_298, %scan3A_296 : i32
      %get3A = arith.index_cast %add3A_299 : i32 to index
      %get3A_300 = arith.constant 0 : index
      %get3A_301 = tpu.vector_load %arg10[%get3A, %get3A_300] {strides = array<i32>} : memref<128x16xf32, #tpu.memory_space<vmem>>, vector<1x16xf32>,
      %get3A_302 = vector.shape_cast %get3A_301 : vector<1x16xf32> to vector<16xf32>
      %add3A_303 = arith.constant 64 : i32
      %add3A_304 = arith.addi %add3A_303, %scan3A_296 : i32
      %get3A_305 = arith.index_cast %add3A_304 : i32 to index
      %get3A_306 = arith.constant 0 : index
      %get3A_307 = tpu.vector_load %arg11[%get3A_305, %get3A_306] {strides = array<i32>} : memref<128x16xf32, #tpu.memory_space<vmem>>, vector<1x16xf32>,
      %get3A_308 = vector.shape_cast %get3A_307 : vector<1x16xf32> to vector<16xf32>
      %scan3A_309 = arith.constant 0 : i32
      %scan3A_310 = arith.constant 0 : i32
      %scan3A_311 = arith.constant 16 : i32
      %scan3A_312 = arith.addi %scan3A_310, %scan3A_311 : i32
      %scan3A_313 = arith.constant 1 : i32
      %scan3A_314 = scf.for %scan3A_317 = %scan3A_310 to %scan3A_312 step %scan3A_313 iter_args(%scan3A_318 = %scan3A_309) -> (i32)  : i32 {
        %mul3A_319 = arith.constant 4 : i32
        %mul3A_320 = arith.muli %scan3A_317, %mul3A_319 : i32
        %mul3A_321 = arith.constant 16 : i32
        %mul3A_322 = arith.muli %mul3A_320, %mul3A_321 : i32
        %add3A_323 = arith.constant 0 : i32
        %add3A_324 = arith.addi %mul3A_322, %add3A_323 : i32
        %get3A_325 = arith.index_cast %scan3A_296 : i32 to index
        %get3A_326 = arith.index_cast %add3A_324 : i32 to index
        %get3A_327 = tpu.vector_load %arg12[%get3A_325, %get3A_326] {strides = array<i32>} : memref<16x1024xf32, #tpu.memory_space<vmem>>, vector<1x16xf32>,
        %get3A_328 = vector.shape_cast %get3A_327 : vector<1x16xf32> to vector<16xf32>
        %mul3A_329 = arith.mulf %get3A_328, %get3A_302 : vector<16xf32>
        %get3A_330 = arith.index_cast %scan3A_296 : i32 to index
        %get3A_331 = arith.index_cast %add3A_324 : i32 to index
        %get3A_332 = tpu.vector_load %arg14[%get3A_330, %get3A_331] {strides = array<i32>} : memref<16x1024xf32, #tpu.memory_space<vmem>>, vector<1x16xf32>,
        %get3A_333 = vector.shape_cast %get3A_332 : vector<1x16xf32> to vector<16xf32>
        %mul3A_334 = arith.mulf %get3A_333, %get3A_308 : vector<16xf32>
        %add3A_335 = arith.addf %mul3A_329, %mul3A_334 : vector<16xf32>
        %swap3A = arith.index_cast %scan3A_296 : i32 to index
        %swap3A_336 = arith.index_cast %add3A_324 : i32 to index
        %swap3A_337 = tpu.vector_load %arg12[%swap3A, %swap3A_336] {strides = array<i32>} : memref<16x1024xf32, #tpu.memory_space<vmem>>, vector<1x16xf32>,
        %swap3A_338 = vector.shape_cast %swap3A_337 : vector<1x16xf32> to vector<16xf32>
        %swap3A_339 = vector.shape_cast %add3A_335 : vector<16xf32> to vector<1x16xf32>
        tpu.vector_store %arg12[%swap3A, %swap3A_336], %swap3A_339 {strides = array<i32>} : memref<16x1024xf32, #tpu.memory_space<vmem>>, vector<1x16xf32>,
        %add3A_340 = arith.constant 16 : i32
        %add3A_341 = arith.addi %mul3A_322, %add3A_340 : i32
        %get3A_342 = arith.index_cast %scan3A_296 : i32 to index
        %get3A_343 = arith.index_cast %add3A_341 : i32 to index
        %get3A_344 = tpu.vector_load %arg12[%get3A_342, %get3A_343] {strides = array<i32>} : memref<16x1024xf32, #tpu.memory_space<vmem>>, vector<1x16xf32>,
        %get3A_345 = vector.shape_cast %get3A_344 : vector<1x16xf32> to vector<16xf32>
        %mul3A_346 = arith.mulf %get3A_345, %get3A_302 : vector<16xf32>
        %get3A_347 = arith.index_cast %scan3A_296 : i32 to index
        %get3A_348 = arith.index_cast %add3A_341 : i32 to index
        %get3A_349 = tpu.vector_load %arg14[%get3A_347, %get3A_348] {strides = array<i32>} : memref<16x1024xf32, #tpu.memory_space<vmem>>, vector<1x16xf32>,
        %get3A_350 = vector.shape_cast %get3A_349 : vector<1x16xf32> to vector<16xf32>
        %mul3A_351 = arith.mulf %get3A_350, %get3A_308 : vector<16xf32>
        %add3A_352 = arith.addf %mul3A_346, %mul3A_351 : vector<16xf32>
        %swap3A_353 = arith.index_cast %scan3A_296 : i32 to index
        %swap3A_354 = arith.index_cast %add3A_341 : i32 to index
        %swap3A_355 = tpu.vector_load %arg12[%swap3A_353, %swap3A_354] {strides = array<i32>} : memref<16x1024xf32, #tpu.memory_space<vmem>>, vector<1x16xf32>,
        %swap3A_356 = vector.shape_cast %swap3A_355 : vector<1x16xf32> to vector<16xf32>
        %swap3A_357 = vector.shape_cast %add3A_352 : vector<16xf32> to vector<1x16xf32>
        tpu.vector_store %arg12[%swap3A_353, %swap3A_354], %swap3A_357 {strides = array<i32>} : memref<16x1024xf32, #tpu.memory_space<vmem>>, vector<1x16xf32>,
        %add3A_358 = arith.constant 32 : i32
        %add3A_359 = arith.addi %mul3A_322, %add3A_358 : i32
        %get3A_360 = arith.index_cast %scan3A_296 : i32 to index
        %get3A_361 = arith.index_cast %add3A_359 : i32 to index
        %get3A_362 = tpu.vector_load %arg12[%get3A_360, %get3A_361] {strides = array<i32>} : memref<16x1024xf32, #tpu.memory_space<vmem>>, vector<1x16xf32>,
        %get3A_363 = vector.shape_cast %get3A_362 : vector<1x16xf32> to vector<16xf32>
        %mul3A_364 = arith.mulf %get3A_363, %get3A_302 : vector<16xf32>
        %get3A_365 = arith.index_cast %scan3A_296 : i32 to index
        %get3A_366 = arith.index_cast %add3A_359 : i32 to index
        %get3A_367 = tpu.vector_load %arg14[%get3A_365, %get3A_366] {strides = array<i32>} : memref<16x1024xf32, #tpu.memory_space<vmem>>, vector<1x16xf32>,
        %get3A_368 = vector.shape_cast %get3A_367 : vector<1x16xf32> to vector<16xf32>
        %mul3A_369 = arith.mulf %get3A_368, %get3A_308 : vector<16xf32>
        %add3A_370 = arith.addf %mul3A_364, %mul3A_369 : vector<16xf32>
        %swap3A_371 = arith.index_cast %scan3A_296 : i32 to index
        %swap3A_372 = arith.index_cast %add3A_359 : i32 to index
        %swap3A_373 = tpu.vector_load %arg12[%swap3A_371, %swap3A_372] {strides = array<i32>} : memref<16x1024xf32, #tpu.memory_space<vmem>>, vector<1x16xf32>,
        %swap3A_374 = vector.shape_cast %swap3A_373 : vector<1x16xf32> to vector<16xf32>
        %swap3A_375 = vector.shape_cast %add3A_370 : vector<16xf32> to vector<1x16xf32>
        tpu.vector_store %arg12[%swap3A_371, %swap3A_372], %swap3A_375 {strides = array<i32>} : memref<16x1024xf32, #tpu.memory_space<vmem>>, vector<1x16xf32>,
        %add3A_376 = arith.constant 48 : i32
        %add3A_377 = arith.addi %mul3A_322, %add3A_376 : i32
        %get3A_378 = arith.index_cast %scan3A_296 : i32 to index
        %get3A_379 = arith.index_cast %add3A_377 : i32 to index
        %get3A_380 = tpu.vector_load %arg12[%get3A_378, %get3A_379] {strides = array<i32>} : memref<16x1024xf32, #tpu.memory_space<vmem>>, vector<1x16xf32>,
        %get3A_381 = vector.shape_cast %get3A_380 : vector<1x16xf32> to vector<16xf32>
        %mul3A_382 = arith.mulf %get3A_381, %get3A_302 : vector<16xf32>
        %get3A_383 = arith.index_cast %scan3A_296 : i32 to index
        %get3A_384 = arith.index_cast %add3A_377 : i32 to index
        %get3A_385 = tpu.vector_load %arg14[%get3A_383, %get3A_384] {strides = array<i32>} : memref<16x1024xf32, #tpu.memory_space<vmem>>, vector<1x16xf32>,
        %get3A_386 = vector.shape_cast %get3A_385 : vector<1x16xf32> to vector<16xf32>
        %mul3A_387 = arith.mulf %get3A_386, %get3A_308 : vector<16xf32>
        %add3A_388 = arith.addf %mul3A_382, %mul3A_387 : vector<16xf32>
        %swap3A_389 = arith.index_cast %scan3A_296 : i32 to index
        %swap3A_390 = arith.index_cast %add3A_377 : i32 to index
        %swap3A_391 = tpu.vector_load %arg12[%swap3A_389, %swap3A_390] {strides = array<i32>} : memref<16x1024xf32, #tpu.memory_space<vmem>>, vector<1x16xf32>,
        %swap3A_392 = vector.shape_cast %swap3A_391 : vector<1x16xf32> to vector<16xf32>
        %swap3A_393 = vector.shape_cast %add3A_388 : vector<16xf32> to vector<1x16xf32>
        tpu.vector_store %arg12[%swap3A_389, %swap3A_390], %swap3A_393 {strides = array<i32>} : memref<16x1024xf32, #tpu.memory_space<vmem>>, vector<1x16xf32>,
        %scan3A_394 = arith.constant 0 : i32
        scf.yield %scan3A_394 : i32
      }
      %scan3A_315 = arith.constant 16 : i32
      %scan3A_316 = arith.constant 0 : i32
      scf.yield %scan3A_316 : i32
    }
    %scan3A_184 = arith.constant 16 : i32
    %add3A_185 = arith.constant 64 : i32
    %add3A_186 = arith.addi %mul3A_2, %add3A_185 : i32
    %dma_start3A_187 = arith.constant 0 : i32
    %dma_start3A_188 = tpu.memref_slice %arg7[%add3A_186, %dma_start3A_187] : memref<4096x1024xf32, #tpu.memory_space<hbm>> -> memref<16x1024xf32, #tpu.memory_space<hbm>>
    %dma_start3A_189 = arith.constant 0 : i32
    %dma_start3A_190 = tpu.memref_slice %arg7[%add3A_186, %dma_start3A_189] : memref<4096x1024xf32, #tpu.memory_space<hbm>> -> memref<16x1024xf32, #tpu.memory_space<hbm>>
    tpu.enqueue_dma source(%arg12 : memref<16x1024xf32, #tpu.memory_space<vmem>>) target(%dma_start3A_190 : memref<16x1024xf32, #tpu.memory_space<hbm>>) target_semaphore(%arg20 : memref<!tpu.dma_semaphore, #tpu.memory_space<semaphore_mem>>)
    %dma_wait3A_191 = arith.constant 0 : i32
    %dma_wait3A_192 = tpu.memref_slice %arg7[%add3A_186, %dma_wait3A_191] : memref<4096x1024xf32, #tpu.memory_space<hbm>> -> memref<16x1024xf32, #tpu.memory_space<hbm>>
    %dma_wait3A_193 = arith.constant 0 : i32
    %dma_wait3A_194 = tpu.memref_slice %arg7[%add3A_186, %dma_wait3A_193] : memref<4096x1024xf32, #tpu.memory_space<hbm>> -> memref<16x1024xf32, #tpu.memory_space<hbm>>
    tpu.wait_dma2 semaphore(%arg20 : memref<!tpu.dma_semaphore, #tpu.memory_space<semaphore_mem>>) src(%arg12 : memref<16x1024xf32, #tpu.memory_space<vmem>>) dst(%dma_wait3A_194 : memref<16x1024xf32, #tpu.memory_space<hbm>>)
    %dma_start3A_195 = arith.constant 96 : i32
    %dma_start3A_196 = tpu.memref_slice %arg8[%dma_start3A_195] : memref<128xi32, #tpu.memory_space<vmem>> -> memref<16xi32, #tpu.memory_space<vmem>>
    %dma_start3A_197 = arith.constant 0 : i32
    %dma_start3A_198 = arith.constant 0 : i32
    %dma_start3A_199 = tpu.memref_slice %arg2[%dma_start3A_197, %dma_start3A_198] : memref<8192x1024xf32, #tpu.memory_space<hbm>> -> memref<8192x1024xf32, #tpu.memory_space<hbm>>
    tpu.enqueue_indirect_dma source(%dma_start3A_199 : memref<8192x1024xf32, #tpu.memory_space<hbm>>) target(%arg12 : memref<16x1024xf32, #tpu.memory_space<vmem>>) offsets(%dma_start3A_196 : memref<16xi32, #tpu.memory_space<vmem>>) semaphore(%arg16 : memref<!tpu.dma_semaphore, #tpu.memory_space<semaphore_mem>>)
    %dma_start3A_200 = arith.constant 96 : i32
    %dma_start3A_201 = tpu.memref_slice %arg9[%dma_start3A_200] : memref<128xi32, #tpu.memory_space<vmem>> -> memref<16xi32, #tpu.memory_space<vmem>>
    %dma_start3A_202 = arith.constant 0 : i32
    %dma_start3A_203 = arith.constant 0 : i32
    %dma_start3A_204 = tpu.memref_slice %arg2[%dma_start3A_202, %dma_start3A_203] : memref<8192x1024xf32, #tpu.memory_space<hbm>> -> memref<8192x1024xf32, #tpu.memory_space<hbm>>
    tpu.enqueue_indirect_dma source(%dma_start3A_204 : memref<8192x1024xf32, #tpu.memory_space<hbm>>) target(%arg14 : memref<16x1024xf32, #tpu.memory_space<vmem>>) offsets(%dma_start3A_201 : memref<16xi32, #tpu.memory_space<vmem>>) semaphore(%arg18 : memref<!tpu.dma_semaphore, #tpu.memory_space<semaphore_mem>>)
    %dma_wait3A_205 = arith.constant 80 : i32
    %dma_wait3A_206 = tpu.memref_slice %arg8[%dma_wait3A_205] : memref<128xi32, #tpu.memory_space<vmem>> -> memref<16xi32, #tpu.memory_space<vmem>>
    %dma_wait3A_207 = arith.constant 0 : i32
    %dma_wait3A_208 = arith.constant 0 : i32
    %dma_wait3A_209 = tpu.memref_slice %arg2[%dma_wait3A_207, %dma_wait3A_208] : memref<8192x1024xf32, #tpu.memory_space<hbm>> -> memref<8192x1024xf32, #tpu.memory_space<hbm>>
    tpu.wait_indirect_dma semaphore(%arg17 : memref<!tpu.dma_semaphore, #tpu.memory_space<semaphore_mem>>) src(%dma_wait3A_209 : memref<8192x1024xf32, #tpu.memory_space<hbm>>) dst(%arg13 : memref<16x1024xf32, #tpu.memory_space<vmem>>)
    %dma_wait3A_210 = arith.constant 80 : i32
    %dma_wait3A_211 = tpu.memref_slice %arg9[%dma_wait3A_210] : memref<128xi32, #tpu.memory_space<vmem>> -> memref<16xi32, #tpu.memory_space<vmem>>
    %dma_wait3A_212 = arith.constant 0 : i32
    %dma_wait3A_213 = arith.constant 0 : i32
    %dma_wait3A_214 = tpu.memref_slice %arg2[%dma_wait3A_212, %dma_wait3A_213] : memref<8192x1024xf32, #tpu.memory_space<hbm>> -> memref<8192x1024xf32, #tpu.memory_space<hbm>>
    tpu.wait_indirect_dma semaphore(%arg19 : memref<!tpu.dma_semaphore, #tpu.memory_space<semaphore_mem>>) src(%dma_wait3A_214 : memref<8192x1024xf32, #tpu.memory_space<hbm>>) dst(%arg15 : memref<16x1024xf32, #tpu.memory_space<vmem>>)
    %scan3A_215 = arith.constant 0 : i32
    %scan3A_216 = arith.constant 0 : i32
    %scan3A_217 = arith.constant 16 : i32
    %scan3A_218 = arith.addi %scan3A_216, %scan3A_217 : i32
    %scan3A_219 = arith.constant 1 : i32
    %scan3A_220 = scf.for %scan3A_296 = %scan3A_216 to %scan3A_218 step %scan3A_219 iter_args(%scan3A_297 = %scan3A_215) -> (i32)  : i32 {
      %add3A_298 = arith.constant 80 : i32
      %add3A_299 = arith.addi %add3A_298, %scan3A_296 : i32
      %get3A = arith.index_cast %add3A_299 : i32 to index
      %get3A_300 = arith.constant 0 : index
      %get3A_301 = tpu.vector_load %arg10[%get3A, %get3A_300] {strides = array<i32>} : memref<128x16xf32, #tpu.memory_space<vmem>>, vector<1x16xf32>,
      %get3A_302 = vector.shape_cast %get3A_301 : vector<1x16xf32> to vector<16xf32>
      %add3A_303 = arith.constant 80 : i32
      %add3A_304 = arith.addi %add3A_303, %scan3A_296 : i32
      %get3A_305 = arith.index_cast %add3A_304 : i32 to index
      %get3A_306 = arith.constant 0 : index
      %get3A_307 = tpu.vector_load %arg11[%get3A_305, %get3A_306] {strides = array<i32>} : memref<128x16xf32, #tpu.memory_space<vmem>>, vector<1x16xf32>,
      %get3A_308 = vector.shape_cast %get3A_307 : vector<1x16xf32> to vector<16xf32>
      %scan3A_309 = arith.constant 0 : i32
      %scan3A_310 = arith.constant 0 : i32
      %scan3A_311 = arith.constant 16 : i32
      %scan3A_312 = arith.addi %scan3A_310, %scan3A_311 : i32
      %scan3A_313 = arith.constant 1 : i32
      %scan3A_314 = scf.for %scan3A_317 = %scan3A_310 to %scan3A_312 step %scan3A_313 iter_args(%scan3A_318 = %scan3A_309) -> (i32)  : i32 {
        %mul3A_319 = arith.constant 4 : i32
        %mul3A_320 = arith.muli %scan3A_317, %mul3A_319 : i32
        %mul3A_321 = arith.constant 16 : i32
        %mul3A_322 = arith.muli %mul3A_320, %mul3A_321 : i32
        %add3A_323 = arith.constant 0 : i32
        %add3A_324 = arith.addi %mul3A_322, %add3A_323 : i32
        %get3A_325 = arith.index_cast %scan3A_296 : i32 to index
        %get3A_326 = arith.index_cast %add3A_324 : i32 to index
        %get3A_327 = tpu.vector_load %arg13[%get3A_325, %get3A_326] {strides = array<i32>} : memref<16x1024xf32, #tpu.memory_space<vmem>>, vector<1x16xf32>,
        %get3A_328 = vector.shape_cast %get3A_327 : vector<1x16xf32> to vector<16xf32>
        %mul3A_329 = arith.mulf %get3A_328, %get3A_302 : vector<16xf32>
        %get3A_330 = arith.index_cast %scan3A_296 : i32 to index
        %get3A_331 = arith.index_cast %add3A_324 : i32 to index
        %get3A_332 = tpu.vector_load %arg15[%get3A_330, %get3A_331] {strides = array<i32>} : memref<16x1024xf32, #tpu.memory_space<vmem>>, vector<1x16xf32>,
        %get3A_333 = vector.shape_cast %get3A_332 : vector<1x16xf32> to vector<16xf32>
        %mul3A_334 = arith.mulf %get3A_333, %get3A_308 : vector<16xf32>
        %add3A_335 = arith.addf %mul3A_329, %mul3A_334 : vector<16xf32>
        %swap3A = arith.index_cast %scan3A_296 : i32 to index
        %swap3A_336 = arith.index_cast %add3A_324 : i32 to index
        %swap3A_337 = tpu.vector_load %arg13[%swap3A, %swap3A_336] {strides = array<i32>} : memref<16x1024xf32, #tpu.memory_space<vmem>>, vector<1x16xf32>,
        %swap3A_338 = vector.shape_cast %swap3A_337 : vector<1x16xf32> to vector<16xf32>
        %swap3A_339 = vector.shape_cast %add3A_335 : vector<16xf32> to vector<1x16xf32>
        tpu.vector_store %arg13[%swap3A, %swap3A_336], %swap3A_339 {strides = array<i32>} : memref<16x1024xf32, #tpu.memory_space<vmem>>, vector<1x16xf32>,
        %add3A_340 = arith.constant 16 : i32
        %add3A_341 = arith.addi %mul3A_322, %add3A_340 : i32
        %get3A_342 = arith.index_cast %scan3A_296 : i32 to index
        %get3A_343 = arith.index_cast %add3A_341 : i32 to index
        %get3A_344 = tpu.vector_load %arg13[%get3A_342, %get3A_343] {strides = array<i32>} : memref<16x1024xf32, #tpu.memory_space<vmem>>, vector<1x16xf32>,
        %get3A_345 = vector.shape_cast %get3A_344 : vector<1x16xf32> to vector<16xf32>
        %mul3A_346 = arith.mulf %get3A_345, %get3A_302 : vector<16xf32>
        %get3A_347 = arith.index_cast %scan3A_296 : i32 to index
        %get3A_348 = arith.index_cast %add3A_341 : i32 to index
        %get3A_349 = tpu.vector_load %arg15[%get3A_347, %get3A_348] {strides = array<i32>} : memref<16x1024xf32, #tpu.memory_space<vmem>>, vector<1x16xf32>,
        %get3A_350 = vector.shape_cast %get3A_349 : vector<1x16xf32> to vector<16xf32>
        %mul3A_351 = arith.mulf %get3A_350, %get3A_308 : vector<16xf32>
        %add3A_352 = arith.addf %mul3A_346, %mul3A_351 : vector<16xf32>
        %swap3A_353 = arith.index_cast %scan3A_296 : i32 to index
        %swap3A_354 = arith.index_cast %add3A_341 : i32 to index
        %swap3A_355 = tpu.vector_load %arg13[%swap3A_353, %swap3A_354] {strides = array<i32>} : memref<16x1024xf32, #tpu.memory_space<vmem>>, vector<1x16xf32>,
        %swap3A_356 = vector.shape_cast %swap3A_355 : vector<1x16xf32> to vector<16xf32>
        %swap3A_357 = vector.shape_cast %add3A_352 : vector<16xf32> to vector<1x16xf32>
        tpu.vector_store %arg13[%swap3A_353, %swap3A_354], %swap3A_357 {strides = array<i32>} : memref<16x1024xf32, #tpu.memory_space<vmem>>, vector<1x16xf32>,
        %add3A_358 = arith.constant 32 : i32
        %add3A_359 = arith.addi %mul3A_322, %add3A_358 : i32
        %get3A_360 = arith.index_cast %scan3A_296 : i32 to index
        %get3A_361 = arith.index_cast %add3A_359 : i32 to index
        %get3A_362 = tpu.vector_load %arg13[%get3A_360, %get3A_361] {strides = array<i32>} : memref<16x1024xf32, #tpu.memory_space<vmem>>, vector<1x16xf32>,
        %get3A_363 = vector.shape_cast %get3A_362 : vector<1x16xf32> to vector<16xf32>
        %mul3A_364 = arith.mulf %get3A_363, %get3A_302 : vector<16xf32>
        %get3A_365 = arith.index_cast %scan3A_296 : i32 to index
        %get3A_366 = arith.index_cast %add3A_359 : i32 to index
        %get3A_367 = tpu.vector_load %arg15[%get3A_365, %get3A_366] {strides = array<i32>} : memref<16x1024xf32, #tpu.memory_space<vmem>>, vector<1x16xf32>,
        %get3A_368 = vector.shape_cast %get3A_367 : vector<1x16xf32> to vector<16xf32>
        %mul3A_369 = arith.mulf %get3A_368, %get3A_308 : vector<16xf32>
        %add3A_370 = arith.addf %mul3A_364, %mul3A_369 : vector<16xf32>
        %swap3A_371 = arith.index_cast %scan3A_296 : i32 to index
        %swap3A_372 = arith.index_cast %add3A_359 : i32 to index
        %swap3A_373 = tpu.vector_load %arg13[%swap3A_371, %swap3A_372] {strides = array<i32>} : memref<16x1024xf32, #tpu.memory_space<vmem>>, vector<1x16xf32>,
        %swap3A_374 = vector.shape_cast %swap3A_373 : vector<1x16xf32> to vector<16xf32>
        %swap3A_375 = vector.shape_cast %add3A_370 : vector<16xf32> to vector<1x16xf32>
        tpu.vector_store %arg13[%swap3A_371, %swap3A_372], %swap3A_375 {strides = array<i32>} : memref<16x1024xf32, #tpu.memory_space<vmem>>, vector<1x16xf32>,
        %add3A_376 = arith.constant 48 : i32
        %add3A_377 = arith.addi %mul3A_322, %add3A_376 : i32
        %get3A_378 = arith.index_cast %scan3A_296 : i32 to index
        %get3A_379 = arith.index_cast %add3A_377 : i32 to index
        %get3A_380 = tpu.vector_load %arg13[%get3A_378, %get3A_379] {strides = array<i32>} : memref<16x1024xf32, #tpu.memory_space<vmem>>, vector<1x16xf32>,
        %get3A_381 = vector.shape_cast %get3A_380 : vector<1x16xf32> to vector<16xf32>
        %mul3A_382 = arith.mulf %get3A_381, %get3A_302 : vector<16xf32>
        %get3A_383 = arith.index_cast %scan3A_296 : i32 to index
        %get3A_384 = arith.index_cast %add3A_377 : i32 to index
        %get3A_385 = tpu.vector_load %arg15[%get3A_383, %get3A_384] {strides = array<i32>} : memref<16x1024xf32, #tpu.memory_space<vmem>>, vector<1x16xf32>,
        %get3A_386 = vector.shape_cast %get3A_385 : vector<1x16xf32> to vector<16xf32>
        %mul3A_387 = arith.mulf %get3A_386, %get3A_308 : vector<16xf32>
        %add3A_388 = arith.addf %mul3A_382, %mul3A_387 : vector<16xf32>
        %swap3A_389 = arith.index_cast %scan3A_296 : i32 to index
        %swap3A_390 = arith.index_cast %add3A_377 : i32 to index
        %swap3A_391 = tpu.vector_load %arg13[%swap3A_389, %swap3A_390] {strides = array<i32>} : memref<16x1024xf32, #tpu.memory_space<vmem>>, vector<1x16xf32>,
        %swap3A_392 = vector.shape_cast %swap3A_391 : vector<1x16xf32> to vector<16xf32>
        %swap3A_393 = vector.shape_cast %add3A_388 : vector<16xf32> to vector<1x16xf32>
        tpu.vector_store %arg13[%swap3A_389, %swap3A_390], %swap3A_393 {strides = array<i32>} : memref<16x1024xf32, #tpu.memory_space<vmem>>, vector<1x16xf32>,
        %scan3A_394 = arith.constant 0 : i32
        scf.yield %scan3A_394 : i32
      }
      %scan3A_315 = arith.constant 16 : i32
      %scan3A_316 = arith.constant 0 : i32
      scf.yield %scan3A_316 : i32
    }
    %scan3A_221 = arith.constant 16 : i32
    %add3A_222 = arith.constant 80 : i32
    %add3A_223 = arith.addi %mul3A_2, %add3A_222 : i32
    %dma_start3A_224 = arith.constant 0 : i32
    %dma_start3A_225 = tpu.memref_slice %arg7[%add3A_223, %dma_start3A_224] : memref<4096x1024xf32, #tpu.memory_space<hbm>> -> memref<16x1024xf32, #tpu.memory_space<hbm>>
    %dma_start3A_226 = arith.constant 0 : i32
    %dma_start3A_227 = tpu.memref_slice %arg7[%add3A_223, %dma_start3A_226] : memref<4096x1024xf32, #tpu.memory_space<hbm>> -> memref<16x1024xf32, #tpu.memory_space<hbm>>
    tpu.enqueue_dma source(%arg13 : memref<16x1024xf32, #tpu.memory_space<vmem>>) target(%dma_start3A_227 : memref<16x1024xf32, #tpu.memory_space<hbm>>) target_semaphore(%arg21 : memref<!tpu.dma_semaphore, #tpu.memory_space<semaphore_mem>>)
    %dma_wait3A_228 = arith.constant 0 : i32
    %dma_wait3A_229 = tpu.memref_slice %arg7[%add3A_223, %dma_wait3A_228] : memref<4096x1024xf32, #tpu.memory_space<hbm>> -> memref<16x1024xf32, #tpu.memory_space<hbm>>
    %dma_wait3A_230 = arith.constant 0 : i32
    %dma_wait3A_231 = tpu.memref_slice %arg7[%add3A_223, %dma_wait3A_230] : memref<4096x1024xf32, #tpu.memory_space<hbm>> -> memref<16x1024xf32, #tpu.memory_space<hbm>>
    tpu.wait_dma2 semaphore(%arg21 : memref<!tpu.dma_semaphore, #tpu.memory_space<semaphore_mem>>) src(%arg13 : memref<16x1024xf32, #tpu.memory_space<vmem>>) dst(%dma_wait3A_231 : memref<16x1024xf32, #tpu.memory_space<hbm>>)
    %dma_start3A_232 = arith.constant 112 : i32
    %dma_start3A_233 = tpu.memref_slice %arg8[%dma_start3A_232] : memref<128xi32, #tpu.memory_space<vmem>> -> memref<16xi32, #tpu.memory_space<vmem>>
    %dma_start3A_234 = arith.constant 0 : i32
    %dma_start3A_235 = arith.constant 0 : i32
    %dma_start3A_236 = tpu.memref_slice %arg2[%dma_start3A_234, %dma_start3A_235] : memref<8192x1024xf32, #tpu.memory_space<hbm>> -> memref<8192x1024xf32, #tpu.memory_space<hbm>>
    tpu.enqueue_indirect_dma source(%dma_start3A_236 : memref<8192x1024xf32, #tpu.memory_space<hbm>>) target(%arg13 : memref<16x1024xf32, #tpu.memory_space<vmem>>) offsets(%dma_start3A_233 : memref<16xi32, #tpu.memory_space<vmem>>) semaphore(%arg17 : memref<!tpu.dma_semaphore, #tpu.memory_space<semaphore_mem>>)
    %dma_start3A_237 = arith.constant 112 : i32
    %dma_start3A_238 = tpu.memref_slice %arg9[%dma_start3A_237] : memref<128xi32, #tpu.memory_space<vmem>> -> memref<16xi32, #tpu.memory_space<vmem>>
    %dma_start3A_239 = arith.constant 0 : i32
    %dma_start3A_240 = arith.constant 0 : i32
    %dma_start3A_241 = tpu.memref_slice %arg2[%dma_start3A_239, %dma_start3A_240] : memref<8192x1024xf32, #tpu.memory_space<hbm>> -> memref<8192x1024xf32, #tpu.memory_space<hbm>>
    tpu.enqueue_indirect_dma source(%dma_start3A_241 : memref<8192x1024xf32, #tpu.memory_space<hbm>>) target(%arg15 : memref<16x1024xf32, #tpu.memory_space<vmem>>) offsets(%dma_start3A_238 : memref<16xi32, #tpu.memory_space<vmem>>) semaphore(%arg19 : memref<!tpu.dma_semaphore, #tpu.memory_space<semaphore_mem>>)
    %dma_wait3A_242 = arith.constant 96 : i32
    %dma_wait3A_243 = tpu.memref_slice %arg8[%dma_wait3A_242] : memref<128xi32, #tpu.memory_space<vmem>> -> memref<16xi32, #tpu.memory_space<vmem>>
    %dma_wait3A_244 = arith.constant 0 : i32
    %dma_wait3A_245 = arith.constant 0 : i32
    %dma_wait3A_246 = tpu.memref_slice %arg2[%dma_wait3A_244, %dma_wait3A_245] : memref<8192x1024xf32, #tpu.memory_space<hbm>> -> memref<8192x1024xf32, #tpu.memory_space<hbm>>
    tpu.wait_indirect_dma semaphore(%arg16 : memref<!tpu.dma_semaphore, #tpu.memory_space<semaphore_mem>>) src(%dma_wait3A_246 : memref<8192x1024xf32, #tpu.memory_space<hbm>>) dst(%arg12 : memref<16x1024xf32, #tpu.memory_space<vmem>>)
    %dma_wait3A_247 = arith.constant 96 : i32
    %dma_wait3A_248 = tpu.memref_slice %arg9[%dma_wait3A_247] : memref<128xi32, #tpu.memory_space<vmem>> -> memref<16xi32, #tpu.memory_space<vmem>>
    %dma_wait3A_249 = arith.constant 0 : i32
    %dma_wait3A_250 = arith.constant 0 : i32
    %dma_wait3A_251 = tpu.memref_slice %arg2[%dma_wait3A_249, %dma_wait3A_250] : memref<8192x1024xf32, #tpu.memory_space<hbm>> -> memref<8192x1024xf32, #tpu.memory_space<hbm>>
    tpu.wait_indirect_dma semaphore(%arg18 : memref<!tpu.dma_semaphore, #tpu.memory_space<semaphore_mem>>) src(%dma_wait3A_251 : memref<8192x1024xf32, #tpu.memory_space<hbm>>) dst(%arg14 : memref<16x1024xf32, #tpu.memory_space<vmem>>)
    %scan3A_252 = arith.constant 0 : i32
    %scan3A_253 = arith.constant 0 : i32
    %scan3A_254 = arith.constant 16 : i32
    %scan3A_255 = arith.addi %scan3A_253, %scan3A_254 : i32
    %scan3A_256 = arith.constant 1 : i32
    %scan3A_257 = scf.for %scan3A_296 = %scan3A_253 to %scan3A_255 step %scan3A_256 iter_args(%scan3A_297 = %scan3A_252) -> (i32)  : i32 {
      %add3A_298 = arith.constant 96 : i32
      %add3A_299 = arith.addi %add3A_298, %scan3A_296 : i32
      %get3A = arith.index_cast %add3A_299 : i32 to index
      %get3A_300 = arith.constant 0 : index
      %get3A_301 = tpu.vector_load %arg10[%get3A, %get3A_300] {strides = array<i32>} : memref<128x16xf32, #tpu.memory_space<vmem>>, vector<1x16xf32>,
      %get3A_302 = vector.shape_cast %get3A_301 : vector<1x16xf32> to vector<16xf32>
      %add3A_303 = arith.constant 96 : i32
      %add3A_304 = arith.addi %add3A_303, %scan3A_296 : i32
      %get3A_305 = arith.index_cast %add3A_304 : i32 to index
      %get3A_306 = arith.constant 0 : index
      %get3A_307 = tpu.vector_load %arg11[%get3A_305, %get3A_306] {strides = array<i32>} : memref<128x16xf32, #tpu.memory_space<vmem>>, vector<1x16xf32>,
      %get3A_308 = vector.shape_cast %get3A_307 : vector<1x16xf32> to vector<16xf32>
      %scan3A_309 = arith.constant 0 : i32
      %scan3A_310 = arith.constant 0 : i32
      %scan3A_311 = arith.constant 16 : i32
      %scan3A_312 = arith.addi %scan3A_310, %scan3A_311 : i32
      %scan3A_313 = arith.constant 1 : i32
      %scan3A_314 = scf.for %scan3A_317 = %scan3A_310 to %scan3A_312 step %scan3A_313 iter_args(%scan3A_318 = %scan3A_309) -> (i32)  : i32 {
        %mul3A_319 = arith.constant 4 : i32
        %mul3A_320 = arith.muli %scan3A_317, %mul3A_319 : i32
        %mul3A_321 = arith.constant 16 : i32
        %mul3A_322 = arith.muli %mul3A_320, %mul3A_321 : i32
        %add3A_323 = arith.constant 0 : i32
        %add3A_324 = arith.addi %mul3A_322, %add3A_323 : i32
        %get3A_325 = arith.index_cast %scan3A_296 : i32 to index
        %get3A_326 = arith.index_cast %add3A_324 : i32 to index
        %get3A_327 = tpu.vector_load %arg12[%get3A_325, %get3A_326] {strides = array<i32>} : memref<16x1024xf32, #tpu.memory_space<vmem>>, vector<1x16xf32>,
        %get3A_328 = vector.shape_cast %get3A_327 : vector<1x16xf32> to vector<16xf32>
        %mul3A_329 = arith.mulf %get3A_328, %get3A_302 : vector<16xf32>
        %get3A_330 = arith.index_cast %scan3A_296 : i32 to index
        %get3A_331 = arith.index_cast %add3A_324 : i32 to index
        %get3A_332 = tpu.vector_load %arg14[%get3A_330, %get3A_331] {strides = array<i32>} : memref<16x1024xf32, #tpu.memory_space<vmem>>, vector<1x16xf32>,
        %get3A_333 = vector.shape_cast %get3A_332 : vector<1x16xf32> to vector<16xf32>
        %mul3A_334 = arith.mulf %get3A_333, %get3A_308 : vector<16xf32>
        %add3A_335 = arith.addf %mul3A_329, %mul3A_334 : vector<16xf32>
        %swap3A = arith.index_cast %scan3A_296 : i32 to index
        %swap3A_336 = arith.index_cast %add3A_324 : i32 to index
        %swap3A_337 = tpu.vector_load %arg12[%swap3A, %swap3A_336] {strides = array<i32>} : memref<16x1024xf32, #tpu.memory_space<vmem>>, vector<1x16xf32>,
        %swap3A_338 = vector.shape_cast %swap3A_337 : vector<1x16xf32> to vector<16xf32>
        %swap3A_339 = vector.shape_cast %add3A_335 : vector<16xf32> to vector<1x16xf32>
        tpu.vector_store %arg12[%swap3A, %swap3A_336], %swap3A_339 {strides = array<i32>} : memref<16x1024xf32, #tpu.memory_space<vmem>>, vector<1x16xf32>,
        %add3A_340 = arith.constant 16 : i32
        %add3A_341 = arith.addi %mul3A_322, %add3A_340 : i32
        %get3A_342 = arith.index_cast %scan3A_296 : i32 to index
        %get3A_343 = arith.index_cast %add3A_341 : i32 to index
        %get3A_344 = tpu.vector_load %arg12[%get3A_342, %get3A_343] {strides = array<i32>} : memref<16x1024xf32, #tpu.memory_space<vmem>>, vector<1x16xf32>,
        %get3A_345 = vector.shape_cast %get3A_344 : vector<1x16xf32> to vector<16xf32>
        %mul3A_346 = arith.mulf %get3A_345, %get3A_302 : vector<16xf32>
        %get3A_347 = arith.index_cast %scan3A_296 : i32 to index
        %get3A_348 = arith.index_cast %add3A_341 : i32 to index
        %get3A_349 = tpu.vector_load %arg14[%get3A_347, %get3A_348] {strides = array<i32>} : memref<16x1024xf32, #tpu.memory_space<vmem>>, vector<1x16xf32>,
        %get3A_350 = vector.shape_cast %get3A_349 : vector<1x16xf32> to vector<16xf32>
        %mul3A_351 = arith.mulf %get3A_350, %get3A_308 : vector<16xf32>
        %add3A_352 = arith.addf %mul3A_346, %mul3A_351 : vector<16xf32>
        %swap3A_353 = arith.index_cast %scan3A_296 : i32 to index
        %swap3A_354 = arith.index_cast %add3A_341 : i32 to index
        %swap3A_355 = tpu.vector_load %arg12[%swap3A_353, %swap3A_354] {strides = array<i32>} : memref<16x1024xf32, #tpu.memory_space<vmem>>, vector<1x16xf32>,
        %swap3A_356 = vector.shape_cast %swap3A_355 : vector<1x16xf32> to vector<16xf32>
        %swap3A_357 = vector.shape_cast %add3A_352 : vector<16xf32> to vector<1x16xf32>
        tpu.vector_store %arg12[%swap3A_353, %swap3A_354], %swap3A_357 {strides = array<i32>} : memref<16x1024xf32, #tpu.memory_space<vmem>>, vector<1x16xf32>,
        %add3A_358 = arith.constant 32 : i32
        %add3A_359 = arith.addi %mul3A_322, %add3A_358 : i32
        %get3A_360 = arith.index_cast %scan3A_296 : i32 to index
        %get3A_361 = arith.index_cast %add3A_359 : i32 to index
        %get3A_362 = tpu.vector_load %arg12[%get3A_360, %get3A_361] {strides = array<i32>} : memref<16x1024xf32, #tpu.memory_space<vmem>>, vector<1x16xf32>,
        %get3A_363 = vector.shape_cast %get3A_362 : vector<1x16xf32> to vector<16xf32>
        %mul3A_364 = arith.mulf %get3A_363, %get3A_302 : vector<16xf32>
        %get3A_365 = arith.index_cast %scan3A_296 : i32 to index
        %get3A_366 = arith.index_cast %add3A_359 : i32 to index
        %get3A_367 = tpu.vector_load %arg14[%get3A_365, %get3A_366] {strides = array<i32>} : memref<16x1024xf32, #tpu.memory_space<vmem>>, vector<1x16xf32>,
        %get3A_368 = vector.shape_cast %get3A_367 : vector<1x16xf32> to vector<16xf32>
        %mul3A_369 = arith.mulf %get3A_368, %get3A_308 : vector<16xf32>
        %add3A_370 = arith.addf %mul3A_364, %mul3A_369 : vector<16xf32>
        %swap3A_371 = arith.index_cast %scan3A_296 : i32 to index
        %swap3A_372 = arith.index_cast %add3A_359 : i32 to index
        %swap3A_373 = tpu.vector_load %arg12[%swap3A_371, %swap3A_372] {strides = array<i32>} : memref<16x1024xf32, #tpu.memory_space<vmem>>, vector<1x16xf32>,
        %swap3A_374 = vector.shape_cast %swap3A_373 : vector<1x16xf32> to vector<16xf32>
        %swap3A_375 = vector.shape_cast %add3A_370 : vector<16xf32> to vector<1x16xf32>
        tpu.vector_store %arg12[%swap3A_371, %swap3A_372], %swap3A_375 {strides = array<i32>} : memref<16x1024xf32, #tpu.memory_space<vmem>>, vector<1x16xf32>,
        %add3A_376 = arith.constant 48 : i32
        %add3A_377 = arith.addi %mul3A_322, %add3A_376 : i32
        %get3A_378 = arith.index_cast %scan3A_296 : i32 to index
        %get3A_379 = arith.index_cast %add3A_377 : i32 to index
        %get3A_380 = tpu.vector_load %arg12[%get3A_378, %get3A_379] {strides = array<i32>} : memref<16x1024xf32, #tpu.memory_space<vmem>>, vector<1x16xf32>,
        %get3A_381 = vector.shape_cast %get3A_380 : vector<1x16xf32> to vector<16xf32>
        %mul3A_382 = arith.mulf %get3A_381, %get3A_302 : vector<16xf32>
        %get3A_383 = arith.index_cast %scan3A_296 : i32 to index
        %get3A_384 = arith.index_cast %add3A_377 : i32 to index
        %get3A_385 = tpu.vector_load %arg14[%get3A_383, %get3A_384] {strides = array<i32>} : memref<16x1024xf32, #tpu.memory_space<vmem>>, vector<1x16xf32>,
        %get3A_386 = vector.shape_cast %get3A_385 : vector<1x16xf32> to vector<16xf32>
        %mul3A_387 = arith.mulf %get3A_386, %get3A_308 : vector<16xf32>
        %add3A_388 = arith.addf %mul3A_382, %mul3A_387 : vector<16xf32>
        %swap3A_389 = arith.index_cast %scan3A_296 : i32 to index
        %swap3A_390 = arith.index_cast %add3A_377 : i32 to index
        %swap3A_391 = tpu.vector_load %arg12[%swap3A_389, %swap3A_390] {strides = array<i32>} : memref<16x1024xf32, #tpu.memory_space<vmem>>, vector<1x16xf32>,
        %swap3A_392 = vector.shape_cast %swap3A_391 : vector<1x16xf32> to vector<16xf32>
        %swap3A_393 = vector.shape_cast %add3A_388 : vector<16xf32> to vector<1x16xf32>
        tpu.vector_store %arg12[%swap3A_389, %swap3A_390], %swap3A_393 {strides = array<i32>} : memref<16x1024xf32, #tpu.memory_space<vmem>>, vector<1x16xf32>,
        %scan3A_394 = arith.constant 0 : i32
        scf.yield %scan3A_394 : i32
      }
      %scan3A_315 = arith.constant 16 : i32
      %scan3A_316 = arith.constant 0 : i32
      scf.yield %scan3A_316 : i32
    }
    %scan3A_258 = arith.constant 16 : i32
    %add3A_259 = arith.constant 96 : i32
    %add3A_260 = arith.addi %mul3A_2, %add3A_259 : i32
    %dma_start3A_261 = arith.constant 0 : i32
    %dma_start3A_262 = tpu.memref_slice %arg7[%add3A_260, %dma_start3A_261] : memref<4096x1024xf32, #tpu.memory_space<hbm>> -> memref<16x1024xf32, #tpu.memory_space<hbm>>
    %dma_start3A_263 = arith.constant 0 : i32
    %dma_start3A_264 = tpu.memref_slice %arg7[%add3A_260, %dma_start3A_263] : memref<4096x1024xf32, #tpu.memory_space<hbm>> -> memref<16x1024xf32, #tpu.memory_space<hbm>>
    tpu.enqueue_dma source(%arg12 : memref<16x1024xf32, #tpu.memory_space<vmem>>) target(%dma_start3A_264 : memref<16x1024xf32, #tpu.memory_space<hbm>>) target_semaphore(%arg20 : memref<!tpu.dma_semaphore, #tpu.memory_space<semaphore_mem>>)
    %dma_wait3A_265 = arith.constant 112 : i32
    %dma_wait3A_266 = tpu.memref_slice %arg8[%dma_wait3A_265] : memref<128xi32, #tpu.memory_space<vmem>> -> memref<16xi32, #tpu.memory_space<vmem>>
    %dma_wait3A_267 = arith.constant 0 : i32
    %dma_wait3A_268 = arith.constant 0 : i32
    %dma_wait3A_269 = tpu.memref_slice %arg2[%dma_wait3A_267, %dma_wait3A_268] : memref<8192x1024xf32, #tpu.memory_space<hbm>> -> memref<8192x1024xf32, #tpu.memory_space<hbm>>
    tpu.wait_indirect_dma semaphore(%arg17 : memref<!tpu.dma_semaphore, #tpu.memory_space<semaphore_mem>>) src(%dma_wait3A_269 : memref<8192x1024xf32, #tpu.memory_space<hbm>>) dst(%arg13 : memref<16x1024xf32, #tpu.memory_space<vmem>>)
    %dma_wait3A_270 = arith.constant 112 : i32
    %dma_wait3A_271 = tpu.memref_slice %arg9[%dma_wait3A_270] : memref<128xi32, #tpu.memory_space<vmem>> -> memref<16xi32, #tpu.memory_space<vmem>>
    %dma_wait3A_272 = arith.constant 0 : i32
    %dma_wait3A_273 = arith.constant 0 : i32
    %dma_wait3A_274 = tpu.memref_slice %arg2[%dma_wait3A_272, %dma_wait3A_273] : memref<8192x1024xf32, #tpu.memory_space<hbm>> -> memref<8192x1024xf32, #tpu.memory_space<hbm>>
    tpu.wait_indirect_dma semaphore(%arg19 : memref<!tpu.dma_semaphore, #tpu.memory_space<semaphore_mem>>) src(%dma_wait3A_274 : memref<8192x1024xf32, #tpu.memory_space<hbm>>) dst(%arg15 : memref<16x1024xf32, #tpu.memory_space<vmem>>)
    %scan3A_275 = arith.constant 0 : i32
    %scan3A_276 = arith.constant 0 : i32
    %scan3A_277 = arith.constant 16 : i32
    %scan3A_278 = arith.addi %scan3A_276, %scan3A_277 : i32
    %scan3A_279 = arith.constant 1 : i32
    %scan3A_280 = scf.for %scan3A_296 = %scan3A_276 to %scan3A_278 step %scan3A_279 iter_args(%scan3A_297 = %scan3A_275) -> (i32)  : i32 {
      %add3A_298 = arith.constant 112 : i32
      %add3A_299 = arith.addi %add3A_298, %scan3A_296 : i32
      %get3A = arith.index_cast %add3A_299 : i32 to index
      %get3A_300 = arith.constant 0 : index
      %get3A_301 = tpu.vector_load %arg10[%get3A, %get3A_300] {strides = array<i32>} : memref<128x16xf32, #tpu.memory_space<vmem>>, vector<1x16xf32>,
      %get3A_302 = vector.shape_cast %get3A_301 : vector<1x16xf32> to vector<16xf32>
      %add3A_303 = arith.constant 112 : i32
      %add3A_304 = arith.addi %add3A_303, %scan3A_296 : i32
      %get3A_305 = arith.index_cast %add3A_304 : i32 to index
      %get3A_306 = arith.constant 0 : index
      %get3A_307 = tpu.vector_load %arg11[%get3A_305, %get3A_306] {strides = array<i32>} : memref<128x16xf32, #tpu.memory_space<vmem>>, vector<1x16xf32>,
      %get3A_308 = vector.shape_cast %get3A_307 : vector<1x16xf32> to vector<16xf32>
      %scan3A_309 = arith.constant 0 : i32
      %scan3A_310 = arith.constant 0 : i32
      %scan3A_311 = arith.constant 16 : i32
      %scan3A_312 = arith.addi %scan3A_310, %scan3A_311 : i32
      %scan3A_313 = arith.constant 1 : i32
      %scan3A_314 = scf.for %scan3A_317 = %scan3A_310 to %scan3A_312 step %scan3A_313 iter_args(%scan3A_318 = %scan3A_309) -> (i32)  : i32 {
        %mul3A_319 = arith.constant 4 : i32
        %mul3A_320 = arith.muli %scan3A_317, %mul3A_319 : i32
        %mul3A_321 = arith.constant 16 : i32
        %mul3A_322 = arith.muli %mul3A_320, %mul3A_321 : i32
        %add3A_323 = arith.constant 0 : i32
        %add3A_324 = arith.addi %mul3A_322, %add3A_323 : i32
        %get3A_325 = arith.index_cast %scan3A_296 : i32 to index
        %get3A_326 = arith.index_cast %add3A_324 : i32 to index
        %get3A_327 = tpu.vector_load %arg13[%get3A_325, %get3A_326] {strides = array<i32>} : memref<16x1024xf32, #tpu.memory_space<vmem>>, vector<1x16xf32>,
        %get3A_328 = vector.shape_cast %get3A_327 : vector<1x16xf32> to vector<16xf32>
        %mul3A_329 = arith.mulf %get3A_328, %get3A_302 : vector<16xf32>
        %get3A_330 = arith.index_cast %scan3A_296 : i32 to index
        %get3A_331 = arith.index_cast %add3A_324 : i32 to index
        %get3A_332 = tpu.vector_load %arg15[%get3A_330, %get3A_331] {strides = array<i32>} : memref<16x1024xf32, #tpu.memory_space<vmem>>, vector<1x16xf32>,
        %get3A_333 = vector.shape_cast %get3A_332 : vector<1x16xf32> to vector<16xf32>
        %mul3A_334 = arith.mulf %get3A_333, %get3A_308 : vector<16xf32>
        %add3A_335 = arith.addf %mul3A_329, %mul3A_334 : vector<16xf32>
        %swap3A = arith.index_cast %scan3A_296 : i32 to index
        %swap3A_336 = arith.index_cast %add3A_324 : i32 to index
        %swap3A_337 = tpu.vector_load %arg13[%swap3A, %swap3A_336] {strides = array<i32>} : memref<16x1024xf32, #tpu.memory_space<vmem>>, vector<1x16xf32>,
        %swap3A_338 = vector.shape_cast %swap3A_337 : vector<1x16xf32> to vector<16xf32>
        %swap3A_339 = vector.shape_cast %add3A_335 : vector<16xf32> to vector<1x16xf32>
        tpu.vector_store %arg13[%swap3A, %swap3A_336], %swap3A_339 {strides = array<i32>} : memref<16x1024xf32, #tpu.memory_space<vmem>>, vector<1x16xf32>,
        %add3A_340 = arith.constant 16 : i32
        %add3A_341 = arith.addi %mul3A_322, %add3A_340 : i32
        %get3A_342 = arith.index_cast %scan3A_296 : i32 to index
        %get3A_343 = arith.index_cast %add3A_341 : i32 to index
        %get3A_344 = tpu.vector_load %arg13[%get3A_342, %get3A_343] {strides = array<i32>} : memref<16x1024xf32, #tpu.memory_space<vmem>>, vector<1x16xf32>,
        %get3A_345 = vector.shape_cast %get3A_344 : vector<1x16xf32> to vector<16xf32>
        %mul3A_346 = arith.mulf %get3A_345, %get3A_302 : vector<16xf32>
        %get3A_347 = arith.index_cast %scan3A_296 : i32 to index
        %get3A_348 = arith.index_cast %add3A_341 : i32 to index
        %get3A_349 = tpu.vector_load %arg15[%get3A_347, %get3A_348] {strides = array<i32>} : memref<16x1024xf32, #tpu.memory_space<vmem>>, vector<1x16xf32>,
        %get3A_350 = vector.shape_cast %get3A_349 : vector<1x16xf32> to vector<16xf32>
        %mul3A_351 = arith.mulf %get3A_350, %get3A_308 : vector<16xf32>
        %add3A_352 = arith.addf %mul3A_346, %mul3A_351 : vector<16xf32>
        %swap3A_353 = arith.index_cast %scan3A_296 : i32 to index
        %swap3A_354 = arith.index_cast %add3A_341 : i32 to index
        %swap3A_355 = tpu.vector_load %arg13[%swap3A_353, %swap3A_354] {strides = array<i32>} : memref<16x1024xf32, #tpu.memory_space<vmem>>, vector<1x16xf32>,
        %swap3A_356 = vector.shape_cast %swap3A_355 : vector<1x16xf32> to vector<16xf32>
        %swap3A_357 = vector.shape_cast %add3A_352 : vector<16xf32> to vector<1x16xf32>
        tpu.vector_store %arg13[%swap3A_353, %swap3A_354], %swap3A_357 {strides = array<i32>} : memref<16x1024xf32, #tpu.memory_space<vmem>>, vector<1x16xf32>,
        %add3A_358 = arith.constant 32 : i32
        %add3A_359 = arith.addi %mul3A_322, %add3A_358 : i32
        %get3A_360 = arith.index_cast %scan3A_296 : i32 to index
        %get3A_361 = arith.index_cast %add3A_359 : i32 to index
        %get3A_362 = tpu.vector_load %arg13[%get3A_360, %get3A_361] {strides = array<i32>} : memref<16x1024xf32, #tpu.memory_space<vmem>>, vector<1x16xf32>,
        %get3A_363 = vector.shape_cast %get3A_362 : vector<1x16xf32> to vector<16xf32>
        %mul3A_364 = arith.mulf %get3A_363, %get3A_302 : vector<16xf32>
        %get3A_365 = arith.index_cast %scan3A_296 : i32 to index
        %get3A_366 = arith.index_cast %add3A_359 : i32 to index
        %get3A_367 = tpu.vector_load %arg15[%get3A_365, %get3A_366] {strides = array<i32>} : memref<16x1024xf32, #tpu.memory_space<vmem>>, vector<1x16xf32>,
        %get3A_368 = vector.shape_cast %get3A_367 : vector<1x16xf32> to vector<16xf32>
        %mul3A_369 = arith.mulf %get3A_368, %get3A_308 : vector<16xf32>
        %add3A_370 = arith.addf %mul3A_364, %mul3A_369 : vector<16xf32>
        %swap3A_371 = arith.index_cast %scan3A_296 : i32 to index
        %swap3A_372 = arith.index_cast %add3A_359 : i32 to index
        %swap3A_373 = tpu.vector_load %arg13[%swap3A_371, %swap3A_372] {strides = array<i32>} : memref<16x1024xf32, #tpu.memory_space<vmem>>, vector<1x16xf32>,
        %swap3A_374 = vector.shape_cast %swap3A_373 : vector<1x16xf32> to vector<16xf32>
        %swap3A_375 = vector.shape_cast %add3A_370 : vector<16xf32> to vector<1x16xf32>
        tpu.vector_store %arg13[%swap3A_371, %swap3A_372], %swap3A_375 {strides = array<i32>} : memref<16x1024xf32, #tpu.memory_space<vmem>>, vector<1x16xf32>,
        %add3A_376 = arith.constant 48 : i32
        %add3A_377 = arith.addi %mul3A_322, %add3A_376 : i32
        %get3A_378 = arith.index_cast %scan3A_296 : i32 to index
        %get3A_379 = arith.index_cast %add3A_377 : i32 to index
        %get3A_380 = tpu.vector_load %arg13[%get3A_378, %get3A_379] {strides = array<i32>} : memref<16x1024xf32, #tpu.memory_space<vmem>>, vector<1x16xf32>,
        %get3A_381 = vector.shape_cast %get3A_380 : vector<1x16xf32> to vector<16xf32>
        %mul3A_382 = arith.mulf %get3A_381, %get3A_302 : vector<16xf32>
        %get3A_383 = arith.index_cast %scan3A_296 : i32 to index
        %get3A_384 = arith.index_cast %add3A_377 : i32 to index
        %get3A_385 = tpu.vector_load %arg15[%get3A_383, %get3A_384] {strides = array<i32>} : memref<16x1024xf32, #tpu.memory_space<vmem>>, vector<1x16xf32>,
        %get3A_386 = vector.shape_cast %get3A_385 : vector<1x16xf32> to vector<16xf32>
        %mul3A_387 = arith.mulf %get3A_386, %get3A_308 : vector<16xf32>
        %add3A_388 = arith.addf %mul3A_382, %mul3A_387 : vector<16xf32>
        %swap3A_389 = arith.index_cast %scan3A_296 : i32 to index
        %swap3A_390 = arith.index_cast %add3A_377 : i32 to index
        %swap3A_391 = tpu.vector_load %arg13[%swap3A_389, %swap3A_390] {strides = array<i32>} : memref<16x1024xf32, #tpu.memory_space<vmem>>, vector<1x16xf32>,
        %swap3A_392 = vector.shape_cast %swap3A_391 : vector<1x16xf32> to vector<16xf32>
        %swap3A_393 = vector.shape_cast %add3A_388 : vector<16xf32> to vector<1x16xf32>
        tpu.vector_store %arg13[%swap3A_389, %swap3A_390], %swap3A_393 {strides = array<i32>} : memref<16x1024xf32, #tpu.memory_space<vmem>>, vector<1x16xf32>,
        %scan3A_394 = arith.constant 0 : i32
        scf.yield %scan3A_394 : i32
      }
      %scan3A_315 = arith.constant 16 : i32
      %scan3A_316 = arith.constant 0 : i32
      scf.yield %scan3A_316 : i32
    }
    %scan3A_281 = arith.constant 16 : i32
    %add3A_282 = arith.constant 112 : i32
    %add3A_283 = arith.addi %mul3A_2, %add3A_282 : i32
    %dma_start3A_284 = arith.constant 0 : i32
    %dma_start3A_285 = tpu.memref_slice %arg7[%add3A_283, %dma_start3A_284] : memref<4096x1024xf32, #tpu.memory_space<hbm>> -> memref<16x1024xf32, #tpu.memory_space<hbm>>
    %dma_start3A_286 = arith.constant 0 : i32
    %dma_start3A_287 = tpu.memref_slice %arg7[%add3A_283, %dma_start3A_286] : memref<4096x1024xf32, #tpu.memory_space<hbm>> -> memref<16x1024xf32, #tpu.memory_space<hbm>>
    tpu.enqueue_dma source(%arg13 : memref<16x1024xf32, #tpu.memory_space<vmem>>) target(%dma_start3A_287 : memref<16x1024xf32, #tpu.memory_space<hbm>>) target_semaphore(%arg21 : memref<!tpu.dma_semaphore, #tpu.memory_space<semaphore_mem>>)
    %dma_wait3A_288 = arith.constant 0 : i32
    %dma_wait3A_289 = tpu.memref_slice %arg7[%add3A_260, %dma_wait3A_288] : memref<4096x1024xf32, #tpu.memory_space<hbm>> -> memref<16x1024xf32, #tpu.memory_space<hbm>>
    %dma_wait3A_290 = arith.constant 0 : i32
    %dma_wait3A_291 = tpu.memref_slice %arg7[%add3A_260, %dma_wait3A_290] : memref<4096x1024xf32, #tpu.memory_space<hbm>> -> memref<16x1024xf32, #tpu.memory_space<hbm>>
    tpu.wait_dma2 semaphore(%arg20 : memref<!tpu.dma_semaphore, #tpu.memory_space<semaphore_mem>>) src(%arg12 : memref<16x1024xf32, #tpu.memory_space<vmem>>) dst(%dma_wait3A_291 : memref<16x1024xf32, #tpu.memory_space<hbm>>)
    %dma_wait3A_292 = arith.constant 0 : i32
    %dma_wait3A_293 = tpu.memref_slice %arg7[%add3A_283, %dma_wait3A_292] : memref<4096x1024xf32, #tpu.memory_space<hbm>> -> memref<16x1024xf32, #tpu.memory_space<hbm>>
    %dma_wait3A_294 = arith.constant 0 : i32
    %dma_wait3A_295 = tpu.memref_slice %arg7[%add3A_283, %dma_wait3A_294] : memref<4096x1024xf32, #tpu.memory_space<hbm>> -> memref<16x1024xf32, #tpu.memory_space<hbm>>
    tpu.wait_dma2 semaphore(%arg21 : memref<!tpu.dma_semaphore, #tpu.memory_space<semaphore_mem>>) src(%arg13 : memref<16x1024xf32, #tpu.memory_space<vmem>>) dst(%dma_wait3A_295 : memref<16x1024xf32, #tpu.memory_space<hbm>>)
    return
  }
}

#map = affine_map<(d0, d1) -> (0, 0)>
#map1 = affine_map<(d0, d1) -> (0, 0, 0)>
module attributes {stable_mosaic.version = 14 : i64} {
  func.func @k(%arg0: i32, %arg1: i32, %arg2: memref<4096x1024xf32, #tpu.memory_space<hbm>>, %arg3: memref<32x4x32xi32, #tpu.memory_space<hbm>>, %arg4: memref<32x4x32xi32, #tpu.memory_space<hbm>>, %arg5: memref<8192x1024xf32, #tpu.memory_space<hbm>>, %arg6: memref<4x32xi32, #tpu.memory_space<vmem>>, %arg7: memref<4x32xi32, #tpu.memory_space<vmem>>, %arg8: memref<32x1024xf32, #tpu.memory_space<vmem>>, %arg9: memref<32x1024xf32, #tpu.memory_space<vmem>>, %arg10: memref<!tpu.dma_semaphore, #tpu.memory_space<semaphore_mem>>, %arg11: memref<!tpu.dma_semaphore, #tpu.memory_space<semaphore_mem>>, %arg12: memref<!tpu.dma_semaphore, #tpu.memory_space<semaphore_mem>>) attributes {dimension_semantics = [#tpu.dimension_semantics<core_parallel>, #tpu.dimension_semantics<subcore_parallel>], iteration_bounds = array<i64: 2, 16>, scalar_prefetch = 0 : i64, scratch_operands = 7 : i64, tpu.core_type = #tpu.core_type<sc_vector_subcore>, window_params = [{transform_indices = #map}, {transform_indices = #map1}, {transform_indices = #map1}, {transform_indices = #map}]} {
    %mul3A = arith.constant 2 : i32
    %mul3A_0 = arith.muli %arg1, %mul3A : i32
    %add3A = arith.addi %mul3A_0, %arg0 : i32
    %mul3A_1 = arith.constant 128 : i32
    %mul3A_2 = arith.muli %add3A, %mul3A_1 : i32
    "tpu.region"() ({
      %run_scoped3A = tpu.sem_alloc : memref<!tpu.dma_semaphore, #tpu.memory_space<semaphore_mem>>
      %dma_start3A_121 = arith.constant 0 : i32
      %dma_start3A_122 = arith.constant 0 : i32
      %dma_start3A_123 = tpu.memref_slice %arg3[%add3A, %dma_start3A_121, %dma_start3A_122] : memref<32x4x32xi32, #tpu.memory_space<hbm>> -> memref<1x4x32xi32, #tpu.memory_space<hbm>>
      %dma_start3A_124 = tpu.memref_squeeze %dma_start3A_123 : memref<1x4x32xi32, #tpu.memory_space<hbm>> -> memref<4x32xi32, #tpu.memory_space<hbm>>
      %dma_start3A_125 = arith.constant 0 : i32
      %dma_start3A_126 = arith.constant 0 : i32
      %dma_start3A_127 = tpu.memref_slice %arg3[%add3A, %dma_start3A_125, %dma_start3A_126] : memref<32x4x32xi32, #tpu.memory_space<hbm>> -> memref<1x4x32xi32, #tpu.memory_space<hbm>>
      %dma_start3A_128 = tpu.memref_squeeze %dma_start3A_127 : memref<1x4x32xi32, #tpu.memory_space<hbm>> -> memref<4x32xi32, #tpu.memory_space<hbm>>
      tpu.enqueue_dma source(%dma_start3A_128 : memref<4x32xi32, #tpu.memory_space<hbm>>) target(%arg6 : memref<4x32xi32, #tpu.memory_space<vmem>>) target_semaphore(%run_scoped3A : memref<!tpu.dma_semaphore, #tpu.memory_space<semaphore_mem>>)
      %dma_wait3A_129 = arith.constant 0 : i32
      %dma_wait3A_130 = arith.constant 0 : i32
      %dma_wait3A_131 = tpu.memref_slice %arg3[%add3A, %dma_wait3A_129, %dma_wait3A_130] : memref<32x4x32xi32, #tpu.memory_space<hbm>> -> memref<1x4x32xi32, #tpu.memory_space<hbm>>
      %dma_wait3A_132 = tpu.memref_squeeze %dma_wait3A_131 : memref<1x4x32xi32, #tpu.memory_space<hbm>> -> memref<4x32xi32, #tpu.memory_space<hbm>>
      %dma_wait3A_133 = arith.constant 0 : i32
      %dma_wait3A_134 = arith.constant 0 : i32
      %dma_wait3A_135 = tpu.memref_slice %arg3[%add3A, %dma_wait3A_133, %dma_wait3A_134] : memref<32x4x32xi32, #tpu.memory_space<hbm>> -> memref<1x4x32xi32, #tpu.memory_space<hbm>>
      %dma_wait3A_136 = tpu.memref_squeeze %dma_wait3A_135 : memref<1x4x32xi32, #tpu.memory_space<hbm>> -> memref<4x32xi32, #tpu.memory_space<hbm>>
      tpu.wait_dma2 semaphore(%run_scoped3A : memref<!tpu.dma_semaphore, #tpu.memory_space<semaphore_mem>>) src(%dma_wait3A_136 : memref<4x32xi32, #tpu.memory_space<hbm>>) dst(%arg6 : memref<4x32xi32, #tpu.memory_space<vmem>>)
      tpu.yield
    }) : () -> ()
    "tpu.region"() ({
      %run_scoped3A = tpu.sem_alloc : memref<!tpu.dma_semaphore, #tpu.memory_space<semaphore_mem>>
      %dma_start3A_121 = arith.constant 0 : i32
      %dma_start3A_122 = arith.constant 0 : i32
      %dma_start3A_123 = tpu.memref_slice %arg4[%add3A, %dma_start3A_121, %dma_start3A_122] : memref<32x4x32xi32, #tpu.memory_space<hbm>> -> memref<1x4x32xi32, #tpu.memory_space<hbm>>
      %dma_start3A_124 = tpu.memref_squeeze %dma_start3A_123 : memref<1x4x32xi32, #tpu.memory_space<hbm>> -> memref<4x32xi32, #tpu.memory_space<hbm>>
      %dma_start3A_125 = arith.constant 0 : i32
      %dma_start3A_126 = arith.constant 0 : i32
      %dma_start3A_127 = tpu.memref_slice %arg4[%add3A, %dma_start3A_125, %dma_start3A_126] : memref<32x4x32xi32, #tpu.memory_space<hbm>> -> memref<1x4x32xi32, #tpu.memory_space<hbm>>
      %dma_start3A_128 = tpu.memref_squeeze %dma_start3A_127 : memref<1x4x32xi32, #tpu.memory_space<hbm>> -> memref<4x32xi32, #tpu.memory_space<hbm>>
      tpu.enqueue_dma source(%dma_start3A_128 : memref<4x32xi32, #tpu.memory_space<hbm>>) target(%arg7 : memref<4x32xi32, #tpu.memory_space<vmem>>) target_semaphore(%run_scoped3A : memref<!tpu.dma_semaphore, #tpu.memory_space<semaphore_mem>>)
      %dma_wait3A_129 = arith.constant 0 : i32
      %dma_wait3A_130 = arith.constant 0 : i32
      %dma_wait3A_131 = tpu.memref_slice %arg4[%add3A, %dma_wait3A_129, %dma_wait3A_130] : memref<32x4x32xi32, #tpu.memory_space<hbm>> -> memref<1x4x32xi32, #tpu.memory_space<hbm>>
      %dma_wait3A_132 = tpu.memref_squeeze %dma_wait3A_131 : memref<1x4x32xi32, #tpu.memory_space<hbm>> -> memref<4x32xi32, #tpu.memory_space<hbm>>
      %dma_wait3A_133 = arith.constant 0 : i32
      %dma_wait3A_134 = arith.constant 0 : i32
      %dma_wait3A_135 = tpu.memref_slice %arg4[%add3A, %dma_wait3A_133, %dma_wait3A_134] : memref<32x4x32xi32, #tpu.memory_space<hbm>> -> memref<1x4x32xi32, #tpu.memory_space<hbm>>
      %dma_wait3A_136 = tpu.memref_squeeze %dma_wait3A_135 : memref<1x4x32xi32, #tpu.memory_space<hbm>> -> memref<4x32xi32, #tpu.memory_space<hbm>>
      tpu.wait_dma2 semaphore(%run_scoped3A : memref<!tpu.dma_semaphore, #tpu.memory_space<semaphore_mem>>) src(%dma_wait3A_136 : memref<4x32xi32, #tpu.memory_space<hbm>>) dst(%arg7 : memref<4x32xi32, #tpu.memory_space<vmem>>)
      tpu.yield
    }) : () -> ()
    %add3A_3 = arith.constant 0 : i32
    %add3A_4 = arith.addi %mul3A_2, %add3A_3 : i32
    "tpu.region"() ({
      %run_scoped3A = tpu.sem_alloc : memref<!tpu.dma_semaphore, #tpu.memory_space<semaphore_mem>>
      %dma_start3A_121 = arith.constant 0 : i32
      %dma_start3A_122 = tpu.memref_slice %arg2[%add3A_4, %dma_start3A_121] : memref<4096x1024xf32, #tpu.memory_space<hbm>> -> memref<32x1024xf32, #tpu.memory_space<hbm>>
      %dma_start3A_123 = arith.constant 0 : i32
      %dma_start3A_124 = tpu.memref_slice %arg2[%add3A_4, %dma_start3A_123] : memref<4096x1024xf32, #tpu.memory_space<hbm>> -> memref<32x1024xf32, #tpu.memory_space<hbm>>
      tpu.enqueue_dma source(%dma_start3A_124 : memref<32x1024xf32, #tpu.memory_space<hbm>>) target(%arg8 : memref<32x1024xf32, #tpu.memory_space<vmem>>) target_semaphore(%run_scoped3A : memref<!tpu.dma_semaphore, #tpu.memory_space<semaphore_mem>>)
      %dma_wait3A_125 = arith.constant 0 : i32
      %dma_wait3A_126 = tpu.memref_slice %arg2[%add3A_4, %dma_wait3A_125] : memref<4096x1024xf32, #tpu.memory_space<hbm>> -> memref<32x1024xf32, #tpu.memory_space<hbm>>
      %dma_wait3A_127 = arith.constant 0 : i32
      %dma_wait3A_128 = tpu.memref_slice %arg2[%add3A_4, %dma_wait3A_127] : memref<4096x1024xf32, #tpu.memory_space<hbm>> -> memref<32x1024xf32, #tpu.memory_space<hbm>>
      tpu.wait_dma2 semaphore(%run_scoped3A : memref<!tpu.dma_semaphore, #tpu.memory_space<semaphore_mem>>) src(%dma_wait3A_128 : memref<32x1024xf32, #tpu.memory_space<hbm>>) dst(%arg8 : memref<32x1024xf32, #tpu.memory_space<vmem>>)
      tpu.yield
    }) : () -> ()
    %dma_start3A = arith.constant 0 : i32
    %dma_start3A_5 = arith.constant 0 : i32
    %dma_start3A_6 = tpu.memref_slice %arg6[%dma_start3A, %dma_start3A_5] : memref<4x32xi32, #tpu.memory_space<vmem>> -> memref<1x32xi32, #tpu.memory_space<vmem>>
    %dma_start3A_7 = tpu.memref_squeeze %dma_start3A_6 : memref<1x32xi32, #tpu.memory_space<vmem>> -> memref<32xi32, #tpu.memory_space<vmem>>
    %dma_start3A_8 = arith.constant 0 : i32
    %dma_start3A_9 = arith.constant 0 : i32
    %dma_start3A_10 = tpu.memref_slice %arg5[%dma_start3A_8, %dma_start3A_9] : memref<8192x1024xf32, #tpu.memory_space<hbm>> -> memref<8192x1024xf32, #tpu.memory_space<hbm>>
    tpu.enqueue_indirect_dma source(%arg8 : memref<32x1024xf32, #tpu.memory_space<vmem>>) target(%dma_start3A_10 : memref<8192x1024xf32, #tpu.memory_space<hbm>>) offsets(%dma_start3A_7 : memref<32xi32, #tpu.memory_space<vmem>>) semaphore(%arg11 : memref<!tpu.dma_semaphore, #tpu.memory_space<semaphore_mem>>)
    %dma_start3A_11 = arith.constant 0 : i32
    %dma_start3A_12 = arith.constant 0 : i32
    %dma_start3A_13 = tpu.memref_slice %arg7[%dma_start3A_11, %dma_start3A_12] : memref<4x32xi32, #tpu.memory_space<vmem>> -> memref<1x32xi32, #tpu.memory_space<vmem>>
    %dma_start3A_14 = tpu.memref_squeeze %dma_start3A_13 : memref<1x32xi32, #tpu.memory_space<vmem>> -> memref<32xi32, #tpu.memory_space<vmem>>
    %dma_start3A_15 = arith.constant 0 : i32
    %dma_start3A_16 = arith.constant 0 : i32
    %dma_start3A_17 = tpu.memref_slice %arg5[%dma_start3A_15, %dma_start3A_16] : memref<8192x1024xf32, #tpu.memory_space<hbm>> -> memref<8192x1024xf32, #tpu.memory_space<hbm>>
    tpu.enqueue_indirect_dma source(%arg8 : memref<32x1024xf32, #tpu.memory_space<vmem>>) target(%dma_start3A_17 : memref<8192x1024xf32, #tpu.memory_space<hbm>>) offsets(%dma_start3A_14 : memref<32xi32, #tpu.memory_space<vmem>>) semaphore(%arg12 : memref<!tpu.dma_semaphore, #tpu.memory_space<semaphore_mem>>)
    %add3A_18 = arith.constant 32 : i32
    %add3A_19 = arith.addi %mul3A_2, %add3A_18 : i32
    "tpu.region"() ({
      %run_scoped3A = tpu.sem_alloc : memref<!tpu.dma_semaphore, #tpu.memory_space<semaphore_mem>>
      %dma_start3A_121 = arith.constant 0 : i32
      %dma_start3A_122 = tpu.memref_slice %arg2[%add3A_19, %dma_start3A_121] : memref<4096x1024xf32, #tpu.memory_space<hbm>> -> memref<32x1024xf32, #tpu.memory_space<hbm>>
      %dma_start3A_123 = arith.constant 0 : i32
      %dma_start3A_124 = tpu.memref_slice %arg2[%add3A_19, %dma_start3A_123] : memref<4096x1024xf32, #tpu.memory_space<hbm>> -> memref<32x1024xf32, #tpu.memory_space<hbm>>
      tpu.enqueue_dma source(%dma_start3A_124 : memref<32x1024xf32, #tpu.memory_space<hbm>>) target(%arg9 : memref<32x1024xf32, #tpu.memory_space<vmem>>) target_semaphore(%run_scoped3A : memref<!tpu.dma_semaphore, #tpu.memory_space<semaphore_mem>>)
      %dma_wait3A_125 = arith.constant 0 : i32
      %dma_wait3A_126 = tpu.memref_slice %arg2[%add3A_19, %dma_wait3A_125] : memref<4096x1024xf32, #tpu.memory_space<hbm>> -> memref<32x1024xf32, #tpu.memory_space<hbm>>
      %dma_wait3A_127 = arith.constant 0 : i32
      %dma_wait3A_128 = tpu.memref_slice %arg2[%add3A_19, %dma_wait3A_127] : memref<4096x1024xf32, #tpu.memory_space<hbm>> -> memref<32x1024xf32, #tpu.memory_space<hbm>>
      tpu.wait_dma2 semaphore(%run_scoped3A : memref<!tpu.dma_semaphore, #tpu.memory_space<semaphore_mem>>) src(%dma_wait3A_128 : memref<32x1024xf32, #tpu.memory_space<hbm>>) dst(%arg9 : memref<32x1024xf32, #tpu.memory_space<vmem>>)
      tpu.yield
    }) : () -> ()
    %dma_start3A_20 = arith.constant 1 : i32
    %dma_start3A_21 = arith.constant 0 : i32
    %dma_start3A_22 = tpu.memref_slice %arg6[%dma_start3A_20, %dma_start3A_21] : memref<4x32xi32, #tpu.memory_space<vmem>> -> memref<1x32xi32, #tpu.memory_space<vmem>>
    %dma_start3A_23 = tpu.memref_squeeze %dma_start3A_22 : memref<1x32xi32, #tpu.memory_space<vmem>> -> memref<32xi32, #tpu.memory_space<vmem>>
    %dma_start3A_24 = arith.constant 0 : i32
    %dma_start3A_25 = arith.constant 0 : i32
    %dma_start3A_26 = tpu.memref_slice %arg5[%dma_start3A_24, %dma_start3A_25] : memref<8192x1024xf32, #tpu.memory_space<hbm>> -> memref<8192x1024xf32, #tpu.memory_space<hbm>>
    tpu.enqueue_indirect_dma source(%arg9 : memref<32x1024xf32, #tpu.memory_space<vmem>>) target(%dma_start3A_26 : memref<8192x1024xf32, #tpu.memory_space<hbm>>) offsets(%dma_start3A_23 : memref<32xi32, #tpu.memory_space<vmem>>) semaphore(%arg11 : memref<!tpu.dma_semaphore, #tpu.memory_space<semaphore_mem>>)
    %dma_start3A_27 = arith.constant 1 : i32
    %dma_start3A_28 = arith.constant 0 : i32
    %dma_start3A_29 = tpu.memref_slice %arg7[%dma_start3A_27, %dma_start3A_28] : memref<4x32xi32, #tpu.memory_space<vmem>> -> memref<1x32xi32, #tpu.memory_space<vmem>>
    %dma_start3A_30 = tpu.memref_squeeze %dma_start3A_29 : memref<1x32xi32, #tpu.memory_space<vmem>> -> memref<32xi32, #tpu.memory_space<vmem>>
    %dma_start3A_31 = arith.constant 0 : i32
    %dma_start3A_32 = arith.constant 0 : i32
    %dma_start3A_33 = tpu.memref_slice %arg5[%dma_start3A_31, %dma_start3A_32] : memref<8192x1024xf32, #tpu.memory_space<hbm>> -> memref<8192x1024xf32, #tpu.memory_space<hbm>>
    tpu.enqueue_indirect_dma source(%arg9 : memref<32x1024xf32, #tpu.memory_space<vmem>>) target(%dma_start3A_33 : memref<8192x1024xf32, #tpu.memory_space<hbm>>) offsets(%dma_start3A_30 : memref<32xi32, #tpu.memory_space<vmem>>) semaphore(%arg12 : memref<!tpu.dma_semaphore, #tpu.memory_space<semaphore_mem>>)
    %dma_wait3A = arith.constant 0 : i32
    %dma_wait3A_34 = arith.constant 0 : i32
    %dma_wait3A_35 = tpu.memref_slice %arg6[%dma_wait3A, %dma_wait3A_34] : memref<4x32xi32, #tpu.memory_space<vmem>> -> memref<1x32xi32, #tpu.memory_space<vmem>>
    %dma_wait3A_36 = tpu.memref_squeeze %dma_wait3A_35 : memref<1x32xi32, #tpu.memory_space<vmem>> -> memref<32xi32, #tpu.memory_space<vmem>>
    %dma_wait3A_37 = arith.constant 0 : i32
    %dma_wait3A_38 = arith.constant 0 : i32
    %dma_wait3A_39 = tpu.memref_slice %arg5[%dma_wait3A_37, %dma_wait3A_38] : memref<8192x1024xf32, #tpu.memory_space<hbm>> -> memref<8192x1024xf32, #tpu.memory_space<hbm>>
    tpu.wait_indirect_dma semaphore(%arg11 : memref<!tpu.dma_semaphore, #tpu.memory_space<semaphore_mem>>) src(%arg8 : memref<32x1024xf32, #tpu.memory_space<vmem>>) dst(%dma_wait3A_39 : memref<8192x1024xf32, #tpu.memory_space<hbm>>)
    %dma_wait3A_40 = arith.constant 0 : i32
    %dma_wait3A_41 = arith.constant 0 : i32
    %dma_wait3A_42 = tpu.memref_slice %arg7[%dma_wait3A_40, %dma_wait3A_41] : memref<4x32xi32, #tpu.memory_space<vmem>> -> memref<1x32xi32, #tpu.memory_space<vmem>>
    %dma_wait3A_43 = tpu.memref_squeeze %dma_wait3A_42 : memref<1x32xi32, #tpu.memory_space<vmem>> -> memref<32xi32, #tpu.memory_space<vmem>>
    %dma_wait3A_44 = arith.constant 0 : i32
    %dma_wait3A_45 = arith.constant 0 : i32
    %dma_wait3A_46 = tpu.memref_slice %arg5[%dma_wait3A_44, %dma_wait3A_45] : memref<8192x1024xf32, #tpu.memory_space<hbm>> -> memref<8192x1024xf32, #tpu.memory_space<hbm>>
    tpu.wait_indirect_dma semaphore(%arg12 : memref<!tpu.dma_semaphore, #tpu.memory_space<semaphore_mem>>) src(%arg8 : memref<32x1024xf32, #tpu.memory_space<vmem>>) dst(%dma_wait3A_46 : memref<8192x1024xf32, #tpu.memory_space<hbm>>)
    %add3A_47 = arith.constant 64 : i32
    %add3A_48 = arith.addi %mul3A_2, %add3A_47 : i32
    "tpu.region"() ({
      %run_scoped3A = tpu.sem_alloc : memref<!tpu.dma_semaphore, #tpu.memory_space<semaphore_mem>>
      %dma_start3A_121 = arith.constant 0 : i32
      %dma_start3A_122 = tpu.memref_slice %arg2[%add3A_48, %dma_start3A_121] : memref<4096x1024xf32, #tpu.memory_space<hbm>> -> memref<32x1024xf32, #tpu.memory_space<hbm>>
      %dma_start3A_123 = arith.constant 0 : i32
      %dma_start3A_124 = tpu.memref_slice %arg2[%add3A_48, %dma_start3A_123] : memref<4096x1024xf32, #tpu.memory_space<hbm>> -> memref<32x1024xf32, #tpu.memory_space<hbm>>
      tpu.enqueue_dma source(%dma_start3A_124 : memref<32x1024xf32, #tpu.memory_space<hbm>>) target(%arg8 : memref<32x1024xf32, #tpu.memory_space<vmem>>) target_semaphore(%run_scoped3A : memref<!tpu.dma_semaphore, #tpu.memory_space<semaphore_mem>>)
      %dma_wait3A_125 = arith.constant 0 : i32
      %dma_wait3A_126 = tpu.memref_slice %arg2[%add3A_48, %dma_wait3A_125] : memref<4096x1024xf32, #tpu.memory_space<hbm>> -> memref<32x1024xf32, #tpu.memory_space<hbm>>
      %dma_wait3A_127 = arith.constant 0 : i32
      %dma_wait3A_128 = tpu.memref_slice %arg2[%add3A_48, %dma_wait3A_127] : memref<4096x1024xf32, #tpu.memory_space<hbm>> -> memref<32x1024xf32, #tpu.memory_space<hbm>>
      tpu.wait_dma2 semaphore(%run_scoped3A : memref<!tpu.dma_semaphore, #tpu.memory_space<semaphore_mem>>) src(%dma_wait3A_128 : memref<32x1024xf32, #tpu.memory_space<hbm>>) dst(%arg8 : memref<32x1024xf32, #tpu.memory_space<vmem>>)
      tpu.yield
    }) : () -> ()
    %dma_start3A_49 = arith.constant 2 : i32
    %dma_start3A_50 = arith.constant 0 : i32
    %dma_start3A_51 = tpu.memref_slice %arg6[%dma_start3A_49, %dma_start3A_50] : memref<4x32xi32, #tpu.memory_space<vmem>> -> memref<1x32xi32, #tpu.memory_space<vmem>>
    %dma_start3A_52 = tpu.memref_squeeze %dma_start3A_51 : memref<1x32xi32, #tpu.memory_space<vmem>> -> memref<32xi32, #tpu.memory_space<vmem>>
    %dma_start3A_53 = arith.constant 0 : i32
    %dma_start3A_54 = arith.constant 0 : i32
    %dma_start3A_55 = tpu.memref_slice %arg5[%dma_start3A_53, %dma_start3A_54] : memref<8192x1024xf32, #tpu.memory_space<hbm>> -> memref<8192x1024xf32, #tpu.memory_space<hbm>>
    tpu.enqueue_indirect_dma source(%arg8 : memref<32x1024xf32, #tpu.memory_space<vmem>>) target(%dma_start3A_55 : memref<8192x1024xf32, #tpu.memory_space<hbm>>) offsets(%dma_start3A_52 : memref<32xi32, #tpu.memory_space<vmem>>) semaphore(%arg11 : memref<!tpu.dma_semaphore, #tpu.memory_space<semaphore_mem>>)
    %dma_start3A_56 = arith.constant 2 : i32
    %dma_start3A_57 = arith.constant 0 : i32
    %dma_start3A_58 = tpu.memref_slice %arg7[%dma_start3A_56, %dma_start3A_57] : memref<4x32xi32, #tpu.memory_space<vmem>> -> memref<1x32xi32, #tpu.memory_space<vmem>>
    %dma_start3A_59 = tpu.memref_squeeze %dma_start3A_58 : memref<1x32xi32, #tpu.memory_space<vmem>> -> memref<32xi32, #tpu.memory_space<vmem>>
    %dma_start3A_60 = arith.constant 0 : i32
    %dma_start3A_61 = arith.constant 0 : i32
    %dma_start3A_62 = tpu.memref_slice %arg5[%dma_start3A_60, %dma_start3A_61] : memref<8192x1024xf32, #tpu.memory_space<hbm>> -> memref<8192x1024xf32, #tpu.memory_space<hbm>>
    tpu.enqueue_indirect_dma source(%arg8 : memref<32x1024xf32, #tpu.memory_space<vmem>>) target(%dma_start3A_62 : memref<8192x1024xf32, #tpu.memory_space<hbm>>) offsets(%dma_start3A_59 : memref<32xi32, #tpu.memory_space<vmem>>) semaphore(%arg12 : memref<!tpu.dma_semaphore, #tpu.memory_space<semaphore_mem>>)
    %dma_wait3A_63 = arith.constant 1 : i32
    %dma_wait3A_64 = arith.constant 0 : i32
    %dma_wait3A_65 = tpu.memref_slice %arg6[%dma_wait3A_63, %dma_wait3A_64] : memref<4x32xi32, #tpu.memory_space<vmem>> -> memref<1x32xi32, #tpu.memory_space<vmem>>
    %dma_wait3A_66 = tpu.memref_squeeze %dma_wait3A_65 : memref<1x32xi32, #tpu.memory_space<vmem>> -> memref<32xi32, #tpu.memory_space<vmem>>
    %dma_wait3A_67 = arith.constant 0 : i32
    %dma_wait3A_68 = arith.constant 0 : i32
    %dma_wait3A_69 = tpu.memref_slice %arg5[%dma_wait3A_67, %dma_wait3A_68] : memref<8192x1024xf32, #tpu.memory_space<hbm>> -> memref<8192x1024xf32, #tpu.memory_space<hbm>>
    tpu.wait_indirect_dma semaphore(%arg11 : memref<!tpu.dma_semaphore, #tpu.memory_space<semaphore_mem>>) src(%arg9 : memref<32x1024xf32, #tpu.memory_space<vmem>>) dst(%dma_wait3A_69 : memref<8192x1024xf32, #tpu.memory_space<hbm>>)
    %dma_wait3A_70 = arith.constant 1 : i32
    %dma_wait3A_71 = arith.constant 0 : i32
    %dma_wait3A_72 = tpu.memref_slice %arg7[%dma_wait3A_70, %dma_wait3A_71] : memref<4x32xi32, #tpu.memory_space<vmem>> -> memref<1x32xi32, #tpu.memory_space<vmem>>
    %dma_wait3A_73 = tpu.memref_squeeze %dma_wait3A_72 : memref<1x32xi32, #tpu.memory_space<vmem>> -> memref<32xi32, #tpu.memory_space<vmem>>
    %dma_wait3A_74 = arith.constant 0 : i32
    %dma_wait3A_75 = arith.constant 0 : i32
    %dma_wait3A_76 = tpu.memref_slice %arg5[%dma_wait3A_74, %dma_wait3A_75] : memref<8192x1024xf32, #tpu.memory_space<hbm>> -> memref<8192x1024xf32, #tpu.memory_space<hbm>>
    tpu.wait_indirect_dma semaphore(%arg12 : memref<!tpu.dma_semaphore, #tpu.memory_space<semaphore_mem>>) src(%arg9 : memref<32x1024xf32, #tpu.memory_space<vmem>>) dst(%dma_wait3A_76 : memref<8192x1024xf32, #tpu.memory_space<hbm>>)
    %add3A_77 = arith.constant 96 : i32
    %add3A_78 = arith.addi %mul3A_2, %add3A_77 : i32
    "tpu.region"() ({
      %run_scoped3A = tpu.sem_alloc : memref<!tpu.dma_semaphore, #tpu.memory_space<semaphore_mem>>
      %dma_start3A_121 = arith.constant 0 : i32
      %dma_start3A_122 = tpu.memref_slice %arg2[%add3A_78, %dma_start3A_121] : memref<4096x1024xf32, #tpu.memory_space<hbm>> -> memref<32x1024xf32, #tpu.memory_space<hbm>>
      %dma_start3A_123 = arith.constant 0 : i32
      %dma_start3A_124 = tpu.memref_slice %arg2[%add3A_78, %dma_start3A_123] : memref<4096x1024xf32, #tpu.memory_space<hbm>> -> memref<32x1024xf32, #tpu.memory_space<hbm>>
      tpu.enqueue_dma source(%dma_start3A_124 : memref<32x1024xf32, #tpu.memory_space<hbm>>) target(%arg9 : memref<32x1024xf32, #tpu.memory_space<vmem>>) target_semaphore(%run_scoped3A : memref<!tpu.dma_semaphore, #tpu.memory_space<semaphore_mem>>)
      %dma_wait3A_125 = arith.constant 0 : i32
      %dma_wait3A_126 = tpu.memref_slice %arg2[%add3A_78, %dma_wait3A_125] : memref<4096x1024xf32, #tpu.memory_space<hbm>> -> memref<32x1024xf32, #tpu.memory_space<hbm>>
      %dma_wait3A_127 = arith.constant 0 : i32
      %dma_wait3A_128 = tpu.memref_slice %arg2[%add3A_78, %dma_wait3A_127] : memref<4096x1024xf32, #tpu.memory_space<hbm>> -> memref<32x1024xf32, #tpu.memory_space<hbm>>
      tpu.wait_dma2 semaphore(%run_scoped3A : memref<!tpu.dma_semaphore, #tpu.memory_space<semaphore_mem>>) src(%dma_wait3A_128 : memref<32x1024xf32, #tpu.memory_space<hbm>>) dst(%arg9 : memref<32x1024xf32, #tpu.memory_space<vmem>>)
      tpu.yield
    }) : () -> ()
    %dma_start3A_79 = arith.constant 3 : i32
    %dma_start3A_80 = arith.constant 0 : i32
    %dma_start3A_81 = tpu.memref_slice %arg6[%dma_start3A_79, %dma_start3A_80] : memref<4x32xi32, #tpu.memory_space<vmem>> -> memref<1x32xi32, #tpu.memory_space<vmem>>
    %dma_start3A_82 = tpu.memref_squeeze %dma_start3A_81 : memref<1x32xi32, #tpu.memory_space<vmem>> -> memref<32xi32, #tpu.memory_space<vmem>>
    %dma_start3A_83 = arith.constant 0 : i32
    %dma_start3A_84 = arith.constant 0 : i32
    %dma_start3A_85 = tpu.memref_slice %arg5[%dma_start3A_83, %dma_start3A_84] : memref<8192x1024xf32, #tpu.memory_space<hbm>> -> memref<8192x1024xf32, #tpu.memory_space<hbm>>
    tpu.enqueue_indirect_dma source(%arg9 : memref<32x1024xf32, #tpu.memory_space<vmem>>) target(%dma_start3A_85 : memref<8192x1024xf32, #tpu.memory_space<hbm>>) offsets(%dma_start3A_82 : memref<32xi32, #tpu.memory_space<vmem>>) semaphore(%arg11 : memref<!tpu.dma_semaphore, #tpu.memory_space<semaphore_mem>>)
    %dma_start3A_86 = arith.constant 3 : i32
    %dma_start3A_87 = arith.constant 0 : i32
    %dma_start3A_88 = tpu.memref_slice %arg7[%dma_start3A_86, %dma_start3A_87] : memref<4x32xi32, #tpu.memory_space<vmem>> -> memref<1x32xi32, #tpu.memory_space<vmem>>
    %dma_start3A_89 = tpu.memref_squeeze %dma_start3A_88 : memref<1x32xi32, #tpu.memory_space<vmem>> -> memref<32xi32, #tpu.memory_space<vmem>>
    %dma_start3A_90 = arith.constant 0 : i32
    %dma_start3A_91 = arith.constant 0 : i32
    %dma_start3A_92 = tpu.memref_slice %arg5[%dma_start3A_90, %dma_start3A_91] : memref<8192x1024xf32, #tpu.memory_space<hbm>> -> memref<8192x1024xf32, #tpu.memory_space<hbm>>
    tpu.enqueue_indirect_dma source(%arg9 : memref<32x1024xf32, #tpu.memory_space<vmem>>) target(%dma_start3A_92 : memref<8192x1024xf32, #tpu.memory_space<hbm>>) offsets(%dma_start3A_89 : memref<32xi32, #tpu.memory_space<vmem>>) semaphore(%arg12 : memref<!tpu.dma_semaphore, #tpu.memory_space<semaphore_mem>>)
    %dma_wait3A_93 = arith.constant 2 : i32
    %dma_wait3A_94 = arith.constant 0 : i32
    %dma_wait3A_95 = tpu.memref_slice %arg6[%dma_wait3A_93, %dma_wait3A_94] : memref<4x32xi32, #tpu.memory_space<vmem>> -> memref<1x32xi32, #tpu.memory_space<vmem>>
    %dma_wait3A_96 = tpu.memref_squeeze %dma_wait3A_95 : memref<1x32xi32, #tpu.memory_space<vmem>> -> memref<32xi32, #tpu.memory_space<vmem>>
    %dma_wait3A_97 = arith.constant 0 : i32
    %dma_wait3A_98 = arith.constant 0 : i32
    %dma_wait3A_99 = tpu.memref_slice %arg5[%dma_wait3A_97, %dma_wait3A_98] : memref<8192x1024xf32, #tpu.memory_space<hbm>> -> memref<8192x1024xf32, #tpu.memory_space<hbm>>
    tpu.wait_indirect_dma semaphore(%arg11 : memref<!tpu.dma_semaphore, #tpu.memory_space<semaphore_mem>>) src(%arg8 : memref<32x1024xf32, #tpu.memory_space<vmem>>) dst(%dma_wait3A_99 : memref<8192x1024xf32, #tpu.memory_space<hbm>>)
    %dma_wait3A_100 = arith.constant 2 : i32
    %dma_wait3A_101 = arith.constant 0 : i32
    %dma_wait3A_102 = tpu.memref_slice %arg7[%dma_wait3A_100, %dma_wait3A_101] : memref<4x32xi32, #tpu.memory_space<vmem>> -> memref<1x32xi32, #tpu.memory_space<vmem>>
    %dma_wait3A_103 = tpu.memref_squeeze %dma_wait3A_102 : memref<1x32xi32, #tpu.memory_space<vmem>> -> memref<32xi32, #tpu.memory_space<vmem>>
    %dma_wait3A_104 = arith.constant 0 : i32
    %dma_wait3A_105 = arith.constant 0 : i32
    %dma_wait3A_106 = tpu.memref_slice %arg5[%dma_wait3A_104, %dma_wait3A_105] : memref<8192x1024xf32, #tpu.memory_space<hbm>> -> memref<8192x1024xf32, #tpu.memory_space<hbm>>
    tpu.wait_indirect_dma semaphore(%arg12 : memref<!tpu.dma_semaphore, #tpu.memory_space<semaphore_mem>>) src(%arg8 : memref<32x1024xf32, #tpu.memory_space<vmem>>) dst(%dma_wait3A_106 : memref<8192x1024xf32, #tpu.memory_space<hbm>>)
    %dma_wait3A_107 = arith.constant 3 : i32
    %dma_wait3A_108 = arith.constant 0 : i32
    %dma_wait3A_109 = tpu.memref_slice %arg6[%dma_wait3A_107, %dma_wait3A_108] : memref<4x32xi32, #tpu.memory_space<vmem>> -> memref<1x32xi32, #tpu.memory_space<vmem>>
    %dma_wait3A_110 = tpu.memref_squeeze %dma_wait3A_109 : memref<1x32xi32, #tpu.memory_space<vmem>> -> memref<32xi32, #tpu.memory_space<vmem>>
    %dma_wait3A_111 = arith.constant 0 : i32
    %dma_wait3A_112 = arith.constant 0 : i32
    %dma_wait3A_113 = tpu.memref_slice %arg5[%dma_wait3A_111, %dma_wait3A_112] : memref<8192x1024xf32, #tpu.memory_space<hbm>> -> memref<8192x1024xf32, #tpu.memory_space<hbm>>
    tpu.wait_indirect_dma semaphore(%arg11 : memref<!tpu.dma_semaphore, #tpu.memory_space<semaphore_mem>>) src(%arg9 : memref<32x1024xf32, #tpu.memory_space<vmem>>) dst(%dma_wait3A_113 : memref<8192x1024xf32, #tpu.memory_space<hbm>>)
    %dma_wait3A_114 = arith.constant 3 : i32
    %dma_wait3A_115 = arith.constant 0 : i32
    %dma_wait3A_116 = tpu.memref_slice %arg7[%dma_wait3A_114, %dma_wait3A_115] : memref<4x32xi32, #tpu.memory_space<vmem>> -> memref<1x32xi32, #tpu.memory_space<vmem>>
    %dma_wait3A_117 = tpu.memref_squeeze %dma_wait3A_116 : memref<1x32xi32, #tpu.memory_space<vmem>> -> memref<32xi32, #tpu.memory_space<vmem>>
    %dma_wait3A_118 = arith.constant 0 : i32
    %dma_wait3A_119 = arith.constant 0 : i32
    %dma_wait3A_120 = tpu.memref_slice %arg5[%dma_wait3A_118, %dma_wait3A_119] : memref<8192x1024xf32, #tpu.memory_space<hbm>> -> memref<8192x1024xf32, #tpu.memory_space<hbm>>
    tpu.wait_indirect_dma semaphore(%arg12 : memref<!tpu.dma_semaphore, #tpu.memory_space<semaphore_mem>>) src(%arg9 : memref<32x1024xf32, #tpu.memory_space<vmem>>) dst(%dma_wait3A_120 : memref<8192x1024xf32, #tpu.memory_space<hbm>>)
    return
  }
}

module attributes {stable_mosaic.version = 14 : i64} {
  func.func @body(%arg0: i32, %arg1: memref<512x1024xf32, #tpu.memory_space<vmem>>, %arg2: memref<1024x128xf32, #tpu.memory_space<vmem>>, %arg3: memref<512x2xi32, #tpu.memory_space<vmem>>, %arg4: memref<512x16xf32, #tpu.memory_space<vmem>>, %arg5: memref<512x16xf32, #tpu.memory_space<vmem>>, %arg6: memref<512x2xi32, #tpu.memory_space<vmem>>, %arg7: memref<8x128xf32, #tpu.memory_space<vmem>>, %arg8: memref<1x128xf32, #tpu.memory_space<vmem>>) attributes {dimension_semantics = [#tpu.dimension_semantics<arbitrary>], iteration_bounds = array<i64: 8>, scalar_prefetch = 0 : i64, scratch_operands = 1 : i64, tpu.core_type = #tpu.core_type<tc>, window_params = [{transform_indices = @transform_0, window_bounds = array<i64: 512, 1024>}, {pipeline_mode = #tpu.pipeline_mode<synchronous>, transform_indices = @transform_1, window_bounds = array<i64: 1024, 128>}, {transform_indices = @transform_2, window_bounds = array<i64: 512, 2>}, {transform_indices = @transform_3, window_bounds = array<i64: 512, 16>}, {transform_indices = @transform_4, window_bounds = array<i64: 512, 16>}, {transform_indices = @transform_5, window_bounds = array<i64: 512, 2>}, {pipeline_mode = #tpu.pipeline_mode<synchronous>, transform_indices = @transform_6, window_bounds = array<i64: 8, 128>}]} {
    %eq3A = arith.constant 0 : i32
    %eq3A_0 = arith.cmpi eq, %arg0, %eq3A : i32
    %convert_element_type3A = arith.extui %eq3A_0 : i1 to i32
    %cond3A = arith.constant 0 : i32
    %cond3A_1 = arith.cmpi ne, %convert_element_type3A, %cond3A : i32
    scf.if %cond3A_1 {
      %broadcast_in_dim3A_216 = arith.constant 0.000000e+00 : f32
      %broadcast_in_dim3A_217 = vector.broadcast %broadcast_in_dim3A_216 : f32 to vector<1x128xf32>
      %swap3A_218 = arith.constant 0 : index
      %swap3A_219 = arith.constant 0 : index
      %swap3A_220 = vector.load %arg8[%swap3A_218, %swap3A_219] : memref<1x128xf32, #tpu.memory_space<vmem>>, vector<1x128xf32>
      tpu.vector_store %arg8[%swap3A_218, %swap3A_219], %broadcast_in_dim3A_217 {strides = array<i32>} : memref<1x128xf32, #tpu.memory_space<vmem>>, vector<1x128xf32>,
      %broadcast_in_dim3A_221 = arith.constant 0.000000e+00 : f32
      %broadcast_in_dim3A_222 = vector.broadcast %broadcast_in_dim3A_221 : f32 to vector<8x128xf32>
      %swap3A_223 = arith.constant 0 : index
      %swap3A_224 = arith.constant 0 : index
      %swap3A_225 = vector.load %arg7[%swap3A_223, %swap3A_224] : memref<8x128xf32, #tpu.memory_space<vmem>>, vector<8x128xf32>
      tpu.vector_store %arg7[%swap3A_223, %swap3A_224], %broadcast_in_dim3A_222 {strides = array<i32>} : memref<8x128xf32, #tpu.memory_space<vmem>>, vector<8x128xf32>,
    } else {
    }
    %iota3A = tpu.iota {dimensions = array<i32: 1>} : vector<512x128xi32>
    %lt3A = arith.constant 8 : i32
    %lt3A_2 = vector.broadcast %lt3A : i32 to vector<512x128xi32>
    %lt3A_3 = arith.cmpi slt, %iota3A, %lt3A_2 : vector<512x128xi32>
    %get3A = arith.constant 0 : index
    %get3A_4 = arith.constant 0 : index
    %get3A_5 = vector.load %arg1[%get3A, %get3A_4] : memref<512x1024xf32, #tpu.memory_space<vmem>>, vector<512x1024xf32>
    %get3A_6 = arith.constant 0 : index
    %get3A_7 = arith.constant 0 : index
    %get3A_8 = vector.load %arg2[%get3A_6, %get3A_7] : memref<1024x128xf32, #tpu.memory_space<vmem>>, vector<1024x128xf32>
    %dot_general3A = arith.constant dense<0.000000e+00> : vector<512x128xf32>
    %dot_general3A_9 = tpu.matmul %get3A_5, %get3A_8, %dot_general3A {dimension_numbers = #tpu.dot_dimension_numbers<[1], [0], [0], [1], [0, 0, 1, 1], [], []>, transpose_lhs_hint = false} : vector<512x1024xf32>, vector<1024x128xf32>, vector<512x128xf32> -> vector<512x128xf32>
    %jit3A = arith.constant -1.000000e+30 : f32
    %broadcast_in_dim3A = vector.broadcast %jit3A : f32 to vector<512x128xf32>
    %select_n3A = arith.select %lt3A_3, %dot_general3A_9, %broadcast_in_dim3A : vector<512x128xi1>, vector<512x128xf32>
    %reduce_max3A = arith.constant dense<0xFF800000> : vector<512xf32>
    %reduce_max3A_10 = vector.multi_reduction <maximumf>, %select_n3A, %reduce_max3A [1] : vector<512x128xf32> to vector<512xf32>
    %broadcast_in_dim3A_11 = vector.shape_cast %reduce_max3A_10 : vector<512xf32> to vector<512x1xf32>
    %eq3A_12 = vector.broadcast %broadcast_in_dim3A_11 : vector<512x1xf32> to vector<512x128xf32>
    %eq3A_13 = arith.cmpf oeq, %select_n3A, %eq3A_12 : vector<512x128xf32>
    %jit3A_14 = arith.constant 128 : i32
    %broadcast_in_dim3A_15 = vector.broadcast %jit3A_14 : i32 to vector<512x128xi32>
    %select_n3A_16 = arith.select %eq3A_13, %iota3A, %broadcast_in_dim3A_15 : vector<512x128xi1>, vector<512x128xi32>
    %reduce_min3A = arith.constant dense<2147483647> : vector<512xi32>
    %reduce_min3A_17 = vector.multi_reduction <minsi>, %select_n3A_16, %reduce_min3A [1] : vector<512x128xi32> to vector<512xi32>
    %broadcast_in_dim3A_18 = vector.shape_cast %reduce_min3A_17 : vector<512xi32> to vector<512x1xi32>
    %eq3A_19 = vector.broadcast %broadcast_in_dim3A_18 : vector<512x1xi32> to vector<512x128xi32>
    %eq3A_20 = arith.cmpi eq, %iota3A, %eq3A_19 : vector<512x128xi32>
    %jit3A_21 = arith.constant 0xFF800000 : f32
    %broadcast_in_dim3A_22 = vector.broadcast %jit3A_21 : f32 to vector<512x128xf32>
    %select_n3A_23 = arith.select %eq3A_20, %broadcast_in_dim3A_22, %select_n3A : vector<512x128xi1>, vector<512x128xf32>
    %reduce_max3A_24 = arith.constant dense<0xFF800000> : vector<512xf32>
    %reduce_max3A_25 = vector.multi_reduction <maximumf>, %select_n3A_23, %reduce_max3A_24 [1] : vector<512x128xf32> to vector<512xf32>
    %broadcast_in_dim3A_26 = vector.shape_cast %reduce_max3A_25 : vector<512xf32> to vector<512x1xf32>
    %eq3A_27 = vector.broadcast %broadcast_in_dim3A_26 : vector<512x1xf32> to vector<512x128xf32>
    %eq3A_28 = arith.cmpf oeq, %select_n3A_23, %eq3A_27 : vector<512x128xf32>
    %jit3A_29 = arith.constant 128 : i32
    %broadcast_in_dim3A_30 = vector.broadcast %jit3A_29 : i32 to vector<512x128xi32>
    %select_n3A_31 = arith.select %eq3A_28, %iota3A, %broadcast_in_dim3A_30 : vector<512x128xi1>, vector<512x128xi32>
    %reduce_min3A_32 = arith.constant dense<2147483647> : vector<512xi32>
    %reduce_min3A_33 = vector.multi_reduction <minsi>, %select_n3A_31, %reduce_min3A_32 [1] : vector<512x128xi32> to vector<512xi32>
    %broadcast_in_dim3A_34 = vector.shape_cast %reduce_min3A_33 : vector<512xi32> to vector<512x1xi32>
    %sub3A = arith.subf %broadcast_in_dim3A_26, %broadcast_in_dim3A_11 : vector<512x1xf32>
    %exp3A = math.exp %sub3A : vector<512x1xf32>
    %add3A = arith.constant 1.000000e+00 : f32
    %add3A_35 = vector.broadcast %add3A : f32 to vector<512x1xf32>
    %add3A_36 = arith.addf %add3A_35, %exp3A : vector<512x1xf32>
    %div3A = arith.constant 1.000000e+00 : f32
    %div3A_37 = vector.broadcast %div3A : f32 to vector<512x1xf32>
    %div3A_38 = arith.divf %div3A_37, %add3A_36 : vector<512x1xf32>
    %div3A_39 = arith.divf %exp3A, %add3A_36 : vector<512x1xf32>
    %sub3A_40 = vector.broadcast %broadcast_in_dim3A_11 : vector<512x1xf32> to vector<512x128xf32>
    %sub3A_41 = arith.subf %select_n3A, %sub3A_40 : vector<512x128xf32>
    %exp3A_42 = math.exp %sub3A_41 : vector<512x128xf32>
    %jit3A_43 = arith.constant 0.000000e+00 : f32
    %broadcast_in_dim3A_44 = vector.broadcast %jit3A_43 : f32 to vector<512x128xf32>
    %select_n3A_45 = arith.select %lt3A_3, %exp3A_42, %broadcast_in_dim3A_44 : vector<512x128xi1>, vector<512x128xf32>
    %reduce_sum3A = arith.constant dense<0.000000e+00> : vector<512xf32>
    %reduce_sum3A_46 = vector.multi_reduction <add>, %select_n3A_45, %reduce_sum3A [1] : vector<512x128xf32> to vector<512xf32>
    %broadcast_in_dim3A_47 = vector.shape_cast %reduce_sum3A_46 : vector<512xf32> to vector<512x1xf32>
    %div3A_48 = vector.broadcast %broadcast_in_dim3A_47 : vector<512x1xf32> to vector<512x128xf32>
    %div3A_49 = arith.divf %select_n3A_45, %div3A_48 : vector<512x128xf32>
    %reduce_sum3A_50 = arith.constant dense<0.000000e+00> : vector<128xf32>
    %reduce_sum3A_51 = vector.multi_reduction <add>, %div3A_49, %reduce_sum3A_50 [0] : vector<512x128xf32> to vector<128xf32>
    %broadcast_in_dim3A_52 = vector.shape_cast %reduce_sum3A_51 : vector<128xf32> to vector<1x128xf32>
    %log3A = math.log %broadcast_in_dim3A_47 : vector<512x1xf32>
    %add3A_53 = arith.addf %broadcast_in_dim3A_11, %log3A : vector<512x1xf32>
    %mul3A = arith.mulf %add3A_53, %add3A_53 : vector<512x1xf32>
    %reduce_sum3A_54 = arith.constant dense<0.000000e+00> : vector<1xf32>
    %reduce_sum3A_55 = vector.multi_reduction <add>, %mul3A, %reduce_sum3A_54 [0] : vector<512x1xf32> to vector<1xf32>
    %broadcast_in_dim3A_56 = vector.shape_cast %reduce_sum3A_55 : vector<1xf32> to vector<1x1xf32>
    %broadcast_in_dim3A_57 = vector.shape_cast %broadcast_in_dim3A_56 : vector<1x1xf32> to vector<1x1xf32>
    %broadcast_in_dim3A_58 = vector.broadcast %broadcast_in_dim3A_57 : vector<1x1xf32> to vector<1x128xf32>
    %eq3A_59 = vector.broadcast %broadcast_in_dim3A_18 : vector<512x1xi32> to vector<512x128xi32>
    %eq3A_60 = arith.cmpi eq, %iota3A, %eq3A_59 : vector<512x128xi32>
    %convert_element_type3A_61 = arith.extui %eq3A_60 : vector<512x128xi1> to vector<512x128xi32>
    %convert_element_type3A_62 = arith.sitofp %convert_element_type3A_61 : vector<512x128xi32> to vector<512x128xf32>
    %eq3A_63 = vector.broadcast %broadcast_in_dim3A_34 : vector<512x1xi32> to vector<512x128xi32>
    %eq3A_64 = arith.cmpi eq, %iota3A, %eq3A_63 : vector<512x128xi32>
    %convert_element_type3A_65 = arith.extui %eq3A_64 : vector<512x128xi1> to vector<512x128xi32>
    %convert_element_type3A_66 = arith.sitofp %convert_element_type3A_65 : vector<512x128xi32> to vector<512x128xf32>
    %add3A_67 = arith.addf %convert_element_type3A_62, %convert_element_type3A_66 : vector<512x128xf32>
    %gt3A = arith.constant 0.000000e+00 : f32
    %gt3A_68 = vector.broadcast %gt3A : f32 to vector<512x1xf32>
    %gt3A_69 = arith.cmpf ogt, %div3A_39, %gt3A_68 : vector<512x1xf32>
    %convert_element_type3A_70 = arith.extui %gt3A_69 : vector<512x1xi1> to vector<512x1xi32>
    %convert_element_type3A_71 = arith.sitofp %convert_element_type3A_70 : vector<512x1xi32> to vector<512x1xf32>
    %mul3A_72 = vector.broadcast %convert_element_type3A_71 : vector<512x1xf32> to vector<512x128xf32>
    %mul3A_73 = arith.mulf %convert_element_type3A_66, %mul3A_72 : vector<512x128xf32>
    %add3A_74 = arith.addf %convert_element_type3A_62, %mul3A_73 : vector<512x128xf32>
    %reduce_sum3A_75 = arith.constant dense<0.000000e+00> : vector<128xf32>
    %reduce_sum3A_76 = vector.multi_reduction <add>, %add3A_74, %reduce_sum3A_75 [0] : vector<512x128xf32> to vector<128xf32>
    %broadcast_in_dim3A_77 = vector.shape_cast %reduce_sum3A_76 : vector<128xf32> to vector<1x128xf32>
    %reduce_sum3A_78 = arith.constant dense<0.000000e+00> : vector<128xf32>
    %reduce_sum3A_79 = vector.multi_reduction <add>, %add3A_67, %reduce_sum3A_78 [0] : vector<512x128xf32> to vector<128xf32>
    %broadcast_in_dim3A_80 = vector.shape_cast %reduce_sum3A_79 : vector<128xf32> to vector<1x128xf32>
    %convert_element_type3A_81 = arith.fptosi %add3A_67 : vector<512x128xf32> to vector<512x128xi32>
    %iota3A_82 = tpu.iota {dimensions = array<i32: 0>} : vector<512x128xi32>
    %ge3A = arith.constant 1 : i32
    %ge3A_83 = vector.broadcast %ge3A : i32 to vector<512x128xi32>
    %ge3A_84 = arith.cmpi sge, %iota3A_82, %ge3A_83 : vector<512x128xi32>
    %roll3A = arith.constant 1 : i32
    %roll3A_85 = tpu.dynamic_rotate %convert_element_type3A_81 by %roll3A dim 0 : vector<512x128xi32>, i32 -> vector<512x128xi32>
    %jit3A_86 = arith.constant 0 : i32
    %broadcast_in_dim3A_87 = vector.broadcast %jit3A_86 : i32 to vector<512x128xi32>
    %select_n3A_88 = arith.select %ge3A_84, %roll3A_85, %broadcast_in_dim3A_87 : vector<512x128xi1>, vector<512x128xi32>
    %add3A_89 = arith.addi %convert_element_type3A_81, %select_n3A_88 : vector<512x128xi32>
    %ge3A_90 = arith.constant 2 : i32
    %ge3A_91 = vector.broadcast %ge3A_90 : i32 to vector<512x128xi32>
    %ge3A_92 = arith.cmpi sge, %iota3A_82, %ge3A_91 : vector<512x128xi32>
    %roll3A_93 = arith.constant 2 : i32
    %roll3A_94 = tpu.dynamic_rotate %add3A_89 by %roll3A_93 dim 0 : vector<512x128xi32>, i32 -> vector<512x128xi32>
    %jit3A_95 = arith.constant 0 : i32
    %broadcast_in_dim3A_96 = vector.broadcast %jit3A_95 : i32 to vector<512x128xi32>
    %select_n3A_97 = arith.select %ge3A_92, %roll3A_94, %broadcast_in_dim3A_96 : vector<512x128xi1>, vector<512x128xi32>
    %add3A_98 = arith.addi %add3A_89, %select_n3A_97 : vector<512x128xi32>
    %ge3A_99 = arith.constant 4 : i32
    %ge3A_100 = vector.broadcast %ge3A_99 : i32 to vector<512x128xi32>
    %ge3A_101 = arith.cmpi sge, %iota3A_82, %ge3A_100 : vector<512x128xi32>
    %roll3A_102 = arith.constant 4 : i32
    %roll3A_103 = tpu.dynamic_rotate %add3A_98 by %roll3A_102 dim 0 : vector<512x128xi32>, i32 -> vector<512x128xi32>
    %jit3A_104 = arith.constant 0 : i32
    %broadcast_in_dim3A_105 = vector.broadcast %jit3A_104 : i32 to vector<512x128xi32>
    %select_n3A_106 = arith.select %ge3A_101, %roll3A_103, %broadcast_in_dim3A_105 : vector<512x128xi1>, vector<512x128xi32>
    %add3A_107 = arith.addi %add3A_98, %select_n3A_106 : vector<512x128xi32>
    %ge3A_108 = arith.constant 8 : i32
    %ge3A_109 = vector.broadcast %ge3A_108 : i32 to vector<512x128xi32>
    %ge3A_110 = arith.cmpi sge, %iota3A_82, %ge3A_109 : vector<512x128xi32>
    %roll3A_111 = arith.constant 8 : i32
    %roll3A_112 = tpu.dynamic_rotate %add3A_107 by %roll3A_111 dim 0 : vector<512x128xi32>, i32 -> vector<512x128xi32>
    %jit3A_113 = arith.constant 0 : i32
    %broadcast_in_dim3A_114 = vector.broadcast %jit3A_113 : i32 to vector<512x128xi32>
    %select_n3A_115 = arith.select %ge3A_110, %roll3A_112, %broadcast_in_dim3A_114 : vector<512x128xi1>, vector<512x128xi32>
    %add3A_116 = arith.addi %add3A_107, %select_n3A_115 : vector<512x128xi32>
    %ge3A_117 = arith.constant 16 : i32
    %ge3A_118 = vector.broadcast %ge3A_117 : i32 to vector<512x128xi32>
    %ge3A_119 = arith.cmpi sge, %iota3A_82, %ge3A_118 : vector<512x128xi32>
    %roll3A_120 = arith.constant 16 : i32
    %roll3A_121 = tpu.dynamic_rotate %add3A_116 by %roll3A_120 dim 0 : vector<512x128xi32>, i32 -> vector<512x128xi32>
    %jit3A_122 = arith.constant 0 : i32
    %broadcast_in_dim3A_123 = vector.broadcast %jit3A_122 : i32 to vector<512x128xi32>
    %select_n3A_124 = arith.select %ge3A_119, %roll3A_121, %broadcast_in_dim3A_123 : vector<512x128xi1>, vector<512x128xi32>
    %add3A_125 = arith.addi %add3A_116, %select_n3A_124 : vector<512x128xi32>
    %ge3A_126 = arith.constant 32 : i32
    %ge3A_127 = vector.broadcast %ge3A_126 : i32 to vector<512x128xi32>
    %ge3A_128 = arith.cmpi sge, %iota3A_82, %ge3A_127 : vector<512x128xi32>
    %roll3A_129 = arith.constant 32 : i32
    %roll3A_130 = tpu.dynamic_rotate %add3A_125 by %roll3A_129 dim 0 : vector<512x128xi32>, i32 -> vector<512x128xi32>
    %jit3A_131 = arith.constant 0 : i32
    %broadcast_in_dim3A_132 = vector.broadcast %jit3A_131 : i32 to vector<512x128xi32>
    %select_n3A_133 = arith.select %ge3A_128, %roll3A_130, %broadcast_in_dim3A_132 : vector<512x128xi1>, vector<512x128xi32>
    %add3A_134 = arith.addi %add3A_125, %select_n3A_133 : vector<512x128xi32>
    %ge3A_135 = arith.constant 64 : i32
    %ge3A_136 = vector.broadcast %ge3A_135 : i32 to vector<512x128xi32>
    %ge3A_137 = arith.cmpi sge, %iota3A_82, %ge3A_136 : vector<512x128xi32>
    %roll3A_138 = arith.constant 64 : i32
    %roll3A_139 = tpu.dynamic_rotate %add3A_134 by %roll3A_138 dim 0 : vector<512x128xi32>, i32 -> vector<512x128xi32>
    %jit3A_140 = arith.constant 0 : i32
    %broadcast_in_dim3A_141 = vector.broadcast %jit3A_140 : i32 to vector<512x128xi32>
    %select_n3A_142 = arith.select %ge3A_137, %roll3A_139, %broadcast_in_dim3A_141 : vector<512x128xi1>, vector<512x128xi32>
    %add3A_143 = arith.addi %add3A_134, %select_n3A_142 : vector<512x128xi32>
    %ge3A_144 = arith.constant 128 : i32
    %ge3A_145 = vector.broadcast %ge3A_144 : i32 to vector<512x128xi32>
    %ge3A_146 = arith.cmpi sge, %iota3A_82, %ge3A_145 : vector<512x128xi32>
    %roll3A_147 = arith.constant 128 : i32
    %roll3A_148 = tpu.dynamic_rotate %add3A_143 by %roll3A_147 dim 0 : vector<512x128xi32>, i32 -> vector<512x128xi32>
    %jit3A_149 = arith.constant 0 : i32
    %broadcast_in_dim3A_150 = vector.broadcast %jit3A_149 : i32 to vector<512x128xi32>
    %select_n3A_151 = arith.select %ge3A_146, %roll3A_148, %broadcast_in_dim3A_150 : vector<512x128xi1>, vector<512x128xi32>
    %add3A_152 = arith.addi %add3A_143, %select_n3A_151 : vector<512x128xi32>
    %ge3A_153 = arith.constant 256 : i32
    %ge3A_154 = vector.broadcast %ge3A_153 : i32 to vector<512x128xi32>
    %ge3A_155 = arith.cmpi sge, %iota3A_82, %ge3A_154 : vector<512x128xi32>
    %roll3A_156 = arith.constant 256 : i32
    %roll3A_157 = tpu.dynamic_rotate %add3A_152 by %roll3A_156 dim 0 : vector<512x128xi32>, i32 -> vector<512x128xi32>
    %jit3A_158 = arith.constant 0 : i32
    %broadcast_in_dim3A_159 = vector.broadcast %jit3A_158 : i32 to vector<512x128xi32>
    %select_n3A_160 = arith.select %ge3A_155, %roll3A_157, %broadcast_in_dim3A_159 : vector<512x128xi1>, vector<512x128xi32>
    %add3A_161 = arith.addi %add3A_152, %select_n3A_160 : vector<512x128xi32>
    %sub3A_162 = arith.subi %add3A_161, %convert_element_type3A_81 : vector<512x128xi32>
    %get3A_163 = arith.constant 0 : index
    %get3A_164 = arith.constant 0 : index
    %get3A_165 = vector.load %arg8[%get3A_163, %get3A_164] : memref<1x128xf32, #tpu.memory_space<vmem>>, vector<1x128xf32>
    %convert_element_type3A_166 = arith.fptosi %get3A_165 : vector<1x128xf32> to vector<1x128xi32>
    %add3A_167 = vector.broadcast %convert_element_type3A_166 : vector<1x128xi32> to vector<512x128xi32>
    %add3A_168 = arith.addi %sub3A_162, %add3A_167 : vector<512x128xi32>
    %eq3A_169 = vector.broadcast %broadcast_in_dim3A_18 : vector<512x1xi32> to vector<512x128xi32>
    %eq3A_170 = arith.cmpi eq, %iota3A, %eq3A_169 : vector<512x128xi32>
    %convert_element_type3A_171 = arith.extui %eq3A_170 : vector<512x128xi1> to vector<512x128xi32>
    %mul3A_172 = arith.muli %add3A_168, %convert_element_type3A_171 : vector<512x128xi32>
    %reduce_sum3A_173 = arith.constant dense<0> : vector<512xi32>
    %reduce_sum3A_174 = vector.multi_reduction <add>, %mul3A_172, %reduce_sum3A_173 [1] : vector<512x128xi32> to vector<512xi32>
    %broadcast_in_dim3A_175 = vector.shape_cast %reduce_sum3A_174 : vector<512xi32> to vector<512x1xi32>
    %eq3A_176 = vector.broadcast %broadcast_in_dim3A_34 : vector<512x1xi32> to vector<512x128xi32>
    %eq3A_177 = arith.cmpi eq, %iota3A, %eq3A_176 : vector<512x128xi32>
    %convert_element_type3A_178 = arith.extui %eq3A_177 : vector<512x128xi1> to vector<512x128xi32>
    %mul3A_179 = arith.muli %add3A_168, %convert_element_type3A_178 : vector<512x128xi32>
    %reduce_sum3A_180 = arith.constant dense<0> : vector<512xi32>
    %reduce_sum3A_181 = vector.multi_reduction <add>, %mul3A_179, %reduce_sum3A_180 [1] : vector<512x128xi32> to vector<512xi32>
    %broadcast_in_dim3A_182 = vector.shape_cast %reduce_sum3A_181 : vector<512xi32> to vector<512x1xi32>
    %concatenate3A = tpu.concatenate %broadcast_in_dim3A_18, %broadcast_in_dim3A_34 in 1 : vector<512x1xi32>, vector<512x1xi32> -> vector<512x2xi32>
    %swap3A = arith.constant 0 : index
    %swap3A_183 = arith.constant 0 : index
    %swap3A_184 = vector.load %arg3[%swap3A, %swap3A_183] : memref<512x2xi32, #tpu.memory_space<vmem>>, vector<512x2xi32>
    tpu.vector_store %arg3[%swap3A, %swap3A_183], %concatenate3A {strides = array<i32>} : memref<512x2xi32, #tpu.memory_space<vmem>>, vector<512x2xi32>,
    %broadcast_in_dim3A_185 = vector.shape_cast %div3A_38 : vector<512x1xf32> to vector<512x1xf32>
    %broadcast_in_dim3A_186 = vector.broadcast %broadcast_in_dim3A_185 : vector<512x1xf32> to vector<512x16xf32>
    %swap3A_187 = arith.constant 0 : index
    %swap3A_188 = arith.constant 0 : index
    %swap3A_189 = vector.load %arg4[%swap3A_187, %swap3A_188] : memref<512x16xf32, #tpu.memory_space<vmem>>, vector<512x16xf32>
    tpu.vector_store %arg4[%swap3A_187, %swap3A_188], %broadcast_in_dim3A_186 {strides = array<i32>} : memref<512x16xf32, #tpu.memory_space<vmem>>, vector<512x16xf32>,
    %broadcast_in_dim3A_190 = vector.shape_cast %div3A_39 : vector<512x1xf32> to vector<512x1xf32>
    %broadcast_in_dim3A_191 = vector.broadcast %broadcast_in_dim3A_190 : vector<512x1xf32> to vector<512x16xf32>
    %swap3A_192 = arith.constant 0 : index
    %swap3A_193 = arith.constant 0 : index
    %swap3A_194 = vector.load %arg5[%swap3A_192, %swap3A_193] : memref<512x16xf32, #tpu.memory_space<vmem>>, vector<512x16xf32>
    tpu.vector_store %arg5[%swap3A_192, %swap3A_193], %broadcast_in_dim3A_191 {strides = array<i32>} : memref<512x16xf32, #tpu.memory_space<vmem>>, vector<512x16xf32>,
    %concatenate3A_195 = tpu.concatenate %broadcast_in_dim3A_175, %broadcast_in_dim3A_182 in 1 : vector<512x1xi32>, vector<512x1xi32> -> vector<512x2xi32>
    %swap3A_196 = arith.constant 0 : index
    %swap3A_197 = arith.constant 0 : index
    %swap3A_198 = vector.load %arg6[%swap3A_196, %swap3A_197] : memref<512x2xi32, #tpu.memory_space<vmem>>, vector<512x2xi32>
    tpu.vector_store %arg6[%swap3A_196, %swap3A_197], %concatenate3A_195 {strides = array<i32>} : memref<512x2xi32, #tpu.memory_space<vmem>>, vector<512x2xi32>,
    %broadcast_in_dim3A_199 = arith.constant 0.000000e+00 : f32
    %broadcast_in_dim3A_200 = vector.broadcast %broadcast_in_dim3A_199 : f32 to vector<1x128xf32>
    %get3A_201 = arith.constant 0 : index
    %get3A_202 = arith.constant 0 : index
    %get3A_203 = vector.load %arg7[%get3A_201, %get3A_202] : memref<8x128xf32, #tpu.memory_space<vmem>>, vector<8x128xf32>
    %concatenate3A_204 = tpu.concatenate %broadcast_in_dim3A_52, %broadcast_in_dim3A_77, %broadcast_in_dim3A_58, %broadcast_in_dim3A_80, %broadcast_in_dim3A_200, %broadcast_in_dim3A_200, %broadcast_in_dim3A_200, %broadcast_in_dim3A_200 in 0 : vector<1x128xf32>, vector<1x128xf32>, vector<1x128xf32>, vector<1x128xf32>, vector<1x128xf32>, vector<1x128xf32>, vector<1x128xf32>, vector<1x128xf32> -> vector<8x128xf32>
    %add3A_205 = arith.addf %get3A_203, %concatenate3A_204 : vector<8x128xf32>
    %swap3A_206 = arith.constant 0 : index
    %swap3A_207 = arith.constant 0 : index
    %swap3A_208 = vector.load %arg7[%swap3A_206, %swap3A_207] : memref<8x128xf32, #tpu.memory_space<vmem>>, vector<8x128xf32>
    tpu.vector_store %arg7[%swap3A_206, %swap3A_207], %add3A_205 {strides = array<i32>} : memref<8x128xf32, #tpu.memory_space<vmem>>, vector<8x128xf32>,
    %get3A_209 = arith.constant 0 : index
    %get3A_210 = arith.constant 0 : index
    %get3A_211 = vector.load %arg8[%get3A_209, %get3A_210] : memref<1x128xf32, #tpu.memory_space<vmem>>, vector<1x128xf32>
    %add3A_212 = arith.addf %get3A_211, %broadcast_in_dim3A_80 : vector<1x128xf32>
    %swap3A_213 = arith.constant 0 : index
    %swap3A_214 = arith.constant 0 : index
    %swap3A_215 = vector.load %arg8[%swap3A_213, %swap3A_214] : memref<1x128xf32, #tpu.memory_space<vmem>>, vector<1x128xf32>
    tpu.vector_store %arg8[%swap3A_213, %swap3A_214], %add3A_212 {strides = array<i32>} : memref<1x128xf32, #tpu.memory_space<vmem>>, vector<1x128xf32>,
    return
  }
  func.func @transform_0(%arg0: i32) -> (i32, i32) {
    %c0_i32 = arith.constant 0 : i32
    %c0_i32_0 = arith.constant 0 : i32
    return %arg0, %c0_i32 : i32, i32
  }
  func.func @transform_1(%arg0: i32) -> (i32, i32) {
    %c0_i32 = arith.constant 0 : i32
    %c0_i32_0 = arith.constant 0 : i32
    %c0_i32_1 = arith.constant 0 : i32
    return %c0_i32, %c0_i32_0 : i32, i32
  }
  func.func @transform_2(%arg0: i32) -> (i32, i32) {
    %c0_i32 = arith.constant 0 : i32
    %c0_i32_0 = arith.constant 0 : i32
    return %arg0, %c0_i32 : i32, i32
  }
  func.func @transform_3(%arg0: i32) -> (i32, i32) {
    %c0_i32 = arith.constant 0 : i32
    %c0_i32_0 = arith.constant 0 : i32
    return %arg0, %c0_i32 : i32, i32
  }
  func.func @transform_4(%arg0: i32) -> (i32, i32) {
    %c0_i32 = arith.constant 0 : i32
    %c0_i32_0 = arith.constant 0 : i32
    return %arg0, %c0_i32 : i32, i32
  }
  func.func @transform_5(%arg0: i32) -> (i32, i32) {
    %c0_i32 = arith.constant 0 : i32
    %c0_i32_0 = arith.constant 0 : i32
    return %arg0, %c0_i32 : i32, i32
  }
  func.func @transform_6(%arg0: i32) -> (i32, i32) {
    %c0_i32 = arith.constant 0 : i32
    %c0_i32_0 = arith.constant 0 : i32
    %c0_i32_1 = arith.constant 0 : i32
    return %c0_i32, %c0_i32_0 : i32, i32
  }
}

module attributes {stable_mosaic.version = 14 : i64} {
  func.func @_gmm_body(%arg0: i32, %arg1: memref<23xi32, #tpu.memory_space<smem>>, %arg2: memref<23xi32, #tpu.memory_space<smem>>, %arg3: memref<23xi32, #tpu.memory_space<smem>>, %arg4: memref<8xi32, #tpu.memory_space<smem>>, %arg5: memref<8xi32, #tpu.memory_space<smem>>, %arg6: memref<512x1024xf32, #tpu.memory_space<vmem>>, %arg7: memref<1x1024x4096xf32, #tpu.memory_space<vmem>>, %arg8: memref<1x2048x1024xf32, #tpu.memory_space<vmem>>, %arg9: memref<1x1024xf32, #tpu.memory_space<vmem>>, %arg10: memref<512x1024xf32, #tpu.memory_space<vmem>>) attributes {dimension_semantics = [#tpu.dimension_semantics<arbitrary>], iteration_bounds = array<i64: 23>, scalar_prefetch = 5 : i64, scratch_operands = 0 : i64, tpu.core_type = #tpu.core_type<tc>, window_params = [{transform_indices = @transform_0, window_bounds = array<i64: 512, 1024>}, {transform_indices = @transform_1, window_bounds = array<i64: 1, 1024, 4096>}, {transform_indices = @transform_2, window_bounds = array<i64: 1, 2048, 1024>}, {pipeline_mode = #tpu.pipeline_mode<synchronous>, transform_indices = @transform_3, window_bounds = array<i64: 1, 1024>}, {transform_indices = @transform_4, window_bounds = array<i64: 512, 1024>}]} {
    %get3A = arith.index_cast %arg0 : i32 to index
    %get3A_0 = memref.load %arg1[%get3A] : memref<23xi32, #tpu.memory_space<smem>>
    %get3A_1 = arith.index_cast %arg0 : i32 to index
    %get3A_2 = memref.load %arg2[%get3A_1] : memref<23xi32, #tpu.memory_space<smem>>
    %get3A_3 = arith.index_cast %arg0 : i32 to index
    %get3A_4 = memref.load %arg3[%get3A_3] : memref<23xi32, #tpu.memory_space<smem>>
    %eq3A = arith.constant 1 : i32
    %eq3A_5 = arith.cmpi eq, %get3A_4, %eq3A : i32
    %convert_element_type3A = arith.extui %eq3A_5 : i1 to i32
    %cond3A = arith.constant 0 : i32
    %cond3A_6 = arith.cmpi ne, %convert_element_type3A, %cond3A : i32
    scf.if %cond3A_6 {
      %mul3A = arith.constant 512 : i32
      %mul3A_7 = arith.muli %get3A_2, %mul3A : i32
      %iota3A = tpu.iota {dimensions = array<i32: 0>} : vector<512x1xi32>
      %add3A = vector.broadcast %mul3A_7 : i32 to vector<512x1xi32>
      %add3A_8 = arith.addi %add3A, %iota3A : vector<512x1xi32>
      %get3A_9 = arith.index_cast %get3A_0 : i32 to index
      %get3A_10 = memref.load %arg4[%get3A_9] : memref<8xi32, #tpu.memory_space<smem>>
      %ge3A = vector.broadcast %get3A_10 : i32 to vector<512x1xi32>
      %ge3A_11 = arith.cmpi sge, %add3A_8, %ge3A : vector<512x1xi32>
      %get3A_12 = arith.index_cast %get3A_0 : i32 to index
      %get3A_13 = memref.load %arg5[%get3A_12] : memref<8xi32, #tpu.memory_space<smem>>
      %lt3A = vector.broadcast %get3A_13 : i32 to vector<512x1xi32>
      %lt3A_14 = arith.cmpi slt, %add3A_8, %lt3A : vector<512x1xi32>
      %and3A = arith.andi %ge3A_11, %lt3A_14 : vector<512x1xi1>
      %get3A_15 = arith.constant 0 : index
      %get3A_16 = arith.constant 0 : index
      %get3A_17 = vector.load %arg6[%get3A_15, %get3A_16] : memref<512x1024xf32, #tpu.memory_space<vmem>>, vector<512x1024xf32>
      %get3A_18 = arith.constant 0 : index
      %get3A_19 = arith.constant 0 : index
      %get3A_20 = arith.constant 0 : index
      %get3A_21 = vector.load %arg7[%get3A_18, %get3A_19, %get3A_20] : memref<1x1024x4096xf32, #tpu.memory_space<vmem>>, vector<1x1024x4096xf32>
      %get3A_22 = vector.shape_cast %get3A_21 : vector<1x1024x4096xf32> to vector<1024x4096xf32>
      %dot_general3A = arith.constant dense<0.000000e+00> : vector<512x4096xf32>
      %dot_general3A_23 = tpu.matmul %get3A_17, %get3A_22, %dot_general3A {dimension_numbers = #tpu.dot_dimension_numbers<[1], [0], [0], [1], [0, 0, 1, 1], [], []>, transpose_lhs_hint = false} : vector<512x1024xf32>, vector<1024x4096xf32>, vector<512x4096xf32> -> vector<512x4096xf32>
      %slice3A = vector.extract_strided_slice %dot_general3A_23 {offsets = [0, 0], sizes = [512, 2048], strides = [1, 1]} : vector<512x4096xf32> to vector<512x2048xf32>
      %slice3A_24 = vector.extract_strided_slice %dot_general3A_23 {offsets = [0, 2048], sizes = [512, 2048], strides = [1, 1]} : vector<512x4096xf32> to vector<512x2048xf32>
      %logistic3A = arith.negf %slice3A : vector<512x2048xf32>
      %logistic3A_25 = math.exp %logistic3A : vector<512x2048xf32>
      %logistic3A_26 = arith.constant 1.000000e+00 : f32
      %logistic3A_27 = vector.broadcast %logistic3A_26 : f32 to vector<512x2048xf32>
      %logistic3A_28 = arith.addf %logistic3A_27, %logistic3A_25 : vector<512x2048xf32>
      %logistic3A_29 = arith.divf %logistic3A_27, %logistic3A_28 : vector<512x2048xf32>
      %mul3A_30 = arith.mulf %slice3A, %logistic3A_29 : vector<512x2048xf32>
      %mul3A_31 = arith.mulf %mul3A_30, %slice3A_24 : vector<512x2048xf32>
      %get3A_32 = arith.constant 0 : index
      %get3A_33 = arith.constant 0 : index
      %get3A_34 = arith.constant 0 : index
      %get3A_35 = vector.load %arg8[%get3A_32, %get3A_33, %get3A_34] : memref<1x2048x1024xf32, #tpu.memory_space<vmem>>, vector<1x2048x1024xf32>
      %get3A_36 = vector.shape_cast %get3A_35 : vector<1x2048x1024xf32> to vector<2048x1024xf32>
      %dot_general3A_37 = arith.constant dense<0.000000e+00> : vector<512x1024xf32>
      %dot_general3A_38 = tpu.matmul %mul3A_31, %get3A_36, %dot_general3A_37 {dimension_numbers = #tpu.dot_dimension_numbers<[1], [0], [0], [1], [0, 0, 1, 1], [], []>, transpose_lhs_hint = false} : vector<512x2048xf32>, vector<2048x1024xf32>, vector<512x1024xf32> -> vector<512x1024xf32>
      %get3A_39 = arith.constant 0 : index
      %get3A_40 = arith.constant 0 : index
      %get3A_41 = vector.load %arg9[%get3A_39, %get3A_40] : memref<1x1024xf32, #tpu.memory_space<vmem>>, vector<1x1024xf32>
      %add3A_42 = vector.broadcast %get3A_41 : vector<1x1024xf32> to vector<512x1024xf32>
      %add3A_43 = arith.addf %dot_general3A_38, %add3A_42 : vector<512x1024xf32>
      %get3A_44 = arith.constant 0 : index
      %get3A_45 = arith.constant 0 : index
      %get3A_46 = vector.load %arg10[%get3A_44, %get3A_45] : memref<512x1024xf32, #tpu.memory_space<vmem>>, vector<512x1024xf32>
      %broadcast_in_dim3A = vector.shape_cast %and3A : vector<512x1xi1> to vector<512x1xi1>
      %broadcast_in_dim3A_47 = vector.broadcast %broadcast_in_dim3A : vector<512x1xi1> to vector<512x1024xi1>
      %select_n3A = arith.select %broadcast_in_dim3A_47, %add3A_43, %get3A_46 : vector<512x1024xi1>, vector<512x1024xf32>
      %swap3A = arith.constant 0 : index
      %swap3A_48 = arith.constant 0 : index
      %swap3A_49 = vector.load %arg10[%swap3A, %swap3A_48] : memref<512x1024xf32, #tpu.memory_space<vmem>>, vector<512x1024xf32>
      tpu.vector_store %arg10[%swap3A, %swap3A_48], %select_n3A {strides = array<i32>} : memref<512x1024xf32, #tpu.memory_space<vmem>>, vector<512x1024xf32>,
    } else {
    }
    return
  }
  func.func @transform_0(%arg0: i32, %arg1: memref<23xi32, #tpu.memory_space<smem>>, %arg2: memref<23xi32, #tpu.memory_space<smem>>, %arg3: memref<23xi32, #tpu.memory_space<smem>>, %arg4: memref<8xi32, #tpu.memory_space<smem>>, %arg5: memref<8xi32, #tpu.memory_space<smem>>) -> (i32, i32) {
    %get3A = arith.index_cast %arg0 : i32 to index
    %get3A_0 = memref.load %arg2[%get3A] : memref<23xi32, #tpu.memory_space<smem>>
    %c0_i32 = arith.constant 0 : i32
    %c0_i32_1 = arith.constant 0 : i32
    return %get3A_0, %c0_i32 : i32, i32
  }
  func.func @transform_1(%arg0: i32, %arg1: memref<23xi32, #tpu.memory_space<smem>>, %arg2: memref<23xi32, #tpu.memory_space<smem>>, %arg3: memref<23xi32, #tpu.memory_space<smem>>, %arg4: memref<8xi32, #tpu.memory_space<smem>>, %arg5: memref<8xi32, #tpu.memory_space<smem>>) -> (i32, i32, i32) {
    %get3A = arith.index_cast %arg0 : i32 to index
    %get3A_0 = memref.load %arg1[%get3A] : memref<23xi32, #tpu.memory_space<smem>>
    %c0_i32 = arith.constant 0 : i32
    %c0_i32_1 = arith.constant 0 : i32
    %c0_i32_2 = arith.constant 0 : i32
    return %get3A_0, %c0_i32, %c0_i32_1 : i32, i32, i32
  }
  func.func @transform_2(%arg0: i32, %arg1: memref<23xi32, #tpu.memory_space<smem>>, %arg2: memref<23xi32, #tpu.memory_space<smem>>, %arg3: memref<23xi32, #tpu.memory_space<smem>>, %arg4: memref<8xi32, #tpu.memory_space<smem>>, %arg5: memref<8xi32, #tpu.memory_space<smem>>) -> (i32, i32, i32) {
    %get3A = arith.index_cast %arg0 : i32 to index
    %get3A_0 = memref.load %arg1[%get3A] : memref<23xi32, #tpu.memory_space<smem>>
    %c0_i32 = arith.constant 0 : i32
    %c0_i32_1 = arith.constant 0 : i32
    %c0_i32_2 = arith.constant 0 : i32
    return %get3A_0, %c0_i32, %c0_i32_1 : i32, i32, i32
  }
  func.func @transform_3(%arg0: i32, %arg1: memref<23xi32, #tpu.memory_space<smem>>, %arg2: memref<23xi32, #tpu.memory_space<smem>>, %arg3: memref<23xi32, #tpu.memory_space<smem>>, %arg4: memref<8xi32, #tpu.memory_space<smem>>, %arg5: memref<8xi32, #tpu.memory_space<smem>>) -> (i32, i32) {
    %c0_i32 = arith.constant 0 : i32
    %c0_i32_0 = arith.constant 0 : i32
    %c0_i32_1 = arith.constant 0 : i32
    return %c0_i32, %c0_i32_0 : i32, i32
  }
  func.func @transform_4(%arg0: i32, %arg1: memref<23xi32, #tpu.memory_space<smem>>, %arg2: memref<23xi32, #tpu.memory_space<smem>>, %arg3: memref<23xi32, #tpu.memory_space<smem>>, %arg4: memref<8xi32, #tpu.memory_space<smem>>, %arg5: memref<8xi32, #tpu.memory_space<smem>>) -> (i32, i32) {
    %get3A = arith.index_cast %arg0 : i32 to index
    %get3A_0 = memref.load %arg2[%get3A] : memref<23xi32, #tpu.memory_space<smem>>
    %c0_i32 = arith.constant 0 : i32
    %c0_i32_1 = arith.constant 0 : i32
    return %get3A_0, %c0_i32 : i32, i32
  }
}

</mosaic_0001>

<sc_bundles>
// kernel: kernel.6.cloned.1.call-start
scs
__scs_entry_jumppad:
0x0: {  	(pc) =	sbr.rel $0x88, $3  }
0x1: {  	(tag) =	ssettag $0x0;
	lr =	simm.s32 $0x1  }
0x2: {  	[smem:$0x3F9C] =	sst lr;
	_ =	strace $0xD0000000  }
0x3: {  	_ = 	snop  }
0x4: {  	_ = 	snop  }
0x5: {  	_ = 	snop  }
0x6: {  	_ = 	snop  }
0x7: {  	_ = 	snop  }
__scs_overlays_trampoline_lowered:
0x8: {  	[smem:$0x3FAB] =	sst s0  }
0x9: {  	[smem:$0x3FAC] =	sst s1  }
0xa: {  	[smem:$0x3FAD] =	sst s2  }
0xb: {  	[smem:$0x3FAE] =	sst s3  }
0xc: {  	[smem:$0x3FAF] =	sst s4  }
0xd: {  	[smem:$0x3FB0] =	sst s5  }
0xe: {  	[smem:$0x3FB1] =	sst s6  }
0xf: {  	[smem:$0x3FB2] =	sst s7  }
0x10: {  	[smem:$0x3FB3] =	sst s8  }
0x11: {  	[smem:$0x3FB4] =	sst s9;
	s0 =	simm.s32 @!p0 $0x0  }
0x12: {  	s1 =	sld [smem:$0x3F9A];
	s0 =	simm.s32 @p0 $0x1  }
0x13: {  	[smem:$0x3FB5] =	sst s0;
	s0 =	simm.s32 @!p1 $0x0  }
0x14: {  	s2 =	sld [smem:$0x3F99];
	s0 =	simm.s32 @p1 $0x1  }
0x15: {  	[smem:$0x3FB6] =	sst s0;
	s0 =	simm.s32 @!p2 $0x0  }
0x16: {  	s3 =	sld [smem:$0x3FDB];
	s0 =	simm.s32 @p2 $0x1  }
0x17: {  	s4 =	simm.s32 $0x1BF5;
	[smem:$0x3FB8] =	sst s0  }
0x18: {  	s0 =	sld [smem:$0x3F9B];
	_ =	swait.ge [sflag:s4], $0x0  }
0x19: {  	s7 =	sld [smem:$0x3F9C]  }
0x1a: {  	s8 =	sadd.s32 $0xFFFFE003, lr  }
0x1b: {  	s9 =	sadd.s32 $0xFFFFFEF7, lr;
	s5 =	simm.s32 $0xFFFFFFFF;
	p2 =	slt.u32 s8, $0xFFFFF086  }
0x1c: {  	p1 =	slt.u32 s9, $0xF7A;
	s5 =	simm.s32 @!p2 $0x0  }
0x1d: {  	s5 =	simm.s32 @p1 $0x1;
	p0 =	seq.s32 s7, s2  }
0x1e: {  	s7 =	smul.u32 @!p0 $0xF7A, s2;
	p2 =	seq.s32 @!p0 s5, $0x0  }
0x1f: {  	s9 =	smul.u32 $0xF7A, s1;
	s8 =	simm.s32 @!p0 $0x1BF5;
	p2 =	por !p2, p0  }
0x20: {  	[sflag:s8] =	ssyncset.s32 @!p0 $0xFFFFF086;
	s6 =	sadd.s32 @!p0 s3, s7;
	s7 =	simm.s32 @!p0 $0x108  }
0x21: {  	s3 =	sadd.s32 s3, s9;
	s6 =	sadd.s32 @!p0 $0x88, s6;
	s7 =	simm.s32 @p2 $0x1082  }
0x22: {  	[simem:s7], [sflag:s8] =	dma.local @!p0 [hbm:s6], $0xF7A  }
0x23: {  	s9 =	sor.u32 $0xD0000000, s2;
	s6 =	simm.s32 $0x108;
	_ =	swait.ge @!p0 [sflag:s8], $0x0  }
0x24: {  	s3 =	sadd.s32 $0x88, s3;
	s6 =	simm.s32 @!p1 $0x1082;
	[sflag:s4] =	ssyncset.s32 $0xFFFFF086  }
0x25: {  	[simem:s6], [sflag:s4] =	dma.local [hbm:s3], $0xF7A  }
0x26: {  	[smem:$0x3F9C] =	sst s1;
	(tag) =	ssettag s2;
	_ =	strace s9  }
0x27: {  	s1 =	sld [smem:$0x3FAC]  }
0x28: {  	s2 =	sld [smem:$0x3FAD]  }
0x29: {  	s4 =	sld [smem:$0x3FAF]  }
0x2a: {  	p0 =	seq.s32 s5, $0x0;
	s5 =	sld [smem:$0x3FB0]  }
0x2b: {  	s6 =	sld [smem:$0x3FB1]  }
0x2c: {  	s7 =	sld [smem:$0x3FB2]  }
0x2d: {  	s3 =	simm.s32 $0x108;
	s8 =	sld [smem:$0x3FB3]  }
0x2e: {  	s3 =	simm.s32 @!p0 $0x1082;
	s9 =	sld [smem:$0x3FB4]  }
0x2f: {  	lr =	sadd.s32 s0, s3;
	s0 =	sld [smem:$0x3FAB]  }
0x30: {  	s3 =	sld [smem:$0x3FAE]  }
0x31: {  	[smem:$0x3FB7] =	sst s10  }
0x32: {  	s10 =	sld [smem:$0x3FB5];
	_ =	sdelay $0x3  }
0x33: {  	p0 =	seq.s32 s10, $0x1;
	s10 =	sld [smem:$0x3FB7];
	_ =	sdelay $0x3  }
0x34: {  	[smem:$0x3FB7] =	sst s10  }
0x35: {  	s10 =	sld [smem:$0x3FB6];
	_ =	sdelay $0x3  }
0x36: {  	p1 =	seq.s32 s10, $0x1;
	s10 =	sld [smem:$0x3FB7];
	_ =	sdelay $0x3  }
0x37: {  	[smem:$0x3FB7] =	sst s10  }
0x38: {  	s10 =	sld [smem:$0x3FB8]  }
0x39: {  	_ = 	snop;
	(pc) =	sbr.ind lr, $3  }
0x3a: {  	_ = 	snop  }
0x3b: {  	_ = 	snop  }
0x3c: {  	p2 =	seq.s32 s10, $0x1;
	s10 =	sld [smem:$0x3FB7]  }
0x3d: {  	_ =	shalt  }
0x3e: {  	_ =	shalt  }
0x3f: {  	_ =	shalt  }
0x40: {  	_ =	shalt  }
0x41: {  	_ =	shalt  }
0x42: {  	_ =	shalt  }
0x43: {  	_ =	shalt  }
0x44: {  	_ =	shalt  }
0x45: {  	_ =	shalt  }
0x46: {  	_ =	shalt  }
0x47: {  	_ =	shalt  }
0x48: {  	_ =	shalt  }
0x49: {  	_ =	shalt  }
0x4a: {  	_ =	shalt  }
0x4b: {  	_ =	shalt  }
0x4c: {  	_ =	shalt  }
0x4d: {  	_ =	shalt  }
0x4e: {  	_ =	shalt  }
0x4f: {  	_ =	shalt  }
0x50: {  	_ =	shalt  }
0x51: {  	_ =	shalt  }
0x52: {  	_ =	shalt  }
0x53: {  	_ =	shalt  }
0x54: {  	_ =	shalt  }
0x55: {  	_ =	shalt  }
0x56: {  	_ =	shalt  }
0x57: {  	_ =	shalt  }
0x58: {  	_ =	shalt  }
0x59: {  	_ =	shalt  }
0x5a: {  	_ =	shalt  }
0x5b: {  	_ =	shalt  }
0x5c: {  	_ =	shalt  }
0x5d: {  	_ =	shalt  }
0x5e: {  	_ =	shalt  }
0x5f: {  	_ =	shalt  }
0x60: {  	_ =	shalt  }
0x61: {  	_ =	shalt  }
0x62: {  	_ =	shalt  }
0x63: {  	_ =	shalt  }
0x64: {  	_ =	shalt  }
0x65: {  	_ =	shalt  }
0x66: {  	_ =	shalt  }
0x67: {  	_ =	shalt  }
0x68: {  	_ =	shalt  }
0x69: {  	_ =	shalt  }
0x6a: {  	_ =	shalt  }
0x6b: {  	_ =	shalt  }
0x6c: {  	_ =	shalt  }
0x6d: {  	_ =	shalt  }
0x6e: {  	_ =	shalt  }
0x6f: {  	_ =	shalt  }
0x70: {  	_ =	shalt  }
0x71: {  	_ =	shalt  }
0x72: {  	_ =	shalt  }
0x73: {  	_ =	shalt  }
0x74: {  	_ =	shalt  }
0x75: {  	_ =	shalt  }
0x76: {  	_ =	shalt  }
0x77: {  	_ =	shalt  }
0x78: {  	_ =	shalt  }
0x79: {  	_ =	shalt  }
0x7a: {  	_ =	shalt  }
0x7b: {  	_ =	shalt  }
0x7c: {  	_ =	shalt  }
0x7d: {  	_ =	shalt  }
0x7e: {  	_ =	shalt  }
0x7f: {  	_ =	shalt  }
0x80: {  	_ =	shalt  }
0x81: {  	_ =	shalt  }
0x82: {  	_ =	shalt  }
0x83: {  	_ =	shalt  }
0x84: {  	_ =	shalt  }
0x85: {  	_ =	shalt  }
0x86: {  	_ =	shalt  }
0x87: {  	_ =	shalt  }
.Lfunc_end0:
.L_simem_size_0:
called_computation_lowered:
.L_overlay_start_0:
0x88: {  	s2 =	sld [smem:$0x3FD9]  }
0x89: {  	s3 =	sld [smem:$0x3FFE];
	_ =	sdelay $0x1  }
0x8a: {  	s1 =	srdreg.scid  }
0x8b: {  	s0 =	sand.u32 $0x1, s1  }
0x8c: {  	s14 =	sshll.u32 s0, $0xA;
	s2 =	sadd.s32 s3, s2  }
0x8d: {  	s2 =	sadd.s32 s2, s14  }
0x8e: {  	[smem:$0x3FC3] =	sst s2  }
0x8f: {  	_ = 	snop  }
0x90: {  	s2 =	sld [smem:$0x3FD0];
	_ =	sdelay $0x2  }
0x91: {  	s4 =	simm.s32 $0xA;
	s5 =	simm.s32 $0x10;
	s15 =	sld [smem:$0x3FC9]  }
0x92: {  	[smem:s5], [sflag:s4] =	dma.local [hbm:s2], $0x1  }
0x93: {  	_ =	swait.eq [sflag:s4], $0x1  }
0x94: {  	[sflag:s4] =	ssyncset.done $0x0  }
0x95: {  	[sflag:s4] =	ssyncadd.s32 $0xFFFFFFFF  }
0x96: {  	s16 =	sld [smem:$0x10];
	(tm) =	ssettm $0x1  }
0x97: {  	s17 =	sld [smem:$0x3FFB];
	_ =	sdelay $0x3  }
0x98: {  	_ =	strace s17  }
0x99: {  	s4 =	sld [smem:$0x3FFC];
	_ =	sdelay $0x3  }
0x9a: {  	_ =	strace s4  }
0x9b: {  	s4 =	sld [smem:$0x3FFD];
	_ =	sdelay $0x3  }
0x9c: {  	_ =	strace s4  }
0x9d: {  	_ =	strace $0x8FFFFFFF  }
0x9e: {  	s18 =	sld [smem:$0x3FDB];
	_ =	sdelay $0x1  }
0x9f: {  	s19 =	simm.s32 $_scs_section_size  }
0xa0: {  	s6 =	simm.s32 $_size__tile_overlayer_lowered;
	s7 =	simm.s32 $_tile_overlayer_lowered  }
0xa1: {  	s22 =	simm.s32 $0x1BFF;
	s21 =	sshll.u32 s7, $0x1;
	s4 =	sadd.s32 s19, s18  }
0xa2: {  	s8 =	simm.s32 $0x0;
	s20 =	sshll.u32 s6, $0x1;
	s6 =	sadd.s32 s21, s4  }
0xa3: {  	[timem:s8], [sflag:s22] =	dma.local [hbm:s6], s20  }
0xa4: {  	_ =	swait.ge [sflag:s22], s20  }
0xa5: {  	s5 =	ssub.s32 $0x0, s20;
	[sflag:s22] =	ssyncset.done $0x0  }
0xa6: {  	[sflag:s22] =	ssyncadd.s32 s5;
	_ =	sdelay $0x1  }
0xa7: {  	s23 =	simm.s32 $0x1B8B  }
0xa8: {  	_ =	swait.ge [sflag:s23], $0x1  }
0xa9: {  	[sflag:s23] =	ssyncset.done $0x0  }
0xaa: {  	s25 =	simm.s32 $0x1B8E;
	s24 =	sld [smem:$0x3FFE];
	[sflag:s23] =	ssyncadd.s32 $0xFFFFFFFF  }
0xab: {  	s26 =	simm.s32 $execute0_lowered;
	[smem:$0x3FD2] =	sst s25  }
0xac: {  	s6 =	sshll.u32 s26, $0x1;
	_ =	strace $0x80000046;
	[dreg:$0x1] =	wrdreg $0xFFFFFFFF  }
0xad: {  	s28 =	simm.s32 $_size_execute0_lowered;
	s4 =	sadd.s32 s4, s6;
	[dreg:$0x0] =	wrdreg $0x0  }
0xae: {  	s6 =	sshll.u32 s28, $0x1;
	[dreg:$0x2] =	wrdreg s4  }
0xaf: {  	[dreg:$0x3] =	wrdreg s6  }
0xb0: {  	[dreg:$0x4] =	wrdreg $0xC0  }
0xb1: {  	_ =	task [dreg:s8], $0x5FFFF  }
0xb2: {  	[dreg:$0x1] =	wrdreg $0xFFFFFFFF  }
0xb3: {  	[dreg:$0x0] =	wrdreg $0x60  }
0xb4: {  	[dreg:$0x2] =	wrdreg s15  }
0xb5: {  	[dreg:$0x3] =	wrdreg s16  }
0xb6: {  	[dreg:$0x4] =	wrdreg s24  }
0xb7: {  	[dreg:$0x5] =	wrdreg $0x9  }
0xb8: {  	_ =	task.clear_ibuf [dreg:s8], $0x6FFFF;
	_ =	strace $0x90000046  }
0xb9: {  	s29 =	simm.s32 $0x9;
	_ =	strace $0x80000048  }
0xba: {  	_ =	swait.ge [sflag:s29], $0x1  }
0xbb: {  	[sflag:s29] =	ssyncadd.s32 $0xFFFFFFFF  }
0xbc: {  	_ =	strace $0x90000048  }
0xbd: {  	_ =	sfence  }
0xbe: {  	s30 =	sld [smem:$0x0];
	_ =	sdelay $0x2  }
0xbf: {  	s31 =	sshll.u32 s1, $0xD;
	s1 =	sshrl.u32 s1, $0x2  }
0xc0: {  	s3 =	sand.u32 $0x4000, s31;
	s1 =	sadd.s32 s1, s30  }
0xc1: {  	s0 =	sor.u32 s3, s0;
	s1 =	sshll.u32 s1, $0x11  }
0xc2: {  	s0 =	sor.u32 s1, s0  }
0xc3: {  	s0 =	sadd.s32 $0x8F2B, s0  }
0xc4: {  	[sflag:s0] =	ssyncadd.remote.s32 $0x1  }
0xc5: {  	_ =	sfence.sel $0xFFFF  }
0xc6: {  	[dreg:$0x0] =	wrdreg $0xFFFFFFFF;
	(pc) =	sbr.abs _section_cstart, $3  }
0xc7: {  	[dreg:$0x1] =	wrdreg $0xFFFFFFFF  }
0xc8: {  	_ =	task.clear_ibuf [dreg:s8], $0x2FFFF;
	_ =	strace $0x9FFFFFFF  }
0xc9: {  	(tm) =	ssettm $0x7FFFFFFF  }
tec
execute0_lowered:
.L_overlay_start_1:
0x0: {  	(tag) =	ssettag $0x1  }
0x1: {  	s0 =	rddreg [dreg:$0x0]  }
0x2: {  	s1 =	rddreg [dreg:$0x1]  }
0x3: {  	s4 =	rddreg [dreg:$0x2]  }
0x4: {  	s3 =	srdreg.scid;
	s5 =	stileid.u32;
	s2 =	simm.s32 $0x0  }
0x5: {  	s26 =	simm.s32 $0x200;
	s20 =	simm.s32 $0x2;
	s28 =	simm.s32 $0x2C00  }
0x6: {  	s29 =	simm.s32 $0x3400;
	s30 =	simm.s32 $0x3C00;
	s31 =	simm.s32 $0x4400  }
0x7: {  	s3 =	sand.u32 $0x1, s3;
	s5 =	sshll.u32 s5, $0x1;
	[smem:$0x7FF] =	sst s2  }
0x8: {  	s17 =	simm.s32 $0x8400;
	s5 =	sor.u32 s3, s5;
	_ =	strace $0x80000047  }
0x9: {  	s7 =	ssub.s32 $0x2, s3;
	s3 =	sadd.s32 $0x21400, s4;
	[dreg:$0x9] =	wrdreg s26  }
0xa: {  	s26 =	simm.s32 $0x400;
	s6 =	sshll.u32 s5, $0x6;
	s9 =	sshrl.u32 s7, $0x1  }
0xb: {  	s5 =	sshll.u32 s5, $0xE;
	s8 =	sadd.s32 s6, s4;
	s1 =	sadd.s32 s1, s6  }
0xc: {  	s9 =	ssub.s32 s7, s9;
	s23 =	sadd.s32 s0, s5;
	[dreg:$0x4] =	wrdreg s1  }
0xd: {  	s5 =	sadd.s32 $0x21500, s4;
	s22 =	sadd.s32 $0x20C00, s8;
	[dreg:$0xa] =	wrdreg s23  }
0xe: {  	s6 =	sadd.s32 $0x21600, s4;
	s0 =	sadd.s32 $0x1000, s23;
	[dreg:$0x5] =	wrdreg s22  }
0xf: {  	v2 =	vlaneseq.u32;
	s7 =	sadd.s32 $0x21700, s4;
	s24 =	sadd.s32 $0x2000, s23;
	[dreg:$0x6] =	wrdreg s0  }
0x10: {  	vm0 =	vmmov $0xffff;
	v1 =	vshrl.u32 v2, $0x3;
	s25 =	sadd.s32 $0x3000, s23;
	s8 =	smax.u32 s9, $0x1;
	[dreg:$0x7] =	wrdreg s24  }
0x11: {  	v0 =	vand.u32 $0x7, v2;
	v2 =	vor.u32 $0x8, v2;
	v1 =	vmul.u32 $0x8, v1;
	s9 =	simm.s32 $0x3;
	[dreg:$0x8] =	wrdreg s25;
	s25 =	simm.s32 $0x1  }
.LBB2_1:
0x12: {  	s21 =	rddreg [dreg:$0x4]  }
0x13: {  	[tilespmem:s2], [sflag:$0x3] =	stream.linear.gather [hbm4b:s21+s2], $0x200, $0x38;
	[tilespmem:$0x10400] =	vst v63  }
0x14: {  	_ =	swait.ge [sflag:s9], $0x200  }
0x15: {  	s0 =	rddreg [dreg:$0x5];
	[sflag:s9] =	ssyncset.done $0x0  }
0x16: {  	s22 =	rddreg [dreg:$0x9];
	[sflag:s9] =	ssyncadd.s32 $0xFFFFFE00  }
0x17: {  	[tilespmem:s22], [sflag:$0x3] =	stream.linear.gather [hbm4b:s0+s2], $0x200, $0x38;
	[tilespmem:$0x10400] =	vst v63  }
0x18: {  	_ =	swait.ge [sflag:s9], $0x200  }
0x19: {  	[sflag:s9] =	ssyncset.done $0x0  }
0x1a: {  	s1 =	rddreg [dreg:$0xa];
	[sflag:s9] =	ssyncadd.s32 $0xFFFFFE00  }
0x1b: {  	[tilespmem:s26], [sflag:$0x3] =	stream.linear.gather [hbm4b:s1+s2], $0x8000, $0x38;
	[tilespmem:$0x10400] =	vst v63  }
0x1c: {  	_ =	swait.ge [sflag:s9], $0x8000  }
0x1d: {  	[sflag:s9] =	ssyncset.done $0x0  }
0x1e: {  	[sflag:s9] =	ssyncadd.s32 $0xFFFF8000  }
0x1f: {  	v3 =	vld [tilespmem:$0x0];
	_ =	sdelay $0x4  }
0x20: {  	v4 =	vshll.u32 v3, $0x3  }
0x21: {  	v3 =	vand.u32 $0x7, v3;
	v4 =	vand.u32 $0xFFFFFFC0, v4  }
0x22: {  	v3 =	vor.u32 v3, v4  }
0x23: {  	v4 =	vperm.xlane v3, v0;
	_ =	sdelay $0x1  }
0x24: {  	v4 =	vadd.s32 v1, v4;
	_ =	sdelay $0x4  }
0x25: {  	[hbm4b:s3+s2] =	stream.indirect_vreg.scatter [tilespmem:s26], [sflag:$0x1], $0x80, v4, vm0, $0xb8;
	[tilespmem:$0x10400] =	vst v63  }
0x26: {  	s22 =	simm.s32 $0xC00;
	v3 =	vperm.xlane v3, v2  }
0x27: {  	[hbm4b:s5+s2] =	stream.indirect_vreg.scatter [tilespmem:s22], [sflag:$0x1], $0x80, v4, vm0, $0xb8;
	[tilespmem:$0x10400] =	vst v63  }
0x28: {  	s0 =	simm.s32 $0x1400;
	v3 =	vadd.s32 v1, v3  }
0x29: {  	[hbm4b:s6+s2] =	stream.indirect_vreg.scatter [tilespmem:s0], [sflag:$0x1], $0x80, v4, vm0, $0xb8;
	[tilespmem:$0x10400] =	vst v63  }
0x2a: {  	s4 =	simm.s32 $0x1C00  }
0x2b: {  	[hbm4b:s7+s2] =	stream.indirect_vreg.scatter [tilespmem:s4], [sflag:$0x1], $0x80, v4, vm0, $0xb8;
	[tilespmem:$0x10400] =	vst v63  }
0x2c: {  	s10 =	simm.s32 $0x2400  }
0x2d: {  	[hbm4b:s3+s2] =	stream.indirect_vreg.scatter [tilespmem:s10], [sflag:$0x1], $0x80, v3, vm0, $0xb8;
	[tilespmem:$0x10400] =	vst v63  }
0x2e: {  	_ = 	snop  }
0x2f: {  	[hbm4b:s5+s2] =	stream.indirect_vreg.scatter [tilespmem:s28], [sflag:$0x1], $0x80, v3, vm0, $0xb8;
	[tilespmem:$0x10400] =	vst v63  }
0x30: {  	_ = 	snop  }
0x31: {  	[hbm4b:s6+s2] =	stream.indirect_vreg.scatter [tilespmem:s29], [sflag:$0x1], $0x80, v3, vm0, $0xb8;
	[tilespmem:$0x10400] =	vst v63  }
0x32: {  	_ = 	snop  }
0x33: {  	[hbm4b:s7+s2] =	stream.indirect_vreg.scatter [tilespmem:s30], [sflag:$0x1], $0x80, v3, vm0, $0xb8;
	[tilespmem:$0x10400] =	vst v63  }
0x34: {  	v3 =	vld [tilespmem:$0x10];
	_ =	sdelay $0x4  }
0x35: {  	v49 =	vshll.u32 v3, $0x3  }
0x36: {  	v3 =	vand.u32 $0x7, v3;
	v4 =	vand.u32 $0xFFFFFFC0, v49  }
0x37: {  	v3 =	vor.u32 v3, v4  }
0x38: {  	v4 =	vperm.xlane v3, v0;
	_ =	sdelay $0x1  }
0x39: {  	v4 =	vadd.s32 v1, v4;
	_ =	sdelay $0x4  }
0x3a: {  	[hbm4b:s3+s2] =	stream.indirect_vreg.scatter [tilespmem:s31], [sflag:$0x1], $0x80, v4, vm0, $0xb8;
	[tilespmem:$0x10400] =	vst v63  }
0x3b: {  	s11 =	simm.s32 $0x4C00;
	v3 =	vperm.xlane v3, v2  }
0x3c: {  	[hbm4b:s5+s2] =	stream.indirect_vreg.scatter [tilespmem:s11], [sflag:$0x1], $0x80, v4, vm0, $0xb8;
	[tilespmem:$0x10400] =	vst v63  }
0x3d: {  	s12 =	simm.s32 $0x5400;
	v3 =	vadd.s32 v1, v3  }
0x3e: {  	[hbm4b:s6+s2] =	stream.indirect_vreg.scatter [tilespmem:s12], [sflag:$0x1], $0x80, v4, vm0, $0xb8;
	[tilespmem:$0x10400] =	vst v63  }
0x3f: {  	s13 =	simm.s32 $0x5C00  }
0x40: {  	[hbm4b:s7+s2] =	stream.indirect_vreg.scatter [tilespmem:s13], [sflag:$0x1], $0x80, v4, vm0, $0xb8;
	[tilespmem:$0x10400] =	vst v63  }
0x41: {  	s14 =	simm.s32 $0x6400  }
0x42: {  	[hbm4b:s3+s2] =	stream.indirect_vreg.scatter [tilespmem:s14], [sflag:$0x1], $0x80, v3, vm0, $0xb8;
	[tilespmem:$0x10400] =	vst v63  }
0x43: {  	s15 =	simm.s32 $0x6C00  }
0x44: {  	[hbm4b:s5+s2] =	stream.indirect_vreg.scatter [tilespmem:s15], [sflag:$0x1], $0x80, v3, vm0, $0xb8;
	[tilespmem:$0x10400] =	vst v63  }
0x45: {  	s18 =	simm.s32 $0x7400  }
0x46: {  	[hbm4b:s6+s2] =	stream.indirect_vreg.scatter [tilespmem:s18], [sflag:$0x1], $0x80, v3, vm0, $0xb8;
	[tilespmem:$0x10400] =	vst v63  }
0x47: {  	s19 =	simm.s32 $0x7C00  }
0x48: {  	[hbm4b:s7+s2] =	stream.indirect_vreg.scatter [tilespmem:s19], [sflag:$0x1], $0x80, v3, vm0, $0xb8;
	[tilespmem:$0x10400] =	vst v63  }
0x49: {  	v3 =	vld [tilespmem:$0x200];
	_ =	sdelay $0x4  }
0x4a: {  	v50 =	vshll.u32 v3, $0x3  }
0x4b: {  	v3 =	vand.u32 $0x7, v3;
	v4 =	vand.u32 $0xFFFFFFC0, v50  }
0x4c: {  	v3 =	vor.u32 v3, v4  }
0x4d: {  	v4 =	vperm.xlane v3, v0;
	_ =	sdelay $0x1  }
0x4e: {  	v4 =	vadd.s32 v1, v4;
	_ =	sdelay $0x4  }
0x4f: {  	[hbm4b:s3+s2] =	stream.indirect_vreg.scatter [tilespmem:s26], [sflag:$0x2], $0x80, v4, vm0, $0xb8;
	[tilespmem:$0x10400] =	vst v63  }
0x50: {  	v3 =	vperm.xlane v3, v2  }
0x51: {  	[hbm4b:s5+s2] =	stream.indirect_vreg.scatter [tilespmem:s22], [sflag:$0x2], $0x80, v4, vm0, $0xb8;
	[tilespmem:$0x10400] =	vst v63  }
0x52: {  	s1 =	simm.s32 $0x1400;
	v3 =	vadd.s32 v1, v3  }
0x53: {  	[hbm4b:s6+s2] =	stream.indirect_vreg.scatter [tilespmem:s1], [sflag:$0x2], $0x80, v4, vm0, $0xb8;
	[tilespmem:$0x10400] =	vst v63  }
0x54: {  	s4 =	simm.s32 $0x1C00  }
0x55: {  	[hbm4b:s7+s2] =	stream.indirect_vreg.scatter [tilespmem:s4], [sflag:$0x2], $0x80, v4, vm0, $0xb8;
	[tilespmem:$0x10400] =	vst v63  }
0x56: {  	s10 =	simm.s32 $0x2400  }
0x57: {  	[hbm4b:s3+s2] =	stream.indirect_vreg.scatter [tilespmem:s10], [sflag:$0x2], $0x80, v3, vm0, $0xb8;
	[tilespmem:$0x10400] =	vst v63  }
0x58: {  	_ = 	snop  }
0x59: {  	[hbm4b:s5+s2] =	stream.indirect_vreg.scatter [tilespmem:s28], [sflag:$0x2], $0x80, v3, vm0, $0xb8;
	[tilespmem:$0x10400] =	vst v63  }
0x5a: {  	_ = 	snop  }
0x5b: {  	[hbm4b:s6+s2] =	stream.indirect_vreg.scatter [tilespmem:s29], [sflag:$0x2], $0x80, v3, vm0, $0xb8;
	[tilespmem:$0x10400] =	vst v63  }
0x5c: {  	_ = 	snop  }
0x5d: {  	[hbm4b:s7+s2] =	stream.indirect_vreg.scatter [tilespmem:s30], [sflag:$0x2], $0x80, v3, vm0, $0xb8;
	[tilespmem:$0x10400] =	vst v63  }
0x5e: {  	v3 =	vld [tilespmem:$0x210];
	_ =	sdelay $0x4  }
0x5f: {  	v51 =	vshll.u32 v3, $0x3  }
0x60: {  	v3 =	vand.u32 $0x7, v3;
	v4 =	vand.u32 $0xFFFFFFC0, v51  }
0x61: {  	v3 =	vor.u32 v3, v4  }
0x62: {  	v4 =	vperm.xlane v3, v0;
	_ =	sdelay $0x1  }
0x63: {  	v4 =	vadd.s32 v1, v4;
	_ =	sdelay $0x4  }
0x64: {  	[hbm4b:s3+s2] =	stream.indirect_vreg.scatter [tilespmem:s31], [sflag:$0x2], $0x80, v4, vm0, $0xb8;
	[tilespmem:$0x10400] =	vst v63  }
0x65: {  	s16 =	simm.s32 $0x4C00;
	v3 =	vperm.xlane v3, v2  }
0x66: {  	[hbm4b:s5+s2] =	stream.indirect_vreg.scatter [tilespmem:s16], [sflag:$0x2], $0x80, v4, vm0, $0xb8;
	[tilespmem:$0x10400] =	vst v63  }
0x67: {  	s11 =	simm.s32 $0x5400;
	v3 =	vadd.s32 v1, v3  }
0x68: {  	[hbm4b:s6+s2] =	stream.indirect_vreg.scatter [tilespmem:s11], [sflag:$0x2], $0x80, v4, vm0, $0xb8;
	[tilespmem:$0x10400] =	vst v63  }
0x69: {  	s12 =	simm.s32 $0x5C00  }
0x6a: {  	[hbm4b:s7+s2] =	stream.indirect_vreg.scatter [tilespmem:s12], [sflag:$0x2], $0x80, v4, vm0, $0xb8;
	[tilespmem:$0x10400] =	vst v63  }
0x6b: {  	s13 =	simm.s32 $0x6400  }
0x6c: {  	[hbm4b:s3+s2] =	stream.indirect_vreg.scatter [tilespmem:s13], [sflag:$0x2], $0x80, v3, vm0, $0xb8;
	[tilespmem:$0x10400] =	vst v63  }
0x6d: {  	s14 =	simm.s32 $0x6C00  }
0x6e: {  	[hbm4b:s5+s2] =	stream.indirect_vreg.scatter [tilespmem:s14], [sflag:$0x2], $0x80, v3, vm0, $0xb8;
	[tilespmem:$0x10400] =	vst v63  }
0x6f: {  	s15 =	simm.s32 $0x7400  }
0x70: {  	[hbm4b:s6+s2] =	stream.indirect_vreg.scatter [tilespmem:s15], [sflag:$0x2], $0x80, v3, vm0, $0xb8;
	[tilespmem:$0x10400] =	vst v63  }
0x71: {  	s21 =	simm.s32 $0x7C00  }
0x72: {  	[hbm4b:s7+s2] =	stream.indirect_vreg.scatter [tilespmem:s21], [sflag:$0x2], $0x80, v3, vm0, $0xb8;
	[tilespmem:$0x10400] =	vst v63  }
0x73: {  	s23 =	rddreg [dreg:$0x6]  }
0x74: {  	[tilespmem:s17], [sflag:$0x3] =	stream.linear.gather [hbm4b:s23+s2], $0x8000, $0x38;
	[tilespmem:$0x10400] =	vst v63  }
0x75: {  	_ =	swait.ge [sflag:s9], $0x8000  }
0x76: {  	[sflag:s9] =	ssyncset.done $0x0  }
0x77: {  	[sflag:s9] =	ssyncadd.s32 $0xFFFF8000  }
0x78: {  	v3 =	vld [tilespmem:$0x80];
	_ =	sdelay $0x4  }
0x79: {  	v52 =	vshll.u32 v3, $0x3  }
0x7a: {  	v3 =	vand.u32 $0x7, v3;
	v4 =	vand.u32 $0xFFFFFFC0, v52  }
0x7b: {  	v3 =	vor.u32 v3, v4  }
0x7c: {  	v4 =	vperm.xlane v3, v0;
	_ =	sdelay $0x1  }
0x7d: {  	v4 =	vadd.s32 v1, v4;
	_ =	sdelay $0x4  }
0x7e: {  	[hbm4b:s3+s2] =	stream.indirect_vreg.scatter [tilespmem:s17], [sflag:$0x1], $0x80, v4, vm0, $0xb8;
	[tilespmem:$0x10400] =	vst v63  }
0x7f: {  	s24 =	simm.s32 $0x8C00;
	v3 =	vperm.xlane v3, v2  }
0x80: {  	[hbm4b:s5+s2] =	stream.indirect_vreg.scatter [tilespmem:s24], [sflag:$0x1], $0x80, v4, vm0, $0xb8;
	[tilespmem:$0x10400] =	vst v63  }
0x81: {  	s1 =	simm.s32 $0x9400;
	v3 =	vadd.s32 v1, v3  }
0x82: {  	[hbm4b:s6+s2] =	stream.indirect_vreg.scatter [tilespmem:s1], [sflag:$0x1], $0x80, v4, vm0, $0xb8;
	[tilespmem:$0x10400] =	vst v63  }
0x83: {  	s4 =	simm.s32 $0x9C00  }
0x84: {  	[hbm4b:s7+s2] =	stream.indirect_vreg.scatter [tilespmem:s4], [sflag:$0x1], $0x80, v4, vm0, $0xb8;
	[tilespmem:$0x10400] =	vst v63  }
0x85: {  	s10 =	simm.s32 $0xA400  }
0x86: {  	[hbm4b:s3+s2] =	stream.indirect_vreg.scatter [tilespmem:s10], [sflag:$0x1], $0x80, v3, vm0, $0xb8;
	[tilespmem:$0x10400] =	vst v63  }
0x87: {  	s11 =	simm.s32 $0xAC00  }
0x88: {  	[hbm4b:s5+s2] =	stream.indirect_vreg.scatter [tilespmem:s11], [sflag:$0x1], $0x80, v3, vm0, $0xb8;
	[tilespmem:$0x10400] =	vst v63  }
0x89: {  	s12 =	simm.s32 $0xB400  }
0x8a: {  	[hbm4b:s6+s2] =	stream.indirect_vreg.scatter [tilespmem:s12], [sflag:$0x1], $0x80, v3, vm0, $0xb8;
	[tilespmem:$0x10400] =	vst v63  }
0x8b: {  	s13 =	simm.s32 $0xBC00  }
0x8c: {  	[hbm4b:s7+s2] =	stream.indirect_vreg.scatter [tilespmem:s13], [sflag:$0x1], $0x80, v3, vm0, $0xb8;
	[tilespmem:$0x10400] =	vst v63  }
0x8d: {  	v3 =	vld [tilespmem:$0x90];
	_ =	sdelay $0x4  }
0x8e: {  	v53 =	vshll.u32 v3, $0x3  }
0x8f: {  	v3 =	vand.u32 $0x7, v3;
	v4 =	vand.u32 $0xFFFFFFC0, v53  }
0x90: {  	v3 =	vor.u32 v3, v4  }
0x91: {  	v4 =	vperm.xlane v3, v0;
	_ =	sdelay $0x1  }
0x92: {  	v4 =	vadd.s32 v1, v4;
	_ =	sdelay $0x3  }
0x93: {  	s18 =	simm.s32 $0xC400  }
0x94: {  	[hbm4b:s3+s2] =	stream.indirect_vreg.scatter [tilespmem:s18], [sflag:$0x1], $0x80, v4, vm0, $0xb8;
	[tilespmem:$0x10400] =	vst v63  }
0x95: {  	s23 =	simm.s32 $0xCC00;
	v3 =	vperm.xlane v3, v2  }
0x96: {  	[hbm4b:s5+s2] =	stream.indirect_vreg.scatter [tilespmem:s23], [sflag:$0x1], $0x80, v4, vm0, $0xb8;
	[tilespmem:$0x10400] =	vst v63  }
0x97: {  	s4 =	simm.s32 $0xD400;
	v3 =	vadd.s32 v1, v3  }
0x98: {  	[hbm4b:s6+s2] =	stream.indirect_vreg.scatter [tilespmem:s4], [sflag:$0x1], $0x80, v4, vm0, $0xb8;
	[tilespmem:$0x10400] =	vst v63  }
0x99: {  	s10 =	simm.s32 $0xDC00  }
0x9a: {  	[hbm4b:s7+s2] =	stream.indirect_vreg.scatter [tilespmem:s10], [sflag:$0x1], $0x80, v4, vm0, $0xb8;
	[tilespmem:$0x10400] =	vst v63  }
0x9b: {  	s11 =	simm.s32 $0xE400  }
0x9c: {  	[hbm4b:s3+s2] =	stream.indirect_vreg.scatter [tilespmem:s11], [sflag:$0x1], $0x80, v3, vm0, $0xb8;
	[tilespmem:$0x10400] =	vst v63  }
0x9d: {  	s12 =	simm.s32 $0xEC00  }
0x9e: {  	[hbm4b:s5+s2] =	stream.indirect_vreg.scatter [tilespmem:s12], [sflag:$0x1], $0x80, v3, vm0, $0xb8;
	[tilespmem:$0x10400] =	vst v63  }
0x9f: {  	s13 =	simm.s32 $0xF400  }
0xa0: {  	[hbm4b:s6+s2] =	stream.indirect_vreg.scatter [tilespmem:s13], [sflag:$0x1], $0x80, v3, vm0, $0xb8;
	[tilespmem:$0x10400] =	vst v63  }
0xa1: {  	s21 =	simm.s32 $0xFC00  }
0xa2: {  	[hbm4b:s7+s2] =	stream.indirect_vreg.scatter [tilespmem:s21], [sflag:$0x1], $0x80, v3, vm0, $0xb8;
	[tilespmem:$0x10400] =	vst v63  }
0xa3: {  	v3 =	vld [tilespmem:$0x280];
	_ =	sdelay $0x4  }
0xa4: {  	v54 =	vshll.u32 v3, $0x3  }
0xa5: {  	v3 =	vand.u32 $0x7, v3;
	v4 =	vand.u32 $0xFFFFFFC0, v54  }
0xa6: {  	v3 =	vor.u32 v3, v4  }
0xa7: {  	v4 =	vperm.xlane v3, v0;
	_ =	sdelay $0x1  }
0xa8: {  	v4 =	vadd.s32 v1, v4;
	_ =	sdelay $0x4  }
0xa9: {  	[hbm4b:s3+s2] =	stream.indirect_vreg.scatter [tilespmem:s17], [sflag:$0x2], $0x80, v4, vm0, $0xb8;
	[tilespmem:$0x10400] =	vst v63  }
0xaa: {  	s24 =	simm.s32 $0x8C00;
	v3 =	vperm.xlane v3, v2  }
0xab: {  	[hbm4b:s5+s2] =	stream.indirect_vreg.scatter [tilespmem:s24], [sflag:$0x2], $0x80, v4, vm0, $0xb8;
	[tilespmem:$0x10400] =	vst v63  }
0xac: {  	s14 =	simm.s32 $0x9400;
	v3 =	vadd.s32 v1, v3  }
0xad: {  	[hbm4b:s6+s2] =	stream.indirect_vreg.scatter [tilespmem:s14], [sflag:$0x2], $0x80, v4, vm0, $0xb8;
	[tilespmem:$0x10400] =	vst v63  }
0xae: {  	s15 =	simm.s32 $0x9C00  }
0xaf: {  	[hbm4b:s7+s2] =	stream.indirect_vreg.scatter [tilespmem:s15], [sflag:$0x2], $0x80, v4, vm0, $0xb8;
	[tilespmem:$0x10400] =	vst v63  }
0xb0: {  	s16 =	simm.s32 $0xA400  }
0xb1: {  	[hbm4b:s3+s2] =	stream.indirect_vreg.scatter [tilespmem:s16], [sflag:$0x2], $0x80, v3, vm0, $0xb8;
	[tilespmem:$0x10400] =	vst v63  }
0xb2: {  	s0 =	simm.s32 $0xAC00  }
0xb3: {  	[hbm4b:s5+s2] =	stream.indirect_vreg.scatter [tilespmem:s0], [sflag:$0x2], $0x80, v3, vm0, $0xb8;
	[tilespmem:$0x10400] =	vst v63  }
0xb4: {  	s1 =	simm.s32 $0xB400  }
0xb5: {  	[hbm4b:s6+s2] =	stream.indirect_vreg.scatter [tilespmem:s1], [sflag:$0x2], $0x80, v3, vm0, $0xb8;
	[tilespmem:$0x10400] =	vst v63  }
0xb6: {  	s19 =	simm.s32 $0xBC00  }
0xb7: {  	[hbm4b:s7+s2] =	stream.indirect_vreg.scatter [tilespmem:s19], [sflag:$0x2], $0x80, v3, vm0, $0xb8;
	[tilespmem:$0x10400] =	vst v63  }
0xb8: {  	v3 =	vld [tilespmem:$0x290];
	_ =	sdelay $0x4  }
0xb9: {  	v55 =	vshll.u32 v3, $0x3  }
0xba: {  	v3 =	vand.u32 $0x7, v3;
	v4 =	vand.u32 $0xFFFFFFC0, v55  }
0xbb: {  	v3 =	vor.u32 v3, v4  }
0xbc: {  	v4 =	vperm.xlane v3, v0;
	_ =	sdelay $0x1  }
0xbd: {  	v4 =	vadd.s32 v1, v4;
	_ =	sdelay $0x3  }
0xbe: {  	s18 =	simm.s32 $0xC400  }
0xbf: {  	[hbm4b:s3+s2] =	stream.indirect_vreg.scatter [tilespmem:s18], [sflag:$0x2], $0x80, v4, vm0, $0xb8;
	[tilespmem:$0x10400] =	vst v63  }
0xc0: {  	s23 =	simm.s32 $0xCC00;
	v3 =	vperm.xlane v3, v2  }
0xc1: {  	[hbm4b:s5+s2] =	stream.indirect_vreg.scatter [tilespmem:s23], [sflag:$0x2], $0x80, v4, vm0, $0xb8;
	[tilespmem:$0x10400] =	vst v63  }
0xc2: {  	s4 =	simm.s32 $0xD400;
	v3 =	vadd.s32 v1, v3  }
0xc3: {  	[hbm4b:s6+s2] =	stream.indirect_vreg.scatter [tilespmem:s4], [sflag:$0x2], $0x80, v4, vm0, $0xb8;
	[tilespmem:$0x10400] =	vst v63  }
0xc4: {  	s10 =	simm.s32 $0xDC00  }
0xc5: {  	[hbm4b:s7+s2] =	stream.indirect_vreg.scatter [tilespmem:s10], [sflag:$0x2], $0x80, v4, vm0, $0xb8;
	[tilespmem:$0x10400] =	vst v63  }
0xc6: {  	s11 =	simm.s32 $0xE400  }
0xc7: {  	[hbm4b:s3+s2] =	stream.indirect_vreg.scatter [tilespmem:s11], [sflag:$0x2], $0x80, v3, vm0, $0xb8;
	[tilespmem:$0x10400] =	vst v63  }
0xc8: {  	s12 =	simm.s32 $0xEC00  }
0xc9: {  	[hbm4b:s5+s2] =	stream.indirect_vreg.scatter [tilespmem:s12], [sflag:$0x2], $0x80, v3, vm0, $0xb8;
	[tilespmem:$0x10400] =	vst v63  }
0xca: {  	s13 =	simm.s32 $0xF400  }
0xcb: {  	[hbm4b:s6+s2] =	stream.indirect_vreg.scatter [tilespmem:s13], [sflag:$0x2], $0x80, v3, vm0, $0xb8;
	[tilespmem:$0x10400] =	vst v63  }
0xcc: {  	s21 =	simm.s32 $0xFC00  }
0xcd: {  	[hbm4b:s7+s2] =	stream.indirect_vreg.scatter [tilespmem:s21], [sflag:$0x2], $0x80, v3, vm0, $0xb8;
	[tilespmem:$0x10400] =	vst v63  }
0xce: {  	_ =	swait.ge [sflag:s25], $0x8000  }
0xcf: {  	[sflag:s25] =	ssyncset.done $0x0  }
0xd0: {  	[sflag:s25] =	ssyncadd.s32 $0xFFFF8000  }
0xd1: {  	_ =	swait.ge [sflag:s20], $0x8000  }
0xd2: {  	[sflag:s20] =	ssyncset.done $0x0  }
0xd3: {  	s1 =	rddreg [dreg:$0x7];
	[sflag:s20] =	ssyncadd.s32 $0xFFFF8000  }
0xd4: {  	[tilespmem:s26], [sflag:$0x3] =	stream.linear.gather [hbm4b:s1+s2], $0x8000, $0x38;
	[tilespmem:$0x10400] =	vst v63  }
0xd5: {  	_ =	swait.ge [sflag:s9], $0x8000  }
0xd6: {  	[sflag:s9] =	ssyncset.done $0x0  }
0xd7: {  	[sflag:s9] =	ssyncadd.s32 $0xFFFF8000  }
0xd8: {  	v3 =	vld [tilespmem:$0x100];
	_ =	sdelay $0x4  }
0xd9: {  	v56 =	vshll.u32 v3, $0x3  }
0xda: {  	v3 =	vand.u32 $0x7, v3;
	v4 =	vand.u32 $0xFFFFFFC0, v56  }
0xdb: {  	v3 =	vor.u32 v3, v4  }
0xdc: {  	v4 =	vperm.xlane v3, v0;
	_ =	sdelay $0x1  }
0xdd: {  	v4 =	vadd.s32 v1, v4;
	_ =	sdelay $0x4  }
0xde: {  	[hbm4b:s3+s2] =	stream.indirect_vreg.scatter [tilespmem:s26], [sflag:$0x1], $0x80, v4, vm0, $0xb8;
	[tilespmem:$0x10400] =	vst v63  }
0xdf: {  	v3 =	vperm.xlane v3, v2  }
0xe0: {  	[hbm4b:s5+s2] =	stream.indirect_vreg.scatter [tilespmem:s22], [sflag:$0x1], $0x80, v4, vm0, $0xb8;
	[tilespmem:$0x10400] =	vst v63  }
0xe1: {  	s4 =	simm.s32 $0x1400;
	v3 =	vadd.s32 v1, v3  }
0xe2: {  	[hbm4b:s6+s2] =	stream.indirect_vreg.scatter [tilespmem:s4], [sflag:$0x1], $0x80, v4, vm0, $0xb8;
	[tilespmem:$0x10400] =	vst v63  }
0xe3: {  	s10 =	simm.s32 $0x1C00  }
0xe4: {  	[hbm4b:s7+s2] =	stream.indirect_vreg.scatter [tilespmem:s10], [sflag:$0x1], $0x80, v4, vm0, $0xb8;
	[tilespmem:$0x10400] =	vst v63  }
0xe5: {  	s11 =	simm.s32 $0x2400  }
0xe6: {  	[hbm4b:s3+s2] =	stream.indirect_vreg.scatter [tilespmem:s11], [sflag:$0x1], $0x80, v3, vm0, $0xb8;
	[tilespmem:$0x10400] =	vst v63  }
0xe7: {  	_ = 	snop  }
0xe8: {  	[hbm4b:s5+s2] =	stream.indirect_vreg.scatter [tilespmem:s28], [sflag:$0x1], $0x80, v3, vm0, $0xb8;
	[tilespmem:$0x10400] =	vst v63  }
0xe9: {  	_ = 	snop  }
0xea: {  	[hbm4b:s6+s2] =	stream.indirect_vreg.scatter [tilespmem:s29], [sflag:$0x1], $0x80, v3, vm0, $0xb8;
	[tilespmem:$0x10400] =	vst v63  }
0xeb: {  	_ = 	snop  }
0xec: {  	[hbm4b:s7+s2] =	stream.indirect_vreg.scatter [tilespmem:s30], [sflag:$0x1], $0x80, v3, vm0, $0xb8;
	[tilespmem:$0x10400] =	vst v63  }
0xed: {  	v3 =	vld [tilespmem:$0x110];
	_ =	sdelay $0x4  }
0xee: {  	v57 =	vshll.u32 v3, $0x3  }
0xef: {  	v3 =	vand.u32 $0x7, v3;
	v4 =	vand.u32 $0xFFFFFFC0, v57  }
0xf0: {  	v3 =	vor.u32 v3, v4  }
0xf1: {  	v4 =	vperm.xlane v3, v0;
	_ =	sdelay $0x1  }
0xf2: {  	v4 =	vadd.s32 v1, v4;
	_ =	sdelay $0x4  }
0xf3: {  	[hbm4b:s3+s2] =	stream.indirect_vreg.scatter [tilespmem:s31], [sflag:$0x1], $0x80, v4, vm0, $0xb8;
	[tilespmem:$0x10400] =	vst v63  }
0xf4: {  	s12 =	simm.s32 $0x4C00;
	v3 =	vperm.xlane v3, v2  }
0xf5: {  	[hbm4b:s5+s2] =	stream.indirect_vreg.scatter [tilespmem:s12], [sflag:$0x1], $0x80, v4, vm0, $0xb8;
	[tilespmem:$0x10400] =	vst v63  }
0xf6: {  	s13 =	simm.s32 $0x5400;
	v3 =	vadd.s32 v1, v3  }
0xf7: {  	[hbm4b:s6+s2] =	stream.indirect_vreg.scatter [tilespmem:s13], [sflag:$0x1], $0x80, v4, vm0, $0xb8;
	[tilespmem:$0x10400] =	vst v63  }
0xf8: {  	s14 =	simm.s32 $0x5C00  }
0xf9: {  	[hbm4b:s7+s2] =	stream.indirect_vreg.scatter [tilespmem:s14], [sflag:$0x1], $0x80, v4, vm0, $0xb8;
	[tilespmem:$0x10400] =	vst v63  }
0xfa: {  	s16 =	simm.s32 $0x6400  }
0xfb: {  	[hbm4b:s3+s2] =	stream.indirect_vreg.scatter [tilespmem:s16], [sflag:$0x1], $0x80, v3, vm0, $0xb8;
	[tilespmem:$0x10400] =	vst v63  }
0xfc: {  	s18 =	simm.s32 $0x6C00  }
0xfd: {  	[hbm4b:s5+s2] =	stream.indirect_vreg.scatter [tilespmem:s18], [sflag:$0x1], $0x80, v3, vm0, $0xb8;
	[tilespmem:$0x10400] =	vst v63  }
0xfe: {  	s19 =	simm.s32 $0x7400  }
0xff: {  	[hbm4b:s6+s2] =	stream.indirect_vreg.scatter [tilespmem:s19], [sflag:$0x1], $0x80, v3, vm0, $0xb8;
	[tilespmem:$0x10400] =	vst v63  }
0x100: {  	s21 =	simm.s32 $0x7C00  }
0x101: {  	[hbm4b:s7+s2] =	stream.indirect_vreg.scatter [tilespmem:s21], [sflag:$0x1], $0x80, v3, vm0, $0xb8;
	[tilespmem:$0x10400] =	vst v63  }
0x102: {  	v3 =	vld [tilespmem:$0x300];
	_ =	sdelay $0x4  }
0x103: {  	v58 =	vshll.u32 v3, $0x3  }
0x104: {  	v3 =	vand.u32 $0x7, v3;
	v4 =	vand.u32 $0xFFFFFFC0, v58  }
0x105: {  	v3 =	vor.u32 v3, v4  }
0x106: {  	v4 =	vperm.xlane v3, v0;
	_ =	sdelay $0x1  }
0x107: {  	v4 =	vadd.s32 v1, v4;
	_ =	sdelay $0x4  }
0x108: {  	[hbm4b:s3+s2] =	stream.indirect_vreg.scatter [tilespmem:s26], [sflag:$0x2], $0x80, v4, vm0, $0xb8;
	[tilespmem:$0x10400] =	vst v63  }
0x109: {  	v3 =	vperm.xlane v3, v2  }
0x10a: {  	[hbm4b:s5+s2] =	stream.indirect_vreg.scatter [tilespmem:s22], [sflag:$0x2], $0x80, v4, vm0, $0xb8;
	[tilespmem:$0x10400] =	vst v63  }
0x10b: {  	v3 =	vadd.s32 v1, v3  }
0x10c: {  	[hbm4b:s6+s2] =	stream.indirect_vreg.scatter [tilespmem:s4], [sflag:$0x2], $0x80, v4, vm0, $0xb8;
	[tilespmem:$0x10400] =	vst v63  }
0x10d: {  	_ = 	snop  }
0x10e: {  	[hbm4b:s7+s2] =	stream.indirect_vreg.scatter [tilespmem:s10], [sflag:$0x2], $0x80, v4, vm0, $0xb8;
	[tilespmem:$0x10400] =	vst v63  }
0x10f: {  	_ = 	snop  }
0x110: {  	[hbm4b:s3+s2] =	stream.indirect_vreg.scatter [tilespmem:s11], [sflag:$0x2], $0x80, v3, vm0, $0xb8;
	[tilespmem:$0x10400] =	vst v63  }
0x111: {  	_ = 	snop  }
0x112: {  	[hbm4b:s5+s2] =	stream.indirect_vreg.scatter [tilespmem:s28], [sflag:$0x2], $0x80, v3, vm0, $0xb8;
	[tilespmem:$0x10400] =	vst v63  }
0x113: {  	_ = 	snop  }
0x114: {  	[hbm4b:s6+s2] =	stream.indirect_vreg.scatter [tilespmem:s29], [sflag:$0x2], $0x80, v3, vm0, $0xb8;
	[tilespmem:$0x10400] =	vst v63  }
0x115: {  	_ = 	snop  }
0x116: {  	[hbm4b:s7+s2] =	stream.indirect_vreg.scatter [tilespmem:s30], [sflag:$0x2], $0x80, v3, vm0, $0xb8;
	[tilespmem:$0x10400] =	vst v63  }
0x117: {  	v3 =	vld [tilespmem:$0x310];
	_ =	sdelay $0x4  }
0x118: {  	v59 =	vshll.u32 v3, $0x3  }
0x119: {  	v3 =	vand.u32 $0x7, v3;
	v4 =	vand.u32 $0xFFFFFFC0, v59  }
0x11a: {  	v3 =	vor.u32 v3, v4  }
0x11b: {  	v4 =	vperm.xlane v3, v0;
	_ =	sdelay $0x1  }
0x11c: {  	v4 =	vadd.s32 v1, v4;
	_ =	sdelay $0x4  }
0x11d: {  	[hbm4b:s3+s2] =	stream.indirect_vreg.scatter [tilespmem:s31], [sflag:$0x2], $0x80, v4, vm0, $0xb8;
	[tilespmem:$0x10400] =	vst v63  }
0x11e: {  	v3 =	vperm.xlane v3, v2  }
0x11f: {  	[hbm4b:s5+s2] =	stream.indirect_vreg.scatter [tilespmem:s12], [sflag:$0x2], $0x80, v4, vm0, $0xb8;
	[tilespmem:$0x10400] =	vst v63  }
0x120: {  	v3 =	vadd.s32 v1, v3  }
0x121: {  	[hbm4b:s6+s2] =	stream.indirect_vreg.scatter [tilespmem:s13], [sflag:$0x2], $0x80, v4, vm0, $0xb8;
	[tilespmem:$0x10400] =	vst v63  }
0x122: {  	_ = 	snop  }
0x123: {  	[hbm4b:s7+s2] =	stream.indirect_vreg.scatter [tilespmem:s14], [sflag:$0x2], $0x80, v4, vm0, $0xb8;
	[tilespmem:$0x10400] =	vst v63  }
0x124: {  	_ = 	snop  }
0x125: {  	[hbm4b:s3+s2] =	stream.indirect_vreg.scatter [tilespmem:s16], [sflag:$0x2], $0x80, v3, vm0, $0xb8;
	[tilespmem:$0x10400] =	vst v63  }
0x126: {  	_ = 	snop  }
0x127: {  	[hbm4b:s5+s2] =	stream.indirect_vreg.scatter [tilespmem:s18], [sflag:$0x2], $0x80, v3, vm0, $0xb8;
	[tilespmem:$0x10400] =	vst v63  }
0x128: {  	_ = 	snop  }
0x129: {  	[hbm4b:s6+s2] =	stream.indirect_vreg.scatter [tilespmem:s19], [sflag:$0x2], $0x80, v3, vm0, $0xb8;
	[tilespmem:$0x10400] =	vst v63  }
0x12a: {  	_ = 	snop  }
0x12b: {  	[hbm4b:s7+s2] =	stream.indirect_vreg.scatter [tilespmem:s21], [sflag:$0x2], $0x80, v3, vm0, $0xb8;
	[tilespmem:$0x10400] =	vst v63  }
0x12c: {  	_ =	swait.ge [sflag:s25], $0x8000  }
0x12d: {  	[sflag:s25] =	ssyncset.done $0x0  }
0x12e: {  	[sflag:s25] =	ssyncadd.s32 $0xFFFF8000  }
0x12f: {  	_ =	swait.ge [sflag:s20], $0x8000  }
0x130: {  	[sflag:s20] =	ssyncset.done $0x0  }
0x131: {  	s14 =	rddreg [dreg:$0x8];
	[sflag:s20] =	ssyncadd.s32 $0xFFFF8000  }
0x132: {  	[tilespmem:s17], [sflag:$0x3] =	stream.linear.gather [hbm4b:s14+s2], $0x8000, $0x38;
	[tilespmem:$0x10400] =	vst v63  }
0x133: {  	_ =	swait.ge [sflag:s9], $0x8000  }
0x134: {  	[sflag:s9] =	ssyncset.done $0x0  }
0x135: {  	[sflag:s9] =	ssyncadd.s32 $0xFFFF8000  }
0x136: {  	v3 =	vld [tilespmem:$0x180];
	_ =	sdelay $0x4  }
0x137: {  	v60 =	vshll.u32 v3, $0x3  }
0x138: {  	v3 =	vand.u32 $0x7, v3;
	v4 =	vand.u32 $0xFFFFFFC0, v60  }
0x139: {  	v3 =	vor.u32 v3, v4  }
0x13a: {  	v4 =	vperm.xlane v3, v0;
	_ =	sdelay $0x1  }
0x13b: {  	v4 =	vadd.s32 v1, v4;
	_ =	sdelay $0x4  }
0x13c: {  	[hbm4b:s3+s2] =	stream.indirect_vreg.scatter [tilespmem:s17], [sflag:$0x1], $0x80, v4, vm0, $0xb8;
	[tilespmem:$0x10400] =	vst v63  }
0x13d: {  	s24 =	simm.s32 $0x8C00;
	v3 =	vperm.xlane v3, v2  }
0x13e: {  	[hbm4b:s5+s2] =	stream.indirect_vreg.scatter [tilespmem:s24], [sflag:$0x1], $0x80, v4, vm0, $0xb8;
	[tilespmem:$0x10400] =	vst v63  }
0x13f: {  	s15 =	simm.s32 $0x9400;
	v3 =	vadd.s32 v1, v3  }
0x140: {  	[hbm4b:s6+s2] =	stream.indirect_vreg.scatter [tilespmem:s15], [sflag:$0x1], $0x80, v4, vm0, $0xb8;
	[tilespmem:$0x10400] =	vst v63  }
0x141: {  	s16 =	simm.s32 $0x9C00  }
0x142: {  	[hbm4b:s7+s2] =	stream.indirect_vreg.scatter [tilespmem:s16], [sflag:$0x1], $0x80, v4, vm0, $0xb8;
	[tilespmem:$0x10400] =	vst v63  }
0x143: {  	s0 =	simm.s32 $0xA400  }
0x144: {  	[hbm4b:s3+s2] =	stream.indirect_vreg.scatter [tilespmem:s0], [sflag:$0x1], $0x80, v3, vm0, $0xb8;
	[tilespmem:$0x10400] =	vst v63  }
0x145: {  	s1 =	simm.s32 $0xAC00  }
0x146: {  	[hbm4b:s5+s2] =	stream.indirect_vreg.scatter [tilespmem:s1], [sflag:$0x1], $0x80, v3, vm0, $0xb8;
	[tilespmem:$0x10400] =	vst v63  }
0x147: {  	s19 =	simm.s32 $0xB400  }
0x148: {  	[hbm4b:s6+s2] =	stream.indirect_vreg.scatter [tilespmem:s19], [sflag:$0x1], $0x80, v3, vm0, $0xb8;
	[tilespmem:$0x10400] =	vst v63  }
0x149: {  	s18 =	simm.s32 $0xBC00  }
0x14a: {  	[hbm4b:s7+s2] =	stream.indirect_vreg.scatter [tilespmem:s18], [sflag:$0x1], $0x80, v3, vm0, $0xb8;
	[tilespmem:$0x10400] =	vst v63  }
0x14b: {  	v3 =	vld [tilespmem:$0x190];
	_ =	sdelay $0x4  }
0x14c: {  	v61 =	vshll.u32 v3, $0x3  }
0x14d: {  	v3 =	vand.u32 $0x7, v3;
	v4 =	vand.u32 $0xFFFFFFC0, v61  }
0x14e: {  	v3 =	vor.u32 v3, v4  }
0x14f: {  	v4 =	vperm.xlane v3, v0;
	_ =	sdelay $0x1  }
0x150: {  	v4 =	vadd.s32 v1, v4;
	_ =	sdelay $0x3  }
0x151: {  	s21 =	simm.s32 $0xC400  }
0x152: {  	[hbm4b:s3+s2] =	stream.indirect_vreg.scatter [tilespmem:s21], [sflag:$0x1], $0x80, v4, vm0, $0xb8;
	[tilespmem:$0x10400] =	vst v63  }
0x153: {  	s4 =	simm.s32 $0xCC00;
	v3 =	vperm.xlane v3, v2  }
0x154: {  	[hbm4b:s5+s2] =	stream.indirect_vreg.scatter [tilespmem:s4], [sflag:$0x1], $0x80, v4, vm0, $0xb8;
	[tilespmem:$0x10400] =	vst v63  }
0x155: {  	s10 =	simm.s32 $0xD400;
	v3 =	vadd.s32 v1, v3  }
0x156: {  	[hbm4b:s6+s2] =	stream.indirect_vreg.scatter [tilespmem:s10], [sflag:$0x1], $0x80, v4, vm0, $0xb8;
	[tilespmem:$0x10400] =	vst v63  }
0x157: {  	s11 =	simm.s32 $0xDC00  }
0x158: {  	[hbm4b:s7+s2] =	stream.indirect_vreg.scatter [tilespmem:s11], [sflag:$0x1], $0x80, v4, vm0, $0xb8;
	[tilespmem:$0x10400] =	vst v63  }
0x159: {  	s12 =	simm.s32 $0xE400  }
0x15a: {  	[hbm4b:s3+s2] =	stream.indirect_vreg.scatter [tilespmem:s12], [sflag:$0x1], $0x80, v3, vm0, $0xb8;
	[tilespmem:$0x10400] =	vst v63  }
0x15b: {  	s13 =	simm.s32 $0xEC00  }
0x15c: {  	[hbm4b:s5+s2] =	stream.indirect_vreg.scatter [tilespmem:s13], [sflag:$0x1], $0x80, v3, vm0, $0xb8;
	[tilespmem:$0x10400] =	vst v63  }
0x15d: {  	s22 =	simm.s32 $0xF400  }
0x15e: {  	[hbm4b:s6+s2] =	stream.indirect_vreg.scatter [tilespmem:s22], [sflag:$0x1], $0x80, v3, vm0, $0xb8;
	[tilespmem:$0x10400] =	vst v63  }
0x15f: {  	s23 =	simm.s32 $0xFC00  }
0x160: {  	[hbm4b:s7+s2] =	stream.indirect_vreg.scatter [tilespmem:s23], [sflag:$0x1], $0x80, v3, vm0, $0xb8;
	[tilespmem:$0x10400] =	vst v63  }
0x161: {  	v3 =	vld [tilespmem:$0x380];
	_ =	sdelay $0x4  }
0x162: {  	v62 =	vshll.u32 v3, $0x3  }
0x163: {  	v3 =	vand.u32 $0x7, v3;
	v4 =	vand.u32 $0xFFFFFFC0, v62  }
0x164: {  	v3 =	vor.u32 v3, v4  }
0x165: {  	v4 =	vperm.xlane v3, v0;
	_ =	sdelay $0x1  }
0x166: {  	v4 =	vadd.s32 v1, v4;
	_ =	sdelay $0x4  }
0x167: {  	[hbm4b:s3+s2] =	stream.indirect_vreg.scatter [tilespmem:s17], [sflag:$0x2], $0x80, v4, vm0, $0xb8;
	[tilespmem:$0x10400] =	vst v63  }
0x168: {  	v3 =	vperm.xlane v3, v2  }
0x169: {  	[hbm4b:s5+s2] =	stream.indirect_vreg.scatter [tilespmem:s24], [sflag:$0x2], $0x80, v4, vm0, $0xb8;
	[tilespmem:$0x10400] =	vst v63  }
0x16a: {  	v3 =	vadd.s32 v1, v3  }
0x16b: {  	[hbm4b:s6+s2] =	stream.indirect_vreg.scatter [tilespmem:s15], [sflag:$0x2], $0x80, v4, vm0, $0xb8;
	[tilespmem:$0x10400] =	vst v63  }
0x16c: {  	_ = 	snop  }
0x16d: {  	[hbm4b:s7+s2] =	stream.indirect_vreg.scatter [tilespmem:s16], [sflag:$0x2], $0x80, v4, vm0, $0xb8;
	[tilespmem:$0x10400] =	vst v63  }
0x16e: {  	_ = 	snop  }
0x16f: {  	[hbm4b:s3+s2] =	stream.indirect_vreg.scatter [tilespmem:s0], [sflag:$0x2], $0x80, v3, vm0, $0xb8;
	[tilespmem:$0x10400] =	vst v63  }
0x170: {  	_ = 	snop  }
0x171: {  	[hbm4b:s5+s2] =	stream.indirect_vreg.scatter [tilespmem:s1], [sflag:$0x2], $0x80, v3, vm0, $0xb8;
	[tilespmem:$0x10400] =	vst v63  }
0x172: {  	_ = 	snop  }
0x173: {  	[hbm4b:s6+s2] =	stream.indirect_vreg.scatter [tilespmem:s19], [sflag:$0x2], $0x80, v3, vm0, $0xb8;
	[tilespmem:$0x10400] =	vst v63  }
0x174: {  	_ = 	snop  }
0x175: {  	[hbm4b:s7+s2] =	stream.indirect_vreg.scatter [tilespmem:s18], [sflag:$0x2], $0x80, v3, vm0, $0xb8;
	[tilespmem:$0x10400] =	vst v63  }
0x176: {  	v3 =	vld [tilespmem:$0x390];
	_ =	sdelay $0x4  }
0x177: {  	v63 =	vshll.u32 v3, $0x3  }
0x178: {  	v3 =	vand.u32 $0x7, v3;
	v4 =	vand.u32 $0xFFFFFFC0, v63  }
0x179: {  	v3 =	vor.u32 v3, v4  }
0x17a: {  	v4 =	vperm.xlane v3, v0;
	_ =	sdelay $0x1  }
0x17b: {  	v4 =	vadd.s32 v1, v4;
	_ =	sdelay $0x4  }
0x17c: {  	[hbm4b:s3+s2] =	stream.indirect_vreg.scatter [tilespmem:s21], [sflag:$0x2], $0x80, v4, vm0, $0xb8;
	[tilespmem:$0x10400] =	vst v63  }
0x17d: {  	v3 =	vperm.xlane v3, v2  }
0x17e: {  	[hbm4b:s5+s2] =	stream.indirect_vreg.scatter [tilespmem:s4], [sflag:$0x2], $0x80, v4, vm0, $0xb8;
	[tilespmem:$0x10400] =	vst v63  }
0x17f: {  	v3 =	vadd.s32 v1, v3  }
0x180: {  	[hbm4b:s6+s2] =	stream.indirect_vreg.scatter [tilespmem:s10], [sflag:$0x2], $0x80, v4, vm0, $0xb8;
	[tilespmem:$0x10400] =	vst v63  }
0x181: {  	_ = 	snop  }
0x182: {  	[hbm4b:s7+s2] =	stream.indirect_vreg.scatter [tilespmem:s11], [sflag:$0x2], $0x80, v4, vm0, $0xb8;
	[tilespmem:$0x10400] =	vst v63  }
0x183: {  	_ = 	snop  }
0x184: {  	[hbm4b:s3+s2] =	stream.indirect_vreg.scatter [tilespmem:s12], [sflag:$0x2], $0x80, v3, vm0, $0xb8;
	[tilespmem:$0x10400] =	vst v63  }
0x185: {  	_ = 	snop  }
0x186: {  	[hbm4b:s5+s2] =	stream.indirect_vreg.scatter [tilespmem:s13], [sflag:$0x2], $0x80, v3, vm0, $0xb8;
	[tilespmem:$0x10400] =	vst v63  }
0x187: {  	_ = 	snop  }
0x188: {  	[hbm4b:s6+s2] =	stream.indirect_vreg.scatter [tilespmem:s22], [sflag:$0x2], $0x80, v3, vm0, $0xb8;
	[tilespmem:$0x10400] =	vst v63  }
0x189: {  	_ = 	snop  }
0x18a: {  	[hbm4b:s7+s2] =	stream.indirect_vreg.scatter [tilespmem:s23], [sflag:$0x2], $0x80, v3, vm0, $0xb8;
	[tilespmem:$0x10400] =	vst v63  }
0x18b: {  	_ =	swait.ge [sflag:s25], $0x8000  }
0x18c: {  	[sflag:s25] =	ssyncset.done $0x0  }
0x18d: {  	[sflag:s25] =	ssyncadd.s32 $0xFFFF8000  }
0x18e: {  	_ =	swait.ge [sflag:s20], $0x8000  }
0x18f: {  	[sflag:s20] =	ssyncset.done $0x0  }
0x190: {  	[sflag:s20] =	ssyncadd.s32 $0xFFFF8000  }
0x191: {  	p0 =	sne.s32 s8, $0x1;
	_ =	swait.ge [sflag:s25], $0x8000  }
.Ltmp0:
0x192: {  	[sflag:s25] =	ssyncset.done $0x0;
	(pc) =	sbr.rel @p0 .LBB2_1-.Ltmp0, $4  }
0x193: {  	[sflag:s25] =	ssyncadd.s32 $0xFFFF8000  }
0x194: {  	_ =	swait.ge [sflag:s20], $0x8000  }
0x195: {  	[sflag:s20] =	ssyncset.done $0x0  }
0x196: {  	s8 =	sadd.s32 $0xFFFFFFFF, s8;
	[sflag:s20] =	ssyncadd.s32 $0xFFFF8000  }
0x197: {  	_ =	sfence.sel $0x180000  }
0x198: {  	[bflag:$0x0] =	sbarrier.arrive $0xFFFF  }
0x199: {  	_ =	strace $0x90000047  }
0x19a: {  	s0 =	stileid.u32;
	[bflag:$0x2] =	sbarrier.arrive $0xFFFF  }
0x19b: {  	p0 =	sne.s32 s0, $0x0;
	s0 =	rddreg [dreg:$0x3]  }
0x19c: {  	s0 =	sadd.s32 @!p0 $0x100000, s0  }
0x19d: {  	[sflag:s0] =	ssyncadd.tile.s32 @!p0 $0x1;
	_ =	shalt  }
.Lfunc_end2:
_tile_overlayer_lowered:
.L_overlay_start_2:
0x19e: {  	(tag) =	ssettag $0x2  }
0x19f: {  	s0 =	rddreg [dreg:$0x0];
	s2 =	stileid.u32  }
0x1a0: {  	s1 =	rddreg [dreg:$0x1];
	p0 =	sne.s32 s2, $0x0  }
0x1a1: {  	s3 =	rddreg [dreg:$0x2];
	[bflag:$0x3] =	sbarrier.arrive $0xFFFF;
	s2 =	simm.s32 @!p0 $0x1C03  }
0x1a2: {  	[timem:s3], [sflag:s2] =	dma.local @!p0 [hbm:s0], s1  }
0x1a3: {  	s0 =	simm.s32 @!p0 $0x3  }
0x1a4: {  	_ =	swait.ge @!p0 [sflag:s0], s1  }
0x1a5: {  	s1 =	ssub.s32 @!p0 $0x0, s1;
	[sflag:s0] =	ssyncset.done @!p0 $0x0  }
0x1a6: {  	[sflag:s0] =	ssyncadd.s32 @!p0 s1  }
0x1a7: {  	[bflag:$0x3] =	sbarrier.arrive $0xFFFF  }
0x1a8: {  	_ =	shalt  }

// kernel: kernel.9.cloned.1.call-start
scs
__scs_entry_jumppad:
0x0: {  	(pc) =	sbr.rel $0x88, $3  }
0x1: {  	(tag) =	ssettag $0x0;
	lr =	simm.s32 $0x1  }
0x2: {  	[smem:$0x3F9C] =	sst lr;
	_ =	strace $0xD0000000  }
0x3: {  	_ = 	snop  }
0x4: {  	_ = 	snop  }
0x5: {  	_ = 	snop  }
0x6: {  	_ = 	snop  }
0x7: {  	_ = 	snop  }
__scs_overlays_trampoline_lowered:
0x8: {  	[smem:$0x3FAB] =	sst s0  }
0x9: {  	[smem:$0x3FAC] =	sst s1  }
0xa: {  	[smem:$0x3FAD] =	sst s2  }
0xb: {  	[smem:$0x3FAE] =	sst s3  }
0xc: {  	[smem:$0x3FAF] =	sst s4  }
0xd: {  	[smem:$0x3FB0] =	sst s5  }
0xe: {  	[smem:$0x3FB1] =	sst s6  }
0xf: {  	[smem:$0x3FB2] =	sst s7  }
0x10: {  	[smem:$0x3FB3] =	sst s8  }
0x11: {  	[smem:$0x3FB4] =	sst s9;
	s0 =	simm.s32 @!p0 $0x0  }
0x12: {  	s1 =	sld [smem:$0x3F9A];
	s0 =	simm.s32 @p0 $0x1  }
0x13: {  	[smem:$0x3FB5] =	sst s0;
	s0 =	simm.s32 @!p1 $0x0  }
0x14: {  	s2 =	sld [smem:$0x3F99];
	s0 =	simm.s32 @p1 $0x1  }
0x15: {  	[smem:$0x3FB6] =	sst s0;
	s0 =	simm.s32 @!p2 $0x0  }
0x16: {  	s3 =	sld [smem:$0x3FDB];
	s0 =	simm.s32 @p2 $0x1  }
0x17: {  	s4 =	simm.s32 $0x1BF5;
	[smem:$0x3FB8] =	sst s0  }
0x18: {  	s0 =	sld [smem:$0x3F9B];
	_ =	swait.ge [sflag:s4], $0x0  }
0x19: {  	s7 =	sld [smem:$0x3F9C]  }
0x1a: {  	s8 =	sadd.s32 $0xFFFFE003, lr  }
0x1b: {  	s9 =	sadd.s32 $0xFFFFFEF7, lr;
	s5 =	simm.s32 $0xFFFFFFFF;
	p2 =	slt.u32 s8, $0xFFFFF086  }
0x1c: {  	p1 =	slt.u32 s9, $0xF7A;
	s5 =	simm.s32 @!p2 $0x0  }
0x1d: {  	s5 =	simm.s32 @p1 $0x1;
	p0 =	seq.s32 s7, s2  }
0x1e: {  	s7 =	smul.u32 @!p0 $0xF7A, s2;
	p2 =	seq.s32 @!p0 s5, $0x0  }
0x1f: {  	s9 =	smul.u32 $0xF7A, s1;
	s8 =	simm.s32 @!p0 $0x1BF5;
	p2 =	por !p2, p0  }
0x20: {  	[sflag:s8] =	ssyncset.s32 @!p0 $0xFFFFF086;
	s6 =	sadd.s32 @!p0 s3, s7;
	s7 =	simm.s32 @!p0 $0x108  }
0x21: {  	s3 =	sadd.s32 s3, s9;
	s6 =	sadd.s32 @!p0 $0x88, s6;
	s7 =	simm.s32 @p2 $0x1082  }
0x22: {  	[simem:s7], [sflag:s8] =	dma.local @!p0 [hbm:s6], $0xF7A  }
0x23: {  	s9 =	sor.u32 $0xD0000000, s2;
	s6 =	simm.s32 $0x108;
	_ =	swait.ge @!p0 [sflag:s8], $0x0  }
0x24: {  	s3 =	sadd.s32 $0x88, s3;
	s6 =	simm.s32 @!p1 $0x1082;
	[sflag:s4] =	ssyncset.s32 $0xFFFFF086  }
0x25: {  	[simem:s6], [sflag:s4] =	dma.local [hbm:s3], $0xF7A  }
0x26: {  	[smem:$0x3F9C] =	sst s1;
	(tag) =	ssettag s2;
	_ =	strace s9  }
0x27: {  	s1 =	sld [smem:$0x3FAC]  }
0x28: {  	s2 =	sld [smem:$0x3FAD]  }
0x29: {  	s4 =	sld [smem:$0x3FAF]  }
0x2a: {  	p0 =	seq.s32 s5, $0x0;
	s5 =	sld [smem:$0x3FB0]  }
0x2b: {  	s6 =	sld [smem:$0x3FB1]  }
0x2c: {  	s7 =	sld [smem:$0x3FB2]  }
0x2d: {  	s3 =	simm.s32 $0x108;
	s8 =	sld [smem:$0x3FB3]  }
0x2e: {  	s3 =	simm.s32 @!p0 $0x1082;
	s9 =	sld [smem:$0x3FB4]  }
0x2f: {  	lr =	sadd.s32 s0, s3;
	s0 =	sld [smem:$0x3FAB]  }
0x30: {  	s3 =	sld [smem:$0x3FAE]  }
0x31: {  	[smem:$0x3FB7] =	sst s10  }
0x32: {  	s10 =	sld [smem:$0x3FB5];
	_ =	sdelay $0x3  }
0x33: {  	p0 =	seq.s32 s10, $0x1;
	s10 =	sld [smem:$0x3FB7];
	_ =	sdelay $0x3  }
0x34: {  	[smem:$0x3FB7] =	sst s10  }
0x35: {  	s10 =	sld [smem:$0x3FB6];
	_ =	sdelay $0x3  }
0x36: {  	p1 =	seq.s32 s10, $0x1;
	s10 =	sld [smem:$0x3FB7];
	_ =	sdelay $0x3  }
0x37: {  	[smem:$0x3FB7] =	sst s10  }
0x38: {  	s10 =	sld [smem:$0x3FB8]  }
0x39: {  	_ = 	snop;
	(pc) =	sbr.ind lr, $3  }
0x3a: {  	_ = 	snop  }
0x3b: {  	_ = 	snop  }
0x3c: {  	p2 =	seq.s32 s10, $0x1;
	s10 =	sld [smem:$0x3FB7]  }
0x3d: {  	_ =	shalt  }
0x3e: {  	_ =	shalt  }
0x3f: {  	_ =	shalt  }
0x40: {  	_ =	shalt  }
0x41: {  	_ =	shalt  }
0x42: {  	_ =	shalt  }
0x43: {  	_ =	shalt  }
0x44: {  	_ =	shalt  }
0x45: {  	_ =	shalt  }
0x46: {  	_ =	shalt  }
0x47: {  	_ =	shalt  }
0x48: {  	_ =	shalt  }
0x49: {  	_ =	shalt  }
0x4a: {  	_ =	shalt  }
0x4b: {  	_ =	shalt  }
0x4c: {  	_ =	shalt  }
0x4d: {  	_ =	shalt  }
0x4e: {  	_ =	shalt  }
0x4f: {  	_ =	shalt  }
0x50: {  	_ =	shalt  }
0x51: {  	_ =	shalt  }
0x52: {  	_ =	shalt  }
0x53: {  	_ =	shalt  }
0x54: {  	_ =	shalt  }
0x55: {  	_ =	shalt  }
0x56: {  	_ =	shalt  }
0x57: {  	_ =	shalt  }
0x58: {  	_ =	shalt  }
0x59: {  	_ =	shalt  }
0x5a: {  	_ =	shalt  }
0x5b: {  	_ =	shalt  }
0x5c: {  	_ =	shalt  }
0x5d: {  	_ =	shalt  }
0x5e: {  	_ =	shalt  }
0x5f: {  	_ =	shalt  }
0x60: {  	_ =	shalt  }
0x61: {  	_ =	shalt  }
0x62: {  	_ =	shalt  }
0x63: {  	_ =	shalt  }
0x64: {  	_ =	shalt  }
0x65: {  	_ =	shalt  }
0x66: {  	_ =	shalt  }
0x67: {  	_ =	shalt  }
0x68: {  	_ =	shalt  }
0x69: {  	_ =	shalt  }
0x6a: {  	_ =	shalt  }
0x6b: {  	_ =	shalt  }
0x6c: {  	_ =	shalt  }
0x6d: {  	_ =	shalt  }
0x6e: {  	_ =	shalt  }
0x6f: {  	_ =	shalt  }
0x70: {  	_ =	shalt  }
0x71: {  	_ =	shalt  }
0x72: {  	_ =	shalt  }
0x73: {  	_ =	shalt  }
0x74: {  	_ =	shalt  }
0x75: {  	_ =	shalt  }
0x76: {  	_ =	shalt  }
0x77: {  	_ =	shalt  }
0x78: {  	_ =	shalt  }
0x79: {  	_ =	shalt  }
0x7a: {  	_ =	shalt  }
0x7b: {  	_ =	shalt  }
0x7c: {  	_ =	shalt  }
0x7d: {  	_ =	shalt  }
0x7e: {  	_ =	shalt  }
0x7f: {  	_ =	shalt  }
0x80: {  	_ =	shalt  }
0x81: {  	_ =	shalt  }
0x82: {  	_ =	shalt  }
0x83: {  	_ =	shalt  }
0x84: {  	_ =	shalt  }
0x85: {  	_ =	shalt  }
0x86: {  	_ =	shalt  }
0x87: {  	_ =	shalt  }
.Lfunc_end0:
.L_simem_size_0:
called_computation.1_lowered:
.L_overlay_start_0:
0x88: {  	s2 =	sld [smem:$0x3FD9]  }
0x89: {  	s3 =	sld [smem:$0x3FFE];
	_ =	sdelay $0x1  }
0x8a: {  	s1 =	srdreg.scid  }
0x8b: {  	s0 =	sand.u32 $0x1, s1  }
0x8c: {  	s14 =	sshll.u32 s0, $0xA;
	s2 =	sadd.s32 s3, s2  }
0x8d: {  	s2 =	sadd.s32 s2, s14  }
0x8e: {  	[smem:$0x3FC3] =	sst s2  }
0x8f: {  	_ = 	snop  }
0x90: {  	s2 =	sld [smem:$0x3FD0];
	_ =	sdelay $0x2  }
0x91: {  	s15 =	simm.s32 $0xA;
	s4 =	simm.s32 $0x10  }
0x92: {  	[smem:s4], [sflag:s15] =	dma.local [hbm:s2], $0x1  }
0x93: {  	_ =	swait.eq [sflag:s15], $0x1  }
0x94: {  	[sflag:s15] =	ssyncset.done $0x0  }
0x95: {  	[sflag:s15] =	ssyncadd.s32 $0xFFFFFFFF  }
0x96: {  	s16 =	sld [smem:$0x10];
	(tm) =	ssettm $0x1  }
0x97: {  	s17 =	sld [smem:$0x3FFB];
	_ =	sdelay $0x3  }
0x98: {  	_ =	strace s17  }
0x99: {  	s3 =	sld [smem:$0x3FFC];
	_ =	sdelay $0x3  }
0x9a: {  	_ =	strace s3  }
0x9b: {  	s3 =	sld [smem:$0x3FFD];
	_ =	sdelay $0x3  }
0x9c: {  	_ =	strace s3  }
0x9d: {  	_ =	strace $0x8FFFFFFF  }
0x9e: {  	s18 =	sld [smem:$0x3FDB];
	_ =	sdelay $0x1  }
0x9f: {  	s19 =	simm.s32 $_scs_section_size  }
0xa0: {  	s5 =	simm.s32 $_size__tile_overlayer_lowered;
	s6 =	simm.s32 $_tile_overlayer_lowered  }
0xa1: {  	s22 =	simm.s32 $0x1BFF;
	s21 =	sshll.u32 s6, $0x1;
	s3 =	sadd.s32 s19, s18  }
0xa2: {  	s7 =	simm.s32 $0x0;
	s20 =	sshll.u32 s5, $0x1;
	s5 =	sadd.s32 s21, s3  }
0xa3: {  	[timem:s7], [sflag:s22] =	dma.local [hbm:s5], s20  }
0xa4: {  	_ =	swait.ge [sflag:s22], s20  }
0xa5: {  	s4 =	ssub.s32 $0x0, s20;
	[sflag:s22] =	ssyncset.done $0x0  }
0xa6: {  	[sflag:s22] =	ssyncadd.s32 s4;
	_ =	sdelay $0x1  }
0xa7: {  	s23 =	simm.s32 $0x1B8B  }
0xa8: {  	_ =	swait.ge [sflag:s23], $0x1  }
0xa9: {  	[sflag:s23] =	ssyncset.done $0x0  }
0xaa: {  	s25 =	simm.s32 $0x1B8E;
	s24 =	sld [smem:$0x3FFE];
	[sflag:s23] =	ssyncadd.s32 $0xFFFFFFFF  }
0xab: {  	s26 =	simm.s32 $execute0_lowered;
	[smem:$0x3FD2] =	sst s25  }
0xac: {  	s5 =	sshll.u32 s26, $0x1;
	_ =	strace $0x80000049;
	[dreg:$0x1] =	wrdreg $0xFFFFFFFF  }
0xad: {  	s28 =	simm.s32 $_size_execute0_lowered;
	s3 =	sadd.s32 s3, s5;
	[dreg:$0x0] =	wrdreg $0x0  }
0xae: {  	s5 =	sshll.u32 s28, $0x1;
	[dreg:$0x2] =	wrdreg s3  }
0xaf: {  	[dreg:$0x3] =	wrdreg s5  }
0xb0: {  	[dreg:$0x4] =	wrdreg $0xC0  }
0xb1: {  	_ =	task [dreg:s7], $0x5FFFF  }
0xb2: {  	[dreg:$0x1] =	wrdreg $0xFFFFFFFF  }
0xb3: {  	[dreg:$0x0] =	wrdreg $0x60  }
0xb4: {  	[dreg:$0x2] =	wrdreg s24  }
0xb5: {  	[dreg:$0x3] =	wrdreg s16  }
0xb6: {  	[dreg:$0x4] =	wrdreg $0x9  }
0xb7: {  	_ =	task.clear_ibuf [dreg:s7], $0x5FFFF;
	_ =	strace $0x90000049  }
0xb8: {  	s29 =	simm.s32 $0x9;
	_ =	strace $0x8000004B  }
0xb9: {  	_ =	swait.ge [sflag:s29], $0x1  }
0xba: {  	[sflag:s29] =	ssyncadd.s32 $0xFFFFFFFF  }
0xbb: {  	_ =	strace $0x9000004B  }
0xbc: {  	_ =	sfence  }
0xbd: {  	s30 =	sld [smem:$0x0];
	_ =	sdelay $0x2  }
0xbe: {  	s31 =	sshll.u32 s1, $0xD;
	s1 =	sshrl.u32 s1, $0x2  }
0xbf: {  	s3 =	sand.u32 $0x4000, s31;
	s1 =	sadd.s32 s1, s30  }
0xc0: {  	s0 =	sor.u32 s3, s0;
	s1 =	sshll.u32 s1, $0x11  }
0xc1: {  	s0 =	sor.u32 s1, s0  }
0xc2: {  	s0 =	sadd.s32 $0x8F2B, s0  }
0xc3: {  	[sflag:s0] =	ssyncadd.remote.s32 $0x1  }
0xc4: {  	_ =	sfence.sel $0xFFFF  }
0xc5: {  	[dreg:$0x0] =	wrdreg $0xFFFFFFFF;
	(pc) =	sbr.abs _section_cstart, $3  }
0xc6: {  	[dreg:$0x1] =	wrdreg $0xFFFFFFFF  }
0xc7: {  	_ =	task.clear_ibuf [dreg:s7], $0x2FFFF;
	_ =	strace $0x9FFFFFFF  }
0xc8: {  	(tm) =	ssettm $0x7FFFFFFF  }
0xc9: {  	_ =	shalt  }
tec
execute0_lowered:
.L_overlay_start_1:
0x0: {  	(tag) =	ssettag $0x1  }
0x1: {  	s0 =	rddreg [dreg:$0x0]  }
0x2: {  	s1 =	rddreg [dreg:$0x1];
	s3 =	srdreg.scid  }
0x3: {  	s2 =	simm.s32 $0x0;
	s4 =	stileid.u32;
	s13 =	simm.s32 $0xC100  }
0x4: {  	s11 =	simm.s32 $0x14100;
	s28 =	simm.s32 $0x15900;
	s29 =	simm.s32 $0x16100  }
0x5: {  	s30 =	simm.s32 $0x16900;
	s31 =	simm.s32 $0x17100;
	s3 =	sand.u32 $0x1, s3  }
0x6: {  	[smem:$0x7FF] =	sst s2;
	s4 =	sshll.u32 s4, $0x8;
	s5 =	sshll.u32 s3, $0x7  }
0x7: {  	s9 =	sadd.s32 $0x121A00, s0;
	s17 =	ssub.s32 $0x2, s3;
	s4 =	sor.u32 s5, s4  }
0x8: {  	_ =	strace $0x8000004A;
	s7 =	sshrl.u32 s17, $0x1;
	s18 =	sshll.u32 s4, $0x4  }
0x9: {  	s6 =	sshrl.u32 s4, $0x3;
	s4 =	sshll.u32 s4, $0x7;
	s19 =	sadd.s32 s0, s18  }
0xa: {  	s5 =	ssub.s32 s17, s7;
	s20 =	sadd.s32 s1, s4;
	[dreg:$0x5] =	wrdreg s19  }
0xb: {  	s6 =	sadd.s32 s6, s0;
	s26 =	smax.u32 s5, $0x1;
	[dreg:$0x7] =	wrdreg s20  }
0xc: {  	s10 =	sadd.s32 $0x121B00, s0;
	s8 =	sadd.s32 $0x20A00, s6;
	[dreg:$0xf] =	wrdreg s26  }
0xd: {  	s3 =	sadd.s32 $0x121800, s0;
	s6 =	sadd.s32 $0x20800, s6;
	[dreg:$0x3] =	wrdreg s8  }
0xe: {  	s7 =	simm.s32 $0x0;
	s1 =	sadd.s32 $0x800, s20;
	[dreg:$0x4] =	wrdreg s6  }
0xf: {  	s4 =	simm.s32 $0x4;
	s21 =	sadd.s32 $0x1000, s20;
	[dreg:$0x8] =	wrdreg s1  }
0x10: {  	s5 =	simm.s32 $0x6;
	s22 =	sadd.s32 $0x1800, s20;
	[dreg:$0x9] =	wrdreg s21  }
0x11: {  	s23 =	sadd.s32 $0x2000, s20;
	s24 =	sadd.s32 $0x2800, s20;
	[dreg:$0xa] =	wrdreg s22  }
0x12: {  	s25 =	sadd.s32 $0x3000, s20;
	s26 =	simm.s32 $0x15100;
	[dreg:$0xb] =	wrdreg s23  }
0x13: {  	s6 =	sadd.s32 $0x10000, s19;
	s8 =	sadd.s32 $0x121900, s0;
	[dreg:$0xc] =	wrdreg s24  }
0x14: {  	[dreg:$0xd] =	wrdreg s25;
	s0 =	sadd.s32 $0x3800, s20;
	s20 =	simm.s32 $0x7  }
0x15: {  	v2 =	vlaneseq.u32;
	s24 =	simm.s32 $0x8100;
	s25 =	simm.s32 $0x14900;
	s1 =	simm.s32 $0x1  }
0x16: {  	vm0 =	vmmov $0xffff;
	v1 =	vshrl.u32 v2, $0x3;
	s21 =	simm.s32 $0x3;
	s22 =	simm.s32 $0x5;
	[dreg:$0x6] =	wrdreg s6  }
0x17: {  	v0 =	vand.u32 $0x7, v2;
	v2 =	vor.u32 $0x8, v2;
	v1 =	vmul.u32 $0x8, v1;
	s23 =	simm.s32 $0x2;
	[dreg:$0xe] =	wrdreg s0;
	s0 =	simm.s32 $0x17900  }
.LBB2_1:
0x18: {  	s6 =	rddreg [dreg:$0x3]  }
0x19: {  	[tilespmem:s2], [sflag:$0x7] =	stream.linear.gather [hbm4b:s6+s2], $0x80, $0x38;
	[tilespmem:$0x18100] =	vst v63  }
0x1a: {  	_ =	swait.ge [sflag:s20], $0x80  }
0x1b: {  	[sflag:s20] =	ssyncset.done $0x0  }
0x1c: {  	s12 =	simm.s32 $0x80;
	s14 =	rddreg [dreg:$0x4];
	[sflag:s20] =	ssyncadd.s32 $0xFFFFFF80  }
0x1d: {  	[tilespmem:s12], [sflag:$0x7] =	stream.linear.gather [hbm4b:s14+s2], $0x80, $0x38;
	[tilespmem:$0x18100] =	vst v63  }
0x1e: {  	_ =	swait.ge [sflag:s20], $0x80  }
0x1f: {  	[sflag:s20] =	ssyncset.done $0x0  }
0x20: {  	s16 =	simm.s32 $0x100;
	s15 =	rddreg [dreg:$0x5];
	[sflag:s20] =	ssyncadd.s32 $0xFFFFFF80  }
0x21: {  	[tilespmem:s16], [sflag:$0x7] =	stream.linear.gather [hbm4b:s15+s2], $0x4000, $0x38;
	[tilespmem:$0x18100] =	vst v63  }
0x22: {  	_ =	swait.ge [sflag:s20], $0x4000  }
0x23: {  	[sflag:s20] =	ssyncset.done $0x0  }
0x24: {  	s18 =	simm.s32 $0x4100;
	s17 =	rddreg [dreg:$0x6];
	[sflag:s20] =	ssyncadd.s32 $0xFFFFC000  }
0x25: {  	[tilespmem:s18], [sflag:$0x7] =	stream.linear.gather [hbm4b:s17+s2], $0x4000, $0x38;
	[tilespmem:$0x18100] =	vst v63  }
0x26: {  	_ =	swait.ge [sflag:s20], $0x4000  }
0x27: {  	[sflag:s20] =	ssyncset.done $0x0  }
0x28: {  	[sflag:s20] =	ssyncadd.s32 $0xFFFFC000  }
0x29: {  	v3 =	vld [tilespmem:$0x0];
	_ =	sdelay $0x4  }
0x2a: {  	v4 =	vshll.u32 v3, $0x3  }
0x2b: {  	v3 =	vand.u32 $0x7, v3;
	v4 =	vand.u32 $0xFFFFFFC0, v4  }
0x2c: {  	v3 =	vor.u32 v3, v4  }
0x2d: {  	v4 =	vperm.xlane v3, v0;
	_ =	sdelay $0x1  }
0x2e: {  	v4 =	vadd.s32 v1, v4;
	_ =	sdelay $0x4  }
0x2f: {  	[tilespmem:s24], [sflag:$0x1] =	stream.indirect_vreg.gather [hbm4b:s3+s2], $0x80, v4, vm0, $0xb8;
	[tilespmem:$0x18100] =	vst v63  }
0x30: {  	s19 =	simm.s32 $0x8900;
	v3 =	vperm.xlane v3, v2  }
0x31: {  	[tilespmem:s19], [sflag:$0x1] =	stream.indirect_vreg.gather [hbm4b:s8+s2], $0x80, v4, vm0, $0xb8;
	[tilespmem:$0x18100] =	vst v63  }
0x32: {  	s12 =	simm.s32 $0x9100;
	v3 =	vadd.s32 v1, v3  }
0x33: {  	[tilespmem:s12], [sflag:$0x1] =	stream.indirect_vreg.gather [hbm4b:s9+s2], $0x80, v4, vm0, $0xb8;
	[tilespmem:$0x18100] =	vst v63  }
0x34: {  	s14 =	simm.s32 $0x9900  }
0x35: {  	[tilespmem:s14], [sflag:$0x1] =	stream.indirect_vreg.gather [hbm4b:s10+s2], $0x80, v4, vm0, $0xb8;
	[tilespmem:$0x18100] =	vst v63  }
0x36: {  	s15 =	simm.s32 $0xA100  }
0x37: {  	[tilespmem:s15], [sflag:$0x1] =	stream.indirect_vreg.gather [hbm4b:s3+s2], $0x80, v3, vm0, $0xb8;
	[tilespmem:$0x18100] =	vst v63  }
0x38: {  	s16 =	simm.s32 $0xA900  }
0x39: {  	[tilespmem:s16], [sflag:$0x1] =	stream.indirect_vreg.gather [hbm4b:s8+s2], $0x80, v3, vm0, $0xb8;
	[tilespmem:$0x18100] =	vst v63  }
0x3a: {  	s17 =	simm.s32 $0xB100  }
0x3b: {  	[tilespmem:s17], [sflag:$0x1] =	stream.indirect_vreg.gather [hbm4b:s9+s2], $0x80, v3, vm0, $0xb8;
	[tilespmem:$0x18100] =	vst v63  }
0x3c: {  	s18 =	simm.s32 $0xB900  }
0x3d: {  	[tilespmem:s18], [sflag:$0x1] =	stream.indirect_vreg.gather [hbm4b:s10+s2], $0x80, v3, vm0, $0xb8;
	[tilespmem:$0x18100] =	vst v63  }
0x3e: {  	v3 =	vld [tilespmem:$0x80];
	_ =	sdelay $0x4  }
0x3f: {  	v61 =	vshll.u32 v3, $0x3  }
0x40: {  	v3 =	vand.u32 $0x7, v3;
	v4 =	vand.u32 $0xFFFFFFC0, v61  }
0x41: {  	v3 =	vor.u32 v3, v4  }
0x42: {  	v4 =	vperm.xlane v3, v0;
	_ =	sdelay $0x1  }
0x43: {  	v4 =	vadd.s32 v1, v4;
	_ =	sdelay $0x3  }
0x44: {  	s19 =	simm.s32 $0x10100  }
0x45: {  	[tilespmem:s19], [sflag:$0x3] =	stream.indirect_vreg.gather [hbm4b:s3+s2], $0x80, v4, vm0, $0xb8;
	[tilespmem:$0x18100] =	vst v63  }
0x46: {  	s12 =	simm.s32 $0x10900;
	v3 =	vperm.xlane v3, v2  }
0x47: {  	[tilespmem:s12], [sflag:$0x3] =	stream.indirect_vreg.gather [hbm4b:s8+s2], $0x80, v4, vm0, $0xb8;
	[tilespmem:$0x18100] =	vst v63  }
0x48: {  	s14 =	simm.s32 $0x11100;
	v3 =	vadd.s32 v1, v3  }
0x49: {  	[tilespmem:s14], [sflag:$0x3] =	stream.indirect_vreg.gather [hbm4b:s9+s2], $0x80, v4, vm0, $0xb8;
	[tilespmem:$0x18100] =	vst v63  }
0x4a: {  	s15 =	simm.s32 $0x11900  }
0x4b: {  	[tilespmem:s15], [sflag:$0x3] =	stream.indirect_vreg.gather [hbm4b:s10+s2], $0x80, v4, vm0, $0xb8;
	[tilespmem:$0x18100] =	vst v63  }
0x4c: {  	s16 =	simm.s32 $0x12100  }
0x4d: {  	[tilespmem:s16], [sflag:$0x3] =	stream.indirect_vreg.gather [hbm4b:s3+s2], $0x80, v3, vm0, $0xb8;
	[tilespmem:$0x18100] =	vst v63  }
0x4e: {  	s17 =	simm.s32 $0x12900  }
0x4f: {  	[tilespmem:s17], [sflag:$0x3] =	stream.indirect_vreg.gather [hbm4b:s8+s2], $0x80, v3, vm0, $0xb8;
	[tilespmem:$0x18100] =	vst v63  }
0x50: {  	s18 =	simm.s32 $0x13100  }
0x51: {  	[tilespmem:s18], [sflag:$0x3] =	stream.indirect_vreg.gather [hbm4b:s9+s2], $0x80, v3, vm0, $0xb8;
	[tilespmem:$0x18100] =	vst v63  }
0x52: {  	s19 =	simm.s32 $0x13900  }
0x53: {  	[tilespmem:s19], [sflag:$0x3] =	stream.indirect_vreg.gather [hbm4b:s10+s2], $0x80, v3, vm0, $0xb8;
	[tilespmem:$0x18100] =	vst v63  }
0x54: {  	v3 =	vld [tilespmem:$0x10];
	_ =	sdelay $0x4  }
0x55: {  	v62 =	vshll.u32 v3, $0x3  }
0x56: {  	v3 =	vand.u32 $0x7, v3;
	v4 =	vand.u32 $0xFFFFFFC0, v62  }
0x57: {  	v3 =	vor.u32 v3, v4  }
0x58: {  	v4 =	vperm.xlane v3, v0;
	_ =	sdelay $0x1  }
0x59: {  	v4 =	vadd.s32 v1, v4;
	_ =	sdelay $0x4  }
0x5a: {  	[tilespmem:s13], [sflag:$0x2] =	stream.indirect_vreg.gather [hbm4b:s3+s2], $0x80, v4, vm0, $0xb8;
	[tilespmem:$0x18100] =	vst v63  }
0x5b: {  	s12 =	simm.s32 $0xC900;
	v3 =	vperm.xlane v3, v2  }
0x5c: {  	[tilespmem:s12], [sflag:$0x2] =	stream.indirect_vreg.gather [hbm4b:s8+s2], $0x80, v4, vm0, $0xb8;
	[tilespmem:$0x18100] =	vst v63  }
0x5d: {  	s14 =	simm.s32 $0xD100;
	v3 =	vadd.s32 v1, v3  }
0x5e: {  	[tilespmem:s14], [sflag:$0x2] =	stream.indirect_vreg.gather [hbm4b:s9+s2], $0x80, v4, vm0, $0xb8;
	[tilespmem:$0x18100] =	vst v63  }
0x5f: {  	s15 =	simm.s32 $0xD900  }
0x60: {  	[tilespmem:s15], [sflag:$0x2] =	stream.indirect_vreg.gather [hbm4b:s10+s2], $0x80, v4, vm0, $0xb8;
	[tilespmem:$0x18100] =	vst v63  }
0x61: {  	s16 =	simm.s32 $0xE100  }
0x62: {  	[tilespmem:s16], [sflag:$0x2] =	stream.indirect_vreg.gather [hbm4b:s3+s2], $0x80, v3, vm0, $0xb8;
	[tilespmem:$0x18100] =	vst v63  }
0x63: {  	s17 =	simm.s32 $0xE900  }
0x64: {  	[tilespmem:s17], [sflag:$0x2] =	stream.indirect_vreg.gather [hbm4b:s8+s2], $0x80, v3, vm0, $0xb8;
	[tilespmem:$0x18100] =	vst v63  }
0x65: {  	s18 =	simm.s32 $0xF100  }
0x66: {  	[tilespmem:s18], [sflag:$0x2] =	stream.indirect_vreg.gather [hbm4b:s9+s2], $0x80, v3, vm0, $0xb8;
	[tilespmem:$0x18100] =	vst v63  }
0x67: {  	s19 =	simm.s32 $0xF900  }
0x68: {  	[tilespmem:s19], [sflag:$0x2] =	stream.indirect_vreg.gather [hbm4b:s10+s2], $0x80, v3, vm0, $0xb8;
	[tilespmem:$0x18100] =	vst v63  }
0x69: {  	v3 =	vld [tilespmem:$0x90];
	_ =	sdelay $0x4  }
0x6a: {  	v63 =	vshll.u32 v3, $0x3  }
0x6b: {  	v3 =	vand.u32 $0x7, v3;
	v4 =	vand.u32 $0xFFFFFFC0, v63  }
0x6c: {  	v3 =	vor.u32 v3, v4  }
0x6d: {  	v4 =	vperm.xlane v3, v0;
	_ =	sdelay $0x1  }
0x6e: {  	v4 =	vadd.s32 v1, v4;
	_ =	sdelay $0x4  }
0x6f: {  	[tilespmem:s11], [sflag:$0x4] =	stream.indirect_vreg.gather [hbm4b:s3+s2], $0x80, v4, vm0, $0xb8;
	[tilespmem:$0x18100] =	vst v63  }
0x70: {  	v3 =	vperm.xlane v3, v2  }
0x71: {  	[tilespmem:s25], [sflag:$0x4] =	stream.indirect_vreg.gather [hbm4b:s8+s2], $0x80, v4, vm0, $0xb8;
	[tilespmem:$0x18100] =	vst v63  }
0x72: {  	v3 =	vadd.s32 v1, v3  }
0x73: {  	[tilespmem:s26], [sflag:$0x4] =	stream.indirect_vreg.gather [hbm4b:s9+s2], $0x80, v4, vm0, $0xb8;
	[tilespmem:$0x18100] =	vst v63  }
0x74: {  	_ = 	snop  }
0x75: {  	[tilespmem:s28], [sflag:$0x4] =	stream.indirect_vreg.gather [hbm4b:s10+s2], $0x80, v4, vm0, $0xb8;
	[tilespmem:$0x18100] =	vst v63  }
0x76: {  	_ = 	snop  }
0x77: {  	[tilespmem:s29], [sflag:$0x4] =	stream.indirect_vreg.gather [hbm4b:s3+s2], $0x80, v3, vm0, $0xb8;
	[tilespmem:$0x18100] =	vst v63  }
0x78: {  	_ = 	snop  }
0x79: {  	[tilespmem:s30], [sflag:$0x4] =	stream.indirect_vreg.gather [hbm4b:s8+s2], $0x80, v3, vm0, $0xb8;
	[tilespmem:$0x18100] =	vst v63  }
0x7a: {  	_ = 	snop  }
0x7b: {  	[tilespmem:s31], [sflag:$0x4] =	stream.indirect_vreg.gather [hbm4b:s9+s2], $0x80, v3, vm0, $0xb8;
	[tilespmem:$0x18100] =	vst v63  }
0x7c: {  	_ = 	snop  }
0x7d: {  	[tilespmem:s0], [sflag:$0x4] =	stream.indirect_vreg.gather [hbm4b:s10+s2], $0x80, v3, vm0, $0xb8;
	[tilespmem:$0x18100] =	vst v63  }
0x7e: {  	_ =	swait.ge [sflag:s1], $0x4000  }
0x7f: {  	[sflag:s1] =	ssyncset.done $0x0  }
0x80: {  	[sflag:s1] =	ssyncadd.s32 $0xFFFFC000  }
0x81: {  	_ =	swait.ge [sflag:s21], $0x4000  }
0x82: {  	[sflag:s21] =	ssyncset.done $0x0  }
0x83: {  	s12 =	simm.s32 $0x0;
	[sflag:s21] =	ssyncadd.s32 $0xFFFFC000  }
.LBB2_2:
0x84: {  	s15 =	sshll.u32 s12, $0x7;
	s14 =	sshll.u32 s12, $0xA  }
0x85: {  	s17 =	simm.s32 $0x0;
	s14 =	sand.u32 $0x2000, s14;
	s16 =	sand.u32 $0x380, s15  }
0x86: {  	s18 =	sand.u32 $0x40, s17;
	s14 =	sor.u32 s14, s16  }
0x87: {  	v3 =	vld [tilespmem:s15+$0x100];
	s17 =	sand.u32 $0x1C00, s17;
	s16 =	sor.u32 s18, s14  }
0x88: {  	v4 =	vld [tilespmem:s15+$0x4100];
	s15 =	sor.u32 s17, s16  }
0x89: {  	v5 =	vld [tilespmem:s15+$0x10100]  }
0x8a: {  	v7 =	vld [tilespmem:s15+$0x10110]  }
0x8b: {  	v8 =	vld [tilespmem:s15+$0x10120]  }
0x8c: {  	v6 =	vld [tilespmem:s15+$0x8100]  }
0x8d: {  	v9 =	vld [tilespmem:s15+$0x10130]  }
0x8e: {  	v10 =	vld [tilespmem:s15+$0x8110]  }
0x8f: {  	s19 =	simm.s32 $0x40;
	v11 =	vld [tilespmem:s15+$0x8120]  }
0x90: {  	s16 =	sand.u32 $0x40, s19;
	s17 =	simm.s32 $0x200;
	v12 =	vld [tilespmem:s15+$0x8130]  }
0x91: {  	s18 =	sand.u32 $0x1C00, s17;
	s16 =	sor.u32 s16, s14  }
0x92: {  	s16 =	sor.u32 s18, s16;
	v13 =	vmul.f32 v6, v3;
	v14 =	vmul.f32 v5, v4  }
0x93: {  	v6 =	vld [tilespmem:s16+$0x10100];
	v10 =	vmul.f32 v10, v3;
	v15 =	vmul.f32 v7, v4  }
0x94: {  	v5 =	vld [tilespmem:s16+$0x10110];
	v11 =	vmul.f32 v11, v3;
	v63 =	vmul.f32 v8, v4;
	v13 =	vadd.f32 v14, v13  }
0x95: {  	v7 =	vld [tilespmem:s16+$0x10120];
	v12 =	vmul.f32 v12, v3;
	v16 =	vmul.f32 v9, v4;
	v15 =	vadd.f32 v15, v10  }
0x96: {  	v8 =	vld [tilespmem:s16+$0x10130];
	v10 =	vadd.f32 v63, v11;
	[tilespmem:s15+$0x8100] =	vst v13  }
0x97: {  	s18 =	simm.s32 $0x80;
	v11 =	vadd.f32 v16, v12;
	v9 =	vld [tilespmem:s16+$0x8100];
	[tilespmem:s15+$0x8110] =	vst v15  }
.LBB2_3:
0x98: {  	p0 =	sne.s32 s18, $0x3C0;
	v12 =	vld [tilespmem:s16+$0x8110];
	[tilespmem:s15+$0x8120] =	vst v10  }
0x99: {  	v10 =	vld [tilespmem:s16+$0x8120];
	[tilespmem:s15+$0x8130] =	vst v11;
	s15 =	smov.u32 s16  }
0x9a: {  	s17 =	sadd.s32 $0x200, s17;
	s16 =	sand.u32 $0x40, s18;
	v11 =	vld [tilespmem:s15+$0x8130]  }
0x9b: {  	s19 =	sand.u32 $0x1C00, s17;
	s16 =	sor.u32 s16, s14  }
0x9c: {  	v13 =	vmul.f32 v6, v4;
	s16 =	sor.u32 s19, s16;
	v9 =	vmul.f32 v9, v3  }
.Ltmp0:
0x9d: {  	v14 =	vmul.f32 v5, v4;
	v6 =	vld [tilespmem:s16+$0x10100];
	v12 =	vmul.f32 v12, v3;
	(pc) =	sbr.rel @p0 .LBB2_3-.Ltmp0, $4  }
0x9e: {  	v5 =	vld [tilespmem:s16+$0x10110];
	v9 =	vadd.f32 v13, v9;
	v10 =	vmul.f32 v10, v3;
	v13 =	vmul.f32 v7, v4  }
0x9f: {  	v7 =	vld [tilespmem:s16+$0x10120];
	v12 =	vadd.f32 v14, v12;
	v11 =	vmul.f32 v11, v3;
	v14 =	vmul.f32 v8, v4  }
0xa0: {  	v8 =	vld [tilespmem:s16+$0x10130];
	[tilespmem:s15+$0x8100] =	vst v9;
	v10 =	vadd.f32 v13, v10  }
0xa1: {  	s18 =	sadd.s32 $0x40, s18;
	v9 =	vld [tilespmem:s16+$0x8100];
	[tilespmem:s15+$0x8110] =	vst v12;
	v11 =	vadd.f32 v14, v11  }
0xa2: {  	v12 =	vld [tilespmem:s16+$0x8110];
	[tilespmem:s15+$0x8120] =	vst v10  }
0xa3: {  	v10 =	vld [tilespmem:s16+$0x8120];
	[tilespmem:s15+$0x8130] =	vst v11  }
0xa4: {  	v11 =	vld [tilespmem:s16+$0x8130];
	_ =	sdelay $0x1  }
0xa5: {  	v6 =	vmul.f32 v6, v4;
	v9 =	vmul.f32 v9, v3  }
0xa6: {  	s12 =	sadd.s32 $0x1, s12;
	v5 =	vmul.f32 v5, v4;
	v12 =	vmul.f32 v12, v3  }
0xa7: {  	p0 =	sne.s32 s12, $0x10;
	v7 =	vmul.f32 v7, v4;
	v6 =	vadd.f32 v6, v9;
	v61 =	vmul.f32 v10, v3  }
.Ltmp1:
0xa8: {  	v62 =	vmul.f32 v8, v4;
	v5 =	vadd.f32 v5, v12;
	v3 =	vmul.f32 v11, v3;
	(pc) =	sbr.rel @p0 .LBB2_2-.Ltmp1, $4  }
0xa9: {  	[tilespmem:s16+$0x8100] =	vst v6;
	v63 =	vadd.f32 v7, v61  }
0xaa: {  	[tilespmem:s16+$0x8110] =	vst v5;
	v3 =	vadd.f32 v62, v3  }
0xab: {  	[tilespmem:s16+$0x8120] =	vst v63  }
0xac: {  	[tilespmem:s16+$0x8130] =	vst v3  }
0xad: {  	s12 =	simm.s32 $0x0;
	s6 =	rddreg [dreg:$0x7]  }
0xae: {  	[hbm4b:s6+s12] =	stream.linear.scatter [tilespmem:s24], [sflag:$0x5], $0x4000, $0x38;
	[tilespmem:$0x18100] =	vst v63  }
0xaf: {  	_ =	swait.ge [sflag:s22], $0x4000  }
0xb0: {  	[sflag:s22] =	ssyncset.done $0x0  }
0xb1: {  	[sflag:s22] =	ssyncadd.s32 $0xFFFFC000  }
0xb2: {  	v3 =	vld [tilespmem:$0x20];
	_ =	sdelay $0x4  }
0xb3: {  	v4 =	vshll.u32 v3, $0x3  }
0xb4: {  	v3 =	vand.u32 $0x7, v3;
	v4 =	vand.u32 $0xFFFFFFC0, v4  }
0xb5: {  	v3 =	vor.u32 v3, v4  }
0xb6: {  	v4 =	vperm.xlane v3, v0;
	_ =	sdelay $0x1  }
0xb7: {  	v4 =	vadd.s32 v1, v4;
	_ =	sdelay $0x4  }
0xb8: {  	[tilespmem:s24], [sflag:$0x1] =	stream.indirect_vreg.gather [hbm4b:s3+s12], $0x80, v4, vm0, $0xb8;
	[tilespmem:$0x18100] =	vst v63  }
0xb9: {  	s17 =	simm.s32 $0x8900;
	v3 =	vperm.xlane v3, v2  }
0xba: {  	[tilespmem:s17], [sflag:$0x1] =	stream.indirect_vreg.gather [hbm4b:s8+s12], $0x80, v4, vm0, $0xb8;
	[tilespmem:$0x18100] =	vst v63  }
0xbb: {  	s18 =	simm.s32 $0x9100;
	v3 =	vadd.s32 v1, v3  }
0xbc: {  	[tilespmem:s18], [sflag:$0x1] =	stream.indirect_vreg.gather [hbm4b:s9+s12], $0x80, v4, vm0, $0xb8;
	[tilespmem:$0x18100] =	vst v63  }
0xbd: {  	s19 =	simm.s32 $0x9900  }
0xbe: {  	[tilespmem:s19], [sflag:$0x1] =	stream.indirect_vreg.gather [hbm4b:s10+s12], $0x80, v4, vm0, $0xb8;
	[tilespmem:$0x18100] =	vst v63  }
0xbf: {  	s14 =	simm.s32 $0xA100  }
0xc0: {  	[tilespmem:s14], [sflag:$0x1] =	stream.indirect_vreg.gather [hbm4b:s3+s12], $0x80, v3, vm0, $0xb8;
	[tilespmem:$0x18100] =	vst v63  }
0xc1: {  	s15 =	simm.s32 $0xA900  }
0xc2: {  	[tilespmem:s15], [sflag:$0x1] =	stream.indirect_vreg.gather [hbm4b:s8+s12], $0x80, v3, vm0, $0xb8;
	[tilespmem:$0x18100] =	vst v63  }
0xc3: {  	s16 =	simm.s32 $0xB100  }
0xc4: {  	[tilespmem:s16], [sflag:$0x1] =	stream.indirect_vreg.gather [hbm4b:s9+s12], $0x80, v3, vm0, $0xb8;
	[tilespmem:$0x18100] =	vst v63  }
0xc5: {  	s17 =	simm.s32 $0xB900  }
0xc6: {  	[tilespmem:s17], [sflag:$0x1] =	stream.indirect_vreg.gather [hbm4b:s10+s12], $0x80, v3, vm0, $0xb8;
	[tilespmem:$0x18100] =	vst v63  }
0xc7: {  	v3 =	vld [tilespmem:$0xA0];
	_ =	sdelay $0x4  }
0xc8: {  	v63 =	vshll.u32 v3, $0x3  }
0xc9: {  	v3 =	vand.u32 $0x7, v3;
	v4 =	vand.u32 $0xFFFFFFC0, v63  }
0xca: {  	v3 =	vor.u32 v3, v4  }
0xcb: {  	v4 =	vperm.xlane v3, v0;
	_ =	sdelay $0x1  }
0xcc: {  	v4 =	vadd.s32 v1, v4;
	_ =	sdelay $0x3  }
0xcd: {  	s18 =	simm.s32 $0x10100  }
0xce: {  	[tilespmem:s18], [sflag:$0x3] =	stream.indirect_vreg.gather [hbm4b:s3+s12], $0x80, v4, vm0, $0xb8;
	[tilespmem:$0x18100] =	vst v63  }
0xcf: {  	s19 =	simm.s32 $0x10900;
	v3 =	vperm.xlane v3, v2  }
0xd0: {  	[tilespmem:s19], [sflag:$0x3] =	stream.indirect_vreg.gather [hbm4b:s8+s12], $0x80, v4, vm0, $0xb8;
	[tilespmem:$0x18100] =	vst v63  }
0xd1: {  	s14 =	simm.s32 $0x11100;
	v3 =	vadd.s32 v1, v3  }
0xd2: {  	[tilespmem:s14], [sflag:$0x3] =	stream.indirect_vreg.gather [hbm4b:s9+s12], $0x80, v4, vm0, $0xb8;
	[tilespmem:$0x18100] =	vst v63  }
0xd3: {  	s15 =	simm.s32 $0x11900  }
0xd4: {  	[tilespmem:s15], [sflag:$0x3] =	stream.indirect_vreg.gather [hbm4b:s10+s12], $0x80, v4, vm0, $0xb8;
	[tilespmem:$0x18100] =	vst v63  }
0xd5: {  	s16 =	simm.s32 $0x12100  }
0xd6: {  	[tilespmem:s16], [sflag:$0x3] =	stream.indirect_vreg.gather [hbm4b:s3+s12], $0x80, v3, vm0, $0xb8;
	[tilespmem:$0x18100] =	vst v63  }
0xd7: {  	s17 =	simm.s32 $0x12900  }
0xd8: {  	[tilespmem:s17], [sflag:$0x3] =	stream.indirect_vreg.gather [hbm4b:s8+s12], $0x80, v3, vm0, $0xb8;
	[tilespmem:$0x18100] =	vst v63  }
0xd9: {  	s18 =	simm.s32 $0x13100  }
0xda: {  	[tilespmem:s18], [sflag:$0x3] =	stream.indirect_vreg.gather [hbm4b:s9+s12], $0x80, v3, vm0, $0xb8;
	[tilespmem:$0x18100] =	vst v63  }
0xdb: {  	s19 =	simm.s32 $0x13900  }
0xdc: {  	[tilespmem:s19], [sflag:$0x3] =	stream.indirect_vreg.gather [hbm4b:s10+s12], $0x80, v3, vm0, $0xb8;
	[tilespmem:$0x18100] =	vst v63  }
0xdd: {  	_ =	swait.ge [sflag:s23], $0x4000  }
0xde: {  	[sflag:s23] =	ssyncset.done $0x0  }
0xdf: {  	[sflag:s23] =	ssyncadd.s32 $0xFFFFC000  }
0xe0: {  	_ =	swait.ge [sflag:s4], $0x4000  }
0xe1: {  	[sflag:s4] =	ssyncset.done $0x0  }
0xe2: {  	s14 =	simm.s32 $0x0;
	[sflag:s4] =	ssyncadd.s32 $0xFFFFC000  }
.LBB2_6:
0xe3: {  	s16 =	sshll.u32 s14, $0x7;
	s15 =	sshll.u32 s14, $0xA  }
0xe4: {  	s15 =	sand.u32 $0x2000, s15;
	s17 =	sand.u32 $0x380, s16  }
0xe5: {  	s6 =	sand.u32 $0x40, s12;
	s15 =	sor.u32 s15, s17  }
0xe6: {  	s18 =	sand.u32 $0x1C00, s12;
	v3 =	vld [tilespmem:s16+$0x900];
	s17 =	sor.u32 s6, s15  }
0xe7: {  	v4 =	vld [tilespmem:s16+$0x4900];
	s16 =	sor.u32 s18, s17  }
0xe8: {  	v5 =	vld [tilespmem:s16+$0x14100]  }
0xe9: {  	v7 =	vld [tilespmem:s16+$0x14110]  }
0xea: {  	v8 =	vld [tilespmem:s16+$0x14120]  }
0xeb: {  	v6 =	vld [tilespmem:s16+$0xC100]  }
0xec: {  	v9 =	vld [tilespmem:s16+$0x14130]  }
0xed: {  	v10 =	vld [tilespmem:s16+$0xC110]  }
0xee: {  	s19 =	simm.s32 $0x40;
	v11 =	vld [tilespmem:s16+$0xC120]  }
0xef: {  	s17 =	sand.u32 $0x40, s19;
	s18 =	simm.s32 $0x200;
	v12 =	vld [tilespmem:s16+$0xC130]  }
0xf0: {  	s19 =	sand.u32 $0x1C00, s18;
	s17 =	sor.u32 s17, s15  }
0xf1: {  	s17 =	sor.u32 s19, s17;
	v13 =	vmul.f32 v6, v3;
	v14 =	vmul.f32 v5, v4  }
0xf2: {  	v6 =	vld [tilespmem:s17+$0x14100];
	v10 =	vmul.f32 v10, v3;
	v15 =	vmul.f32 v7, v4  }
0xf3: {  	v5 =	vld [tilespmem:s17+$0x14110];
	v11 =	vmul.f32 v11, v3;
	v63 =	vmul.f32 v8, v4;
	v13 =	vadd.f32 v14, v13  }
0xf4: {  	v7 =	vld [tilespmem:s17+$0x14120];
	v12 =	vmul.f32 v12, v3;
	v16 =	vmul.f32 v9, v4;
	v15 =	vadd.f32 v15, v10  }
0xf5: {  	v8 =	vld [tilespmem:s17+$0x14130];
	v10 =	vadd.f32 v63, v11;
	[tilespmem:s16+$0xC100] =	vst v13  }
0xf6: {  	s19 =	simm.s32 $0x80;
	v11 =	vadd.f32 v16, v12;
	v9 =	vld [tilespmem:s17+$0xC100];
	[tilespmem:s16+$0xC110] =	vst v15  }
.LBB2_7:
0xf7: {  	p0 =	sne.s32 s19, $0x3C0;
	v12 =	vld [tilespmem:s17+$0xC110];
	[tilespmem:s16+$0xC120] =	vst v10  }
0xf8: {  	v10 =	vld [tilespmem:s17+$0xC120];
	[tilespmem:s16+$0xC130] =	vst v11;
	s16 =	smov.u32 s17  }
0xf9: {  	s18 =	sadd.s32 $0x200, s18;
	s17 =	sand.u32 $0x40, s19;
	v11 =	vld [tilespmem:s16+$0xC130]  }
0xfa: {  	s6 =	sand.u32 $0x1C00, s18;
	s17 =	sor.u32 s17, s15  }
0xfb: {  	v13 =	vmul.f32 v6, v4;
	s17 =	sor.u32 s6, s17;
	v9 =	vmul.f32 v9, v3  }
.Ltmp2:
0xfc: {  	v14 =	vmul.f32 v5, v4;
	v6 =	vld [tilespmem:s17+$0x14100];
	v12 =	vmul.f32 v12, v3;
	(pc) =	sbr.rel @p0 .LBB2_7-.Ltmp2, $4  }
0xfd: {  	v5 =	vld [tilespmem:s17+$0x14110];
	v9 =	vadd.f32 v13, v9;
	v10 =	vmul.f32 v10, v3;
	v13 =	vmul.f32 v7, v4  }
0xfe: {  	v7 =	vld [tilespmem:s17+$0x14120];
	v12 =	vadd.f32 v14, v12;
	v11 =	vmul.f32 v11, v3;
	v14 =	vmul.f32 v8, v4  }
0xff: {  	v8 =	vld [tilespmem:s17+$0x14130];
	[tilespmem:s16+$0xC100] =	vst v9;
	v10 =	vadd.f32 v13, v10  }
0x100: {  	s19 =	sadd.s32 $0x40, s19;
	v9 =	vld [tilespmem:s17+$0xC100];
	[tilespmem:s16+$0xC110] =	vst v12;
	v11 =	vadd.f32 v14, v11  }
0x101: {  	v12 =	vld [tilespmem:s17+$0xC110];
	[tilespmem:s16+$0xC120] =	vst v10  }
0x102: {  	v10 =	vld [tilespmem:s17+$0xC120];
	[tilespmem:s16+$0xC130] =	vst v11  }
0x103: {  	v11 =	vld [tilespmem:s17+$0xC130];
	_ =	sdelay $0x1  }
0x104: {  	v6 =	vmul.f32 v6, v4;
	v9 =	vmul.f32 v9, v3  }
0x105: {  	s14 =	sadd.s32 $0x1, s14;
	v5 =	vmul.f32 v5, v4;
	v12 =	vmul.f32 v12, v3  }
0x106: {  	p0 =	sne.s32 s14, $0x10;
	v7 =	vmul.f32 v7, v4;
	v6 =	vadd.f32 v6, v9;
	v61 =	vmul.f32 v10, v3  }
.Ltmp3:
0x107: {  	v62 =	vmul.f32 v8, v4;
	v5 =	vadd.f32 v5, v12;
	v3 =	vmul.f32 v11, v3;
	(pc) =	sbr.rel @p0 .LBB2_6-.Ltmp3, $4  }
0x108: {  	[tilespmem:s17+$0xC100] =	vst v6;
	v63 =	vadd.f32 v7, v61  }
0x109: {  	[tilespmem:s17+$0xC110] =	vst v5;
	v3 =	vadd.f32 v62, v3  }
0x10a: {  	[tilespmem:s17+$0xC120] =	vst v63  }
0x10b: {  	[tilespmem:s17+$0xC130] =	vst v3  }
0x10c: {  	s12 =	simm.s32 $0x0;
	s6 =	rddreg [dreg:$0x8]  }
0x10d: {  	[hbm4b:s6+s12] =	stream.linear.scatter [tilespmem:s13], [sflag:$0x6], $0x4000, $0x38;
	[tilespmem:$0x18100] =	vst v63  }
0x10e: {  	_ =	swait.ge [sflag:s5], $0x4000  }
0x10f: {  	[sflag:s5] =	ssyncset.done $0x0  }
0x110: {  	[sflag:s5] =	ssyncadd.s32 $0xFFFFC000  }
0x111: {  	v3 =	vld [tilespmem:$0x30];
	_ =	sdelay $0x4  }
0x112: {  	v4 =	vshll.u32 v3, $0x3  }
0x113: {  	v3 =	vand.u32 $0x7, v3;
	v4 =	vand.u32 $0xFFFFFFC0, v4  }
0x114: {  	v3 =	vor.u32 v3, v4  }
0x115: {  	v4 =	vperm.xlane v3, v0;
	_ =	sdelay $0x1  }
0x116: {  	v4 =	vadd.s32 v1, v4;
	_ =	sdelay $0x4  }
0x117: {  	[tilespmem:s13], [sflag:$0x2] =	stream.indirect_vreg.gather [hbm4b:s3+s12], $0x80, v4, vm0, $0xb8;
	[tilespmem:$0x18100] =	vst v63  }
0x118: {  	s19 =	simm.s32 $0xC900;
	v3 =	vperm.xlane v3, v2  }
0x119: {  	[tilespmem:s19], [sflag:$0x2] =	stream.indirect_vreg.gather [hbm4b:s8+s12], $0x80, v4, vm0, $0xb8;
	[tilespmem:$0x18100] =	vst v63  }
0x11a: {  	s14 =	simm.s32 $0xD100;
	v3 =	vadd.s32 v1, v3  }
0x11b: {  	[tilespmem:s14], [sflag:$0x2] =	stream.indirect_vreg.gather [hbm4b:s9+s12], $0x80, v4, vm0, $0xb8;
	[tilespmem:$0x18100] =	vst v63  }
0x11c: {  	s15 =	simm.s32 $0xD900  }
0x11d: {  	[tilespmem:s15], [sflag:$0x2] =	stream.indirect_vreg.gather [hbm4b:s10+s12], $0x80, v4, vm0, $0xb8;
	[tilespmem:$0x18100] =	vst v63  }
0x11e: {  	s16 =	simm.s32 $0xE100  }
0x11f: {  	[tilespmem:s16], [sflag:$0x2] =	stream.indirect_vreg.gather [hbm4b:s3+s12], $0x80, v3, vm0, $0xb8;
	[tilespmem:$0x18100] =	vst v63  }
0x120: {  	s17 =	simm.s32 $0xE900  }
0x121: {  	[tilespmem:s17], [sflag:$0x2] =	stream.indirect_vreg.gather [hbm4b:s8+s12], $0x80, v3, vm0, $0xb8;
	[tilespmem:$0x18100] =	vst v63  }
0x122: {  	s18 =	simm.s32 $0xF100  }
0x123: {  	[tilespmem:s18], [sflag:$0x2] =	stream.indirect_vreg.gather [hbm4b:s9+s12], $0x80, v3, vm0, $0xb8;
	[tilespmem:$0x18100] =	vst v63  }
0x124: {  	s19 =	simm.s32 $0xF900  }
0x125: {  	[tilespmem:s19], [sflag:$0x2] =	stream.indirect_vreg.gather [hbm4b:s10+s12], $0x80, v3, vm0, $0xb8;
	[tilespmem:$0x18100] =	vst v63  }
0x126: {  	v3 =	vld [tilespmem:$0xB0];
	_ =	sdelay $0x4  }
0x127: {  	v63 =	vshll.u32 v3, $0x3  }
0x128: {  	v3 =	vand.u32 $0x7, v3;
	v4 =	vand.u32 $0xFFFFFFC0, v63  }
0x129: {  	v3 =	vor.u32 v3, v4  }
0x12a: {  	v4 =	vperm.xlane v3, v0;
	_ =	sdelay $0x1  }
0x12b: {  	v4 =	vadd.s32 v1, v4;
	_ =	sdelay $0x4  }
0x12c: {  	[tilespmem:s11], [sflag:$0x4] =	stream.indirect_vreg.gather [hbm4b:s3+s12], $0x80, v4, vm0, $0xb8;
	[tilespmem:$0x18100] =	vst v63  }
0x12d: {  	v3 =	vperm.xlane v3, v2  }
0x12e: {  	[tilespmem:s25], [sflag:$0x4] =	stream.indirect_vreg.gather [hbm4b:s8+s12], $0x80, v4, vm0, $0xb8;
	[tilespmem:$0x18100] =	vst v63  }
0x12f: {  	v3 =	vadd.s32 v1, v3  }
0x130: {  	[tilespmem:s26], [sflag:$0x4] =	stream.indirect_vreg.gather [hbm4b:s9+s12], $0x80, v4, vm0, $0xb8;
	[tilespmem:$0x18100] =	vst v63  }
0x131: {  	_ = 	snop  }
0x132: {  	[tilespmem:s28], [sflag:$0x4] =	stream.indirect_vreg.gather [hbm4b:s10+s12], $0x80, v4, vm0, $0xb8;
	[tilespmem:$0x18100] =	vst v63  }
0x133: {  	_ = 	snop  }
0x134: {  	[tilespmem:s29], [sflag:$0x4] =	stream.indirect_vreg.gather [hbm4b:s3+s12], $0x80, v3, vm0, $0xb8;
	[tilespmem:$0x18100] =	vst v63  }
0x135: {  	_ = 	snop  }
0x136: {  	[tilespmem:s30], [sflag:$0x4] =	stream.indirect_vreg.gather [hbm4b:s8+s12], $0x80, v3, vm0, $0xb8;
	[tilespmem:$0x18100] =	vst v63  }
0x137: {  	_ = 	snop  }
0x138: {  	[tilespmem:s31], [sflag:$0x4] =	stream.indirect_vreg.gather [hbm4b:s9+s12], $0x80, v3, vm0, $0xb8;
	[tilespmem:$0x18100] =	vst v63  }
0x139: {  	_ = 	snop  }
0x13a: {  	[tilespmem:s0], [sflag:$0x4] =	stream.indirect_vreg.gather [hbm4b:s10+s12], $0x80, v3, vm0, $0xb8;
	[tilespmem:$0x18100] =	vst v63  }
0x13b: {  	_ =	swait.ge [sflag:s1], $0x4000  }
0x13c: {  	[sflag:s1] =	ssyncset.done $0x0  }
0x13d: {  	[sflag:s1] =	ssyncadd.s32 $0xFFFFC000  }
0x13e: {  	_ =	swait.ge [sflag:s21], $0x4000  }
0x13f: {  	[sflag:s21] =	ssyncset.done $0x0  }
0x140: {  	s14 =	simm.s32 $0x0;
	[sflag:s21] =	ssyncadd.s32 $0xFFFFC000  }
.LBB2_10:
0x141: {  	s6 =	sshll.u32 s14, $0x7;
	s15 =	sshll.u32 s14, $0xA  }
0x142: {  	s15 =	sand.u32 $0x2000, s15;
	s16 =	sand.u32 $0x380, s6  }
0x143: {  	s19 =	sand.u32 $0x40, s12;
	s15 =	sor.u32 s15, s16  }
0x144: {  	s17 =	sand.u32 $0x1C00, s12;
	v3 =	vld [tilespmem:s6+$0x1100];
	s16 =	sor.u32 s19, s15  }
0x145: {  	v4 =	vld [tilespmem:s6+$0x5100];
	s16 =	sor.u32 s17, s16  }
0x146: {  	v5 =	vld [tilespmem:s16+$0x10100]  }
0x147: {  	v7 =	vld [tilespmem:s16+$0x10110]  }
0x148: {  	v8 =	vld [tilespmem:s16+$0x10120]  }
0x149: {  	v6 =	vld [tilespmem:s16+$0x8100]  }
0x14a: {  	v9 =	vld [tilespmem:s16+$0x10130]  }
0x14b: {  	v10 =	vld [tilespmem:s16+$0x8110]  }
0x14c: {  	s18 =	simm.s32 $0x40;
	v11 =	vld [tilespmem:s16+$0x8120]  }
0x14d: {  	s6 =	sand.u32 $0x40, s18;
	s18 =	simm.s32 $0x200;
	v12 =	vld [tilespmem:s16+$0x8130]  }
0x14e: {  	s19 =	sand.u32 $0x1C00, s18;
	s6 =	sor.u32 s6, s15  }
0x14f: {  	s17 =	sor.u32 s19, s6;
	v13 =	vmul.f32 v6, v3;
	v14 =	vmul.f32 v5, v4  }
0x150: {  	v6 =	vld [tilespmem:s17+$0x10100];
	v10 =	vmul.f32 v10, v3;
	v15 =	vmul.f32 v7, v4  }
0x151: {  	v5 =	vld [tilespmem:s17+$0x10110];
	v11 =	vmul.f32 v11, v3;
	v63 =	vmul.f32 v8, v4;
	v13 =	vadd.f32 v14, v13  }
0x152: {  	v7 =	vld [tilespmem:s17+$0x10120];
	v12 =	vmul.f32 v12, v3;
	v16 =	vmul.f32 v9, v4;
	v15 =	vadd.f32 v15, v10  }
0x153: {  	v8 =	vld [tilespmem:s17+$0x10130];
	v10 =	vadd.f32 v63, v11;
	[tilespmem:s16+$0x8100] =	vst v13  }
0x154: {  	s19 =	simm.s32 $0x80;
	v11 =	vadd.f32 v16, v12;
	v9 =	vld [tilespmem:s17+$0x8100];
	[tilespmem:s16+$0x8110] =	vst v15  }
.LBB2_11:
0x155: {  	p0 =	sne.s32 s19, $0x3C0;
	v12 =	vld [tilespmem:s17+$0x8110];
	[tilespmem:s16+$0x8120] =	vst v10  }
0x156: {  	v10 =	vld [tilespmem:s17+$0x8120];
	[tilespmem:s16+$0x8130] =	vst v11;
	s16 =	smov.u32 s17  }
0x157: {  	s6 =	sand.u32 $0x40, s19;
	s18 =	sadd.s32 $0x200, s18;
	v11 =	vld [tilespmem:s16+$0x8130]  }
0x158: {  	s17 =	sand.u32 $0x1C00, s18;
	s6 =	sor.u32 s6, s15  }
0x159: {  	v13 =	vmul.f32 v6, v4;
	s17 =	sor.u32 s17, s6;
	v9 =	vmul.f32 v9, v3  }
.Ltmp4:
0x15a: {  	v14 =	vmul.f32 v5, v4;
	v6 =	vld [tilespmem:s17+$0x10100];
	v12 =	vmul.f32 v12, v3;
	(pc) =	sbr.rel @p0 .LBB2_11-.Ltmp4, $4  }
0x15b: {  	v5 =	vld [tilespmem:s17+$0x10110];
	v9 =	vadd.f32 v13, v9;
	v10 =	vmul.f32 v10, v3;
	v13 =	vmul.f32 v7, v4  }
0x15c: {  	v7 =	vld [tilespmem:s17+$0x10120];
	v12 =	vadd.f32 v14, v12;
	v11 =	vmul.f32 v11, v3;
	v14 =	vmul.f32 v8, v4  }
0x15d: {  	v8 =	vld [tilespmem:s17+$0x10130];
	[tilespmem:s16+$0x8100] =	vst v9;
	v10 =	vadd.f32 v13, v10  }
0x15e: {  	s19 =	sadd.s32 $0x40, s19;
	v9 =	vld [tilespmem:s17+$0x8100];
	[tilespmem:s16+$0x8110] =	vst v12;
	v11 =	vadd.f32 v14, v11  }
0x15f: {  	v12 =	vld [tilespmem:s17+$0x8110];
	[tilespmem:s16+$0x8120] =	vst v10  }
0x160: {  	v10 =	vld [tilespmem:s17+$0x8120];
	[tilespmem:s16+$0x8130] =	vst v11  }
0x161: {  	v11 =	vld [tilespmem:s17+$0x8130];
	_ =	sdelay $0x1  }
0x162: {  	v6 =	vmul.f32 v6, v4;
	v9 =	vmul.f32 v9, v3  }
0x163: {  	s14 =	sadd.s32 $0x1, s14;
	v5 =	vmul.f32 v5, v4;
	v12 =	vmul.f32 v12, v3  }
0x164: {  	p0 =	sne.s32 s14, $0x10;
	v7 =	vmul.f32 v7, v4;
	v6 =	vadd.f32 v6, v9;
	v61 =	vmul.f32 v10, v3  }
.Ltmp5:
0x165: {  	v62 =	vmul.f32 v8, v4;
	v5 =	vadd.f32 v5, v12;
	v3 =	vmul.f32 v11, v3;
	(pc) =	sbr.rel @p0 .LBB2_10-.Ltmp5, $4  }
0x166: {  	[tilespmem:s17+$0x8100] =	vst v6;
	v63 =	vadd.f32 v7, v61  }
0x167: {  	[tilespmem:s17+$0x8110] =	vst v5;
	v3 =	vadd.f32 v62, v3  }
0x168: {  	[tilespmem:s17+$0x8120] =	vst v63  }
0x169: {  	[tilespmem:s17+$0x8130] =	vst v3  }
0x16a: {  	s12 =	simm.s32 $0x0;
	s6 =	rddreg [dreg:$0x9]  }
0x16b: {  	[hbm4b:s6+s12] =	stream.linear.scatter [tilespmem:s24], [sflag:$0x5], $0x4000, $0x38;
	[tilespmem:$0x18100] =	vst v63  }
0x16c: {  	_ =	swait.ge [sflag:s22], $0x4000  }
0x16d: {  	[sflag:s22] =	ssyncset.done $0x0  }
0x16e: {  	[sflag:s22] =	ssyncadd.s32 $0xFFFFC000  }
0x16f: {  	v3 =	vld [tilespmem:$0x40];
	_ =	sdelay $0x4  }
0x170: {  	v4 =	vshll.u32 v3, $0x3  }
0x171: {  	v3 =	vand.u32 $0x7, v3;
	v4 =	vand.u32 $0xFFFFFFC0, v4  }
0x172: {  	v3 =	vor.u32 v3, v4  }
0x173: {  	v4 =	vperm.xlane v3, v0;
	_ =	sdelay $0x1  }
0x174: {  	v4 =	vadd.s32 v1, v4;
	_ =	sdelay $0x4  }
0x175: {  	[tilespmem:s24], [sflag:$0x1] =	stream.indirect_vreg.gather [hbm4b:s3+s12], $0x80, v4, vm0, $0xb8;
	[tilespmem:$0x18100] =	vst v63  }
0x176: {  	s17 =	simm.s32 $0x8900;
	v3 =	vperm.xlane v3, v2  }
0x177: {  	[tilespmem:s17], [sflag:$0x1] =	stream.indirect_vreg.gather [hbm4b:s8+s12], $0x80, v4, vm0, $0xb8;
	[tilespmem:$0x18100] =	vst v63  }
0x178: {  	s18 =	simm.s32 $0x9100;
	v3 =	vadd.s32 v1, v3  }
0x179: {  	[tilespmem:s18], [sflag:$0x1] =	stream.indirect_vreg.gather [hbm4b:s9+s12], $0x80, v4, vm0, $0xb8;
	[tilespmem:$0x18100] =	vst v63  }
0x17a: {  	s19 =	simm.s32 $0x9900  }
0x17b: {  	[tilespmem:s19], [sflag:$0x1] =	stream.indirect_vreg.gather [hbm4b:s10+s12], $0x80, v4, vm0, $0xb8;
	[tilespmem:$0x18100] =	vst v63  }
0x17c: {  	s14 =	simm.s32 $0xA100  }
0x17d: {  	[tilespmem:s14], [sflag:$0x1] =	stream.indirect_vreg.gather [hbm4b:s3+s12], $0x80, v3, vm0, $0xb8;
	[tilespmem:$0x18100] =	vst v63  }
0x17e: {  	s15 =	simm.s32 $0xA900  }
0x17f: {  	[tilespmem:s15], [sflag:$0x1] =	stream.indirect_vreg.gather [hbm4b:s8+s12], $0x80, v3, vm0, $0xb8;
	[tilespmem:$0x18100] =	vst v63  }
0x180: {  	s16 =	simm.s32 $0xB100  }
0x181: {  	[tilespmem:s16], [sflag:$0x1] =	stream.indirect_vreg.gather [hbm4b:s9+s12], $0x80, v3, vm0, $0xb8;
	[tilespmem:$0x18100] =	vst v63  }
0x182: {  	s17 =	simm.s32 $0xB900  }
0x183: {  	[tilespmem:s17], [sflag:$0x1] =	stream.indirect_vreg.gather [hbm4b:s10+s12], $0x80, v3, vm0, $0xb8;
	[tilespmem:$0x18100] =	vst v63  }
0x184: {  	v3 =	vld [tilespmem:$0xC0];
	_ =	sdelay $0x4  }
0x185: {  	v63 =	vshll.u32 v3, $0x3  }
0x186: {  	v3 =	vand.u32 $0x7, v3;
	v4 =	vand.u32 $0xFFFFFFC0, v63  }
0x187: {  	v3 =	vor.u32 v3, v4  }
0x188: {  	v4 =	vperm.xlane v3, v0;
	_ =	sdelay $0x1  }
0x189: {  	v4 =	vadd.s32 v1, v4;
	_ =	sdelay $0x3  }
0x18a: {  	s18 =	simm.s32 $0x10100  }
0x18b: {  	[tilespmem:s18], [sflag:$0x3] =	stream.indirect_vreg.gather [hbm4b:s3+s12], $0x80, v4, vm0, $0xb8;
	[tilespmem:$0x18100] =	vst v63  }
0x18c: {  	s19 =	simm.s32 $0x10900;
	v3 =	vperm.xlane v3, v2  }
0x18d: {  	[tilespmem:s19], [sflag:$0x3] =	stream.indirect_vreg.gather [hbm4b:s8+s12], $0x80, v4, vm0, $0xb8;
	[tilespmem:$0x18100] =	vst v63  }
0x18e: {  	s14 =	simm.s32 $0x11100;
	v3 =	vadd.s32 v1, v3  }
0x18f: {  	[tilespmem:s14], [sflag:$0x3] =	stream.indirect_vreg.gather [hbm4b:s9+s12], $0x80, v4, vm0, $0xb8;
	[tilespmem:$0x18100] =	vst v63  }
0x190: {  	s15 =	simm.s32 $0x11900  }
0x191: {  	[tilespmem:s15], [sflag:$0x3] =	stream.indirect_vreg.gather [hbm4b:s10+s12], $0x80, v4, vm0, $0xb8;
	[tilespmem:$0x18100] =	vst v63  }
0x192: {  	s16 =	simm.s32 $0x12100  }
0x193: {  	[tilespmem:s16], [sflag:$0x3] =	stream.indirect_vreg.gather [hbm4b:s3+s12], $0x80, v3, vm0, $0xb8;
	[tilespmem:$0x18100] =	vst v63  }
0x194: {  	s17 =	simm.s32 $0x12900  }
0x195: {  	[tilespmem:s17], [sflag:$0x3] =	stream.indirect_vreg.gather [hbm4b:s8+s12], $0x80, v3, vm0, $0xb8;
	[tilespmem:$0x18100] =	vst v63  }
0x196: {  	s18 =	simm.s32 $0x13100  }
0x197: {  	[tilespmem:s18], [sflag:$0x3] =	stream.indirect_vreg.gather [hbm4b:s9+s12], $0x80, v3, vm0, $0xb8;
	[tilespmem:$0x18100] =	vst v63  }
0x198: {  	s19 =	simm.s32 $0x13900  }
0x199: {  	[tilespmem:s19], [sflag:$0x3] =	stream.indirect_vreg.gather [hbm4b:s10+s12], $0x80, v3, vm0, $0xb8;
	[tilespmem:$0x18100] =	vst v63  }
0x19a: {  	_ =	swait.ge [sflag:s23], $0x4000  }
0x19b: {  	[sflag:s23] =	ssyncset.done $0x0  }
0x19c: {  	[sflag:s23] =	ssyncadd.s32 $0xFFFFC000  }
0x19d: {  	_ =	swait.ge [sflag:s4], $0x4000  }
0x19e: {  	[sflag:s4] =	ssyncset.done $0x0  }
0x19f: {  	s14 =	simm.s32 $0x0;
	[sflag:s4] =	ssyncadd.s32 $0xFFFFC000  }
.LBB2_14:
0x1a0: {  	s6 =	sshll.u32 s14, $0x7;
	s15 =	sshll.u32 s14, $0xA  }
0x1a1: {  	s15 =	sand.u32 $0x2000, s15;
	s16 =	sand.u32 $0x380, s6  }
0x1a2: {  	s19 =	sand.u32 $0x40, s12;
	s15 =	sor.u32 s15, s16  }
0x1a3: {  	s17 =	sand.u32 $0x1C00, s12;
	v3 =	vld [tilespmem:s6+$0x1900];
	s16 =	sor.u32 s19, s15  }
0x1a4: {  	v4 =	vld [tilespmem:s6+$0x5900];
	s16 =	sor.u32 s17, s16  }
0x1a5: {  	v5 =	vld [tilespmem:s16+$0x14100]  }
0x1a6: {  	v7 =	vld [tilespmem:s16+$0x14110]  }
0x1a7: {  	v8 =	vld [tilespmem:s16+$0x14120]  }
0x1a8: {  	v6 =	vld [tilespmem:s16+$0xC100]  }
0x1a9: {  	v9 =	vld [tilespmem:s16+$0x14130]  }
0x1aa: {  	v10 =	vld [tilespmem:s16+$0xC110]  }
0x1ab: {  	s18 =	simm.s32 $0x40;
	v11 =	vld [tilespmem:s16+$0xC120]  }
0x1ac: {  	s6 =	sand.u32 $0x40, s18;
	s18 =	simm.s32 $0x200;
	v12 =	vld [tilespmem:s16+$0xC130]  }
0x1ad: {  	s19 =	sand.u32 $0x1C00, s18;
	s6 =	sor.u32 s6, s15  }
0x1ae: {  	s17 =	sor.u32 s19, s6;
	v13 =	vmul.f32 v6, v3;
	v14 =	vmul.f32 v5, v4  }
0x1af: {  	v6 =	vld [tilespmem:s17+$0x14100];
	v10 =	vmul.f32 v10, v3;
	v15 =	vmul.f32 v7, v4  }
0x1b0: {  	v5 =	vld [tilespmem:s17+$0x14110];
	v11 =	vmul.f32 v11, v3;
	v63 =	vmul.f32 v8, v4;
	v13 =	vadd.f32 v14, v13  }
0x1b1: {  	v7 =	vld [tilespmem:s17+$0x14120];
	v12 =	vmul.f32 v12, v3;
	v16 =	vmul.f32 v9, v4;
	v15 =	vadd.f32 v15, v10  }
0x1b2: {  	v8 =	vld [tilespmem:s17+$0x14130];
	v10 =	vadd.f32 v63, v11;
	[tilespmem:s16+$0xC100] =	vst v13  }
0x1b3: {  	s19 =	simm.s32 $0x80;
	v11 =	vadd.f32 v16, v12;
	v9 =	vld [tilespmem:s17+$0xC100];
	[tilespmem:s16+$0xC110] =	vst v15  }
.LBB2_15:
0x1b4: {  	p0 =	sne.s32 s19, $0x3C0;
	v12 =	vld [tilespmem:s17+$0xC110];
	[tilespmem:s16+$0xC120] =	vst v10  }
0x1b5: {  	v10 =	vld [tilespmem:s17+$0xC120];
	[tilespmem:s16+$0xC130] =	vst v11;
	s16 =	smov.u32 s17  }
0x1b6: {  	s6 =	sand.u32 $0x40, s19;
	s18 =	sadd.s32 $0x200, s18;
	v11 =	vld [tilespmem:s16+$0xC130]  }
0x1b7: {  	s17 =	sand.u32 $0x1C00, s18;
	s6 =	sor.u32 s6, s15  }
0x1b8: {  	v13 =	vmul.f32 v6, v4;
	s17 =	sor.u32 s17, s6;
	v9 =	vmul.f32 v9, v3  }
.Ltmp6:
0x1b9: {  	v14 =	vmul.f32 v5, v4;
	v6 =	vld [tilespmem:s17+$0x14100];
	v12 =	vmul.f32 v12, v3;
	(pc) =	sbr.rel @p0 .LBB2_15-.Ltmp6, $4  }
0x1ba: {  	v5 =	vld [tilespmem:s17+$0x14110];
	v9 =	vadd.f32 v13, v9;
	v10 =	vmul.f32 v10, v3;
	v13 =	vmul.f32 v7, v4  }
0x1bb: {  	v7 =	vld [tilespmem:s17+$0x14120];
	v12 =	vadd.f32 v14, v12;
	v11 =	vmul.f32 v11, v3;
	v14 =	vmul.f32 v8, v4  }
0x1bc: {  	v8 =	vld [tilespmem:s17+$0x14130];
	[tilespmem:s16+$0xC100] =	vst v9;
	v10 =	vadd.f32 v13, v10  }
0x1bd: {  	s19 =	sadd.s32 $0x40, s19;
	v9 =	vld [tilespmem:s17+$0xC100];
	[tilespmem:s16+$0xC110] =	vst v12;
	v11 =	vadd.f32 v14, v11  }
0x1be: {  	v12 =	vld [tilespmem:s17+$0xC110];
	[tilespmem:s16+$0xC120] =	vst v10  }
0x1bf: {  	v10 =	vld [tilespmem:s17+$0xC120];
	[tilespmem:s16+$0xC130] =	vst v11  }
0x1c0: {  	v11 =	vld [tilespmem:s17+$0xC130];
	_ =	sdelay $0x1  }
0x1c1: {  	v6 =	vmul.f32 v6, v4;
	v9 =	vmul.f32 v9, v3  }
0x1c2: {  	s14 =	sadd.s32 $0x1, s14;
	v5 =	vmul.f32 v5, v4;
	v12 =	vmul.f32 v12, v3  }
0x1c3: {  	p0 =	sne.s32 s14, $0x10;
	v7 =	vmul.f32 v7, v4;
	v6 =	vadd.f32 v6, v9;
	v61 =	vmul.f32 v10, v3  }
.Ltmp7:
0x1c4: {  	v62 =	vmul.f32 v8, v4;
	v5 =	vadd.f32 v5, v12;
	v3 =	vmul.f32 v11, v3;
	(pc) =	sbr.rel @p0 .LBB2_14-.Ltmp7, $4  }
0x1c5: {  	[tilespmem:s17+$0xC100] =	vst v6;
	v63 =	vadd.f32 v7, v61  }
0x1c6: {  	[tilespmem:s17+$0xC110] =	vst v5;
	v3 =	vadd.f32 v62, v3  }
0x1c7: {  	[tilespmem:s17+$0xC120] =	vst v63  }
0x1c8: {  	[tilespmem:s17+$0xC130] =	vst v3  }
0x1c9: {  	s12 =	simm.s32 $0x0;
	s6 =	rddreg [dreg:$0xa]  }
0x1ca: {  	[hbm4b:s6+s12] =	stream.linear.scatter [tilespmem:s13], [sflag:$0x6], $0x4000, $0x38;
	[tilespmem:$0x18100] =	vst v63  }
0x1cb: {  	_ =	swait.ge [sflag:s5], $0x4000  }
0x1cc: {  	[sflag:s5] =	ssyncset.done $0x0  }
0x1cd: {  	[sflag:s5] =	ssyncadd.s32 $0xFFFFC000  }
0x1ce: {  	v3 =	vld [tilespmem:$0x50];
	_ =	sdelay $0x4  }
0x1cf: {  	v4 =	vshll.u32 v3, $0x3  }
0x1d0: {  	v3 =	vand.u32 $0x7, v3;
	v4 =	vand.u32 $0xFFFFFFC0, v4  }
0x1d1: {  	v3 =	vor.u32 v3, v4  }
0x1d2: {  	v4 =	vperm.xlane v3, v0;
	_ =	sdelay $0x1  }
0x1d3: {  	v4 =	vadd.s32 v1, v4;
	_ =	sdelay $0x4  }
0x1d4: {  	[tilespmem:s13], [sflag:$0x2] =	stream.indirect_vreg.gather [hbm4b:s3+s12], $0x80, v4, vm0, $0xb8;
	[tilespmem:$0x18100] =	vst v63  }
0x1d5: {  	s19 =	simm.s32 $0xC900;
	v3 =	vperm.xlane v3, v2  }
0x1d6: {  	[tilespmem:s19], [sflag:$0x2] =	stream.indirect_vreg.gather [hbm4b:s8+s12], $0x80, v4, vm0, $0xb8;
	[tilespmem:$0x18100] =	vst v63  }
0x1d7: {  	s14 =	simm.s32 $0xD100;
	v3 =	vadd.s32 v1, v3  }
0x1d8: {  	[tilespmem:s14], [sflag:$0x2] =	stream.indirect_vreg.gather [hbm4b:s9+s12], $0x80, v4, vm0, $0xb8;
	[tilespmem:$0x18100] =	vst v63  }
0x1d9: {  	s15 =	simm.s32 $0xD900  }
0x1da: {  	[tilespmem:s15], [sflag:$0x2] =	stream.indirect_vreg.gather [hbm4b:s10+s12], $0x80, v4, vm0, $0xb8;
	[tilespmem:$0x18100] =	vst v63  }
0x1db: {  	s16 =	simm.s32 $0xE100  }
0x1dc: {  	[tilespmem:s16], [sflag:$0x2] =	stream.indirect_vreg.gather [hbm4b:s3+s12], $0x80, v3, vm0, $0xb8;
	[tilespmem:$0x18100] =	vst v63  }
0x1dd: {  	s17 =	simm.s32 $0xE900  }
0x1de: {  	[tilespmem:s17], [sflag:$0x2] =	stream.indirect_vreg.gather [hbm4b:s8+s12], $0x80, v3, vm0, $0xb8;
	[tilespmem:$0x18100] =	vst v63  }
0x1df: {  	s18 =	simm.s32 $0xF100  }
0x1e0: {  	[tilespmem:s18], [sflag:$0x2] =	stream.indirect_vreg.gather [hbm4b:s9+s12], $0x80, v3, vm0, $0xb8;
	[tilespmem:$0x18100] =	vst v63  }
0x1e1: {  	s19 =	simm.s32 $0xF900  }
0x1e2: {  	[tilespmem:s19], [sflag:$0x2] =	stream.indirect_vreg.gather [hbm4b:s10+s12], $0x80, v3, vm0, $0xb8;
	[tilespmem:$0x18100] =	vst v63  }
0x1e3: {  	v3 =	vld [tilespmem:$0xD0];
	_ =	sdelay $0x4  }
0x1e4: {  	v63 =	vshll.u32 v3, $0x3  }
0x1e5: {  	v3 =	vand.u32 $0x7, v3;
	v4 =	vand.u32 $0xFFFFFFC0, v63  }
0x1e6: {  	v3 =	vor.u32 v3, v4  }
0x1e7: {  	v4 =	vperm.xlane v3, v0;
	_ =	sdelay $0x1  }
0x1e8: {  	v4 =	vadd.s32 v1, v4;
	_ =	sdelay $0x4  }
0x1e9: {  	[tilespmem:s11], [sflag:$0x4] =	stream.indirect_vreg.gather [hbm4b:s3+s12], $0x80, v4, vm0, $0xb8;
	[tilespmem:$0x18100] =	vst v63  }
0x1ea: {  	v3 =	vperm.xlane v3, v2  }
0x1eb: {  	[tilespmem:s25], [sflag:$0x4] =	stream.indirect_vreg.gather [hbm4b:s8+s12], $0x80, v4, vm0, $0xb8;
	[tilespmem:$0x18100] =	vst v63  }
0x1ec: {  	v3 =	vadd.s32 v1, v3  }
0x1ed: {  	[tilespmem:s26], [sflag:$0x4] =	stream.indirect_vreg.gather [hbm4b:s9+s12], $0x80, v4, vm0, $0xb8;
	[tilespmem:$0x18100] =	vst v63  }
0x1ee: {  	_ = 	snop  }
0x1ef: {  	[tilespmem:s28], [sflag:$0x4] =	stream.indirect_vreg.gather [hbm4b:s10+s12], $0x80, v4, vm0, $0xb8;
	[tilespmem:$0x18100] =	vst v63  }
0x1f0: {  	_ = 	snop  }
0x1f1: {  	[tilespmem:s29], [sflag:$0x4] =	stream.indirect_vreg.gather [hbm4b:s3+s12], $0x80, v3, vm0, $0xb8;
	[tilespmem:$0x18100] =	vst v63  }
0x1f2: {  	_ = 	snop  }
0x1f3: {  	[tilespmem:s30], [sflag:$0x4] =	stream.indirect_vreg.gather [hbm4b:s8+s12], $0x80, v3, vm0, $0xb8;
	[tilespmem:$0x18100] =	vst v63  }
0x1f4: {  	_ = 	snop  }
0x1f5: {  	[tilespmem:s31], [sflag:$0x4] =	stream.indirect_vreg.gather [hbm4b:s9+s12], $0x80, v3, vm0, $0xb8;
	[tilespmem:$0x18100] =	vst v63  }
0x1f6: {  	_ = 	snop  }
0x1f7: {  	[tilespmem:s0], [sflag:$0x4] =	stream.indirect_vreg.gather [hbm4b:s10+s12], $0x80, v3, vm0, $0xb8;
	[tilespmem:$0x18100] =	vst v63  }
0x1f8: {  	_ =	swait.ge [sflag:s1], $0x4000  }
0x1f9: {  	[sflag:s1] =	ssyncset.done $0x0  }
0x1fa: {  	[sflag:s1] =	ssyncadd.s32 $0xFFFFC000  }
0x1fb: {  	_ =	swait.ge [sflag:s21], $0x4000  }
0x1fc: {  	[sflag:s21] =	ssyncset.done $0x0  }
0x1fd: {  	s14 =	simm.s32 $0x0;
	[sflag:s21] =	ssyncadd.s32 $0xFFFFC000  }
.LBB2_18:
0x1fe: {  	s6 =	sshll.u32 s14, $0x7;
	s15 =	sshll.u32 s14, $0xA  }
0x1ff: {  	s15 =	sand.u32 $0x2000, s15;
	s16 =	sand.u32 $0x380, s6  }
0x200: {  	s19 =	sand.u32 $0x40, s12;
	s15 =	sor.u32 s15, s16  }
0x201: {  	s17 =	sand.u32 $0x1C00, s12;
	v3 =	vld [tilespmem:s6+$0x2100];
	s16 =	sor.u32 s19, s15  }
0x202: {  	v4 =	vld [tilespmem:s6+$0x6100];
	s16 =	sor.u32 s17, s16  }
0x203: {  	v5 =	vld [tilespmem:s16+$0x10100]  }
0x204: {  	v7 =	vld [tilespmem:s16+$0x10110]  }
0x205: {  	v8 =	vld [tilespmem:s16+$0x10120]  }
0x206: {  	v6 =	vld [tilespmem:s16+$0x8100]  }
0x207: {  	v9 =	vld [tilespmem:s16+$0x10130]  }
0x208: {  	v10 =	vld [tilespmem:s16+$0x8110]  }
0x209: {  	s18 =	simm.s32 $0x40;
	v11 =	vld [tilespmem:s16+$0x8120]  }
0x20a: {  	s6 =	sand.u32 $0x40, s18;
	s18 =	simm.s32 $0x200;
	v12 =	vld [tilespmem:s16+$0x8130]  }
0x20b: {  	s19 =	sand.u32 $0x1C00, s18;
	s6 =	sor.u32 s6, s15  }
0x20c: {  	s17 =	sor.u32 s19, s6;
	v13 =	vmul.f32 v6, v3;
	v14 =	vmul.f32 v5, v4  }
0x20d: {  	v6 =	vld [tilespmem:s17+$0x10100];
	v10 =	vmul.f32 v10, v3;
	v15 =	vmul.f32 v7, v4  }
0x20e: {  	v5 =	vld [tilespmem:s17+$0x10110];
	v11 =	vmul.f32 v11, v3;
	v63 =	vmul.f32 v8, v4;
	v13 =	vadd.f32 v14, v13  }
0x20f: {  	v7 =	vld [tilespmem:s17+$0x10120];
	v12 =	vmul.f32 v12, v3;
	v16 =	vmul.f32 v9, v4;
	v15 =	vadd.f32 v15, v10  }
0x210: {  	v8 =	vld [tilespmem:s17+$0x10130];
	v10 =	vadd.f32 v63, v11;
	[tilespmem:s16+$0x8100] =	vst v13  }
0x211: {  	s19 =	simm.s32 $0x80;
	v11 =	vadd.f32 v16, v12;
	v9 =	vld [tilespmem:s17+$0x8100];
	[tilespmem:s16+$0x8110] =	vst v15  }
.LBB2_19:
0x212: {  	p0 =	sne.s32 s19, $0x3C0;
	v12 =	vld [tilespmem:s17+$0x8110];
	[tilespmem:s16+$0x8120] =	vst v10  }
0x213: {  	v10 =	vld [tilespmem:s17+$0x8120];
	[tilespmem:s16+$0x8130] =	vst v11;
	s16 =	smov.u32 s17  }
0x214: {  	s6 =	sand.u32 $0x40, s19;
	s18 =	sadd.s32 $0x200, s18;
	v11 =	vld [tilespmem:s16+$0x8130]  }
0x215: {  	s17 =	sand.u32 $0x1C00, s18;
	s6 =	sor.u32 s6, s15  }
0x216: {  	v13 =	vmul.f32 v6, v4;
	s17 =	sor.u32 s17, s6;
	v9 =	vmul.f32 v9, v3  }
.Ltmp8:
0x217: {  	v14 =	vmul.f32 v5, v4;
	v6 =	vld [tilespmem:s17+$0x10100];
	v12 =	vmul.f32 v12, v3;
	(pc) =	sbr.rel @p0 .LBB2_19-.Ltmp8, $4  }
0x218: {  	v5 =	vld [tilespmem:s17+$0x10110];
	v9 =	vadd.f32 v13, v9;
	v10 =	vmul.f32 v10, v3;
	v13 =	vmul.f32 v7, v4  }
0x219: {  	v7 =	vld [tilespmem:s17+$0x10120];
	v12 =	vadd.f32 v14, v12;
	v11 =	vmul.f32 v11, v3;
	v14 =	vmul.f32 v8, v4  }
0x21a: {  	v8 =	vld [tilespmem:s17+$0x10130];
	[tilespmem:s16+$0x8100] =	vst v9;
	v10 =	vadd.f32 v13, v10  }
0x21b: {  	s19 =	sadd.s32 $0x40, s19;
	v9 =	vld [tilespmem:s17+$0x8100];
	[tilespmem:s16+$0x8110] =	vst v12;
	v11 =	vadd.f32 v14, v11  }
0x21c: {  	v12 =	vld [tilespmem:s17+$0x8110];
	[tilespmem:s16+$0x8120] =	vst v10  }
0x21d: {  	v10 =	vld [tilespmem:s17+$0x8120];
	[tilespmem:s16+$0x8130] =	vst v11  }
0x21e: {  	v11 =	vld [tilespmem:s17+$0x8130];
	_ =	sdelay $0x1  }
0x21f: {  	v6 =	vmul.f32 v6, v4;
	v9 =	vmul.f32 v9, v3  }
0x220: {  	s14 =	sadd.s32 $0x1, s14;
	v5 =	vmul.f32 v5, v4;
	v12 =	vmul.f32 v12, v3  }
0x221: {  	p0 =	sne.s32 s14, $0x10;
	v7 =	vmul.f32 v7, v4;
	v6 =	vadd.f32 v6, v9;
	v61 =	vmul.f32 v10, v3  }
.Ltmp9:
0x222: {  	v62 =	vmul.f32 v8, v4;
	v5 =	vadd.f32 v5, v12;
	v3 =	vmul.f32 v11, v3;
	(pc) =	sbr.rel @p0 .LBB2_18-.Ltmp9, $4  }
0x223: {  	[tilespmem:s17+$0x8100] =	vst v6;
	v63 =	vadd.f32 v7, v61  }
0x224: {  	[tilespmem:s17+$0x8110] =	vst v5;
	v3 =	vadd.f32 v62, v3  }
0x225: {  	[tilespmem:s17+$0x8120] =	vst v63  }
0x226: {  	[tilespmem:s17+$0x8130] =	vst v3  }
0x227: {  	s12 =	simm.s32 $0x0;
	s6 =	rddreg [dreg:$0xb]  }
0x228: {  	[hbm4b:s6+s12] =	stream.linear.scatter [tilespmem:s24], [sflag:$0x5], $0x4000, $0x38;
	[tilespmem:$0x18100] =	vst v63  }
0x229: {  	_ =	swait.ge [sflag:s22], $0x4000  }
0x22a: {  	[sflag:s22] =	ssyncset.done $0x0  }
0x22b: {  	[sflag:s22] =	ssyncadd.s32 $0xFFFFC000  }
0x22c: {  	v3 =	vld [tilespmem:$0x60];
	_ =	sdelay $0x4  }
0x22d: {  	v4 =	vshll.u32 v3, $0x3  }
0x22e: {  	v3 =	vand.u32 $0x7, v3;
	v4 =	vand.u32 $0xFFFFFFC0, v4  }
0x22f: {  	v3 =	vor.u32 v3, v4  }
0x230: {  	v4 =	vperm.xlane v3, v0;
	_ =	sdelay $0x1  }
0x231: {  	v4 =	vadd.s32 v1, v4;
	_ =	sdelay $0x4  }
0x232: {  	[tilespmem:s24], [sflag:$0x1] =	stream.indirect_vreg.gather [hbm4b:s3+s12], $0x80, v4, vm0, $0xb8;
	[tilespmem:$0x18100] =	vst v63  }
0x233: {  	s17 =	simm.s32 $0x8900;
	v3 =	vperm.xlane v3, v2  }
0x234: {  	[tilespmem:s17], [sflag:$0x1] =	stream.indirect_vreg.gather [hbm4b:s8+s12], $0x80, v4, vm0, $0xb8;
	[tilespmem:$0x18100] =	vst v63  }
0x235: {  	s18 =	simm.s32 $0x9100;
	v3 =	vadd.s32 v1, v3  }
0x236: {  	[tilespmem:s18], [sflag:$0x1] =	stream.indirect_vreg.gather [hbm4b:s9+s12], $0x80, v4, vm0, $0xb8;
	[tilespmem:$0x18100] =	vst v63  }
0x237: {  	s19 =	simm.s32 $0x9900  }
0x238: {  	[tilespmem:s19], [sflag:$0x1] =	stream.indirect_vreg.gather [hbm4b:s10+s12], $0x80, v4, vm0, $0xb8;
	[tilespmem:$0x18100] =	vst v63  }
0x239: {  	s14 =	simm.s32 $0xA100  }
0x23a: {  	[tilespmem:s14], [sflag:$0x1] =	stream.indirect_vreg.gather [hbm4b:s3+s12], $0x80, v3, vm0, $0xb8;
	[tilespmem:$0x18100] =	vst v63  }
0x23b: {  	s15 =	simm.s32 $0xA900  }
0x23c: {  	[tilespmem:s15], [sflag:$0x1] =	stream.indirect_vreg.gather [hbm4b:s8+s12], $0x80, v3, vm0, $0xb8;
	[tilespmem:$0x18100] =	vst v63  }
0x23d: {  	s16 =	simm.s32 $0xB100  }
0x23e: {  	[tilespmem:s16], [sflag:$0x1] =	stream.indirect_vreg.gather [hbm4b:s9+s12], $0x80, v3, vm0, $0xb8;
	[tilespmem:$0x18100] =	vst v63  }
0x23f: {  	s17 =	simm.s32 $0xB900  }
0x240: {  	[tilespmem:s17], [sflag:$0x1] =	stream.indirect_vreg.gather [hbm4b:s10+s12], $0x80, v3, vm0, $0xb8;
	[tilespmem:$0x18100] =	vst v63  }
0x241: {  	v3 =	vld [tilespmem:$0xE0];
	_ =	sdelay $0x4  }
0x242: {  	v63 =	vshll.u32 v3, $0x3  }
0x243: {  	v3 =	vand.u32 $0x7, v3;
	v4 =	vand.u32 $0xFFFFFFC0, v63  }
0x244: {  	v3 =	vor.u32 v3, v4  }
0x245: {  	v4 =	vperm.xlane v3, v0;
	_ =	sdelay $0x1  }
0x246: {  	v4 =	vadd.s32 v1, v4;
	_ =	sdelay $0x3  }
0x247: {  	s18 =	simm.s32 $0x10100  }
0x248: {  	[tilespmem:s18], [sflag:$0x3] =	stream.indirect_vreg.gather [hbm4b:s3+s12], $0x80, v4, vm0, $0xb8;
	[tilespmem:$0x18100] =	vst v63  }
0x249: {  	s19 =	simm.s32 $0x10900;
	v3 =	vperm.xlane v3, v2  }
0x24a: {  	[tilespmem:s19], [sflag:$0x3] =	stream.indirect_vreg.gather [hbm4b:s8+s12], $0x80, v4, vm0, $0xb8;
	[tilespmem:$0x18100] =	vst v63  }
0x24b: {  	s14 =	simm.s32 $0x11100;
	v3 =	vadd.s32 v1, v3  }
0x24c: {  	[tilespmem:s14], [sflag:$0x3] =	stream.indirect_vreg.gather [hbm4b:s9+s12], $0x80, v4, vm0, $0xb8;
	[tilespmem:$0x18100] =	vst v63  }
0x24d: {  	s15 =	simm.s32 $0x11900  }
0x24e: {  	[tilespmem:s15], [sflag:$0x3] =	stream.indirect_vreg.gather [hbm4b:s10+s12], $0x80, v4, vm0, $0xb8;
	[tilespmem:$0x18100] =	vst v63  }
0x24f: {  	s16 =	simm.s32 $0x12100  }
0x250: {  	[tilespmem:s16], [sflag:$0x3] =	stream.indirect_vreg.gather [hbm4b:s3+s12], $0x80, v3, vm0, $0xb8;
	[tilespmem:$0x18100] =	vst v63  }
0x251: {  	s17 =	simm.s32 $0x12900  }
0x252: {  	[tilespmem:s17], [sflag:$0x3] =	stream.indirect_vreg.gather [hbm4b:s8+s12], $0x80, v3, vm0, $0xb8;
	[tilespmem:$0x18100] =	vst v63  }
0x253: {  	s18 =	simm.s32 $0x13100  }
0x254: {  	[tilespmem:s18], [sflag:$0x3] =	stream.indirect_vreg.gather [hbm4b:s9+s12], $0x80, v3, vm0, $0xb8;
	[tilespmem:$0x18100] =	vst v63  }
0x255: {  	s19 =	simm.s32 $0x13900  }
0x256: {  	[tilespmem:s19], [sflag:$0x3] =	stream.indirect_vreg.gather [hbm4b:s10+s12], $0x80, v3, vm0, $0xb8;
	[tilespmem:$0x18100] =	vst v63  }
0x257: {  	_ =	swait.ge [sflag:s23], $0x4000  }
0x258: {  	[sflag:s23] =	ssyncset.done $0x0  }
0x259: {  	[sflag:s23] =	ssyncadd.s32 $0xFFFFC000  }
0x25a: {  	_ =	swait.ge [sflag:s4], $0x4000  }
0x25b: {  	[sflag:s4] =	ssyncset.done $0x0  }
0x25c: {  	s14 =	simm.s32 $0x0;
	[sflag:s4] =	ssyncadd.s32 $0xFFFFC000  }
.LBB2_22:
0x25d: {  	s6 =	sshll.u32 s14, $0x7;
	s15 =	sshll.u32 s14, $0xA  }
0x25e: {  	s15 =	sand.u32 $0x2000, s15;
	s16 =	sand.u32 $0x380, s6  }
0x25f: {  	s19 =	sand.u32 $0x40, s12;
	s15 =	sor.u32 s15, s16  }
0x260: {  	s17 =	sand.u32 $0x1C00, s12;
	v3 =	vld [tilespmem:s6+$0x2900];
	s16 =	sor.u32 s19, s15  }
0x261: {  	v4 =	vld [tilespmem:s6+$0x6900];
	s16 =	sor.u32 s17, s16  }
0x262: {  	v5 =	vld [tilespmem:s16+$0x14100]  }
0x263: {  	v7 =	vld [tilespmem:s16+$0x14110]  }
0x264: {  	v8 =	vld [tilespmem:s16+$0x14120]  }
0x265: {  	v6 =	vld [tilespmem:s16+$0xC100]  }
0x266: {  	v9 =	vld [tilespmem:s16+$0x14130]  }
0x267: {  	v10 =	vld [tilespmem:s16+$0xC110]  }
0x268: {  	s18 =	simm.s32 $0x40;
	v11 =	vld [tilespmem:s16+$0xC120]  }
0x269: {  	s6 =	sand.u32 $0x40, s18;
	s18 =	simm.s32 $0x200;
	v12 =	vld [tilespmem:s16+$0xC130]  }
0x26a: {  	s19 =	sand.u32 $0x1C00, s18;
	s6 =	sor.u32 s6, s15  }
0x26b: {  	s17 =	sor.u32 s19, s6;
	v13 =	vmul.f32 v6, v3;
	v14 =	vmul.f32 v5, v4  }
0x26c: {  	v6 =	vld [tilespmem:s17+$0x14100];
	v10 =	vmul.f32 v10, v3;
	v15 =	vmul.f32 v7, v4  }
0x26d: {  	v5 =	vld [tilespmem:s17+$0x14110];
	v11 =	vmul.f32 v11, v3;
	v63 =	vmul.f32 v8, v4;
	v13 =	vadd.f32 v14, v13  }
0x26e: {  	v7 =	vld [tilespmem:s17+$0x14120];
	v12 =	vmul.f32 v12, v3;
	v16 =	vmul.f32 v9, v4;
	v15 =	vadd.f32 v15, v10  }
0x26f: {  	v8 =	vld [tilespmem:s17+$0x14130];
	v10 =	vadd.f32 v63, v11;
	[tilespmem:s16+$0xC100] =	vst v13  }
0x270: {  	s19 =	simm.s32 $0x80;
	v11 =	vadd.f32 v16, v12;
	v9 =	vld [tilespmem:s17+$0xC100];
	[tilespmem:s16+$0xC110] =	vst v15  }
.LBB2_23:
0x271: {  	p0 =	sne.s32 s19, $0x3C0;
	v12 =	vld [tilespmem:s17+$0xC110];
	[tilespmem:s16+$0xC120] =	vst v10  }
0x272: {  	v10 =	vld [tilespmem:s17+$0xC120];
	[tilespmem:s16+$0xC130] =	vst v11;
	s16 =	smov.u32 s17  }
0x273: {  	s6 =	sand.u32 $0x40, s19;
	s18 =	sadd.s32 $0x200, s18;
	v11 =	vld [tilespmem:s16+$0xC130]  }
0x274: {  	s17 =	sand.u32 $0x1C00, s18;
	s6 =	sor.u32 s6, s15  }
0x275: {  	v13 =	vmul.f32 v6, v4;
	s17 =	sor.u32 s17, s6;
	v9 =	vmul.f32 v9, v3  }
.Ltmp10:
0x276: {  	v14 =	vmul.f32 v5, v4;
	v6 =	vld [tilespmem:s17+$0x14100];
	v12 =	vmul.f32 v12, v3;
	(pc) =	sbr.rel @p0 .LBB2_23-.Ltmp10, $4  }
0x277: {  	v5 =	vld [tilespmem:s17+$0x14110];
	v9 =	vadd.f32 v13, v9;
	v10 =	vmul.f32 v10, v3;
	v13 =	vmul.f32 v7, v4  }
0x278: {  	v7 =	vld [tilespmem:s17+$0x14120];
	v12 =	vadd.f32 v14, v12;
	v11 =	vmul.f32 v11, v3;
	v14 =	vmul.f32 v8, v4  }
0x279: {  	v8 =	vld [tilespmem:s17+$0x14130];
	[tilespmem:s16+$0xC100] =	vst v9;
	v10 =	vadd.f32 v13, v10  }
0x27a: {  	s19 =	sadd.s32 $0x40, s19;
	v9 =	vld [tilespmem:s17+$0xC100];
	[tilespmem:s16+$0xC110] =	vst v12;
	v11 =	vadd.f32 v14, v11  }
0x27b: {  	v12 =	vld [tilespmem:s17+$0xC110];
	[tilespmem:s16+$0xC120] =	vst v10  }
0x27c: {  	v10 =	vld [tilespmem:s17+$0xC120];
	[tilespmem:s16+$0xC130] =	vst v11  }
0x27d: {  	v11 =	vld [tilespmem:s17+$0xC130];
	_ =	sdelay $0x1  }
0x27e: {  	v6 =	vmul.f32 v6, v4;
	v9 =	vmul.f32 v9, v3  }
0x27f: {  	s14 =	sadd.s32 $0x1, s14;
	v5 =	vmul.f32 v5, v4;
	v12 =	vmul.f32 v12, v3  }
0x280: {  	p0 =	sne.s32 s14, $0x10;
	v7 =	vmul.f32 v7, v4;
	v6 =	vadd.f32 v6, v9;
	v61 =	vmul.f32 v10, v3  }
.Ltmp11:
0x281: {  	v62 =	vmul.f32 v8, v4;
	v5 =	vadd.f32 v5, v12;
	v3 =	vmul.f32 v11, v3;
	(pc) =	sbr.rel @p0 .LBB2_22-.Ltmp11, $4  }
0x282: {  	[tilespmem:s17+$0xC100] =	vst v6;
	v63 =	vadd.f32 v7, v61  }
0x283: {  	[tilespmem:s17+$0xC110] =	vst v5;
	v3 =	vadd.f32 v62, v3  }
0x284: {  	[tilespmem:s17+$0xC120] =	vst v63  }
0x285: {  	[tilespmem:s17+$0xC130] =	vst v3  }
0x286: {  	s12 =	simm.s32 $0x0;
	s6 =	rddreg [dreg:$0xc]  }
0x287: {  	[hbm4b:s6+s12] =	stream.linear.scatter [tilespmem:s13], [sflag:$0x6], $0x4000, $0x38;
	[tilespmem:$0x18100] =	vst v63  }
0x288: {  	_ =	swait.ge [sflag:s5], $0x4000  }
0x289: {  	[sflag:s5] =	ssyncset.done $0x0  }
0x28a: {  	[sflag:s5] =	ssyncadd.s32 $0xFFFFC000  }
0x28b: {  	v3 =	vld [tilespmem:$0x70];
	_ =	sdelay $0x4  }
0x28c: {  	v4 =	vshll.u32 v3, $0x3  }
0x28d: {  	v3 =	vand.u32 $0x7, v3;
	v4 =	vand.u32 $0xFFFFFFC0, v4  }
0x28e: {  	v3 =	vor.u32 v3, v4  }
0x28f: {  	v4 =	vperm.xlane v3, v0;
	_ =	sdelay $0x1  }
0x290: {  	v4 =	vadd.s32 v1, v4;
	_ =	sdelay $0x4  }
0x291: {  	[tilespmem:s13], [sflag:$0x2] =	stream.indirect_vreg.gather [hbm4b:s3+s12], $0x80, v4, vm0, $0xb8;
	[tilespmem:$0x18100] =	vst v63  }
0x292: {  	s19 =	simm.s32 $0xC900;
	v3 =	vperm.xlane v3, v2  }
0x293: {  	[tilespmem:s19], [sflag:$0x2] =	stream.indirect_vreg.gather [hbm4b:s8+s12], $0x80, v4, vm0, $0xb8;
	[tilespmem:$0x18100] =	vst v63  }
0x294: {  	s14 =	simm.s32 $0xD100;
	v3 =	vadd.s32 v1, v3  }
0x295: {  	[tilespmem:s14], [sflag:$0x2] =	stream.indirect_vreg.gather [hbm4b:s9+s12], $0x80, v4, vm0, $0xb8;
	[tilespmem:$0x18100] =	vst v63  }
0x296: {  	s15 =	simm.s32 $0xD900  }
0x297: {  	[tilespmem:s15], [sflag:$0x2] =	stream.indirect_vreg.gather [hbm4b:s10+s12], $0x80, v4, vm0, $0xb8;
	[tilespmem:$0x18100] =	vst v63  }
0x298: {  	s16 =	simm.s32 $0xE100  }
0x299: {  	[tilespmem:s16], [sflag:$0x2] =	stream.indirect_vreg.gather [hbm4b:s3+s12], $0x80, v3, vm0, $0xb8;
	[tilespmem:$0x18100] =	vst v63  }
0x29a: {  	s17 =	simm.s32 $0xE900  }
0x29b: {  	[tilespmem:s17], [sflag:$0x2] =	stream.indirect_vreg.gather [hbm4b:s8+s12], $0x80, v3, vm0, $0xb8;
	[tilespmem:$0x18100] =	vst v63  }
0x29c: {  	s18 =	simm.s32 $0xF100  }
0x29d: {  	[tilespmem:s18], [sflag:$0x2] =	stream.indirect_vreg.gather [hbm4b:s9+s12], $0x80, v3, vm0, $0xb8;
	[tilespmem:$0x18100] =	vst v63  }
0x29e: {  	s19 =	simm.s32 $0xF900  }
0x29f: {  	[tilespmem:s19], [sflag:$0x2] =	stream.indirect_vreg.gather [hbm4b:s10+s12], $0x80, v3, vm0, $0xb8;
	[tilespmem:$0x18100] =	vst v63  }
0x2a0: {  	v3 =	vld [tilespmem:$0xF0];
	_ =	sdelay $0x4  }
0x2a1: {  	v63 =	vshll.u32 v3, $0x3  }
0x2a2: {  	v3 =	vand.u32 $0x7, v3;
	v4 =	vand.u32 $0xFFFFFFC0, v63  }
0x2a3: {  	v3 =	vor.u32 v3, v4  }
0x2a4: {  	v4 =	vperm.xlane v3, v0;
	_ =	sdelay $0x1  }
0x2a5: {  	v4 =	vadd.s32 v1, v4;
	_ =	sdelay $0x4  }
0x2a6: {  	[tilespmem:s11], [sflag:$0x4] =	stream.indirect_vreg.gather [hbm4b:s3+s12], $0x80, v4, vm0, $0xb8;
	[tilespmem:$0x18100] =	vst v63  }
0x2a7: {  	v3 =	vperm.xlane v3, v2  }
0x2a8: {  	[tilespmem:s25], [sflag:$0x4] =	stream.indirect_vreg.gather [hbm4b:s8+s12], $0x80, v4, vm0, $0xb8;
	[tilespmem:$0x18100] =	vst v63  }
0x2a9: {  	v3 =	vadd.s32 v1, v3  }
0x2aa: {  	[tilespmem:s26], [sflag:$0x4] =	stream.indirect_vreg.gather [hbm4b:s9+s12], $0x80, v4, vm0, $0xb8;
	[tilespmem:$0x18100] =	vst v63  }
0x2ab: {  	_ = 	snop  }
0x2ac: {  	[tilespmem:s28], [sflag:$0x4] =	stream.indirect_vreg.gather [hbm4b:s10+s12], $0x80, v4, vm0, $0xb8;
	[tilespmem:$0x18100] =	vst v63  }
0x2ad: {  	_ = 	snop  }
0x2ae: {  	[tilespmem:s29], [sflag:$0x4] =	stream.indirect_vreg.gather [hbm4b:s3+s12], $0x80, v3, vm0, $0xb8;
	[tilespmem:$0x18100] =	vst v63  }
0x2af: {  	_ = 	snop  }
0x2b0: {  	[tilespmem:s30], [sflag:$0x4] =	stream.indirect_vreg.gather [hbm4b:s8+s12], $0x80, v3, vm0, $0xb8;
	[tilespmem:$0x18100] =	vst v63  }
0x2b1: {  	_ = 	snop  }
0x2b2: {  	[tilespmem:s31], [sflag:$0x4] =	stream.indirect_vreg.gather [hbm4b:s9+s12], $0x80, v3, vm0, $0xb8;
	[tilespmem:$0x18100] =	vst v63  }
0x2b3: {  	_ = 	snop  }
0x2b4: {  	[tilespmem:s0], [sflag:$0x4] =	stream.indirect_vreg.gather [hbm4b:s10+s12], $0x80, v3, vm0, $0xb8;
	[tilespmem:$0x18100] =	vst v63  }
0x2b5: {  	_ =	swait.ge [sflag:s1], $0x4000  }
0x2b6: {  	[sflag:s1] =	ssyncset.done $0x0  }
0x2b7: {  	[sflag:s1] =	ssyncadd.s32 $0xFFFFC000  }
0x2b8: {  	_ =	swait.ge [sflag:s21], $0x4000  }
0x2b9: {  	[sflag:s21] =	ssyncset.done $0x0  }
0x2ba: {  	s14 =	simm.s32 $0x0;
	[sflag:s21] =	ssyncadd.s32 $0xFFFFC000  }
.LBB2_26:
0x2bb: {  	s6 =	sshll.u32 s14, $0x7;
	s15 =	sshll.u32 s14, $0xA  }
0x2bc: {  	s15 =	sand.u32 $0x2000, s15;
	s16 =	sand.u32 $0x380, s6  }
0x2bd: {  	s19 =	sand.u32 $0x40, s12;
	s15 =	sor.u32 s15, s16  }
0x2be: {  	s17 =	sand.u32 $0x1C00, s12;
	v3 =	vld [tilespmem:s6+$0x3100];
	s16 =	sor.u32 s19, s15  }
0x2bf: {  	v4 =	vld [tilespmem:s6+$0x7100];
	s16 =	sor.u32 s17, s16  }
0x2c0: {  	v5 =	vld [tilespmem:s16+$0x10100]  }
0x2c1: {  	v7 =	vld [tilespmem:s16+$0x10110]  }
0x2c2: {  	v8 =	vld [tilespmem:s16+$0x10120]  }
0x2c3: {  	v6 =	vld [tilespmem:s16+$0x8100]  }
0x2c4: {  	v9 =	vld [tilespmem:s16+$0x10130]  }
0x2c5: {  	v10 =	vld [tilespmem:s16+$0x8110]  }
0x2c6: {  	s18 =	simm.s32 $0x40;
	v11 =	vld [tilespmem:s16+$0x8120]  }
0x2c7: {  	s6 =	sand.u32 $0x40, s18;
	s18 =	simm.s32 $0x200;
	v12 =	vld [tilespmem:s16+$0x8130]  }
0x2c8: {  	s19 =	sand.u32 $0x1C00, s18;
	s6 =	sor.u32 s6, s15  }
0x2c9: {  	s17 =	sor.u32 s19, s6;
	v13 =	vmul.f32 v6, v3;
	v14 =	vmul.f32 v5, v4  }
0x2ca: {  	v6 =	vld [tilespmem:s17+$0x10100];
	v10 =	vmul.f32 v10, v3;
	v15 =	vmul.f32 v7, v4  }
0x2cb: {  	v5 =	vld [tilespmem:s17+$0x10110];
	v11 =	vmul.f32 v11, v3;
	v63 =	vmul.f32 v8, v4;
	v13 =	vadd.f32 v14, v13  }
0x2cc: {  	v7 =	vld [tilespmem:s17+$0x10120];
	v12 =	vmul.f32 v12, v3;
	v16 =	vmul.f32 v9, v4;
	v15 =	vadd.f32 v15, v10  }
0x2cd: {  	v8 =	vld [tilespmem:s17+$0x10130];
	v10 =	vadd.f32 v63, v11;
	[tilespmem:s16+$0x8100] =	vst v13  }
0x2ce: {  	s19 =	simm.s32 $0x80;
	v11 =	vadd.f32 v16, v12;
	v9 =	vld [tilespmem:s17+$0x8100];
	[tilespmem:s16+$0x8110] =	vst v15  }
.LBB2_27:
0x2cf: {  	p0 =	sne.s32 s19, $0x3C0;
	v12 =	vld [tilespmem:s17+$0x8110];
	[tilespmem:s16+$0x8120] =	vst v10  }
0x2d0: {  	v10 =	vld [tilespmem:s17+$0x8120];
	[tilespmem:s16+$0x8130] =	vst v11;
	s16 =	smov.u32 s17  }
0x2d1: {  	s6 =	sand.u32 $0x40, s19;
	s18 =	sadd.s32 $0x200, s18;
	v11 =	vld [tilespmem:s16+$0x8130]  }
0x2d2: {  	s17 =	sand.u32 $0x1C00, s18;
	s6 =	sor.u32 s6, s15  }
0x2d3: {  	v13 =	vmul.f32 v6, v4;
	s17 =	sor.u32 s17, s6;
	v9 =	vmul.f32 v9, v3  }
.Ltmp12:
0x2d4: {  	v14 =	vmul.f32 v5, v4;
	v6 =	vld [tilespmem:s17+$0x10100];
	v12 =	vmul.f32 v12, v3;
	(pc) =	sbr.rel @p0 .LBB2_27-.Ltmp12, $4  }
0x2d5: {  	v5 =	vld [tilespmem:s17+$0x10110];
	v9 =	vadd.f32 v13, v9;
	v10 =	vmul.f32 v10, v3;
	v13 =	vmul.f32 v7, v4  }
0x2d6: {  	v7 =	vld [tilespmem:s17+$0x10120];
	v12 =	vadd.f32 v14, v12;
	v11 =	vmul.f32 v11, v3;
	v14 =	vmul.f32 v8, v4  }
0x2d7: {  	v8 =	vld [tilespmem:s17+$0x10130];
	[tilespmem:s16+$0x8100] =	vst v9;
	v10 =	vadd.f32 v13, v10  }
0x2d8: {  	s19 =	sadd.s32 $0x40, s19;
	v9 =	vld [tilespmem:s17+$0x8100];
	[tilespmem:s16+$0x8110] =	vst v12;
	v11 =	vadd.f32 v14, v11  }
0x2d9: {  	v12 =	vld [tilespmem:s17+$0x8110];
	[tilespmem:s16+$0x8120] =	vst v10  }
0x2da: {  	v10 =	vld [tilespmem:s17+$0x8120];
	[tilespmem:s16+$0x8130] =	vst v11  }
0x2db: {  	v11 =	vld [tilespmem:s17+$0x8130];
	_ =	sdelay $0x1  }
0x2dc: {  	v6 =	vmul.f32 v6, v4;
	v9 =	vmul.f32 v9, v3  }
0x2dd: {  	s14 =	sadd.s32 $0x1, s14;
	v5 =	vmul.f32 v5, v4;
	v12 =	vmul.f32 v12, v3  }
0x2de: {  	p0 =	sne.s32 s14, $0x10;
	v7 =	vmul.f32 v7, v4;
	v6 =	vadd.f32 v6, v9;
	v61 =	vmul.f32 v10, v3  }
.Ltmp13:
0x2df: {  	v62 =	vmul.f32 v8, v4;
	v5 =	vadd.f32 v5, v12;
	v3 =	vmul.f32 v11, v3;
	(pc) =	sbr.rel @p0 .LBB2_26-.Ltmp13, $4  }
0x2e0: {  	[tilespmem:s17+$0x8100] =	vst v6;
	v63 =	vadd.f32 v7, v61  }
0x2e1: {  	[tilespmem:s17+$0x8110] =	vst v5;
	v3 =	vadd.f32 v62, v3  }
0x2e2: {  	[tilespmem:s17+$0x8120] =	vst v63  }
0x2e3: {  	[tilespmem:s17+$0x8130] =	vst v3  }
0x2e4: {  	s12 =	simm.s32 $0x0;
	s6 =	rddreg [dreg:$0xd]  }
0x2e5: {  	[hbm4b:s6+s12] =	stream.linear.scatter [tilespmem:s24], [sflag:$0x5], $0x4000, $0x38;
	[tilespmem:$0x18100] =	vst v63  }
0x2e6: {  	_ =	swait.ge [sflag:s23], $0x4000  }
0x2e7: {  	[sflag:s23] =	ssyncset.done $0x0  }
0x2e8: {  	[sflag:s23] =	ssyncadd.s32 $0xFFFFC000  }
0x2e9: {  	_ =	swait.ge [sflag:s4], $0x4000  }
0x2ea: {  	[sflag:s4] =	ssyncset.done $0x0  }
0x2eb: {  	s14 =	simm.s32 $0x0;
	[sflag:s4] =	ssyncadd.s32 $0xFFFFC000  }
.LBB2_30:
0x2ec: {  	s6 =	sshll.u32 s14, $0x7;
	s15 =	sshll.u32 s14, $0xA  }
0x2ed: {  	s15 =	sand.u32 $0x2000, s15;
	s16 =	sand.u32 $0x380, s6  }
0x2ee: {  	s19 =	sand.u32 $0x40, s12;
	s15 =	sor.u32 s15, s16  }
0x2ef: {  	s17 =	sand.u32 $0x1C00, s12;
	v3 =	vld [tilespmem:s6+$0x3900];
	s16 =	sor.u32 s19, s15  }
0x2f0: {  	v4 =	vld [tilespmem:s6+$0x7900];
	s16 =	sor.u32 s17, s16  }
0x2f1: {  	v5 =	vld [tilespmem:s16+$0x14100]  }
0x2f2: {  	v7 =	vld [tilespmem:s16+$0x14110]  }
0x2f3: {  	v8 =	vld [tilespmem:s16+$0x14120]  }
0x2f4: {  	v6 =	vld [tilespmem:s16+$0xC100]  }
0x2f5: {  	v9 =	vld [tilespmem:s16+$0x14130]  }
0x2f6: {  	v10 =	vld [tilespmem:s16+$0xC110]  }
0x2f7: {  	s18 =	simm.s32 $0x40;
	v11 =	vld [tilespmem:s16+$0xC120]  }
0x2f8: {  	s6 =	sand.u32 $0x40, s18;
	s18 =	simm.s32 $0x200;
	v12 =	vld [tilespmem:s16+$0xC130]  }
0x2f9: {  	s19 =	sand.u32 $0x1C00, s18;
	s6 =	sor.u32 s6, s15  }
0x2fa: {  	s17 =	sor.u32 s19, s6;
	v13 =	vmul.f32 v6, v3;
	v14 =	vmul.f32 v5, v4  }
0x2fb: {  	v6 =	vld [tilespmem:s17+$0x14100];
	v10 =	vmul.f32 v10, v3;
	v15 =	vmul.f32 v7, v4  }
0x2fc: {  	v5 =	vld [tilespmem:s17+$0x14110];
	v11 =	vmul.f32 v11, v3;
	v63 =	vmul.f32 v8, v4;
	v13 =	vadd.f32 v14, v13  }
0x2fd: {  	v7 =	vld [tilespmem:s17+$0x14120];
	v12 =	vmul.f32 v12, v3;
	v16 =	vmul.f32 v9, v4;
	v15 =	vadd.f32 v15, v10  }
0x2fe: {  	v8 =	vld [tilespmem:s17+$0x14130];
	v10 =	vadd.f32 v63, v11;
	[tilespmem:s16+$0xC100] =	vst v13  }
0x2ff: {  	s19 =	simm.s32 $0x80;
	v11 =	vadd.f32 v16, v12;
	v9 =	vld [tilespmem:s17+$0xC100];
	[tilespmem:s16+$0xC110] =	vst v15  }
.LBB2_31:
0x300: {  	p0 =	sne.s32 s19, $0x3C0;
	v12 =	vld [tilespmem:s17+$0xC110];
	[tilespmem:s16+$0xC120] =	vst v10  }
0x301: {  	v10 =	vld [tilespmem:s17+$0xC120];
	[tilespmem:s16+$0xC130] =	vst v11;
	s16 =	smov.u32 s17  }
0x302: {  	s6 =	sand.u32 $0x40, s19;
	s18 =	sadd.s32 $0x200, s18;
	v11 =	vld [tilespmem:s16+$0xC130]  }
0x303: {  	s17 =	sand.u32 $0x1C00, s18;
	s6 =	sor.u32 s6, s15  }
0x304: {  	v13 =	vmul.f32 v6, v4;
	s17 =	sor.u32 s17, s6;
	v9 =	vmul.f32 v9, v3  }
.Ltmp14:
0x305: {  	v14 =	vmul.f32 v5, v4;
	v6 =	vld [tilespmem:s17+$0x14100];
	v12 =	vmul.f32 v12, v3;
	(pc) =	sbr.rel @p0 .LBB2_31-.Ltmp14, $4  }
0x306: {  	v5 =	vld [tilespmem:s17+$0x14110];
	v9 =	vadd.f32 v13, v9;
	v10 =	vmul.f32 v10, v3;
	v13 =	vmul.f32 v7, v4  }
0x307: {  	v7 =	vld [tilespmem:s17+$0x14120];
	v12 =	vadd.f32 v14, v12;
	v11 =	vmul.f32 v11, v3;
	v14 =	vmul.f32 v8, v4  }
0x308: {  	v8 =	vld [tilespmem:s17+$0x14130];
	[tilespmem:s16+$0xC100] =	vst v9;
	v10 =	vadd.f32 v13, v10  }
0x309: {  	s19 =	sadd.s32 $0x40, s19;
	v9 =	vld [tilespmem:s17+$0xC100];
	[tilespmem:s16+$0xC110] =	vst v12;
	v11 =	vadd.f32 v14, v11  }
0x30a: {  	v12 =	vld [tilespmem:s17+$0xC110];
	[tilespmem:s16+$0xC120] =	vst v10  }
0x30b: {  	v10 =	vld [tilespmem:s17+$0xC120];
	[tilespmem:s16+$0xC130] =	vst v11  }
0x30c: {  	v11 =	vld [tilespmem:s17+$0xC130];
	_ =	sdelay $0x1  }
0x30d: {  	v6 =	vmul.f32 v6, v4;
	v9 =	vmul.f32 v9, v3  }
0x30e: {  	s14 =	sadd.s32 $0x1, s14;
	v5 =	vmul.f32 v5, v4;
	v12 =	vmul.f32 v12, v3  }
0x30f: {  	p0 =	sne.s32 s14, $0x10;
	v7 =	vmul.f32 v7, v4;
	v6 =	vadd.f32 v6, v9;
	v61 =	vmul.f32 v10, v3  }
.Ltmp15:
0x310: {  	v62 =	vmul.f32 v8, v4;
	v5 =	vadd.f32 v5, v12;
	v3 =	vmul.f32 v11, v3;
	(pc) =	sbr.rel @p0 .LBB2_30-.Ltmp15, $4  }
0x311: {  	[tilespmem:s17+$0xC100] =	vst v6;
	v63 =	vadd.f32 v7, v61  }
0x312: {  	[tilespmem:s17+$0xC110] =	vst v5;
	v3 =	vadd.f32 v62, v3  }
0x313: {  	[tilespmem:s17+$0xC120] =	vst v63  }
0x314: {  	[tilespmem:s17+$0xC130] =	vst v3  }
0x315: {  	s6 =	rddreg [dreg:$0xe]  }
0x316: {  	[hbm4b:s6+s2] =	stream.linear.scatter [tilespmem:s13], [sflag:$0x6], $0x4000, $0x38;
	[tilespmem:$0x18100] =	vst v63  }
0x317: {  	_ =	swait.ge [sflag:s22], $0x4000  }
0x318: {  	[sflag:s22] =	ssyncset.done $0x0  }
0x319: {  	[sflag:s22] =	ssyncadd.s32 $0xFFFFC000  }
0x31a: {  	_ =	swait.ge [sflag:s5], $0x4000  }
0x31b: {  	s7 =	sadd.s32 $0x1, s7;
	s19 =	rddreg [dreg:$0xf]  }
0x31c: {  	p0 =	sne.s32 s7, s19  }
.Ltmp16:
0x31d: {  	_ = 	snop;
	(pc) =	sbr.rel @p0 .LBB2_1-.Ltmp16, $3  }
0x31e: {  	_ =	sdelay $0x1  }
0x31f: {  	[sflag:s5] =	ssyncset.done $0x0  }
0x320: {  	[sflag:s5] =	ssyncadd.s32 $0xFFFFC000  }
0x321: {  	_ =	sfence.sel $0x180000  }
0x322: {  	[bflag:$0x0] =	sbarrier.arrive $0xFFFF  }
0x323: {  	_ =	strace $0x9000004A  }
0x324: {  	s0 =	stileid.u32;
	[bflag:$0x2] =	sbarrier.arrive $0xFFFF  }
0x325: {  	p0 =	sne.s32 s0, $0x0;
	s0 =	rddreg [dreg:$0x2]  }
0x326: {  	s0 =	sadd.s32 @!p0 $0x100000, s0  }
0x327: {  	[sflag:s0] =	ssyncadd.tile.s32 @!p0 $0x1;
	_ =	shalt  }
.Lfunc_end2:
_tile_overlayer_lowered:
.L_overlay_start_2:
0x328: {  	(tag) =	ssettag $0x2  }
0x329: {  	s0 =	rddreg [dreg:$0x0];
	s2 =	stileid.u32  }
0x32a: {  	s1 =	rddreg [dreg:$0x1];
	p0 =	sne.s32 s2, $0x0  }
0x32b: {  	s3 =	rddreg [dreg:$0x2];
	[bflag:$0x3] =	sbarrier.arrive $0xFFFF;
	s2 =	simm.s32 @!p0 $0x1C07  }
0x32c: {  	[timem:s3], [sflag:s2] =	dma.local @!p0 [hbm:s0], s1  }
0x32d: {  	s0 =	simm.s32 @!p0 $0x7  }
0x32e: {  	_ =	swait.ge @!p0 [sflag:s0], s1  }
0x32f: {  	s1 =	ssub.s32 @!p0 $0x0, s1;
	[sflag:s0] =	ssyncset.done @!p0 $0x0  }
0x330: {  	[sflag:s0] =	ssyncadd.s32 @!p0 s1  }
0x331: {  	[bflag:$0x3] =	sbarrier.arrive $0xFFFF  }
0x332: {  	_ =	shalt  }

</sc_bundles>
